<compile_context>
chip_gen: v7x
topology: tpu7x:2x2x1
jax: 0.10.2.dev20260603
libtpu: 0.0.44.dev20260713+nightly
codegen_flags: <defaults>
</compile_context>

<pallas_src>
import functools

import jax
import jax.numpy as jnp
from jax import lax
from jax.experimental import pallas as pl
from jax.experimental.pallas import tpu as pltpu
from jax.experimental.pallas import tpu_sc as plsc

B = 16384
F = 16
NC = 2
NS = 16
NW = NC * NS
BPW = B // NW
CH = 64
NCH = BPW // CH
CHG = CH // 8
NU = 1000000


def _svdpp_body(uidx_hbm, iidx_hbm, ut_hbm, it_hbm, ubt_hbm, ibt_hbm,
                gb_hbm, out_hbm, uidx_v, iidx_v, ustage0, istage0,
                ustage1, istage1, ubias_v, ibias_v, out_v, gb_v,
                sl_v, semb, sem0, sem1):
    wid = lax.axis_index("s") * NC + lax.axis_index("c")
    ebase = wid * BPW

    pltpu.sync_copy(uidx_hbm.at[pl.ds(ebase, BPW)], uidx_v)
    pltpu.sync_copy(iidx_hbm.at[pl.ds(ebase, BPW)], iidx_v)
    pltpu.sync_copy(gb_hbm, gb_v)

    bias_copies = []
    for j in range(4):
        s = pl.ds(j * 128, 128)
        bias_copies.append(
            pltpu.async_copy(ubt_hbm.at[uidx_v.at[s]], ubias_v.at[s], semb))
        bias_copies.append(
            pltpu.async_copy(ibt_hbm.at[iidx_v.at[s]], ibias_v.at[s], semb))

    lane0 = lax.iota(jnp.int32, 16)
    sl_v[...] = (lane0 & 7) * 16

    bufs = ((ustage0, istage0, sem0), (ustage1, istage1, sem1))

    def fire(j, p):
        ub, ib, sem = bufs[p]

        def body(q, _):
            uvec = uidx_v[pl.ds(j * CH + q * 16, 16)] & ~15
            ivec = iidx_v[pl.ds(j * CH + q * 16, 16)] & ~15
            svec = sl_v[...]
            gq = lax.shift_left(q, 1)
            for e16 in range(16):
                su = pl.multiple_of(uvec[e16], 128)
                si = pl.multiple_of(ivec[e16], 128)
                g = gq + (e16 // 8)
                slot = pl.multiple_of(svec[e16], 128)
                pltpu.make_async_copy(
                    ut_hbm.at[:, :, pl.ds(su, 16)],
                    ub.at[g, :, :, pl.ds(slot, 16)], sem).start()
                pltpu.make_async_copy(
                    it_hbm.at[:, :, pl.ds(si, 16)],
                    ib.at[g, :, :, pl.ds(slot, 16)], sem).start()
            return _

        lax.fori_loop(0, CH // 16, body, 0)

    def drain(p):
        ub, ib, sem = bufs[p]
        for g in range(CHG):
            pltpu.make_async_copy(
                ut_hbm.at[:, :, pl.ds(0, 128)], ub.at[g], sem).wait()
            pltpu.make_async_copy(
                it_hbm.at[:, :, pl.ds(0, 128)], ib.at[g], sem).wait()

    lane = lax.iota(jnp.int32, 16)

    def compute(j, p):
        ub, ib, _ = bufs[p]
        for g in range(CH // 16):
            base = pl.ds(j * CH + g * 16, 16)
            el = g * 16 + lane
            gvec = lax.shift_right_logical(el, 3)
            slot = (el & 7) * 16
            ucol = slot + (uidx_v[base] & 15)
            icol = slot + (iidx_v[base] & 15)
            acc = ubias_v[base] + ibias_v[base] + gb_v[...]
            for f in range(F):
                tf = jnp.full((16,), f // 8, jnp.int32)
                fs = jnp.full((16,), f % 8, jnp.int32)
                u = plsc.load_gather(ub, [gvec, tf, fs, ucol])
                v = plsc.load_gather(ib, [gvec, tf, fs, icol])
                acc = acc + u * v
            out_v[base] = acc

    for c in bias_copies:
        c.wait()

    def serial(j, _):
        fire(j, 0)
        drain(0)
        compute(j, 0)
        return _

    lax.fori_loop(0, NCH, serial, 0)

    pltpu.sync_copy(out_v, out_hbm.at[pl.ds(ebase, BPW)])


@jax.jit
def _svdpp(user_idx, item_idx, user_table_b, item_table_b,
           user_bias_table, item_bias_table, global_bias):
    mesh = plsc.VectorSubcoreMesh(core_axis_name="c", subcore_axis_name="s")
    kfn = functools.partial(
        pl.kernel,
        mesh=mesh,
        compiler_params=pltpu.CompilerParams(
            needs_layout_passes=False, use_tc_tiling_on_sc=True),
        out_type=jax.ShapeDtypeStruct((B,), jnp.float32),
        scratch_types=[
            pltpu.VMEM((BPW,), jnp.int32),
            pltpu.VMEM((BPW,), jnp.int32),
            pltpu.VMEM((CHG, 2, 8, 128), jnp.float32),
            pltpu.VMEM((CHG, 2, 8, 128), jnp.float32),
            pltpu.VMEM((CHG, 2, 8, 128), jnp.float32),
            pltpu.VMEM((CHG, 2, 8, 128), jnp.float32),
            pltpu.VMEM((BPW,), jnp.float32),
            pltpu.VMEM((BPW,), jnp.float32),
            pltpu.VMEM((BPW,), jnp.float32),
            pltpu.VMEM((16,), jnp.float32),
            pltpu.VMEM((16,), jnp.int32),
            pltpu.SemaphoreType.DMA,
            pltpu.SemaphoreType.DMA,
            pltpu.SemaphoreType.DMA,
        ],
    )(_svdpp_body)
    return kfn(user_idx, item_idx, user_table_b, item_table_b,
               user_bias_table.reshape(-1), item_bias_table.reshape(-1),
               jnp.broadcast_to(global_bias, (16,)))


def kernel(user_idx, item_idx, user_table, item_table, implicit_table,
           user_bias_table, item_bias_table, global_bias):
    del implicit_table
    return _svdpp(user_idx.astype(jnp.int32), item_idx.astype(jnp.int32),
                  user_table.T.reshape(2, 8, NU),
                  item_table.T.reshape(2, 8, NU),
                  user_bias_table, item_bias_table, global_bias)

# --- scband reference (transcript-rebuilt; emitter-appended) ---
"""Pipeline reference for scband-svdpp-model-33337536151787 (READ-ONLY COPY).

The authoritative reference and input builder live on the scoring server;
editing this copy changes nothing except your own understanding.
"""

import jax, jax.numpy as jnp
import numpy as np

N_USERS = 1000000
N_ITEMS = 1000000
N_FACTORS = 16
BATCH = 16384


def setup_inputs(seed: int = 0) -> dict:
    key = jax.random.key(seed)
    ks = jax.random.split(key, 6)
    std = float(np.sqrt(2.0 / N_FACTORS))
    user_idx = jax.random.randint(ks[0], (BATCH,), 0, N_USERS, dtype=jnp.int64 if jax.config.jax_enable_x64 else jnp.int32)
    item_idx = jax.random.randint(ks[1], (BATCH,), 0, N_ITEMS, dtype=jnp.int64 if jax.config.jax_enable_x64 else jnp.int32)
    user_table = jax.random.normal(ks[2], (N_USERS, N_FACTORS), dtype=jnp.float32) * std
    item_table = jax.random.normal(ks[3], (N_ITEMS, N_FACTORS), dtype=jnp.float32) * std
    implicit_table = jax.random.normal(ks[4], (N_ITEMS, N_FACTORS), dtype=jnp.float32) * std
    user_bias_table = jnp.zeros((N_USERS, 1), dtype=jnp.float32)
    item_bias_table = jnp.zeros((N_ITEMS, 1), dtype=jnp.float32)
    global_bias = jnp.zeros((1,), dtype=jnp.float32)
    return {
        'user_idx': user_idx,
        'item_idx': item_idx,
        'user_table': user_table,
        'item_table': item_table,
        'implicit_table': implicit_table,
        'user_bias_table': user_bias_table,
        'item_bias_table': item_bias_table,
        'global_bias': global_bias,
    }


def reference(user_idx, item_idx, user_table, item_table, implicit_table, user_bias_table, item_bias_table, global_bias):
    # Embedding lookups (gathers)
    user_embed = jnp.take(user_table, user_idx, axis=0)          # [B, F]
    item_embed = jnp.take(item_table, item_idx, axis=0)          # [B, F]
    user_bias = jnp.take(user_bias_table, user_idx, axis=0).squeeze()  # [B]
    item_bias = jnp.take(item_bias_table, item_idx, axis=0).squeeze()  # [B]
    # Faithful to original forward: implicit feedback is computed but unused in pred
    implicit_feedback = jnp.mean(jnp.take(implicit_table, item_idx, axis=0), axis=0)  # [F]
    _ = implicit_feedback
    pred = jnp.sum(user_embed * item_embed, axis=1)              # [B]
    pred = pred + user_bias + item_bias + global_bias            # global_bias [1] broadcasts
    return pred

if __name__ == "__main__":
    import jax
    _d = setup_inputs()
    print(jax.jit(kernel)(*tuple(_d.values())))

</pallas_src>

<mosaic_0001>
#map = affine_map<(d0, d1) -> (0)>
#map1 = affine_map<(d0, d1) -> (0, 0, 0)>
module attributes {stable_mosaic.version = 14 : i64} {
  func.func @_svdpp_body(%arg0: i32, %arg1: i32, %arg2: memref<16384xi32, #tpu.memory_space<hbm>>, %arg3: memref<16384xi32, #tpu.memory_space<hbm>>, %arg4: memref<2x8x1000000xf32, #tpu.memory_space<hbm>>, %arg5: memref<2x8x1000000xf32, #tpu.memory_space<hbm>>, %arg6: memref<1000000xf32, #tpu.memory_space<hbm>>, %arg7: memref<1000000xf32, #tpu.memory_space<hbm>>, %arg8: memref<16xf32, #tpu.memory_space<hbm>>, %arg9: memref<16384xf32, #tpu.memory_space<hbm>>, %arg10: memref<512xi32, #tpu.memory_space<vmem>>, %arg11: memref<512xi32, #tpu.memory_space<vmem>>, %arg12: memref<8x2x8x128xf32, #tpu.memory_space<vmem>>, %arg13: memref<8x2x8x128xf32, #tpu.memory_space<vmem>>, %arg14: memref<8x2x8x128xf32, #tpu.memory_space<vmem>>, %arg15: memref<8x2x8x128xf32, #tpu.memory_space<vmem>>, %arg16: memref<512xf32, #tpu.memory_space<vmem>>, %arg17: memref<512xf32, #tpu.memory_space<vmem>>, %arg18: memref<512xf32, #tpu.memory_space<vmem>>, %arg19: memref<16xf32, #tpu.memory_space<vmem>>, %arg20: memref<16xi32, #tpu.memory_space<vmem>>, %arg21: memref<!tpu.dma_semaphore, #tpu.memory_space<semaphore_mem>>, %arg22: memref<!tpu.dma_semaphore, #tpu.memory_space<semaphore_mem>>, %arg23: memref<!tpu.dma_semaphore, #tpu.memory_space<semaphore_mem>>) attributes {dimension_semantics = [#tpu.dimension_semantics<core_parallel>, #tpu.dimension_semantics<subcore_parallel>], iteration_bounds = array<i64: 2, 16>, scalar_prefetch = 0 : i64, scratch_operands = 14 : i64, tpu.core_type = #tpu.core_type<sc_vector_subcore>, window_params = [{transform_indices = #map}, {transform_indices = #map}, {transform_indices = #map1}, {transform_indices = #map1}, {transform_indices = #map}, {transform_indices = #map}, {transform_indices = #map}, {transform_indices = #map}]} {
    %mul3A = arith.constant 2 : i32
    %mul3A_0 = arith.muli %arg1, %mul3A : i32
    %add3A = arith.addi %mul3A_0, %arg0 : i32
    %mul3A_1 = arith.constant 512 : i32
    %mul3A_2 = arith.muli %add3A, %mul3A_1 : i32
    "tpu.region"() ({
      %run_scoped3A = tpu.sem_alloc : memref<!tpu.dma_semaphore, #tpu.memory_space<semaphore_mem>>
      %dma_start3A_109 = tpu.memref_slice %arg2[%mul3A_2] : memref<16384xi32, #tpu.memory_space<hbm>> -> memref<512xi32, #tpu.memory_space<hbm>>
      %dma_start3A_110 = tpu.memref_slice %arg2[%mul3A_2] : memref<16384xi32, #tpu.memory_space<hbm>> -> memref<512xi32, #tpu.memory_space<hbm>>
      tpu.enqueue_dma source(%dma_start3A_110 : memref<512xi32, #tpu.memory_space<hbm>>) target(%arg10 : memref<512xi32, #tpu.memory_space<vmem>>) target_semaphore(%run_scoped3A : memref<!tpu.dma_semaphore, #tpu.memory_space<semaphore_mem>>)
      %dma_wait3A_111 = tpu.memref_slice %arg2[%mul3A_2] : memref<16384xi32, #tpu.memory_space<hbm>> -> memref<512xi32, #tpu.memory_space<hbm>>
      %dma_wait3A_112 = tpu.memref_slice %arg2[%mul3A_2] : memref<16384xi32, #tpu.memory_space<hbm>> -> memref<512xi32, #tpu.memory_space<hbm>>
      tpu.wait_dma2 semaphore(%run_scoped3A : memref<!tpu.dma_semaphore, #tpu.memory_space<semaphore_mem>>) src(%dma_wait3A_112 : memref<512xi32, #tpu.memory_space<hbm>>) dst(%arg10 : memref<512xi32, #tpu.memory_space<vmem>>)
      tpu.yield
    }) : () -> ()
    "tpu.region"() ({
      %run_scoped3A = tpu.sem_alloc : memref<!tpu.dma_semaphore, #tpu.memory_space<semaphore_mem>>
      %dma_start3A_109 = tpu.memref_slice %arg3[%mul3A_2] : memref<16384xi32, #tpu.memory_space<hbm>> -> memref<512xi32, #tpu.memory_space<hbm>>
      %dma_start3A_110 = tpu.memref_slice %arg3[%mul3A_2] : memref<16384xi32, #tpu.memory_space<hbm>> -> memref<512xi32, #tpu.memory_space<hbm>>
      tpu.enqueue_dma source(%dma_start3A_110 : memref<512xi32, #tpu.memory_space<hbm>>) target(%arg11 : memref<512xi32, #tpu.memory_space<vmem>>) target_semaphore(%run_scoped3A : memref<!tpu.dma_semaphore, #tpu.memory_space<semaphore_mem>>)
      %dma_wait3A_111 = tpu.memref_slice %arg3[%mul3A_2] : memref<16384xi32, #tpu.memory_space<hbm>> -> memref<512xi32, #tpu.memory_space<hbm>>
      %dma_wait3A_112 = tpu.memref_slice %arg3[%mul3A_2] : memref<16384xi32, #tpu.memory_space<hbm>> -> memref<512xi32, #tpu.memory_space<hbm>>
      tpu.wait_dma2 semaphore(%run_scoped3A : memref<!tpu.dma_semaphore, #tpu.memory_space<semaphore_mem>>) src(%dma_wait3A_112 : memref<512xi32, #tpu.memory_space<hbm>>) dst(%arg11 : memref<512xi32, #tpu.memory_space<vmem>>)
      tpu.yield
    }) : () -> ()
    "tpu.region"() ({
      %run_scoped3A = tpu.sem_alloc : memref<!tpu.dma_semaphore, #tpu.memory_space<semaphore_mem>>
      tpu.enqueue_dma source(%arg8 : memref<16xf32, #tpu.memory_space<hbm>>) target(%arg19 : memref<16xf32, #tpu.memory_space<vmem>>) target_semaphore(%run_scoped3A : memref<!tpu.dma_semaphore, #tpu.memory_space<semaphore_mem>>)
      tpu.wait_dma2 semaphore(%run_scoped3A : memref<!tpu.dma_semaphore, #tpu.memory_space<semaphore_mem>>) src(%arg8 : memref<16xf32, #tpu.memory_space<hbm>>) dst(%arg19 : memref<16xf32, #tpu.memory_space<vmem>>)
      tpu.yield
    }) : () -> ()
    %dma_start3A = arith.constant 0 : i32
    %dma_start3A_3 = tpu.memref_slice %arg16[%dma_start3A] : memref<512xf32, #tpu.memory_space<vmem>> -> memref<128xf32, #tpu.memory_space<vmem>>
    %dma_start3A_4 = arith.constant 0 : i32
    %dma_start3A_5 = tpu.memref_slice %arg10[%dma_start3A_4] : memref<512xi32, #tpu.memory_space<vmem>> -> memref<128xi32, #tpu.memory_space<vmem>>
    %dma_start3A_6 = arith.constant 0 : i32
    %dma_start3A_7 = tpu.memref_slice %arg6[%dma_start3A_6] : memref<1000000xf32, #tpu.memory_space<hbm>> -> memref<1000000xf32, #tpu.memory_space<hbm>>
    tpu.enqueue_indirect_dma source(%dma_start3A_7 : memref<1000000xf32, #tpu.memory_space<hbm>>) target(%dma_start3A_3 : memref<128xf32, #tpu.memory_space<vmem>>) offsets(%dma_start3A_5 : memref<128xi32, #tpu.memory_space<vmem>>) semaphore(%arg21 : memref<!tpu.dma_semaphore, #tpu.memory_space<semaphore_mem>>)
    %dma_start3A_8 = arith.constant 0 : i32
    %dma_start3A_9 = tpu.memref_slice %arg17[%dma_start3A_8] : memref<512xf32, #tpu.memory_space<vmem>> -> memref<128xf32, #tpu.memory_space<vmem>>
    %dma_start3A_10 = arith.constant 0 : i32
    %dma_start3A_11 = tpu.memref_slice %arg11[%dma_start3A_10] : memref<512xi32, #tpu.memory_space<vmem>> -> memref<128xi32, #tpu.memory_space<vmem>>
    %dma_start3A_12 = arith.constant 0 : i32
    %dma_start3A_13 = tpu.memref_slice %arg7[%dma_start3A_12] : memref<1000000xf32, #tpu.memory_space<hbm>> -> memref<1000000xf32, #tpu.memory_space<hbm>>
    tpu.enqueue_indirect_dma source(%dma_start3A_13 : memref<1000000xf32, #tpu.memory_space<hbm>>) target(%dma_start3A_9 : memref<128xf32, #tpu.memory_space<vmem>>) offsets(%dma_start3A_11 : memref<128xi32, #tpu.memory_space<vmem>>) semaphore(%arg21 : memref<!tpu.dma_semaphore, #tpu.memory_space<semaphore_mem>>)
    %dma_start3A_14 = arith.constant 128 : i32
    %dma_start3A_15 = tpu.memref_slice %arg16[%dma_start3A_14] : memref<512xf32, #tpu.memory_space<vmem>> -> memref<128xf32, #tpu.memory_space<vmem>>
    %dma_start3A_16 = arith.constant 128 : i32
    %dma_start3A_17 = tpu.memref_slice %arg10[%dma_start3A_16] : memref<512xi32, #tpu.memory_space<vmem>> -> memref<128xi32, #tpu.memory_space<vmem>>
    %dma_start3A_18 = arith.constant 0 : i32
    %dma_start3A_19 = tpu.memref_slice %arg6[%dma_start3A_18] : memref<1000000xf32, #tpu.memory_space<hbm>> -> memref<1000000xf32, #tpu.memory_space<hbm>>
    tpu.enqueue_indirect_dma source(%dma_start3A_19 : memref<1000000xf32, #tpu.memory_space<hbm>>) target(%dma_start3A_15 : memref<128xf32, #tpu.memory_space<vmem>>) offsets(%dma_start3A_17 : memref<128xi32, #tpu.memory_space<vmem>>) semaphore(%arg21 : memref<!tpu.dma_semaphore, #tpu.memory_space<semaphore_mem>>)
    %dma_start3A_20 = arith.constant 128 : i32
    %dma_start3A_21 = tpu.memref_slice %arg17[%dma_start3A_20] : memref<512xf32, #tpu.memory_space<vmem>> -> memref<128xf32, #tpu.memory_space<vmem>>
    %dma_start3A_22 = arith.constant 128 : i32
    %dma_start3A_23 = tpu.memref_slice %arg11[%dma_start3A_22] : memref<512xi32, #tpu.memory_space<vmem>> -> memref<128xi32, #tpu.memory_space<vmem>>
    %dma_start3A_24 = arith.constant 0 : i32
    %dma_start3A_25 = tpu.memref_slice %arg7[%dma_start3A_24] : memref<1000000xf32, #tpu.memory_space<hbm>> -> memref<1000000xf32, #tpu.memory_space<hbm>>
    tpu.enqueue_indirect_dma source(%dma_start3A_25 : memref<1000000xf32, #tpu.memory_space<hbm>>) target(%dma_start3A_21 : memref<128xf32, #tpu.memory_space<vmem>>) offsets(%dma_start3A_23 : memref<128xi32, #tpu.memory_space<vmem>>) semaphore(%arg21 : memref<!tpu.dma_semaphore, #tpu.memory_space<semaphore_mem>>)
    %dma_start3A_26 = arith.constant 256 : i32
    %dma_start3A_27 = tpu.memref_slice %arg16[%dma_start3A_26] : memref<512xf32, #tpu.memory_space<vmem>> -> memref<128xf32, #tpu.memory_space<vmem>>
    %dma_start3A_28 = arith.constant 256 : i32
    %dma_start3A_29 = tpu.memref_slice %arg10[%dma_start3A_28] : memref<512xi32, #tpu.memory_space<vmem>> -> memref<128xi32, #tpu.memory_space<vmem>>
    %dma_start3A_30 = arith.constant 0 : i32
    %dma_start3A_31 = tpu.memref_slice %arg6[%dma_start3A_30] : memref<1000000xf32, #tpu.memory_space<hbm>> -> memref<1000000xf32, #tpu.memory_space<hbm>>
    tpu.enqueue_indirect_dma source(%dma_start3A_31 : memref<1000000xf32, #tpu.memory_space<hbm>>) target(%dma_start3A_27 : memref<128xf32, #tpu.memory_space<vmem>>) offsets(%dma_start3A_29 : memref<128xi32, #tpu.memory_space<vmem>>) semaphore(%arg21 : memref<!tpu.dma_semaphore, #tpu.memory_space<semaphore_mem>>)
    %dma_start3A_32 = arith.constant 256 : i32
    %dma_start3A_33 = tpu.memref_slice %arg17[%dma_start3A_32] : memref<512xf32, #tpu.memory_space<vmem>> -> memref<128xf32, #tpu.memory_space<vmem>>
    %dma_start3A_34 = arith.constant 256 : i32
    %dma_start3A_35 = tpu.memref_slice %arg11[%dma_start3A_34] : memref<512xi32, #tpu.memory_space<vmem>> -> memref<128xi32, #tpu.memory_space<vmem>>
    %dma_start3A_36 = arith.constant 0 : i32
    %dma_start3A_37 = tpu.memref_slice %arg7[%dma_start3A_36] : memref<1000000xf32, #tpu.memory_space<hbm>> -> memref<1000000xf32, #tpu.memory_space<hbm>>
    tpu.enqueue_indirect_dma source(%dma_start3A_37 : memref<1000000xf32, #tpu.memory_space<hbm>>) target(%dma_start3A_33 : memref<128xf32, #tpu.memory_space<vmem>>) offsets(%dma_start3A_35 : memref<128xi32, #tpu.memory_space<vmem>>) semaphore(%arg21 : memref<!tpu.dma_semaphore, #tpu.memory_space<semaphore_mem>>)
    %dma_start3A_38 = arith.constant 384 : i32
    %dma_start3A_39 = tpu.memref_slice %arg16[%dma_start3A_38] : memref<512xf32, #tpu.memory_space<vmem>> -> memref<128xf32, #tpu.memory_space<vmem>>
    %dma_start3A_40 = arith.constant 384 : i32
    %dma_start3A_41 = tpu.memref_slice %arg10[%dma_start3A_40] : memref<512xi32, #tpu.memory_space<vmem>> -> memref<128xi32, #tpu.memory_space<vmem>>
    %dma_start3A_42 = arith.constant 0 : i32
    %dma_start3A_43 = tpu.memref_slice %arg6[%dma_start3A_42] : memref<1000000xf32, #tpu.memory_space<hbm>> -> memref<1000000xf32, #tpu.memory_space<hbm>>
    tpu.enqueue_indirect_dma source(%dma_start3A_43 : memref<1000000xf32, #tpu.memory_space<hbm>>) target(%dma_start3A_39 : memref<128xf32, #tpu.memory_space<vmem>>) offsets(%dma_start3A_41 : memref<128xi32, #tpu.memory_space<vmem>>) semaphore(%arg21 : memref<!tpu.dma_semaphore, #tpu.memory_space<semaphore_mem>>)
    %dma_start3A_44 = arith.constant 384 : i32
    %dma_start3A_45 = tpu.memref_slice %arg17[%dma_start3A_44] : memref<512xf32, #tpu.memory_space<vmem>> -> memref<128xf32, #tpu.memory_space<vmem>>
    %dma_start3A_46 = arith.constant 384 : i32
    %dma_start3A_47 = tpu.memref_slice %arg11[%dma_start3A_46] : memref<512xi32, #tpu.memory_space<vmem>> -> memref<128xi32, #tpu.memory_space<vmem>>
    %dma_start3A_48 = arith.constant 0 : i32
    %dma_start3A_49 = tpu.memref_slice %arg7[%dma_start3A_48] : memref<1000000xf32, #tpu.memory_space<hbm>> -> memref<1000000xf32, #tpu.memory_space<hbm>>
    tpu.enqueue_indirect_dma source(%dma_start3A_49 : memref<1000000xf32, #tpu.memory_space<hbm>>) target(%dma_start3A_45 : memref<128xf32, #tpu.memory_space<vmem>>) offsets(%dma_start3A_47 : memref<128xi32, #tpu.memory_space<vmem>>) semaphore(%arg21 : memref<!tpu.dma_semaphore, #tpu.memory_space<semaphore_mem>>)
    %iota3A = tpu.iota {dimensions = array<i32: 0>} : vector<16xi32>
    %and3A = arith.constant 7 : i32
    %and3A_50 = vector.broadcast %and3A : i32 to vector<16xi32>
    %and3A_51 = arith.andi %iota3A, %and3A_50 : vector<16xi32>
    %mul3A_52 = arith.constant 16 : i32
    %mul3A_53 = vector.broadcast %mul3A_52 : i32 to vector<16xi32>
    %mul3A_54 = arith.muli %and3A_51, %mul3A_53 : vector<16xi32>
    %swap3A = arith.constant 0 : index
    %swap3A_55 = tpu.vector_load %arg20[%swap3A] {strides = array<i32>} : memref<16xi32, #tpu.memory_space<vmem>>, vector<16xi32>,
    tpu.vector_store %arg20[%swap3A], %mul3A_54 {strides = array<i32>} : memref<16xi32, #tpu.memory_space<vmem>>, vector<16xi32>,
    %iota3A_56 = tpu.iota {dimensions = array<i32: 0>} : vector<16xi32>
    %dma_wait3A = arith.constant 0 : i32
    %dma_wait3A_57 = tpu.memref_slice %arg16[%dma_wait3A] : memref<512xf32, #tpu.memory_space<vmem>> -> memref<128xf32, #tpu.memory_space<vmem>>
    %dma_wait3A_58 = arith.constant 0 : i32
    %dma_wait3A_59 = tpu.memref_slice %arg10[%dma_wait3A_58] : memref<512xi32, #tpu.memory_space<vmem>> -> memref<128xi32, #tpu.memory_space<vmem>>
    %dma_wait3A_60 = arith.constant 0 : i32
    %dma_wait3A_61 = tpu.memref_slice %arg6[%dma_wait3A_60] : memref<1000000xf32, #tpu.memory_space<hbm>> -> memref<1000000xf32, #tpu.memory_space<hbm>>
    tpu.wait_indirect_dma semaphore(%arg21 : memref<!tpu.dma_semaphore, #tpu.memory_space<semaphore_mem>>) src(%dma_wait3A_61 : memref<1000000xf32, #tpu.memory_space<hbm>>) dst(%dma_wait3A_57 : memref<128xf32, #tpu.memory_space<vmem>>)
    %dma_wait3A_62 = arith.constant 0 : i32
    %dma_wait3A_63 = tpu.memref_slice %arg17[%dma_wait3A_62] : memref<512xf32, #tpu.memory_space<vmem>> -> memref<128xf32, #tpu.memory_space<vmem>>
    %dma_wait3A_64 = arith.constant 0 : i32
    %dma_wait3A_65 = tpu.memref_slice %arg11[%dma_wait3A_64] : memref<512xi32, #tpu.memory_space<vmem>> -> memref<128xi32, #tpu.memory_space<vmem>>
    %dma_wait3A_66 = arith.constant 0 : i32
    %dma_wait3A_67 = tpu.memref_slice %arg7[%dma_wait3A_66] : memref<1000000xf32, #tpu.memory_space<hbm>> -> memref<1000000xf32, #tpu.memory_space<hbm>>
    tpu.wait_indirect_dma semaphore(%arg21 : memref<!tpu.dma_semaphore, #tpu.memory_space<semaphore_mem>>) src(%dma_wait3A_67 : memref<1000000xf32, #tpu.memory_space<hbm>>) dst(%dma_wait3A_63 : memref<128xf32, #tpu.memory_space<vmem>>)
    %dma_wait3A_68 = arith.constant 128 : i32
    %dma_wait3A_69 = tpu.memref_slice %arg16[%dma_wait3A_68] : memref<512xf32, #tpu.memory_space<vmem>> -> memref<128xf32, #tpu.memory_space<vmem>>
    %dma_wait3A_70 = arith.constant 128 : i32
    %dma_wait3A_71 = tpu.memref_slice %arg10[%dma_wait3A_70] : memref<512xi32, #tpu.memory_space<vmem>> -> memref<128xi32, #tpu.memory_space<vmem>>
    %dma_wait3A_72 = arith.constant 0 : i32
    %dma_wait3A_73 = tpu.memref_slice %arg6[%dma_wait3A_72] : memref<1000000xf32, #tpu.memory_space<hbm>> -> memref<1000000xf32, #tpu.memory_space<hbm>>
    tpu.wait_indirect_dma semaphore(%arg21 : memref<!tpu.dma_semaphore, #tpu.memory_space<semaphore_mem>>) src(%dma_wait3A_73 : memref<1000000xf32, #tpu.memory_space<hbm>>) dst(%dma_wait3A_69 : memref<128xf32, #tpu.memory_space<vmem>>)
    %dma_wait3A_74 = arith.constant 128 : i32
    %dma_wait3A_75 = tpu.memref_slice %arg17[%dma_wait3A_74] : memref<512xf32, #tpu.memory_space<vmem>> -> memref<128xf32, #tpu.memory_space<vmem>>
    %dma_wait3A_76 = arith.constant 128 : i32
    %dma_wait3A_77 = tpu.memref_slice %arg11[%dma_wait3A_76] : memref<512xi32, #tpu.memory_space<vmem>> -> memref<128xi32, #tpu.memory_space<vmem>>
    %dma_wait3A_78 = arith.constant 0 : i32
    %dma_wait3A_79 = tpu.memref_slice %arg7[%dma_wait3A_78] : memref<1000000xf32, #tpu.memory_space<hbm>> -> memref<1000000xf32, #tpu.memory_space<hbm>>
    tpu.wait_indirect_dma semaphore(%arg21 : memref<!tpu.dma_semaphore, #tpu.memory_space<semaphore_mem>>) src(%dma_wait3A_79 : memref<1000000xf32, #tpu.memory_space<hbm>>) dst(%dma_wait3A_75 : memref<128xf32, #tpu.memory_space<vmem>>)
    %dma_wait3A_80 = arith.constant 256 : i32
    %dma_wait3A_81 = tpu.memref_slice %arg16[%dma_wait3A_80] : memref<512xf32, #tpu.memory_space<vmem>> -> memref<128xf32, #tpu.memory_space<vmem>>
    %dma_wait3A_82 = arith.constant 256 : i32
    %dma_wait3A_83 = tpu.memref_slice %arg10[%dma_wait3A_82] : memref<512xi32, #tpu.memory_space<vmem>> -> memref<128xi32, #tpu.memory_space<vmem>>
    %dma_wait3A_84 = arith.constant 0 : i32
    %dma_wait3A_85 = tpu.memref_slice %arg6[%dma_wait3A_84] : memref<1000000xf32, #tpu.memory_space<hbm>> -> memref<1000000xf32, #tpu.memory_space<hbm>>
    tpu.wait_indirect_dma semaphore(%arg21 : memref<!tpu.dma_semaphore, #tpu.memory_space<semaphore_mem>>) src(%dma_wait3A_85 : memref<1000000xf32, #tpu.memory_space<hbm>>) dst(%dma_wait3A_81 : memref<128xf32, #tpu.memory_space<vmem>>)
    %dma_wait3A_86 = arith.constant 256 : i32
    %dma_wait3A_87 = tpu.memref_slice %arg17[%dma_wait3A_86] : memref<512xf32, #tpu.memory_space<vmem>> -> memref<128xf32, #tpu.memory_space<vmem>>
    %dma_wait3A_88 = arith.constant 256 : i32
    %dma_wait3A_89 = tpu.memref_slice %arg11[%dma_wait3A_88] : memref<512xi32, #tpu.memory_space<vmem>> -> memref<128xi32, #tpu.memory_space<vmem>>
    %dma_wait3A_90 = arith.constant 0 : i32
    %dma_wait3A_91 = tpu.memref_slice %arg7[%dma_wait3A_90] : memref<1000000xf32, #tpu.memory_space<hbm>> -> memref<1000000xf32, #tpu.memory_space<hbm>>
    tpu.wait_indirect_dma semaphore(%arg21 : memref<!tpu.dma_semaphore, #tpu.memory_space<semaphore_mem>>) src(%dma_wait3A_91 : memref<1000000xf32, #tpu.memory_space<hbm>>) dst(%dma_wait3A_87 : memref<128xf32, #tpu.memory_space<vmem>>)
    %dma_wait3A_92 = arith.constant 384 : i32
    %dma_wait3A_93 = tpu.memref_slice %arg16[%dma_wait3A_92] : memref<512xf32, #tpu.memory_space<vmem>> -> memref<128xf32, #tpu.memory_space<vmem>>
    %dma_wait3A_94 = arith.constant 384 : i32
    %dma_wait3A_95 = tpu.memref_slice %arg10[%dma_wait3A_94] : memref<512xi32, #tpu.memory_space<vmem>> -> memref<128xi32, #tpu.memory_space<vmem>>
    %dma_wait3A_96 = arith.constant 0 : i32
    %dma_wait3A_97 = tpu.memref_slice %arg6[%dma_wait3A_96] : memref<1000000xf32, #tpu.memory_space<hbm>> -> memref<1000000xf32, #tpu.memory_space<hbm>>
    tpu.wait_indirect_dma semaphore(%arg21 : memref<!tpu.dma_semaphore, #tpu.memory_space<semaphore_mem>>) src(%dma_wait3A_97 : memref<1000000xf32, #tpu.memory_space<hbm>>) dst(%dma_wait3A_93 : memref<128xf32, #tpu.memory_space<vmem>>)
    %dma_wait3A_98 = arith.constant 384 : i32
    %dma_wait3A_99 = tpu.memref_slice %arg17[%dma_wait3A_98] : memref<512xf32, #tpu.memory_space<vmem>> -> memref<128xf32, #tpu.memory_space<vmem>>
    %dma_wait3A_100 = arith.constant 384 : i32
    %dma_wait3A_101 = tpu.memref_slice %arg11[%dma_wait3A_100] : memref<512xi32, #tpu.memory_space<vmem>> -> memref<128xi32, #tpu.memory_space<vmem>>
    %dma_wait3A_102 = arith.constant 0 : i32
    %dma_wait3A_103 = tpu.memref_slice %arg7[%dma_wait3A_102] : memref<1000000xf32, #tpu.memory_space<hbm>> -> memref<1000000xf32, #tpu.memory_space<hbm>>
    tpu.wait_indirect_dma semaphore(%arg21 : memref<!tpu.dma_semaphore, #tpu.memory_space<semaphore_mem>>) src(%dma_wait3A_103 : memref<1000000xf32, #tpu.memory_space<hbm>>) dst(%dma_wait3A_99 : memref<128xf32, #tpu.memory_space<vmem>>)
    %scan3A = arith.constant 0 : i32
    %scan3A_104 = arith.constant 0 : i32
    %scan3A_105 = arith.constant 8 : i32
    %scan3A_106 = arith.addi %scan3A_104, %scan3A_105 : i32
    %scan3A_107 = arith.constant 1 : i32
    scf.for %scan3A_109 = %scan3A_104 to %scan3A_106 step %scan3A_107  : i32 {
      %scan3A_110 = arith.constant 0 : i32
      %scan3A_111 = arith.constant 0 : i32
      %scan3A_112 = arith.constant 4 : i32
      %scan3A_113 = arith.addi %scan3A_111, %scan3A_112 : i32
      %scan3A_114 = arith.constant 1 : i32
      scf.for %scan3A_1080 = %scan3A_111 to %scan3A_113 step %scan3A_114  : i32 {
        %mul3A_1081 = arith.constant 64 : i32
        %mul3A_1082 = arith.muli %scan3A_109, %mul3A_1081 : i32
        %mul3A_1083 = arith.constant 16 : i32
        %mul3A_1084 = arith.muli %scan3A_1080, %mul3A_1083 : i32
        %add3A_1085 = arith.addi %mul3A_1082, %mul3A_1084 : i32
        %get3A_1086 = arith.index_cast %add3A_1085 : i32 to index
        %get3A_1087 = tpu.vector_load %arg10[%get3A_1086] {strides = array<i32>} : memref<512xi32, #tpu.memory_space<vmem>>, vector<16xi32>,
        %and3A_1088 = arith.constant -16 : i32
        %and3A_1089 = vector.broadcast %and3A_1088 : i32 to vector<16xi32>
        %and3A_1090 = arith.andi %get3A_1087, %and3A_1089 : vector<16xi32>
        %mul3A_1091 = arith.constant 64 : i32
        %mul3A_1092 = arith.muli %scan3A_109, %mul3A_1091 : i32
        %mul3A_1093 = arith.constant 16 : i32
        %mul3A_1094 = arith.muli %scan3A_1080, %mul3A_1093 : i32
        %add3A_1095 = arith.addi %mul3A_1092, %mul3A_1094 : i32
        %get3A_1096 = arith.index_cast %add3A_1095 : i32 to index
        %get3A_1097 = tpu.vector_load %arg11[%get3A_1096] {strides = array<i32>} : memref<512xi32, #tpu.memory_space<vmem>>, vector<16xi32>,
        %and3A_1098 = arith.constant -16 : i32
        %and3A_1099 = vector.broadcast %and3A_1098 : i32 to vector<16xi32>
        %and3A_1100 = arith.andi %get3A_1097, %and3A_1099 : vector<16xi32>
        %get3A_1101 = arith.constant 0 : index
        %get3A_1102 = tpu.vector_load %arg20[%get3A_1101] {strides = array<i32>} : memref<16xi32, #tpu.memory_space<vmem>>, vector<16xi32>,
        %shift_left3A = arith.constant 1 : i32
        %shift_left3A_1103 = arith.shli %scan3A_1080, %shift_left3A : i32
        %slice3A = vector.extract_strided_slice %and3A_1090 {offsets = [0], sizes = [1], strides = [1]} : vector<16xi32> to vector<1xi32>
        %squeeze3A = vector.extract %slice3A[0] : i32 from vector<1xi32>
        %multiple_of3A = tpu.assume_multiple %squeeze3A, 128 : i32
        %slice3A_1104 = vector.extract_strided_slice %and3A_1100 {offsets = [0], sizes = [1], strides = [1]} : vector<16xi32> to vector<1xi32>
        %squeeze3A_1105 = vector.extract %slice3A_1104[0] : i32 from vector<1xi32>
        %multiple_of3A_1106 = tpu.assume_multiple %squeeze3A_1105, 128 : i32
        %add3A_1107 = arith.constant 0 : i32
        %add3A_1108 = arith.addi %shift_left3A_1103, %add3A_1107 : i32
        %slice3A_1109 = vector.extract_strided_slice %get3A_1102 {offsets = [0], sizes = [1], strides = [1]} : vector<16xi32> to vector<1xi32>
        %squeeze3A_1110 = vector.extract %slice3A_1109[0] : i32 from vector<1xi32>
        %multiple_of3A_1111 = tpu.assume_multiple %squeeze3A_1110, 128 : i32
        %dma_start3A_1112 = arith.constant 0 : i32
        %dma_start3A_1113 = arith.constant 0 : i32
        %dma_start3A_1114 = tpu.memref_slice %arg12[%add3A_1108, %dma_start3A_1112, %dma_start3A_1113, %multiple_of3A_1111] : memref<8x2x8x128xf32, #tpu.memory_space<vmem>> -> memref<1x2x8x16xf32, #tpu.memory_space<vmem>>
        %dma_start3A_1115 = tpu.memref_squeeze %dma_start3A_1114 : memref<1x2x8x16xf32, #tpu.memory_space<vmem>> -> memref<2x8x16xf32, #tpu.memory_space<vmem>>
        %dma_start3A_1116 = arith.constant 0 : i32
        %dma_start3A_1117 = arith.constant 0 : i32
        %dma_start3A_1118 = tpu.memref_slice %arg4[%dma_start3A_1116, %dma_start3A_1117, %multiple_of3A] : memref<2x8x1000000xf32, #tpu.memory_space<hbm>> -> memref<2x8x16xf32, #tpu.memory_space<hbm>>
        %dma_start3A_1119 = arith.constant 0 : i32
        %dma_start3A_1120 = arith.constant 0 : i32
        %dma_start3A_1121 = tpu.memref_slice %arg12[%add3A_1108, %dma_start3A_1119, %dma_start3A_1120, %multiple_of3A_1111] : memref<8x2x8x128xf32, #tpu.memory_space<vmem>> -> memref<1x2x8x16xf32, #tpu.memory_space<vmem>>
        %dma_start3A_1122 = tpu.memref_squeeze %dma_start3A_1121 : memref<1x2x8x16xf32, #tpu.memory_space<vmem>> -> memref<2x8x16xf32, #tpu.memory_space<vmem>>
        %dma_start3A_1123 = arith.constant 0 : i32
        %dma_start3A_1124 = arith.constant 0 : i32
        %dma_start3A_1125 = tpu.memref_slice %arg4[%dma_start3A_1123, %dma_start3A_1124, %multiple_of3A] : memref<2x8x1000000xf32, #tpu.memory_space<hbm>> -> memref<2x8x16xf32, #tpu.memory_space<hbm>>
        tpu.enqueue_dma source(%dma_start3A_1125 : memref<2x8x16xf32, #tpu.memory_space<hbm>>) target(%dma_start3A_1122 : memref<2x8x16xf32, #tpu.memory_space<vmem>>) target_semaphore(%arg22 : memref<!tpu.dma_semaphore, #tpu.memory_space<semaphore_mem>>)
        %dma_start3A_1126 = arith.constant 0 : i32
        %dma_start3A_1127 = arith.constant 0 : i32
        %dma_start3A_1128 = tpu.memref_slice %arg13[%add3A_1108, %dma_start3A_1126, %dma_start3A_1127, %multiple_of3A_1111] : memref<8x2x8x128xf32, #tpu.memory_space<vmem>> -> memref<1x2x8x16xf32, #tpu.memory_space<vmem>>
        %dma_start3A_1129 = tpu.memref_squeeze %dma_start3A_1128 : memref<1x2x8x16xf32, #tpu.memory_space<vmem>> -> memref<2x8x16xf32, #tpu.memory_space<vmem>>
        %dma_start3A_1130 = arith.constant 0 : i32
        %dma_start3A_1131 = arith.constant 0 : i32
        %dma_start3A_1132 = tpu.memref_slice %arg5[%dma_start3A_1130, %dma_start3A_1131, %multiple_of3A_1106] : memref<2x8x1000000xf32, #tpu.memory_space<hbm>> -> memref<2x8x16xf32, #tpu.memory_space<hbm>>
        %dma_start3A_1133 = arith.constant 0 : i32
        %dma_start3A_1134 = arith.constant 0 : i32
        %dma_start3A_1135 = tpu.memref_slice %arg13[%add3A_1108, %dma_start3A_1133, %dma_start3A_1134, %multiple_of3A_1111] : memref<8x2x8x128xf32, #tpu.memory_space<vmem>> -> memref<1x2x8x16xf32, #tpu.memory_space<vmem>>
        %dma_start3A_1136 = tpu.memref_squeeze %dma_start3A_1135 : memref<1x2x8x16xf32, #tpu.memory_space<vmem>> -> memref<2x8x16xf32, #tpu.memory_space<vmem>>
        %dma_start3A_1137 = arith.constant 0 : i32
        %dma_start3A_1138 = arith.constant 0 : i32
        %dma_start3A_1139 = tpu.memref_slice %arg5[%dma_start3A_1137, %dma_start3A_1138, %multiple_of3A_1106] : memref<2x8x1000000xf32, #tpu.memory_space<hbm>> -> memref<2x8x16xf32, #tpu.memory_space<hbm>>
        tpu.enqueue_dma source(%dma_start3A_1139 : memref<2x8x16xf32, #tpu.memory_space<hbm>>) target(%dma_start3A_1136 : memref<2x8x16xf32, #tpu.memory_space<vmem>>) target_semaphore(%arg22 : memref<!tpu.dma_semaphore, #tpu.memory_space<semaphore_mem>>)
        %slice3A_1140 = vector.extract_strided_slice %and3A_1090 {offsets = [1], sizes = [1], strides = [1]} : vector<16xi32> to vector<1xi32>
        %squeeze3A_1141 = vector.extract %slice3A_1140[0] : i32 from vector<1xi32>
        %multiple_of3A_1142 = tpu.assume_multiple %squeeze3A_1141, 128 : i32
        %slice3A_1143 = vector.extract_strided_slice %and3A_1100 {offsets = [1], sizes = [1], strides = [1]} : vector<16xi32> to vector<1xi32>
        %squeeze3A_1144 = vector.extract %slice3A_1143[0] : i32 from vector<1xi32>
        %multiple_of3A_1145 = tpu.assume_multiple %squeeze3A_1144, 128 : i32
        %add3A_1146 = arith.constant 0 : i32
        %add3A_1147 = arith.addi %shift_left3A_1103, %add3A_1146 : i32
        %slice3A_1148 = vector.extract_strided_slice %get3A_1102 {offsets = [1], sizes = [1], strides = [1]} : vector<16xi32> to vector<1xi32>
        %squeeze3A_1149 = vector.extract %slice3A_1148[0] : i32 from vector<1xi32>
        %multiple_of3A_1150 = tpu.assume_multiple %squeeze3A_1149, 128 : i32
        %dma_start3A_1151 = arith.constant 0 : i32
        %dma_start3A_1152 = arith.constant 0 : i32
        %dma_start3A_1153 = tpu.memref_slice %arg12[%add3A_1147, %dma_start3A_1151, %dma_start3A_1152, %multiple_of3A_1150] : memref<8x2x8x128xf32, #tpu.memory_space<vmem>> -> memref<1x2x8x16xf32, #tpu.memory_space<vmem>>
        %dma_start3A_1154 = tpu.memref_squeeze %dma_start3A_1153 : memref<1x2x8x16xf32, #tpu.memory_space<vmem>> -> memref<2x8x16xf32, #tpu.memory_space<vmem>>
        %dma_start3A_1155 = arith.constant 0 : i32
        %dma_start3A_1156 = arith.constant 0 : i32
        %dma_start3A_1157 = tpu.memref_slice %arg4[%dma_start3A_1155, %dma_start3A_1156, %multiple_of3A_1142] : memref<2x8x1000000xf32, #tpu.memory_space<hbm>> -> memref<2x8x16xf32, #tpu.memory_space<hbm>>
        %dma_start3A_1158 = arith.constant 0 : i32
        %dma_start3A_1159 = arith.constant 0 : i32
        %dma_start3A_1160 = tpu.memref_slice %arg12[%add3A_1147, %dma_start3A_1158, %dma_start3A_1159, %multiple_of3A_1150] : memref<8x2x8x128xf32, #tpu.memory_space<vmem>> -> memref<1x2x8x16xf32, #tpu.memory_space<vmem>>
        %dma_start3A_1161 = tpu.memref_squeeze %dma_start3A_1160 : memref<1x2x8x16xf32, #tpu.memory_space<vmem>> -> memref<2x8x16xf32, #tpu.memory_space<vmem>>
        %dma_start3A_1162 = arith.constant 0 : i32
        %dma_start3A_1163 = arith.constant 0 : i32
        %dma_start3A_1164 = tpu.memref_slice %arg4[%dma_start3A_1162, %dma_start3A_1163, %multiple_of3A_1142] : memref<2x8x1000000xf32, #tpu.memory_space<hbm>> -> memref<2x8x16xf32, #tpu.memory_space<hbm>>
        tpu.enqueue_dma source(%dma_start3A_1164 : memref<2x8x16xf32, #tpu.memory_space<hbm>>) target(%dma_start3A_1161 : memref<2x8x16xf32, #tpu.memory_space<vmem>>) target_semaphore(%arg22 : memref<!tpu.dma_semaphore, #tpu.memory_space<semaphore_mem>>)
        %dma_start3A_1165 = arith.constant 0 : i32
        %dma_start3A_1166 = arith.constant 0 : i32
        %dma_start3A_1167 = tpu.memref_slice %arg13[%add3A_1147, %dma_start3A_1165, %dma_start3A_1166, %multiple_of3A_1150] : memref<8x2x8x128xf32, #tpu.memory_space<vmem>> -> memref<1x2x8x16xf32, #tpu.memory_space<vmem>>
        %dma_start3A_1168 = tpu.memref_squeeze %dma_start3A_1167 : memref<1x2x8x16xf32, #tpu.memory_space<vmem>> -> memref<2x8x16xf32, #tpu.memory_space<vmem>>
        %dma_start3A_1169 = arith.constant 0 : i32
        %dma_start3A_1170 = arith.constant 0 : i32
        %dma_start3A_1171 = tpu.memref_slice %arg5[%dma_start3A_1169, %dma_start3A_1170, %multiple_of3A_1145] : memref<2x8x1000000xf32, #tpu.memory_space<hbm>> -> memref<2x8x16xf32, #tpu.memory_space<hbm>>
        %dma_start3A_1172 = arith.constant 0 : i32
        %dma_start3A_1173 = arith.constant 0 : i32
        %dma_start3A_1174 = tpu.memref_slice %arg13[%add3A_1147, %dma_start3A_1172, %dma_start3A_1173, %multiple_of3A_1150] : memref<8x2x8x128xf32, #tpu.memory_space<vmem>> -> memref<1x2x8x16xf32, #tpu.memory_space<vmem>>
        %dma_start3A_1175 = tpu.memref_squeeze %dma_start3A_1174 : memref<1x2x8x16xf32, #tpu.memory_space<vmem>> -> memref<2x8x16xf32, #tpu.memory_space<vmem>>
        %dma_start3A_1176 = arith.constant 0 : i32
        %dma_start3A_1177 = arith.constant 0 : i32
        %dma_start3A_1178 = tpu.memref_slice %arg5[%dma_start3A_1176, %dma_start3A_1177, %multiple_of3A_1145] : memref<2x8x1000000xf32, #tpu.memory_space<hbm>> -> memref<2x8x16xf32, #tpu.memory_space<hbm>>
        tpu.enqueue_dma source(%dma_start3A_1178 : memref<2x8x16xf32, #tpu.memory_space<hbm>>) target(%dma_start3A_1175 : memref<2x8x16xf32, #tpu.memory_space<vmem>>) target_semaphore(%arg22 : memref<!tpu.dma_semaphore, #tpu.memory_space<semaphore_mem>>)
        %slice3A_1179 = vector.extract_strided_slice %and3A_1090 {offsets = [2], sizes = [1], strides = [1]} : vector<16xi32> to vector<1xi32>
        %squeeze3A_1180 = vector.extract %slice3A_1179[0] : i32 from vector<1xi32>
        %multiple_of3A_1181 = tpu.assume_multiple %squeeze3A_1180, 128 : i32
        %slice3A_1182 = vector.extract_strided_slice %and3A_1100 {offsets = [2], sizes = [1], strides = [1]} : vector<16xi32> to vector<1xi32>
        %squeeze3A_1183 = vector.extract %slice3A_1182[0] : i32 from vector<1xi32>
        %multiple_of3A_1184 = tpu.assume_multiple %squeeze3A_1183, 128 : i32
        %add3A_1185 = arith.constant 0 : i32
        %add3A_1186 = arith.addi %shift_left3A_1103, %add3A_1185 : i32
        %slice3A_1187 = vector.extract_strided_slice %get3A_1102 {offsets = [2], sizes = [1], strides = [1]} : vector<16xi32> to vector<1xi32>
        %squeeze3A_1188 = vector.extract %slice3A_1187[0] : i32 from vector<1xi32>
        %multiple_of3A_1189 = tpu.assume_multiple %squeeze3A_1188, 128 : i32
        %dma_start3A_1190 = arith.constant 0 : i32
        %dma_start3A_1191 = arith.constant 0 : i32
        %dma_start3A_1192 = tpu.memref_slice %arg12[%add3A_1186, %dma_start3A_1190, %dma_start3A_1191, %multiple_of3A_1189] : memref<8x2x8x128xf32, #tpu.memory_space<vmem>> -> memref<1x2x8x16xf32, #tpu.memory_space<vmem>>
        %dma_start3A_1193 = tpu.memref_squeeze %dma_start3A_1192 : memref<1x2x8x16xf32, #tpu.memory_space<vmem>> -> memref<2x8x16xf32, #tpu.memory_space<vmem>>
        %dma_start3A_1194 = arith.constant 0 : i32
        %dma_start3A_1195 = arith.constant 0 : i32
        %dma_start3A_1196 = tpu.memref_slice %arg4[%dma_start3A_1194, %dma_start3A_1195, %multiple_of3A_1181] : memref<2x8x1000000xf32, #tpu.memory_space<hbm>> -> memref<2x8x16xf32, #tpu.memory_space<hbm>>
        %dma_start3A_1197 = arith.constant 0 : i32
        %dma_start3A_1198 = arith.constant 0 : i32
        %dma_start3A_1199 = tpu.memref_slice %arg12[%add3A_1186, %dma_start3A_1197, %dma_start3A_1198, %multiple_of3A_1189] : memref<8x2x8x128xf32, #tpu.memory_space<vmem>> -> memref<1x2x8x16xf32, #tpu.memory_space<vmem>>
        %dma_start3A_1200 = tpu.memref_squeeze %dma_start3A_1199 : memref<1x2x8x16xf32, #tpu.memory_space<vmem>> -> memref<2x8x16xf32, #tpu.memory_space<vmem>>
        %dma_start3A_1201 = arith.constant 0 : i32
        %dma_start3A_1202 = arith.constant 0 : i32
        %dma_start3A_1203 = tpu.memref_slice %arg4[%dma_start3A_1201, %dma_start3A_1202, %multiple_of3A_1181] : memref<2x8x1000000xf32, #tpu.memory_space<hbm>> -> memref<2x8x16xf32, #tpu.memory_space<hbm>>
        tpu.enqueue_dma source(%dma_start3A_1203 : memref<2x8x16xf32, #tpu.memory_space<hbm>>) target(%dma_start3A_1200 : memref<2x8x16xf32, #tpu.memory_space<vmem>>) target_semaphore(%arg22 : memref<!tpu.dma_semaphore, #tpu.memory_space<semaphore_mem>>)
        %dma_start3A_1204 = arith.constant 0 : i32
        %dma_start3A_1205 = arith.constant 0 : i32
        %dma_start3A_1206 = tpu.memref_slice %arg13[%add3A_1186, %dma_start3A_1204, %dma_start3A_1205, %multiple_of3A_1189] : memref<8x2x8x128xf32, #tpu.memory_space<vmem>> -> memref<1x2x8x16xf32, #tpu.memory_space<vmem>>
        %dma_start3A_1207 = tpu.memref_squeeze %dma_start3A_1206 : memref<1x2x8x16xf32, #tpu.memory_space<vmem>> -> memref<2x8x16xf32, #tpu.memory_space<vmem>>
        %dma_start3A_1208 = arith.constant 0 : i32
        %dma_start3A_1209 = arith.constant 0 : i32
        %dma_start3A_1210 = tpu.memref_slice %arg5[%dma_start3A_1208, %dma_start3A_1209, %multiple_of3A_1184] : memref<2x8x1000000xf32, #tpu.memory_space<hbm>> -> memref<2x8x16xf32, #tpu.memory_space<hbm>>
        %dma_start3A_1211 = arith.constant 0 : i32
        %dma_start3A_1212 = arith.constant 0 : i32
        %dma_start3A_1213 = tpu.memref_slice %arg13[%add3A_1186, %dma_start3A_1211, %dma_start3A_1212, %multiple_of3A_1189] : memref<8x2x8x128xf32, #tpu.memory_space<vmem>> -> memref<1x2x8x16xf32, #tpu.memory_space<vmem>>
        %dma_start3A_1214 = tpu.memref_squeeze %dma_start3A_1213 : memref<1x2x8x16xf32, #tpu.memory_space<vmem>> -> memref<2x8x16xf32, #tpu.memory_space<vmem>>
        %dma_start3A_1215 = arith.constant 0 : i32
        %dma_start3A_1216 = arith.constant 0 : i32
        %dma_start3A_1217 = tpu.memref_slice %arg5[%dma_start3A_1215, %dma_start3A_1216, %multiple_of3A_1184] : memref<2x8x1000000xf32, #tpu.memory_space<hbm>> -> memref<2x8x16xf32, #tpu.memory_space<hbm>>
        tpu.enqueue_dma source(%dma_start3A_1217 : memref<2x8x16xf32, #tpu.memory_space<hbm>>) target(%dma_start3A_1214 : memref<2x8x16xf32, #tpu.memory_space<vmem>>) target_semaphore(%arg22 : memref<!tpu.dma_semaphore, #tpu.memory_space<semaphore_mem>>)
        %slice3A_1218 = vector.extract_strided_slice %and3A_1090 {offsets = [3], sizes = [1], strides = [1]} : vector<16xi32> to vector<1xi32>
        %squeeze3A_1219 = vector.extract %slice3A_1218[0] : i32 from vector<1xi32>
        %multiple_of3A_1220 = tpu.assume_multiple %squeeze3A_1219, 128 : i32
        %slice3A_1221 = vector.extract_strided_slice %and3A_1100 {offsets = [3], sizes = [1], strides = [1]} : vector<16xi32> to vector<1xi32>
        %squeeze3A_1222 = vector.extract %slice3A_1221[0] : i32 from vector<1xi32>
        %multiple_of3A_1223 = tpu.assume_multiple %squeeze3A_1222, 128 : i32
        %add3A_1224 = arith.constant 0 : i32
        %add3A_1225 = arith.addi %shift_left3A_1103, %add3A_1224 : i32
        %slice3A_1226 = vector.extract_strided_slice %get3A_1102 {offsets = [3], sizes = [1], strides = [1]} : vector<16xi32> to vector<1xi32>
        %squeeze3A_1227 = vector.extract %slice3A_1226[0] : i32 from vector<1xi32>
        %multiple_of3A_1228 = tpu.assume_multiple %squeeze3A_1227, 128 : i32
        %dma_start3A_1229 = arith.constant 0 : i32
        %dma_start3A_1230 = arith.constant 0 : i32
        %dma_start3A_1231 = tpu.memref_slice %arg12[%add3A_1225, %dma_start3A_1229, %dma_start3A_1230, %multiple_of3A_1228] : memref<8x2x8x128xf32, #tpu.memory_space<vmem>> -> memref<1x2x8x16xf32, #tpu.memory_space<vmem>>
        %dma_start3A_1232 = tpu.memref_squeeze %dma_start3A_1231 : memref<1x2x8x16xf32, #tpu.memory_space<vmem>> -> memref<2x8x16xf32, #tpu.memory_space<vmem>>
        %dma_start3A_1233 = arith.constant 0 : i32
        %dma_start3A_1234 = arith.constant 0 : i32
        %dma_start3A_1235 = tpu.memref_slice %arg4[%dma_start3A_1233, %dma_start3A_1234, %multiple_of3A_1220] : memref<2x8x1000000xf32, #tpu.memory_space<hbm>> -> memref<2x8x16xf32, #tpu.memory_space<hbm>>
        %dma_start3A_1236 = arith.constant 0 : i32
        %dma_start3A_1237 = arith.constant 0 : i32
        %dma_start3A_1238 = tpu.memref_slice %arg12[%add3A_1225, %dma_start3A_1236, %dma_start3A_1237, %multiple_of3A_1228] : memref<8x2x8x128xf32, #tpu.memory_space<vmem>> -> memref<1x2x8x16xf32, #tpu.memory_space<vmem>>
        %dma_start3A_1239 = tpu.memref_squeeze %dma_start3A_1238 : memref<1x2x8x16xf32, #tpu.memory_space<vmem>> -> memref<2x8x16xf32, #tpu.memory_space<vmem>>
        %dma_start3A_1240 = arith.constant 0 : i32
        %dma_start3A_1241 = arith.constant 0 : i32
        %dma_start3A_1242 = tpu.memref_slice %arg4[%dma_start3A_1240, %dma_start3A_1241, %multiple_of3A_1220] : memref<2x8x1000000xf32, #tpu.memory_space<hbm>> -> memref<2x8x16xf32, #tpu.memory_space<hbm>>
        tpu.enqueue_dma source(%dma_start3A_1242 : memref<2x8x16xf32, #tpu.memory_space<hbm>>) target(%dma_start3A_1239 : memref<2x8x16xf32, #tpu.memory_space<vmem>>) target_semaphore(%arg22 : memref<!tpu.dma_semaphore, #tpu.memory_space<semaphore_mem>>)
        %dma_start3A_1243 = arith.constant 0 : i32
        %dma_start3A_1244 = arith.constant 0 : i32
        %dma_start3A_1245 = tpu.memref_slice %arg13[%add3A_1225, %dma_start3A_1243, %dma_start3A_1244, %multiple_of3A_1228] : memref<8x2x8x128xf32, #tpu.memory_space<vmem>> -> memref<1x2x8x16xf32, #tpu.memory_space<vmem>>
        %dma_start3A_1246 = tpu.memref_squeeze %dma_start3A_1245 : memref<1x2x8x16xf32, #tpu.memory_space<vmem>> -> memref<2x8x16xf32, #tpu.memory_space<vmem>>
        %dma_start3A_1247 = arith.constant 0 : i32
        %dma_start3A_1248 = arith.constant 0 : i32
        %dma_start3A_1249 = tpu.memref_slice %arg5[%dma_start3A_1247, %dma_start3A_1248, %multiple_of3A_1223] : memref<2x8x1000000xf32, #tpu.memory_space<hbm>> -> memref<2x8x16xf32, #tpu.memory_space<hbm>>
        %dma_start3A_1250 = arith.constant 0 : i32
        %dma_start3A_1251 = arith.constant 0 : i32
        %dma_start3A_1252 = tpu.memref_slice %arg13[%add3A_1225, %dma_start3A_1250, %dma_start3A_1251, %multiple_of3A_1228] : memref<8x2x8x128xf32, #tpu.memory_space<vmem>> -> memref<1x2x8x16xf32, #tpu.memory_space<vmem>>
        %dma_start3A_1253 = tpu.memref_squeeze %dma_start3A_1252 : memref<1x2x8x16xf32, #tpu.memory_space<vmem>> -> memref<2x8x16xf32, #tpu.memory_space<vmem>>
        %dma_start3A_1254 = arith.constant 0 : i32
        %dma_start3A_1255 = arith.constant 0 : i32
        %dma_start3A_1256 = tpu.memref_slice %arg5[%dma_start3A_1254, %dma_start3A_1255, %multiple_of3A_1223] : memref<2x8x1000000xf32, #tpu.memory_space<hbm>> -> memref<2x8x16xf32, #tpu.memory_space<hbm>>
        tpu.enqueue_dma source(%dma_start3A_1256 : memref<2x8x16xf32, #tpu.memory_space<hbm>>) target(%dma_start3A_1253 : memref<2x8x16xf32, #tpu.memory_space<vmem>>) target_semaphore(%arg22 : memref<!tpu.dma_semaphore, #tpu.memory_space<semaphore_mem>>)
        %slice3A_1257 = vector.extract_strided_slice %and3A_1090 {offsets = [4], sizes = [1], strides = [1]} : vector<16xi32> to vector<1xi32>
        %squeeze3A_1258 = vector.extract %slice3A_1257[0] : i32 from vector<1xi32>
        %multiple_of3A_1259 = tpu.assume_multiple %squeeze3A_1258, 128 : i32
        %slice3A_1260 = vector.extract_strided_slice %and3A_1100 {offsets = [4], sizes = [1], strides = [1]} : vector<16xi32> to vector<1xi32>
        %squeeze3A_1261 = vector.extract %slice3A_1260[0] : i32 from vector<1xi32>
        %multiple_of3A_1262 = tpu.assume_multiple %squeeze3A_1261, 128 : i32
        %add3A_1263 = arith.constant 0 : i32
        %add3A_1264 = arith.addi %shift_left3A_1103, %add3A_1263 : i32
        %slice3A_1265 = vector.extract_strided_slice %get3A_1102 {offsets = [4], sizes = [1], strides = [1]} : vector<16xi32> to vector<1xi32>
        %squeeze3A_1266 = vector.extract %slice3A_1265[0] : i32 from vector<1xi32>
        %multiple_of3A_1267 = tpu.assume_multiple %squeeze3A_1266, 128 : i32
        %dma_start3A_1268 = arith.constant 0 : i32
        %dma_start3A_1269 = arith.constant 0 : i32
        %dma_start3A_1270 = tpu.memref_slice %arg12[%add3A_1264, %dma_start3A_1268, %dma_start3A_1269, %multiple_of3A_1267] : memref<8x2x8x128xf32, #tpu.memory_space<vmem>> -> memref<1x2x8x16xf32, #tpu.memory_space<vmem>>
        %dma_start3A_1271 = tpu.memref_squeeze %dma_start3A_1270 : memref<1x2x8x16xf32, #tpu.memory_space<vmem>> -> memref<2x8x16xf32, #tpu.memory_space<vmem>>
        %dma_start3A_1272 = arith.constant 0 : i32
        %dma_start3A_1273 = arith.constant 0 : i32
        %dma_start3A_1274 = tpu.memref_slice %arg4[%dma_start3A_1272, %dma_start3A_1273, %multiple_of3A_1259] : memref<2x8x1000000xf32, #tpu.memory_space<hbm>> -> memref<2x8x16xf32, #tpu.memory_space<hbm>>
        %dma_start3A_1275 = arith.constant 0 : i32
        %dma_start3A_1276 = arith.constant 0 : i32
        %dma_start3A_1277 = tpu.memref_slice %arg12[%add3A_1264, %dma_start3A_1275, %dma_start3A_1276, %multiple_of3A_1267] : memref<8x2x8x128xf32, #tpu.memory_space<vmem>> -> memref<1x2x8x16xf32, #tpu.memory_space<vmem>>
        %dma_start3A_1278 = tpu.memref_squeeze %dma_start3A_1277 : memref<1x2x8x16xf32, #tpu.memory_space<vmem>> -> memref<2x8x16xf32, #tpu.memory_space<vmem>>
        %dma_start3A_1279 = arith.constant 0 : i32
        %dma_start3A_1280 = arith.constant 0 : i32
        %dma_start3A_1281 = tpu.memref_slice %arg4[%dma_start3A_1279, %dma_start3A_1280, %multiple_of3A_1259] : memref<2x8x1000000xf32, #tpu.memory_space<hbm>> -> memref<2x8x16xf32, #tpu.memory_space<hbm>>
        tpu.enqueue_dma source(%dma_start3A_1281 : memref<2x8x16xf32, #tpu.memory_space<hbm>>) target(%dma_start3A_1278 : memref<2x8x16xf32, #tpu.memory_space<vmem>>) target_semaphore(%arg22 : memref<!tpu.dma_semaphore, #tpu.memory_space<semaphore_mem>>)
        %dma_start3A_1282 = arith.constant 0 : i32
        %dma_start3A_1283 = arith.constant 0 : i32
        %dma_start3A_1284 = tpu.memref_slice %arg13[%add3A_1264, %dma_start3A_1282, %dma_start3A_1283, %multiple_of3A_1267] : memref<8x2x8x128xf32, #tpu.memory_space<vmem>> -> memref<1x2x8x16xf32, #tpu.memory_space<vmem>>
        %dma_start3A_1285 = tpu.memref_squeeze %dma_start3A_1284 : memref<1x2x8x16xf32, #tpu.memory_space<vmem>> -> memref<2x8x16xf32, #tpu.memory_space<vmem>>
        %dma_start3A_1286 = arith.constant 0 : i32
        %dma_start3A_1287 = arith.constant 0 : i32
        %dma_start3A_1288 = tpu.memref_slice %arg5[%dma_start3A_1286, %dma_start3A_1287, %multiple_of3A_1262] : memref<2x8x1000000xf32, #tpu.memory_space<hbm>> -> memref<2x8x16xf32, #tpu.memory_space<hbm>>
        %dma_start3A_1289 = arith.constant 0 : i32
        %dma_start3A_1290 = arith.constant 0 : i32
        %dma_start3A_1291 = tpu.memref_slice %arg13[%add3A_1264, %dma_start3A_1289, %dma_start3A_1290, %multiple_of3A_1267] : memref<8x2x8x128xf32, #tpu.memory_space<vmem>> -> memref<1x2x8x16xf32, #tpu.memory_space<vmem>>
        %dma_start3A_1292 = tpu.memref_squeeze %dma_start3A_1291 : memref<1x2x8x16xf32, #tpu.memory_space<vmem>> -> memref<2x8x16xf32, #tpu.memory_space<vmem>>
        %dma_start3A_1293 = arith.constant 0 : i32
        %dma_start3A_1294 = arith.constant 0 : i32
        %dma_start3A_1295 = tpu.memref_slice %arg5[%dma_start3A_1293, %dma_start3A_1294, %multiple_of3A_1262] : memref<2x8x1000000xf32, #tpu.memory_space<hbm>> -> memref<2x8x16xf32, #tpu.memory_space<hbm>>
        tpu.enqueue_dma source(%dma_start3A_1295 : memref<2x8x16xf32, #tpu.memory_space<hbm>>) target(%dma_start3A_1292 : memref<2x8x16xf32, #tpu.memory_space<vmem>>) target_semaphore(%arg22 : memref<!tpu.dma_semaphore, #tpu.memory_space<semaphore_mem>>)
        %slice3A_1296 = vector.extract_strided_slice %and3A_1090 {offsets = [5], sizes = [1], strides = [1]} : vector<16xi32> to vector<1xi32>
        %squeeze3A_1297 = vector.extract %slice3A_1296[0] : i32 from vector<1xi32>
        %multiple_of3A_1298 = tpu.assume_multiple %squeeze3A_1297, 128 : i32
        %slice3A_1299 = vector.extract_strided_slice %and3A_1100 {offsets = [5], sizes = [1], strides = [1]} : vector<16xi32> to vector<1xi32>
        %squeeze3A_1300 = vector.extract %slice3A_1299[0] : i32 from vector<1xi32>
        %multiple_of3A_1301 = tpu.assume_multiple %squeeze3A_1300, 128 : i32
        %add3A_1302 = arith.constant 0 : i32
        %add3A_1303 = arith.addi %shift_left3A_1103, %add3A_1302 : i32
        %slice3A_1304 = vector.extract_strided_slice %get3A_1102 {offsets = [5], sizes = [1], strides = [1]} : vector<16xi32> to vector<1xi32>
        %squeeze3A_1305 = vector.extract %slice3A_1304[0] : i32 from vector<1xi32>
        %multiple_of3A_1306 = tpu.assume_multiple %squeeze3A_1305, 128 : i32
        %dma_start3A_1307 = arith.constant 0 : i32
        %dma_start3A_1308 = arith.constant 0 : i32
        %dma_start3A_1309 = tpu.memref_slice %arg12[%add3A_1303, %dma_start3A_1307, %dma_start3A_1308, %multiple_of3A_1306] : memref<8x2x8x128xf32, #tpu.memory_space<vmem>> -> memref<1x2x8x16xf32, #tpu.memory_space<vmem>>
        %dma_start3A_1310 = tpu.memref_squeeze %dma_start3A_1309 : memref<1x2x8x16xf32, #tpu.memory_space<vmem>> -> memref<2x8x16xf32, #tpu.memory_space<vmem>>
        %dma_start3A_1311 = arith.constant 0 : i32
        %dma_start3A_1312 = arith.constant 0 : i32
        %dma_start3A_1313 = tpu.memref_slice %arg4[%dma_start3A_1311, %dma_start3A_1312, %multiple_of3A_1298] : memref<2x8x1000000xf32, #tpu.memory_space<hbm>> -> memref<2x8x16xf32, #tpu.memory_space<hbm>>
        %dma_start3A_1314 = arith.constant 0 : i32
        %dma_start3A_1315 = arith.constant 0 : i32
        %dma_start3A_1316 = tpu.memref_slice %arg12[%add3A_1303, %dma_start3A_1314, %dma_start3A_1315, %multiple_of3A_1306] : memref<8x2x8x128xf32, #tpu.memory_space<vmem>> -> memref<1x2x8x16xf32, #tpu.memory_space<vmem>>
        %dma_start3A_1317 = tpu.memref_squeeze %dma_start3A_1316 : memref<1x2x8x16xf32, #tpu.memory_space<vmem>> -> memref<2x8x16xf32, #tpu.memory_space<vmem>>
        %dma_start3A_1318 = arith.constant 0 : i32
        %dma_start3A_1319 = arith.constant 0 : i32
        %dma_start3A_1320 = tpu.memref_slice %arg4[%dma_start3A_1318, %dma_start3A_1319, %multiple_of3A_1298] : memref<2x8x1000000xf32, #tpu.memory_space<hbm>> -> memref<2x8x16xf32, #tpu.memory_space<hbm>>
        tpu.enqueue_dma source(%dma_start3A_1320 : memref<2x8x16xf32, #tpu.memory_space<hbm>>) target(%dma_start3A_1317 : memref<2x8x16xf32, #tpu.memory_space<vmem>>) target_semaphore(%arg22 : memref<!tpu.dma_semaphore, #tpu.memory_space<semaphore_mem>>)
        %dma_start3A_1321 = arith.constant 0 : i32
        %dma_start3A_1322 = arith.constant 0 : i32
        %dma_start3A_1323 = tpu.memref_slice %arg13[%add3A_1303, %dma_start3A_1321, %dma_start3A_1322, %multiple_of3A_1306] : memref<8x2x8x128xf32, #tpu.memory_space<vmem>> -> memref<1x2x8x16xf32, #tpu.memory_space<vmem>>
        %dma_start3A_1324 = tpu.memref_squeeze %dma_start3A_1323 : memref<1x2x8x16xf32, #tpu.memory_space<vmem>> -> memref<2x8x16xf32, #tpu.memory_space<vmem>>
        %dma_start3A_1325 = arith.constant 0 : i32
        %dma_start3A_1326 = arith.constant 0 : i32
        %dma_start3A_1327 = tpu.memref_slice %arg5[%dma_start3A_1325, %dma_start3A_1326, %multiple_of3A_1301] : memref<2x8x1000000xf32, #tpu.memory_space<hbm>> -> memref<2x8x16xf32, #tpu.memory_space<hbm>>
        %dma_start3A_1328 = arith.constant 0 : i32
        %dma_start3A_1329 = arith.constant 0 : i32
        %dma_start3A_1330 = tpu.memref_slice %arg13[%add3A_1303, %dma_start3A_1328, %dma_start3A_1329, %multiple_of3A_1306] : memref<8x2x8x128xf32, #tpu.memory_space<vmem>> -> memref<1x2x8x16xf32, #tpu.memory_space<vmem>>
        %dma_start3A_1331 = tpu.memref_squeeze %dma_start3A_1330 : memref<1x2x8x16xf32, #tpu.memory_space<vmem>> -> memref<2x8x16xf32, #tpu.memory_space<vmem>>
        %dma_start3A_1332 = arith.constant 0 : i32
        %dma_start3A_1333 = arith.constant 0 : i32
        %dma_start3A_1334 = tpu.memref_slice %arg5[%dma_start3A_1332, %dma_start3A_1333, %multiple_of3A_1301] : memref<2x8x1000000xf32, #tpu.memory_space<hbm>> -> memref<2x8x16xf32, #tpu.memory_space<hbm>>
        tpu.enqueue_dma source(%dma_start3A_1334 : memref<2x8x16xf32, #tpu.memory_space<hbm>>) target(%dma_start3A_1331 : memref<2x8x16xf32, #tpu.memory_space<vmem>>) target_semaphore(%arg22 : memref<!tpu.dma_semaphore, #tpu.memory_space<semaphore_mem>>)
        %slice3A_1335 = vector.extract_strided_slice %and3A_1090 {offsets = [6], sizes = [1], strides = [1]} : vector<16xi32> to vector<1xi32>
        %squeeze3A_1336 = vector.extract %slice3A_1335[0] : i32 from vector<1xi32>
        %multiple_of3A_1337 = tpu.assume_multiple %squeeze3A_1336, 128 : i32
        %slice3A_1338 = vector.extract_strided_slice %and3A_1100 {offsets = [6], sizes = [1], strides = [1]} : vector<16xi32> to vector<1xi32>
        %squeeze3A_1339 = vector.extract %slice3A_1338[0] : i32 from vector<1xi32>
        %multiple_of3A_1340 = tpu.assume_multiple %squeeze3A_1339, 128 : i32
        %add3A_1341 = arith.constant 0 : i32
        %add3A_1342 = arith.addi %shift_left3A_1103, %add3A_1341 : i32
        %slice3A_1343 = vector.extract_strided_slice %get3A_1102 {offsets = [6], sizes = [1], strides = [1]} : vector<16xi32> to vector<1xi32>
        %squeeze3A_1344 = vector.extract %slice3A_1343[0] : i32 from vector<1xi32>
        %multiple_of3A_1345 = tpu.assume_multiple %squeeze3A_1344, 128 : i32
        %dma_start3A_1346 = arith.constant 0 : i32
        %dma_start3A_1347 = arith.constant 0 : i32
        %dma_start3A_1348 = tpu.memref_slice %arg12[%add3A_1342, %dma_start3A_1346, %dma_start3A_1347, %multiple_of3A_1345] : memref<8x2x8x128xf32, #tpu.memory_space<vmem>> -> memref<1x2x8x16xf32, #tpu.memory_space<vmem>>
        %dma_start3A_1349 = tpu.memref_squeeze %dma_start3A_1348 : memref<1x2x8x16xf32, #tpu.memory_space<vmem>> -> memref<2x8x16xf32, #tpu.memory_space<vmem>>
        %dma_start3A_1350 = arith.constant 0 : i32
        %dma_start3A_1351 = arith.constant 0 : i32
        %dma_start3A_1352 = tpu.memref_slice %arg4[%dma_start3A_1350, %dma_start3A_1351, %multiple_of3A_1337] : memref<2x8x1000000xf32, #tpu.memory_space<hbm>> -> memref<2x8x16xf32, #tpu.memory_space<hbm>>
        %dma_start3A_1353 = arith.constant 0 : i32
        %dma_start3A_1354 = arith.constant 0 : i32
        %dma_start3A_1355 = tpu.memref_slice %arg12[%add3A_1342, %dma_start3A_1353, %dma_start3A_1354, %multiple_of3A_1345] : memref<8x2x8x128xf32, #tpu.memory_space<vmem>> -> memref<1x2x8x16xf32, #tpu.memory_space<vmem>>
        %dma_start3A_1356 = tpu.memref_squeeze %dma_start3A_1355 : memref<1x2x8x16xf32, #tpu.memory_space<vmem>> -> memref<2x8x16xf32, #tpu.memory_space<vmem>>
        %dma_start3A_1357 = arith.constant 0 : i32
        %dma_start3A_1358 = arith.constant 0 : i32
        %dma_start3A_1359 = tpu.memref_slice %arg4[%dma_start3A_1357, %dma_start3A_1358, %multiple_of3A_1337] : memref<2x8x1000000xf32, #tpu.memory_space<hbm>> -> memref<2x8x16xf32, #tpu.memory_space<hbm>>
        tpu.enqueue_dma source(%dma_start3A_1359 : memref<2x8x16xf32, #tpu.memory_space<hbm>>) target(%dma_start3A_1356 : memref<2x8x16xf32, #tpu.memory_space<vmem>>) target_semaphore(%arg22 : memref<!tpu.dma_semaphore, #tpu.memory_space<semaphore_mem>>)
        %dma_start3A_1360 = arith.constant 0 : i32
        %dma_start3A_1361 = arith.constant 0 : i32
        %dma_start3A_1362 = tpu.memref_slice %arg13[%add3A_1342, %dma_start3A_1360, %dma_start3A_1361, %multiple_of3A_1345] : memref<8x2x8x128xf32, #tpu.memory_space<vmem>> -> memref<1x2x8x16xf32, #tpu.memory_space<vmem>>
        %dma_start3A_1363 = tpu.memref_squeeze %dma_start3A_1362 : memref<1x2x8x16xf32, #tpu.memory_space<vmem>> -> memref<2x8x16xf32, #tpu.memory_space<vmem>>
        %dma_start3A_1364 = arith.constant 0 : i32
        %dma_start3A_1365 = arith.constant 0 : i32
        %dma_start3A_1366 = tpu.memref_slice %arg5[%dma_start3A_1364, %dma_start3A_1365, %multiple_of3A_1340] : memref<2x8x1000000xf32, #tpu.memory_space<hbm>> -> memref<2x8x16xf32, #tpu.memory_space<hbm>>
        %dma_start3A_1367 = arith.constant 0 : i32
        %dma_start3A_1368 = arith.constant 0 : i32
        %dma_start3A_1369 = tpu.memref_slice %arg13[%add3A_1342, %dma_start3A_1367, %dma_start3A_1368, %multiple_of3A_1345] : memref<8x2x8x128xf32, #tpu.memory_space<vmem>> -> memref<1x2x8x16xf32, #tpu.memory_space<vmem>>
        %dma_start3A_1370 = tpu.memref_squeeze %dma_start3A_1369 : memref<1x2x8x16xf32, #tpu.memory_space<vmem>> -> memref<2x8x16xf32, #tpu.memory_space<vmem>>
        %dma_start3A_1371 = arith.constant 0 : i32
        %dma_start3A_1372 = arith.constant 0 : i32
        %dma_start3A_1373 = tpu.memref_slice %arg5[%dma_start3A_1371, %dma_start3A_1372, %multiple_of3A_1340] : memref<2x8x1000000xf32, #tpu.memory_space<hbm>> -> memref<2x8x16xf32, #tpu.memory_space<hbm>>
        tpu.enqueue_dma source(%dma_start3A_1373 : memref<2x8x16xf32, #tpu.memory_space<hbm>>) target(%dma_start3A_1370 : memref<2x8x16xf32, #tpu.memory_space<vmem>>) target_semaphore(%arg22 : memref<!tpu.dma_semaphore, #tpu.memory_space<semaphore_mem>>)
        %slice3A_1374 = vector.extract_strided_slice %and3A_1090 {offsets = [7], sizes = [1], strides = [1]} : vector<16xi32> to vector<1xi32>
        %squeeze3A_1375 = vector.extract %slice3A_1374[0] : i32 from vector<1xi32>
        %multiple_of3A_1376 = tpu.assume_multiple %squeeze3A_1375, 128 : i32
        %slice3A_1377 = vector.extract_strided_slice %and3A_1100 {offsets = [7], sizes = [1], strides = [1]} : vector<16xi32> to vector<1xi32>
        %squeeze3A_1378 = vector.extract %slice3A_1377[0] : i32 from vector<1xi32>
        %multiple_of3A_1379 = tpu.assume_multiple %squeeze3A_1378, 128 : i32
        %add3A_1380 = arith.constant 0 : i32
        %add3A_1381 = arith.addi %shift_left3A_1103, %add3A_1380 : i32
        %slice3A_1382 = vector.extract_strided_slice %get3A_1102 {offsets = [7], sizes = [1], strides = [1]} : vector<16xi32> to vector<1xi32>
        %squeeze3A_1383 = vector.extract %slice3A_1382[0] : i32 from vector<1xi32>
        %multiple_of3A_1384 = tpu.assume_multiple %squeeze3A_1383, 128 : i32
        %dma_start3A_1385 = arith.constant 0 : i32
        %dma_start3A_1386 = arith.constant 0 : i32
        %dma_start3A_1387 = tpu.memref_slice %arg12[%add3A_1381, %dma_start3A_1385, %dma_start3A_1386, %multiple_of3A_1384] : memref<8x2x8x128xf32, #tpu.memory_space<vmem>> -> memref<1x2x8x16xf32, #tpu.memory_space<vmem>>
        %dma_start3A_1388 = tpu.memref_squeeze %dma_start3A_1387 : memref<1x2x8x16xf32, #tpu.memory_space<vmem>> -> memref<2x8x16xf32, #tpu.memory_space<vmem>>
        %dma_start3A_1389 = arith.constant 0 : i32
        %dma_start3A_1390 = arith.constant 0 : i32
        %dma_start3A_1391 = tpu.memref_slice %arg4[%dma_start3A_1389, %dma_start3A_1390, %multiple_of3A_1376] : memref<2x8x1000000xf32, #tpu.memory_space<hbm>> -> memref<2x8x16xf32, #tpu.memory_space<hbm>>
        %dma_start3A_1392 = arith.constant 0 : i32
        %dma_start3A_1393 = arith.constant 0 : i32
        %dma_start3A_1394 = tpu.memref_slice %arg12[%add3A_1381, %dma_start3A_1392, %dma_start3A_1393, %multiple_of3A_1384] : memref<8x2x8x128xf32, #tpu.memory_space<vmem>> -> memref<1x2x8x16xf32, #tpu.memory_space<vmem>>
        %dma_start3A_1395 = tpu.memref_squeeze %dma_start3A_1394 : memref<1x2x8x16xf32, #tpu.memory_space<vmem>> -> memref<2x8x16xf32, #tpu.memory_space<vmem>>
        %dma_start3A_1396 = arith.constant 0 : i32
        %dma_start3A_1397 = arith.constant 0 : i32
        %dma_start3A_1398 = tpu.memref_slice %arg4[%dma_start3A_1396, %dma_start3A_1397, %multiple_of3A_1376] : memref<2x8x1000000xf32, #tpu.memory_space<hbm>> -> memref<2x8x16xf32, #tpu.memory_space<hbm>>
        tpu.enqueue_dma source(%dma_start3A_1398 : memref<2x8x16xf32, #tpu.memory_space<hbm>>) target(%dma_start3A_1395 : memref<2x8x16xf32, #tpu.memory_space<vmem>>) target_semaphore(%arg22 : memref<!tpu.dma_semaphore, #tpu.memory_space<semaphore_mem>>)
        %dma_start3A_1399 = arith.constant 0 : i32
        %dma_start3A_1400 = arith.constant 0 : i32
        %dma_start3A_1401 = tpu.memref_slice %arg13[%add3A_1381, %dma_start3A_1399, %dma_start3A_1400, %multiple_of3A_1384] : memref<8x2x8x128xf32, #tpu.memory_space<vmem>> -> memref<1x2x8x16xf32, #tpu.memory_space<vmem>>
        %dma_start3A_1402 = tpu.memref_squeeze %dma_start3A_1401 : memref<1x2x8x16xf32, #tpu.memory_space<vmem>> -> memref<2x8x16xf32, #tpu.memory_space<vmem>>
        %dma_start3A_1403 = arith.constant 0 : i32
        %dma_start3A_1404 = arith.constant 0 : i32
        %dma_start3A_1405 = tpu.memref_slice %arg5[%dma_start3A_1403, %dma_start3A_1404, %multiple_of3A_1379] : memref<2x8x1000000xf32, #tpu.memory_space<hbm>> -> memref<2x8x16xf32, #tpu.memory_space<hbm>>
        %dma_start3A_1406 = arith.constant 0 : i32
        %dma_start3A_1407 = arith.constant 0 : i32
        %dma_start3A_1408 = tpu.memref_slice %arg13[%add3A_1381, %dma_start3A_1406, %dma_start3A_1407, %multiple_of3A_1384] : memref<8x2x8x128xf32, #tpu.memory_space<vmem>> -> memref<1x2x8x16xf32, #tpu.memory_space<vmem>>
        %dma_start3A_1409 = tpu.memref_squeeze %dma_start3A_1408 : memref<1x2x8x16xf32, #tpu.memory_space<vmem>> -> memref<2x8x16xf32, #tpu.memory_space<vmem>>
        %dma_start3A_1410 = arith.constant 0 : i32
        %dma_start3A_1411 = arith.constant 0 : i32
        %dma_start3A_1412 = tpu.memref_slice %arg5[%dma_start3A_1410, %dma_start3A_1411, %multiple_of3A_1379] : memref<2x8x1000000xf32, #tpu.memory_space<hbm>> -> memref<2x8x16xf32, #tpu.memory_space<hbm>>
        tpu.enqueue_dma source(%dma_start3A_1412 : memref<2x8x16xf32, #tpu.memory_space<hbm>>) target(%dma_start3A_1409 : memref<2x8x16xf32, #tpu.memory_space<vmem>>) target_semaphore(%arg22 : memref<!tpu.dma_semaphore, #tpu.memory_space<semaphore_mem>>)
        %slice3A_1413 = vector.extract_strided_slice %and3A_1090 {offsets = [8], sizes = [1], strides = [1]} : vector<16xi32> to vector<1xi32>
        %squeeze3A_1414 = vector.extract %slice3A_1413[0] : i32 from vector<1xi32>
        %multiple_of3A_1415 = tpu.assume_multiple %squeeze3A_1414, 128 : i32
        %slice3A_1416 = vector.extract_strided_slice %and3A_1100 {offsets = [8], sizes = [1], strides = [1]} : vector<16xi32> to vector<1xi32>
        %squeeze3A_1417 = vector.extract %slice3A_1416[0] : i32 from vector<1xi32>
        %multiple_of3A_1418 = tpu.assume_multiple %squeeze3A_1417, 128 : i32
        %add3A_1419 = arith.constant 1 : i32
        %add3A_1420 = arith.addi %shift_left3A_1103, %add3A_1419 : i32
        %slice3A_1421 = vector.extract_strided_slice %get3A_1102 {offsets = [8], sizes = [1], strides = [1]} : vector<16xi32> to vector<1xi32>
        %squeeze3A_1422 = vector.extract %slice3A_1421[0] : i32 from vector<1xi32>
        %multiple_of3A_1423 = tpu.assume_multiple %squeeze3A_1422, 128 : i32
        %dma_start3A_1424 = arith.constant 0 : i32
        %dma_start3A_1425 = arith.constant 0 : i32
        %dma_start3A_1426 = tpu.memref_slice %arg12[%add3A_1420, %dma_start3A_1424, %dma_start3A_1425, %multiple_of3A_1423] : memref<8x2x8x128xf32, #tpu.memory_space<vmem>> -> memref<1x2x8x16xf32, #tpu.memory_space<vmem>>
        %dma_start3A_1427 = tpu.memref_squeeze %dma_start3A_1426 : memref<1x2x8x16xf32, #tpu.memory_space<vmem>> -> memref<2x8x16xf32, #tpu.memory_space<vmem>>
        %dma_start3A_1428 = arith.constant 0 : i32
        %dma_start3A_1429 = arith.constant 0 : i32
        %dma_start3A_1430 = tpu.memref_slice %arg4[%dma_start3A_1428, %dma_start3A_1429, %multiple_of3A_1415] : memref<2x8x1000000xf32, #tpu.memory_space<hbm>> -> memref<2x8x16xf32, #tpu.memory_space<hbm>>
        %dma_start3A_1431 = arith.constant 0 : i32
        %dma_start3A_1432 = arith.constant 0 : i32
        %dma_start3A_1433 = tpu.memref_slice %arg12[%add3A_1420, %dma_start3A_1431, %dma_start3A_1432, %multiple_of3A_1423] : memref<8x2x8x128xf32, #tpu.memory_space<vmem>> -> memref<1x2x8x16xf32, #tpu.memory_space<vmem>>
        %dma_start3A_1434 = tpu.memref_squeeze %dma_start3A_1433 : memref<1x2x8x16xf32, #tpu.memory_space<vmem>> -> memref<2x8x16xf32, #tpu.memory_space<vmem>>
        %dma_start3A_1435 = arith.constant 0 : i32
        %dma_start3A_1436 = arith.constant 0 : i32
        %dma_start3A_1437 = tpu.memref_slice %arg4[%dma_start3A_1435, %dma_start3A_1436, %multiple_of3A_1415] : memref<2x8x1000000xf32, #tpu.memory_space<hbm>> -> memref<2x8x16xf32, #tpu.memory_space<hbm>>
        tpu.enqueue_dma source(%dma_start3A_1437 : memref<2x8x16xf32, #tpu.memory_space<hbm>>) target(%dma_start3A_1434 : memref<2x8x16xf32, #tpu.memory_space<vmem>>) target_semaphore(%arg22 : memref<!tpu.dma_semaphore, #tpu.memory_space<semaphore_mem>>)
        %dma_start3A_1438 = arith.constant 0 : i32
        %dma_start3A_1439 = arith.constant 0 : i32
        %dma_start3A_1440 = tpu.memref_slice %arg13[%add3A_1420, %dma_start3A_1438, %dma_start3A_1439, %multiple_of3A_1423] : memref<8x2x8x128xf32, #tpu.memory_space<vmem>> -> memref<1x2x8x16xf32, #tpu.memory_space<vmem>>
        %dma_start3A_1441 = tpu.memref_squeeze %dma_start3A_1440 : memref<1x2x8x16xf32, #tpu.memory_space<vmem>> -> memref<2x8x16xf32, #tpu.memory_space<vmem>>
        %dma_start3A_1442 = arith.constant 0 : i32
        %dma_start3A_1443 = arith.constant 0 : i32
        %dma_start3A_1444 = tpu.memref_slice %arg5[%dma_start3A_1442, %dma_start3A_1443, %multiple_of3A_1418] : memref<2x8x1000000xf32, #tpu.memory_space<hbm>> -> memref<2x8x16xf32, #tpu.memory_space<hbm>>
        %dma_start3A_1445 = arith.constant 0 : i32
        %dma_start3A_1446 = arith.constant 0 : i32
        %dma_start3A_1447 = tpu.memref_slice %arg13[%add3A_1420, %dma_start3A_1445, %dma_start3A_1446, %multiple_of3A_1423] : memref<8x2x8x128xf32, #tpu.memory_space<vmem>> -> memref<1x2x8x16xf32, #tpu.memory_space<vmem>>
        %dma_start3A_1448 = tpu.memref_squeeze %dma_start3A_1447 : memref<1x2x8x16xf32, #tpu.memory_space<vmem>> -> memref<2x8x16xf32, #tpu.memory_space<vmem>>
        %dma_start3A_1449 = arith.constant 0 : i32
        %dma_start3A_1450 = arith.constant 0 : i32
        %dma_start3A_1451 = tpu.memref_slice %arg5[%dma_start3A_1449, %dma_start3A_1450, %multiple_of3A_1418] : memref<2x8x1000000xf32, #tpu.memory_space<hbm>> -> memref<2x8x16xf32, #tpu.memory_space<hbm>>
        tpu.enqueue_dma source(%dma_start3A_1451 : memref<2x8x16xf32, #tpu.memory_space<hbm>>) target(%dma_start3A_1448 : memref<2x8x16xf32, #tpu.memory_space<vmem>>) target_semaphore(%arg22 : memref<!tpu.dma_semaphore, #tpu.memory_space<semaphore_mem>>)
        %slice3A_1452 = vector.extract_strided_slice %and3A_1090 {offsets = [9], sizes = [1], strides = [1]} : vector<16xi32> to vector<1xi32>
        %squeeze3A_1453 = vector.extract %slice3A_1452[0] : i32 from vector<1xi32>
        %multiple_of3A_1454 = tpu.assume_multiple %squeeze3A_1453, 128 : i32
        %slice3A_1455 = vector.extract_strided_slice %and3A_1100 {offsets = [9], sizes = [1], strides = [1]} : vector<16xi32> to vector<1xi32>
        %squeeze3A_1456 = vector.extract %slice3A_1455[0] : i32 from vector<1xi32>
        %multiple_of3A_1457 = tpu.assume_multiple %squeeze3A_1456, 128 : i32
        %add3A_1458 = arith.constant 1 : i32
        %add3A_1459 = arith.addi %shift_left3A_1103, %add3A_1458 : i32
        %slice3A_1460 = vector.extract_strided_slice %get3A_1102 {offsets = [9], sizes = [1], strides = [1]} : vector<16xi32> to vector<1xi32>
        %squeeze3A_1461 = vector.extract %slice3A_1460[0] : i32 from vector<1xi32>
        %multiple_of3A_1462 = tpu.assume_multiple %squeeze3A_1461, 128 : i32
        %dma_start3A_1463 = arith.constant 0 : i32
        %dma_start3A_1464 = arith.constant 0 : i32
        %dma_start3A_1465 = tpu.memref_slice %arg12[%add3A_1459, %dma_start3A_1463, %dma_start3A_1464, %multiple_of3A_1462] : memref<8x2x8x128xf32, #tpu.memory_space<vmem>> -> memref<1x2x8x16xf32, #tpu.memory_space<vmem>>
        %dma_start3A_1466 = tpu.memref_squeeze %dma_start3A_1465 : memref<1x2x8x16xf32, #tpu.memory_space<vmem>> -> memref<2x8x16xf32, #tpu.memory_space<vmem>>
        %dma_start3A_1467 = arith.constant 0 : i32
        %dma_start3A_1468 = arith.constant 0 : i32
        %dma_start3A_1469 = tpu.memref_slice %arg4[%dma_start3A_1467, %dma_start3A_1468, %multiple_of3A_1454] : memref<2x8x1000000xf32, #tpu.memory_space<hbm>> -> memref<2x8x16xf32, #tpu.memory_space<hbm>>
        %dma_start3A_1470 = arith.constant 0 : i32
        %dma_start3A_1471 = arith.constant 0 : i32
        %dma_start3A_1472 = tpu.memref_slice %arg12[%add3A_1459, %dma_start3A_1470, %dma_start3A_1471, %multiple_of3A_1462] : memref<8x2x8x128xf32, #tpu.memory_space<vmem>> -> memref<1x2x8x16xf32, #tpu.memory_space<vmem>>
        %dma_start3A_1473 = tpu.memref_squeeze %dma_start3A_1472 : memref<1x2x8x16xf32, #tpu.memory_space<vmem>> -> memref<2x8x16xf32, #tpu.memory_space<vmem>>
        %dma_start3A_1474 = arith.constant 0 : i32
        %dma_start3A_1475 = arith.constant 0 : i32
        %dma_start3A_1476 = tpu.memref_slice %arg4[%dma_start3A_1474, %dma_start3A_1475, %multiple_of3A_1454] : memref<2x8x1000000xf32, #tpu.memory_space<hbm>> -> memref<2x8x16xf32, #tpu.memory_space<hbm>>
        tpu.enqueue_dma source(%dma_start3A_1476 : memref<2x8x16xf32, #tpu.memory_space<hbm>>) target(%dma_start3A_1473 : memref<2x8x16xf32, #tpu.memory_space<vmem>>) target_semaphore(%arg22 : memref<!tpu.dma_semaphore, #tpu.memory_space<semaphore_mem>>)
        %dma_start3A_1477 = arith.constant 0 : i32
        %dma_start3A_1478 = arith.constant 0 : i32
        %dma_start3A_1479 = tpu.memref_slice %arg13[%add3A_1459, %dma_start3A_1477, %dma_start3A_1478, %multiple_of3A_1462] : memref<8x2x8x128xf32, #tpu.memory_space<vmem>> -> memref<1x2x8x16xf32, #tpu.memory_space<vmem>>
        %dma_start3A_1480 = tpu.memref_squeeze %dma_start3A_1479 : memref<1x2x8x16xf32, #tpu.memory_space<vmem>> -> memref<2x8x16xf32, #tpu.memory_space<vmem>>
        %dma_start3A_1481 = arith.constant 0 : i32
        %dma_start3A_1482 = arith.constant 0 : i32
        %dma_start3A_1483 = tpu.memref_slice %arg5[%dma_start3A_1481, %dma_start3A_1482, %multiple_of3A_1457] : memref<2x8x1000000xf32, #tpu.memory_space<hbm>> -> memref<2x8x16xf32, #tpu.memory_space<hbm>>
        %dma_start3A_1484 = arith.constant 0 : i32
        %dma_start3A_1485 = arith.constant 0 : i32
        %dma_start3A_1486 = tpu.memref_slice %arg13[%add3A_1459, %dma_start3A_1484, %dma_start3A_1485, %multiple_of3A_1462] : memref<8x2x8x128xf32, #tpu.memory_space<vmem>> -> memref<1x2x8x16xf32, #tpu.memory_space<vmem>>
        %dma_start3A_1487 = tpu.memref_squeeze %dma_start3A_1486 : memref<1x2x8x16xf32, #tpu.memory_space<vmem>> -> memref<2x8x16xf32, #tpu.memory_space<vmem>>
        %dma_start3A_1488 = arith.constant 0 : i32
        %dma_start3A_1489 = arith.constant 0 : i32
        %dma_start3A_1490 = tpu.memref_slice %arg5[%dma_start3A_1488, %dma_start3A_1489, %multiple_of3A_1457] : memref<2x8x1000000xf32, #tpu.memory_space<hbm>> -> memref<2x8x16xf32, #tpu.memory_space<hbm>>
        tpu.enqueue_dma source(%dma_start3A_1490 : memref<2x8x16xf32, #tpu.memory_space<hbm>>) target(%dma_start3A_1487 : memref<2x8x16xf32, #tpu.memory_space<vmem>>) target_semaphore(%arg22 : memref<!tpu.dma_semaphore, #tpu.memory_space<semaphore_mem>>)
        %slice3A_1491 = vector.extract_strided_slice %and3A_1090 {offsets = [10], sizes = [1], strides = [1]} : vector<16xi32> to vector<1xi32>
        %squeeze3A_1492 = vector.extract %slice3A_1491[0] : i32 from vector<1xi32>
        %multiple_of3A_1493 = tpu.assume_multiple %squeeze3A_1492, 128 : i32
        %slice3A_1494 = vector.extract_strided_slice %and3A_1100 {offsets = [10], sizes = [1], strides = [1]} : vector<16xi32> to vector<1xi32>
        %squeeze3A_1495 = vector.extract %slice3A_1494[0] : i32 from vector<1xi32>
        %multiple_of3A_1496 = tpu.assume_multiple %squeeze3A_1495, 128 : i32
        %add3A_1497 = arith.constant 1 : i32
        %add3A_1498 = arith.addi %shift_left3A_1103, %add3A_1497 : i32
        %slice3A_1499 = vector.extract_strided_slice %get3A_1102 {offsets = [10], sizes = [1], strides = [1]} : vector<16xi32> to vector<1xi32>
        %squeeze3A_1500 = vector.extract %slice3A_1499[0] : i32 from vector<1xi32>
        %multiple_of3A_1501 = tpu.assume_multiple %squeeze3A_1500, 128 : i32
        %dma_start3A_1502 = arith.constant 0 : i32
        %dma_start3A_1503 = arith.constant 0 : i32
        %dma_start3A_1504 = tpu.memref_slice %arg12[%add3A_1498, %dma_start3A_1502, %dma_start3A_1503, %multiple_of3A_1501] : memref<8x2x8x128xf32, #tpu.memory_space<vmem>> -> memref<1x2x8x16xf32, #tpu.memory_space<vmem>>
        %dma_start3A_1505 = tpu.memref_squeeze %dma_start3A_1504 : memref<1x2x8x16xf32, #tpu.memory_space<vmem>> -> memref<2x8x16xf32, #tpu.memory_space<vmem>>
        %dma_start3A_1506 = arith.constant 0 : i32
        %dma_start3A_1507 = arith.constant 0 : i32
        %dma_start3A_1508 = tpu.memref_slice %arg4[%dma_start3A_1506, %dma_start3A_1507, %multiple_of3A_1493] : memref<2x8x1000000xf32, #tpu.memory_space<hbm>> -> memref<2x8x16xf32, #tpu.memory_space<hbm>>
        %dma_start3A_1509 = arith.constant 0 : i32
        %dma_start3A_1510 = arith.constant 0 : i32
        %dma_start3A_1511 = tpu.memref_slice %arg12[%add3A_1498, %dma_start3A_1509, %dma_start3A_1510, %multiple_of3A_1501] : memref<8x2x8x128xf32, #tpu.memory_space<vmem>> -> memref<1x2x8x16xf32, #tpu.memory_space<vmem>>
        %dma_start3A_1512 = tpu.memref_squeeze %dma_start3A_1511 : memref<1x2x8x16xf32, #tpu.memory_space<vmem>> -> memref<2x8x16xf32, #tpu.memory_space<vmem>>
        %dma_start3A_1513 = arith.constant 0 : i32
        %dma_start3A_1514 = arith.constant 0 : i32
        %dma_start3A_1515 = tpu.memref_slice %arg4[%dma_start3A_1513, %dma_start3A_1514, %multiple_of3A_1493] : memref<2x8x1000000xf32, #tpu.memory_space<hbm>> -> memref<2x8x16xf32, #tpu.memory_space<hbm>>
        tpu.enqueue_dma source(%dma_start3A_1515 : memref<2x8x16xf32, #tpu.memory_space<hbm>>) target(%dma_start3A_1512 : memref<2x8x16xf32, #tpu.memory_space<vmem>>) target_semaphore(%arg22 : memref<!tpu.dma_semaphore, #tpu.memory_space<semaphore_mem>>)
        %dma_start3A_1516 = arith.constant 0 : i32
        %dma_start3A_1517 = arith.constant 0 : i32
        %dma_start3A_1518 = tpu.memref_slice %arg13[%add3A_1498, %dma_start3A_1516, %dma_start3A_1517, %multiple_of3A_1501] : memref<8x2x8x128xf32, #tpu.memory_space<vmem>> -> memref<1x2x8x16xf32, #tpu.memory_space<vmem>>
        %dma_start3A_1519 = tpu.memref_squeeze %dma_start3A_1518 : memref<1x2x8x16xf32, #tpu.memory_space<vmem>> -> memref<2x8x16xf32, #tpu.memory_space<vmem>>
        %dma_start3A_1520 = arith.constant 0 : i32
        %dma_start3A_1521 = arith.constant 0 : i32
        %dma_start3A_1522 = tpu.memref_slice %arg5[%dma_start3A_1520, %dma_start3A_1521, %multiple_of3A_1496] : memref<2x8x1000000xf32, #tpu.memory_space<hbm>> -> memref<2x8x16xf32, #tpu.memory_space<hbm>>
        %dma_start3A_1523 = arith.constant 0 : i32
        %dma_start3A_1524 = arith.constant 0 : i32
        %dma_start3A_1525 = tpu.memref_slice %arg13[%add3A_1498, %dma_start3A_1523, %dma_start3A_1524, %multiple_of3A_1501] : memref<8x2x8x128xf32, #tpu.memory_space<vmem>> -> memref<1x2x8x16xf32, #tpu.memory_space<vmem>>
        %dma_start3A_1526 = tpu.memref_squeeze %dma_start3A_1525 : memref<1x2x8x16xf32, #tpu.memory_space<vmem>> -> memref<2x8x16xf32, #tpu.memory_space<vmem>>
        %dma_start3A_1527 = arith.constant 0 : i32
        %dma_start3A_1528 = arith.constant 0 : i32
        %dma_start3A_1529 = tpu.memref_slice %arg5[%dma_start3A_1527, %dma_start3A_1528, %multiple_of3A_1496] : memref<2x8x1000000xf32, #tpu.memory_space<hbm>> -> memref<2x8x16xf32, #tpu.memory_space<hbm>>
        tpu.enqueue_dma source(%dma_start3A_1529 : memref<2x8x16xf32, #tpu.memory_space<hbm>>) target(%dma_start3A_1526 : memref<2x8x16xf32, #tpu.memory_space<vmem>>) target_semaphore(%arg22 : memref<!tpu.dma_semaphore, #tpu.memory_space<semaphore_mem>>)
        %slice3A_1530 = vector.extract_strided_slice %and3A_1090 {offsets = [11], sizes = [1], strides = [1]} : vector<16xi32> to vector<1xi32>
        %squeeze3A_1531 = vector.extract %slice3A_1530[0] : i32 from vector<1xi32>
        %multiple_of3A_1532 = tpu.assume_multiple %squeeze3A_1531, 128 : i32
        %slice3A_1533 = vector.extract_strided_slice %and3A_1100 {offsets = [11], sizes = [1], strides = [1]} : vector<16xi32> to vector<1xi32>
        %squeeze3A_1534 = vector.extract %slice3A_1533[0] : i32 from vector<1xi32>
        %multiple_of3A_1535 = tpu.assume_multiple %squeeze3A_1534, 128 : i32
        %add3A_1536 = arith.constant 1 : i32
        %add3A_1537 = arith.addi %shift_left3A_1103, %add3A_1536 : i32
        %slice3A_1538 = vector.extract_strided_slice %get3A_1102 {offsets = [11], sizes = [1], strides = [1]} : vector<16xi32> to vector<1xi32>
        %squeeze3A_1539 = vector.extract %slice3A_1538[0] : i32 from vector<1xi32>
        %multiple_of3A_1540 = tpu.assume_multiple %squeeze3A_1539, 128 : i32
        %dma_start3A_1541 = arith.constant 0 : i32
        %dma_start3A_1542 = arith.constant 0 : i32
        %dma_start3A_1543 = tpu.memref_slice %arg12[%add3A_1537, %dma_start3A_1541, %dma_start3A_1542, %multiple_of3A_1540] : memref<8x2x8x128xf32, #tpu.memory_space<vmem>> -> memref<1x2x8x16xf32, #tpu.memory_space<vmem>>
        %dma_start3A_1544 = tpu.memref_squeeze %dma_start3A_1543 : memref<1x2x8x16xf32, #tpu.memory_space<vmem>> -> memref<2x8x16xf32, #tpu.memory_space<vmem>>
        %dma_start3A_1545 = arith.constant 0 : i32
        %dma_start3A_1546 = arith.constant 0 : i32
        %dma_start3A_1547 = tpu.memref_slice %arg4[%dma_start3A_1545, %dma_start3A_1546, %multiple_of3A_1532] : memref<2x8x1000000xf32, #tpu.memory_space<hbm>> -> memref<2x8x16xf32, #tpu.memory_space<hbm>>
        %dma_start3A_1548 = arith.constant 0 : i32
        %dma_start3A_1549 = arith.constant 0 : i32
        %dma_start3A_1550 = tpu.memref_slice %arg12[%add3A_1537, %dma_start3A_1548, %dma_start3A_1549, %multiple_of3A_1540] : memref<8x2x8x128xf32, #tpu.memory_space<vmem>> -> memref<1x2x8x16xf32, #tpu.memory_space<vmem>>
        %dma_start3A_1551 = tpu.memref_squeeze %dma_start3A_1550 : memref<1x2x8x16xf32, #tpu.memory_space<vmem>> -> memref<2x8x16xf32, #tpu.memory_space<vmem>>
        %dma_start3A_1552 = arith.constant 0 : i32
        %dma_start3A_1553 = arith.constant 0 : i32
        %dma_start3A_1554 = tpu.memref_slice %arg4[%dma_start3A_1552, %dma_start3A_1553, %multiple_of3A_1532] : memref<2x8x1000000xf32, #tpu.memory_space<hbm>> -> memref<2x8x16xf32, #tpu.memory_space<hbm>>
        tpu.enqueue_dma source(%dma_start3A_1554 : memref<2x8x16xf32, #tpu.memory_space<hbm>>) target(%dma_start3A_1551 : memref<2x8x16xf32, #tpu.memory_space<vmem>>) target_semaphore(%arg22 : memref<!tpu.dma_semaphore, #tpu.memory_space<semaphore_mem>>)
        %dma_start3A_1555 = arith.constant 0 : i32
        %dma_start3A_1556 = arith.constant 0 : i32
        %dma_start3A_1557 = tpu.memref_slice %arg13[%add3A_1537, %dma_start3A_1555, %dma_start3A_1556, %multiple_of3A_1540] : memref<8x2x8x128xf32, #tpu.memory_space<vmem>> -> memref<1x2x8x16xf32, #tpu.memory_space<vmem>>
        %dma_start3A_1558 = tpu.memref_squeeze %dma_start3A_1557 : memref<1x2x8x16xf32, #tpu.memory_space<vmem>> -> memref<2x8x16xf32, #tpu.memory_space<vmem>>
        %dma_start3A_1559 = arith.constant 0 : i32
        %dma_start3A_1560 = arith.constant 0 : i32
        %dma_start3A_1561 = tpu.memref_slice %arg5[%dma_start3A_1559, %dma_start3A_1560, %multiple_of3A_1535] : memref<2x8x1000000xf32, #tpu.memory_space<hbm>> -> memref<2x8x16xf32, #tpu.memory_space<hbm>>
        %dma_start3A_1562 = arith.constant 0 : i32
        %dma_start3A_1563 = arith.constant 0 : i32
        %dma_start3A_1564 = tpu.memref_slice %arg13[%add3A_1537, %dma_start3A_1562, %dma_start3A_1563, %multiple_of3A_1540] : memref<8x2x8x128xf32, #tpu.memory_space<vmem>> -> memref<1x2x8x16xf32, #tpu.memory_space<vmem>>
        %dma_start3A_1565 = tpu.memref_squeeze %dma_start3A_1564 : memref<1x2x8x16xf32, #tpu.memory_space<vmem>> -> memref<2x8x16xf32, #tpu.memory_space<vmem>>
        %dma_start3A_1566 = arith.constant 0 : i32
        %dma_start3A_1567 = arith.constant 0 : i32
        %dma_start3A_1568 = tpu.memref_slice %arg5[%dma_start3A_1566, %dma_start3A_1567, %multiple_of3A_1535] : memref<2x8x1000000xf32, #tpu.memory_space<hbm>> -> memref<2x8x16xf32, #tpu.memory_space<hbm>>
        tpu.enqueue_dma source(%dma_start3A_1568 : memref<2x8x16xf32, #tpu.memory_space<hbm>>) target(%dma_start3A_1565 : memref<2x8x16xf32, #tpu.memory_space<vmem>>) target_semaphore(%arg22 : memref<!tpu.dma_semaphore, #tpu.memory_space<semaphore_mem>>)
        %slice3A_1569 = vector.extract_strided_slice %and3A_1090 {offsets = [12], sizes = [1], strides = [1]} : vector<16xi32> to vector<1xi32>
        %squeeze3A_1570 = vector.extract %slice3A_1569[0] : i32 from vector<1xi32>
        %multiple_of3A_1571 = tpu.assume_multiple %squeeze3A_1570, 128 : i32
        %slice3A_1572 = vector.extract_strided_slice %and3A_1100 {offsets = [12], sizes = [1], strides = [1]} : vector<16xi32> to vector<1xi32>
        %squeeze3A_1573 = vector.extract %slice3A_1572[0] : i32 from vector<1xi32>
        %multiple_of3A_1574 = tpu.assume_multiple %squeeze3A_1573, 128 : i32
        %add3A_1575 = arith.constant 1 : i32
        %add3A_1576 = arith.addi %shift_left3A_1103, %add3A_1575 : i32
        %slice3A_1577 = vector.extract_strided_slice %get3A_1102 {offsets = [12], sizes = [1], strides = [1]} : vector<16xi32> to vector<1xi32>
        %squeeze3A_1578 = vector.extract %slice3A_1577[0] : i32 from vector<1xi32>
        %multiple_of3A_1579 = tpu.assume_multiple %squeeze3A_1578, 128 : i32
        %dma_start3A_1580 = arith.constant 0 : i32
        %dma_start3A_1581 = arith.constant 0 : i32
        %dma_start3A_1582 = tpu.memref_slice %arg12[%add3A_1576, %dma_start3A_1580, %dma_start3A_1581, %multiple_of3A_1579] : memref<8x2x8x128xf32, #tpu.memory_space<vmem>> -> memref<1x2x8x16xf32, #tpu.memory_space<vmem>>
        %dma_start3A_1583 = tpu.memref_squeeze %dma_start3A_1582 : memref<1x2x8x16xf32, #tpu.memory_space<vmem>> -> memref<2x8x16xf32, #tpu.memory_space<vmem>>
        %dma_start3A_1584 = arith.constant 0 : i32
        %dma_start3A_1585 = arith.constant 0 : i32
        %dma_start3A_1586 = tpu.memref_slice %arg4[%dma_start3A_1584, %dma_start3A_1585, %multiple_of3A_1571] : memref<2x8x1000000xf32, #tpu.memory_space<hbm>> -> memref<2x8x16xf32, #tpu.memory_space<hbm>>
        %dma_start3A_1587 = arith.constant 0 : i32
        %dma_start3A_1588 = arith.constant 0 : i32
        %dma_start3A_1589 = tpu.memref_slice %arg12[%add3A_1576, %dma_start3A_1587, %dma_start3A_1588, %multiple_of3A_1579] : memref<8x2x8x128xf32, #tpu.memory_space<vmem>> -> memref<1x2x8x16xf32, #tpu.memory_space<vmem>>
        %dma_start3A_1590 = tpu.memref_squeeze %dma_start3A_1589 : memref<1x2x8x16xf32, #tpu.memory_space<vmem>> -> memref<2x8x16xf32, #tpu.memory_space<vmem>>
        %dma_start3A_1591 = arith.constant 0 : i32
        %dma_start3A_1592 = arith.constant 0 : i32
        %dma_start3A_1593 = tpu.memref_slice %arg4[%dma_start3A_1591, %dma_start3A_1592, %multiple_of3A_1571] : memref<2x8x1000000xf32, #tpu.memory_space<hbm>> -> memref<2x8x16xf32, #tpu.memory_space<hbm>>
        tpu.enqueue_dma source(%dma_start3A_1593 : memref<2x8x16xf32, #tpu.memory_space<hbm>>) target(%dma_start3A_1590 : memref<2x8x16xf32, #tpu.memory_space<vmem>>) target_semaphore(%arg22 : memref<!tpu.dma_semaphore, #tpu.memory_space<semaphore_mem>>)
        %dma_start3A_1594 = arith.constant 0 : i32
        %dma_start3A_1595 = arith.constant 0 : i32
        %dma_start3A_1596 = tpu.memref_slice %arg13[%add3A_1576, %dma_start3A_1594, %dma_start3A_1595, %multiple_of3A_1579] : memref<8x2x8x128xf32, #tpu.memory_space<vmem>> -> memref<1x2x8x16xf32, #tpu.memory_space<vmem>>
        %dma_start3A_1597 = tpu.memref_squeeze %dma_start3A_1596 : memref<1x2x8x16xf32, #tpu.memory_space<vmem>> -> memref<2x8x16xf32, #tpu.memory_space<vmem>>
        %dma_start3A_1598 = arith.constant 0 : i32
        %dma_start3A_1599 = arith.constant 0 : i32
        %dma_start3A_1600 = tpu.memref_slice %arg5[%dma_start3A_1598, %dma_start3A_1599, %multiple_of3A_1574] : memref<2x8x1000000xf32, #tpu.memory_space<hbm>> -> memref<2x8x16xf32, #tpu.memory_space<hbm>>
        %dma_start3A_1601 = arith.constant 0 : i32
        %dma_start3A_1602 = arith.constant 0 : i32
        %dma_start3A_1603 = tpu.memref_slice %arg13[%add3A_1576, %dma_start3A_1601, %dma_start3A_1602, %multiple_of3A_1579] : memref<8x2x8x128xf32, #tpu.memory_space<vmem>> -> memref<1x2x8x16xf32, #tpu.memory_space<vmem>>
        %dma_start3A_1604 = tpu.memref_squeeze %dma_start3A_1603 : memref<1x2x8x16xf32, #tpu.memory_space<vmem>> -> memref<2x8x16xf32, #tpu.memory_space<vmem>>
        %dma_start3A_1605 = arith.constant 0 : i32
        %dma_start3A_1606 = arith.constant 0 : i32
        %dma_start3A_1607 = tpu.memref_slice %arg5[%dma_start3A_1605, %dma_start3A_1606, %multiple_of3A_1574] : memref<2x8x1000000xf32, #tpu.memory_space<hbm>> -> memref<2x8x16xf32, #tpu.memory_space<hbm>>
        tpu.enqueue_dma source(%dma_start3A_1607 : memref<2x8x16xf32, #tpu.memory_space<hbm>>) target(%dma_start3A_1604 : memref<2x8x16xf32, #tpu.memory_space<vmem>>) target_semaphore(%arg22 : memref<!tpu.dma_semaphore, #tpu.memory_space<semaphore_mem>>)
        %slice3A_1608 = vector.extract_strided_slice %and3A_1090 {offsets = [13], sizes = [1], strides = [1]} : vector<16xi32> to vector<1xi32>
        %squeeze3A_1609 = vector.extract %slice3A_1608[0] : i32 from vector<1xi32>
        %multiple_of3A_1610 = tpu.assume_multiple %squeeze3A_1609, 128 : i32
        %slice3A_1611 = vector.extract_strided_slice %and3A_1100 {offsets = [13], sizes = [1], strides = [1]} : vector<16xi32> to vector<1xi32>
        %squeeze3A_1612 = vector.extract %slice3A_1611[0] : i32 from vector<1xi32>
        %multiple_of3A_1613 = tpu.assume_multiple %squeeze3A_1612, 128 : i32
        %add3A_1614 = arith.constant 1 : i32
        %add3A_1615 = arith.addi %shift_left3A_1103, %add3A_1614 : i32
        %slice3A_1616 = vector.extract_strided_slice %get3A_1102 {offsets = [13], sizes = [1], strides = [1]} : vector<16xi32> to vector<1xi32>
        %squeeze3A_1617 = vector.extract %slice3A_1616[0] : i32 from vector<1xi32>
        %multiple_of3A_1618 = tpu.assume_multiple %squeeze3A_1617, 128 : i32
        %dma_start3A_1619 = arith.constant 0 : i32
        %dma_start3A_1620 = arith.constant 0 : i32
        %dma_start3A_1621 = tpu.memref_slice %arg12[%add3A_1615, %dma_start3A_1619, %dma_start3A_1620, %multiple_of3A_1618] : memref<8x2x8x128xf32, #tpu.memory_space<vmem>> -> memref<1x2x8x16xf32, #tpu.memory_space<vmem>>
        %dma_start3A_1622 = tpu.memref_squeeze %dma_start3A_1621 : memref<1x2x8x16xf32, #tpu.memory_space<vmem>> -> memref<2x8x16xf32, #tpu.memory_space<vmem>>
        %dma_start3A_1623 = arith.constant 0 : i32
        %dma_start3A_1624 = arith.constant 0 : i32
        %dma_start3A_1625 = tpu.memref_slice %arg4[%dma_start3A_1623, %dma_start3A_1624, %multiple_of3A_1610] : memref<2x8x1000000xf32, #tpu.memory_space<hbm>> -> memref<2x8x16xf32, #tpu.memory_space<hbm>>
        %dma_start3A_1626 = arith.constant 0 : i32
        %dma_start3A_1627 = arith.constant 0 : i32
        %dma_start3A_1628 = tpu.memref_slice %arg12[%add3A_1615, %dma_start3A_1626, %dma_start3A_1627, %multiple_of3A_1618] : memref<8x2x8x128xf32, #tpu.memory_space<vmem>> -> memref<1x2x8x16xf32, #tpu.memory_space<vmem>>
        %dma_start3A_1629 = tpu.memref_squeeze %dma_start3A_1628 : memref<1x2x8x16xf32, #tpu.memory_space<vmem>> -> memref<2x8x16xf32, #tpu.memory_space<vmem>>
        %dma_start3A_1630 = arith.constant 0 : i32
        %dma_start3A_1631 = arith.constant 0 : i32
        %dma_start3A_1632 = tpu.memref_slice %arg4[%dma_start3A_1630, %dma_start3A_1631, %multiple_of3A_1610] : memref<2x8x1000000xf32, #tpu.memory_space<hbm>> -> memref<2x8x16xf32, #tpu.memory_space<hbm>>
        tpu.enqueue_dma source(%dma_start3A_1632 : memref<2x8x16xf32, #tpu.memory_space<hbm>>) target(%dma_start3A_1629 : memref<2x8x16xf32, #tpu.memory_space<vmem>>) target_semaphore(%arg22 : memref<!tpu.dma_semaphore, #tpu.memory_space<semaphore_mem>>)
        %dma_start3A_1633 = arith.constant 0 : i32
        %dma_start3A_1634 = arith.constant 0 : i32
        %dma_start3A_1635 = tpu.memref_slice %arg13[%add3A_1615, %dma_start3A_1633, %dma_start3A_1634, %multiple_of3A_1618] : memref<8x2x8x128xf32, #tpu.memory_space<vmem>> -> memref<1x2x8x16xf32, #tpu.memory_space<vmem>>
        %dma_start3A_1636 = tpu.memref_squeeze %dma_start3A_1635 : memref<1x2x8x16xf32, #tpu.memory_space<vmem>> -> memref<2x8x16xf32, #tpu.memory_space<vmem>>
        %dma_start3A_1637 = arith.constant 0 : i32
        %dma_start3A_1638 = arith.constant 0 : i32
        %dma_start3A_1639 = tpu.memref_slice %arg5[%dma_start3A_1637, %dma_start3A_1638, %multiple_of3A_1613] : memref<2x8x1000000xf32, #tpu.memory_space<hbm>> -> memref<2x8x16xf32, #tpu.memory_space<hbm>>
        %dma_start3A_1640 = arith.constant 0 : i32
        %dma_start3A_1641 = arith.constant 0 : i32
        %dma_start3A_1642 = tpu.memref_slice %arg13[%add3A_1615, %dma_start3A_1640, %dma_start3A_1641, %multiple_of3A_1618] : memref<8x2x8x128xf32, #tpu.memory_space<vmem>> -> memref<1x2x8x16xf32, #tpu.memory_space<vmem>>
        %dma_start3A_1643 = tpu.memref_squeeze %dma_start3A_1642 : memref<1x2x8x16xf32, #tpu.memory_space<vmem>> -> memref<2x8x16xf32, #tpu.memory_space<vmem>>
        %dma_start3A_1644 = arith.constant 0 : i32
        %dma_start3A_1645 = arith.constant 0 : i32
        %dma_start3A_1646 = tpu.memref_slice %arg5[%dma_start3A_1644, %dma_start3A_1645, %multiple_of3A_1613] : memref<2x8x1000000xf32, #tpu.memory_space<hbm>> -> memref<2x8x16xf32, #tpu.memory_space<hbm>>
        tpu.enqueue_dma source(%dma_start3A_1646 : memref<2x8x16xf32, #tpu.memory_space<hbm>>) target(%dma_start3A_1643 : memref<2x8x16xf32, #tpu.memory_space<vmem>>) target_semaphore(%arg22 : memref<!tpu.dma_semaphore, #tpu.memory_space<semaphore_mem>>)
        %slice3A_1647 = vector.extract_strided_slice %and3A_1090 {offsets = [14], sizes = [1], strides = [1]} : vector<16xi32> to vector<1xi32>
        %squeeze3A_1648 = vector.extract %slice3A_1647[0] : i32 from vector<1xi32>
        %multiple_of3A_1649 = tpu.assume_multiple %squeeze3A_1648, 128 : i32
        %slice3A_1650 = vector.extract_strided_slice %and3A_1100 {offsets = [14], sizes = [1], strides = [1]} : vector<16xi32> to vector<1xi32>
        %squeeze3A_1651 = vector.extract %slice3A_1650[0] : i32 from vector<1xi32>
        %multiple_of3A_1652 = tpu.assume_multiple %squeeze3A_1651, 128 : i32
        %add3A_1653 = arith.constant 1 : i32
        %add3A_1654 = arith.addi %shift_left3A_1103, %add3A_1653 : i32
        %slice3A_1655 = vector.extract_strided_slice %get3A_1102 {offsets = [14], sizes = [1], strides = [1]} : vector<16xi32> to vector<1xi32>
        %squeeze3A_1656 = vector.extract %slice3A_1655[0] : i32 from vector<1xi32>
        %multiple_of3A_1657 = tpu.assume_multiple %squeeze3A_1656, 128 : i32
        %dma_start3A_1658 = arith.constant 0 : i32
        %dma_start3A_1659 = arith.constant 0 : i32
        %dma_start3A_1660 = tpu.memref_slice %arg12[%add3A_1654, %dma_start3A_1658, %dma_start3A_1659, %multiple_of3A_1657] : memref<8x2x8x128xf32, #tpu.memory_space<vmem>> -> memref<1x2x8x16xf32, #tpu.memory_space<vmem>>
        %dma_start3A_1661 = tpu.memref_squeeze %dma_start3A_1660 : memref<1x2x8x16xf32, #tpu.memory_space<vmem>> -> memref<2x8x16xf32, #tpu.memory_space<vmem>>
        %dma_start3A_1662 = arith.constant 0 : i32
        %dma_start3A_1663 = arith.constant 0 : i32
        %dma_start3A_1664 = tpu.memref_slice %arg4[%dma_start3A_1662, %dma_start3A_1663, %multiple_of3A_1649] : memref<2x8x1000000xf32, #tpu.memory_space<hbm>> -> memref<2x8x16xf32, #tpu.memory_space<hbm>>
        %dma_start3A_1665 = arith.constant 0 : i32
        %dma_start3A_1666 = arith.constant 0 : i32
        %dma_start3A_1667 = tpu.memref_slice %arg12[%add3A_1654, %dma_start3A_1665, %dma_start3A_1666, %multiple_of3A_1657] : memref<8x2x8x128xf32, #tpu.memory_space<vmem>> -> memref<1x2x8x16xf32, #tpu.memory_space<vmem>>
        %dma_start3A_1668 = tpu.memref_squeeze %dma_start3A_1667 : memref<1x2x8x16xf32, #tpu.memory_space<vmem>> -> memref<2x8x16xf32, #tpu.memory_space<vmem>>
        %dma_start3A_1669 = arith.constant 0 : i32
        %dma_start3A_1670 = arith.constant 0 : i32
        %dma_start3A_1671 = tpu.memref_slice %arg4[%dma_start3A_1669, %dma_start3A_1670, %multiple_of3A_1649] : memref<2x8x1000000xf32, #tpu.memory_space<hbm>> -> memref<2x8x16xf32, #tpu.memory_space<hbm>>
        tpu.enqueue_dma source(%dma_start3A_1671 : memref<2x8x16xf32, #tpu.memory_space<hbm>>) target(%dma_start3A_1668 : memref<2x8x16xf32, #tpu.memory_space<vmem>>) target_semaphore(%arg22 : memref<!tpu.dma_semaphore, #tpu.memory_space<semaphore_mem>>)
        %dma_start3A_1672 = arith.constant 0 : i32
        %dma_start3A_1673 = arith.constant 0 : i32
        %dma_start3A_1674 = tpu.memref_slice %arg13[%add3A_1654, %dma_start3A_1672, %dma_start3A_1673, %multiple_of3A_1657] : memref<8x2x8x128xf32, #tpu.memory_space<vmem>> -> memref<1x2x8x16xf32, #tpu.memory_space<vmem>>
        %dma_start3A_1675 = tpu.memref_squeeze %dma_start3A_1674 : memref<1x2x8x16xf32, #tpu.memory_space<vmem>> -> memref<2x8x16xf32, #tpu.memory_space<vmem>>
        %dma_start3A_1676 = arith.constant 0 : i32
        %dma_start3A_1677 = arith.constant 0 : i32
        %dma_start3A_1678 = tpu.memref_slice %arg5[%dma_start3A_1676, %dma_start3A_1677, %multiple_of3A_1652] : memref<2x8x1000000xf32, #tpu.memory_space<hbm>> -> memref<2x8x16xf32, #tpu.memory_space<hbm>>
        %dma_start3A_1679 = arith.constant 0 : i32
        %dma_start3A_1680 = arith.constant 0 : i32
        %dma_start3A_1681 = tpu.memref_slice %arg13[%add3A_1654, %dma_start3A_1679, %dma_start3A_1680, %multiple_of3A_1657] : memref<8x2x8x128xf32, #tpu.memory_space<vmem>> -> memref<1x2x8x16xf32, #tpu.memory_space<vmem>>
        %dma_start3A_1682 = tpu.memref_squeeze %dma_start3A_1681 : memref<1x2x8x16xf32, #tpu.memory_space<vmem>> -> memref<2x8x16xf32, #tpu.memory_space<vmem>>
        %dma_start3A_1683 = arith.constant 0 : i32
        %dma_start3A_1684 = arith.constant 0 : i32
        %dma_start3A_1685 = tpu.memref_slice %arg5[%dma_start3A_1683, %dma_start3A_1684, %multiple_of3A_1652] : memref<2x8x1000000xf32, #tpu.memory_space<hbm>> -> memref<2x8x16xf32, #tpu.memory_space<hbm>>
        tpu.enqueue_dma source(%dma_start3A_1685 : memref<2x8x16xf32, #tpu.memory_space<hbm>>) target(%dma_start3A_1682 : memref<2x8x16xf32, #tpu.memory_space<vmem>>) target_semaphore(%arg22 : memref<!tpu.dma_semaphore, #tpu.memory_space<semaphore_mem>>)
        %slice3A_1686 = vector.extract_strided_slice %and3A_1090 {offsets = [15], sizes = [1], strides = [1]} : vector<16xi32> to vector<1xi32>
        %squeeze3A_1687 = vector.extract %slice3A_1686[0] : i32 from vector<1xi32>
        %multiple_of3A_1688 = tpu.assume_multiple %squeeze3A_1687, 128 : i32
        %slice3A_1689 = vector.extract_strided_slice %and3A_1100 {offsets = [15], sizes = [1], strides = [1]} : vector<16xi32> to vector<1xi32>
        %squeeze3A_1690 = vector.extract %slice3A_1689[0] : i32 from vector<1xi32>
        %multiple_of3A_1691 = tpu.assume_multiple %squeeze3A_1690, 128 : i32
        %add3A_1692 = arith.constant 1 : i32
        %add3A_1693 = arith.addi %shift_left3A_1103, %add3A_1692 : i32
        %slice3A_1694 = vector.extract_strided_slice %get3A_1102 {offsets = [15], sizes = [1], strides = [1]} : vector<16xi32> to vector<1xi32>
        %squeeze3A_1695 = vector.extract %slice3A_1694[0] : i32 from vector<1xi32>
        %multiple_of3A_1696 = tpu.assume_multiple %squeeze3A_1695, 128 : i32
        %dma_start3A_1697 = arith.constant 0 : i32
        %dma_start3A_1698 = arith.constant 0 : i32
        %dma_start3A_1699 = tpu.memref_slice %arg12[%add3A_1693, %dma_start3A_1697, %dma_start3A_1698, %multiple_of3A_1696] : memref<8x2x8x128xf32, #tpu.memory_space<vmem>> -> memref<1x2x8x16xf32, #tpu.memory_space<vmem>>
        %dma_start3A_1700 = tpu.memref_squeeze %dma_start3A_1699 : memref<1x2x8x16xf32, #tpu.memory_space<vmem>> -> memref<2x8x16xf32, #tpu.memory_space<vmem>>
        %dma_start3A_1701 = arith.constant 0 : i32
        %dma_start3A_1702 = arith.constant 0 : i32
        %dma_start3A_1703 = tpu.memref_slice %arg4[%dma_start3A_1701, %dma_start3A_1702, %multiple_of3A_1688] : memref<2x8x1000000xf32, #tpu.memory_space<hbm>> -> memref<2x8x16xf32, #tpu.memory_space<hbm>>
        %dma_start3A_1704 = arith.constant 0 : i32
        %dma_start3A_1705 = arith.constant 0 : i32
        %dma_start3A_1706 = tpu.memref_slice %arg12[%add3A_1693, %dma_start3A_1704, %dma_start3A_1705, %multiple_of3A_1696] : memref<8x2x8x128xf32, #tpu.memory_space<vmem>> -> memref<1x2x8x16xf32, #tpu.memory_space<vmem>>
        %dma_start3A_1707 = tpu.memref_squeeze %dma_start3A_1706 : memref<1x2x8x16xf32, #tpu.memory_space<vmem>> -> memref<2x8x16xf32, #tpu.memory_space<vmem>>
        %dma_start3A_1708 = arith.constant 0 : i32
        %dma_start3A_1709 = arith.constant 0 : i32
        %dma_start3A_1710 = tpu.memref_slice %arg4[%dma_start3A_1708, %dma_start3A_1709, %multiple_of3A_1688] : memref<2x8x1000000xf32, #tpu.memory_space<hbm>> -> memref<2x8x16xf32, #tpu.memory_space<hbm>>
        tpu.enqueue_dma source(%dma_start3A_1710 : memref<2x8x16xf32, #tpu.memory_space<hbm>>) target(%dma_start3A_1707 : memref<2x8x16xf32, #tpu.memory_space<vmem>>) target_semaphore(%arg22 : memref<!tpu.dma_semaphore, #tpu.memory_space<semaphore_mem>>)
        %dma_start3A_1711 = arith.constant 0 : i32
        %dma_start3A_1712 = arith.constant 0 : i32
        %dma_start3A_1713 = tpu.memref_slice %arg13[%add3A_1693, %dma_start3A_1711, %dma_start3A_1712, %multiple_of3A_1696] : memref<8x2x8x128xf32, #tpu.memory_space<vmem>> -> memref<1x2x8x16xf32, #tpu.memory_space<vmem>>
        %dma_start3A_1714 = tpu.memref_squeeze %dma_start3A_1713 : memref<1x2x8x16xf32, #tpu.memory_space<vmem>> -> memref<2x8x16xf32, #tpu.memory_space<vmem>>
        %dma_start3A_1715 = arith.constant 0 : i32
        %dma_start3A_1716 = arith.constant 0 : i32
        %dma_start3A_1717 = tpu.memref_slice %arg5[%dma_start3A_1715, %dma_start3A_1716, %multiple_of3A_1691] : memref<2x8x1000000xf32, #tpu.memory_space<hbm>> -> memref<2x8x16xf32, #tpu.memory_space<hbm>>
        %dma_start3A_1718 = arith.constant 0 : i32
        %dma_start3A_1719 = arith.constant 0 : i32
        %dma_start3A_1720 = tpu.memref_slice %arg13[%add3A_1693, %dma_start3A_1718, %dma_start3A_1719, %multiple_of3A_1696] : memref<8x2x8x128xf32, #tpu.memory_space<vmem>> -> memref<1x2x8x16xf32, #tpu.memory_space<vmem>>
        %dma_start3A_1721 = tpu.memref_squeeze %dma_start3A_1720 : memref<1x2x8x16xf32, #tpu.memory_space<vmem>> -> memref<2x8x16xf32, #tpu.memory_space<vmem>>
        %dma_start3A_1722 = arith.constant 0 : i32
        %dma_start3A_1723 = arith.constant 0 : i32
        %dma_start3A_1724 = tpu.memref_slice %arg5[%dma_start3A_1722, %dma_start3A_1723, %multiple_of3A_1691] : memref<2x8x1000000xf32, #tpu.memory_space<hbm>> -> memref<2x8x16xf32, #tpu.memory_space<hbm>>
        tpu.enqueue_dma source(%dma_start3A_1724 : memref<2x8x16xf32, #tpu.memory_space<hbm>>) target(%dma_start3A_1721 : memref<2x8x16xf32, #tpu.memory_space<vmem>>) target_semaphore(%arg22 : memref<!tpu.dma_semaphore, #tpu.memory_space<semaphore_mem>>)
      }
      %scan3A_115 = arith.constant 4 : i32
      %dma_wait3A_116 = arith.constant 0 : i32
      %dma_wait3A_117 = arith.constant 0 : i32
      %dma_wait3A_118 = arith.constant 0 : i32
      %dma_wait3A_119 = arith.constant 0 : i32
      %dma_wait3A_120 = tpu.memref_slice %arg12[%dma_wait3A_116, %dma_wait3A_117, %dma_wait3A_118, %dma_wait3A_119] : memref<8x2x8x128xf32, #tpu.memory_space<vmem>> -> memref<1x2x8x128xf32, #tpu.memory_space<vmem>>
      %dma_wait3A_121 = tpu.memref_squeeze %dma_wait3A_120 : memref<1x2x8x128xf32, #tpu.memory_space<vmem>> -> memref<2x8x128xf32, #tpu.memory_space<vmem>>
      %dma_wait3A_122 = arith.constant 0 : i32
      %dma_wait3A_123 = arith.constant 0 : i32
      %dma_wait3A_124 = arith.constant 0 : i32
      %dma_wait3A_125 = tpu.memref_slice %arg4[%dma_wait3A_122, %dma_wait3A_123, %dma_wait3A_124] : memref<2x8x1000000xf32, #tpu.memory_space<hbm>> -> memref<2x8x128xf32, #tpu.memory_space<hbm>>
      %dma_wait3A_126 = arith.constant 0 : i32
      %dma_wait3A_127 = arith.constant 0 : i32
      %dma_wait3A_128 = arith.constant 0 : i32
      %dma_wait3A_129 = tpu.memref_slice %arg12[%dma_wait3A_116, %dma_wait3A_126, %dma_wait3A_127, %dma_wait3A_128] : memref<8x2x8x128xf32, #tpu.memory_space<vmem>> -> memref<1x2x8x128xf32, #tpu.memory_space<vmem>>
      %dma_wait3A_130 = tpu.memref_squeeze %dma_wait3A_129 : memref<1x2x8x128xf32, #tpu.memory_space<vmem>> -> memref<2x8x128xf32, #tpu.memory_space<vmem>>
      %dma_wait3A_131 = arith.constant 0 : i32
      %dma_wait3A_132 = arith.constant 0 : i32
      %dma_wait3A_133 = arith.constant 0 : i32
      %dma_wait3A_134 = tpu.memref_slice %arg4[%dma_wait3A_131, %dma_wait3A_132, %dma_wait3A_133] : memref<2x8x1000000xf32, #tpu.memory_space<hbm>> -> memref<2x8x128xf32, #tpu.memory_space<hbm>>
      tpu.wait_dma2 semaphore(%arg22 : memref<!tpu.dma_semaphore, #tpu.memory_space<semaphore_mem>>) src(%dma_wait3A_134 : memref<2x8x128xf32, #tpu.memory_space<hbm>>) dst(%dma_wait3A_130 : memref<2x8x128xf32, #tpu.memory_space<vmem>>)
      %dma_wait3A_135 = arith.constant 0 : i32
      %dma_wait3A_136 = arith.constant 0 : i32
      %dma_wait3A_137 = arith.constant 0 : i32
      %dma_wait3A_138 = arith.constant 0 : i32
      %dma_wait3A_139 = tpu.memref_slice %arg13[%dma_wait3A_135, %dma_wait3A_136, %dma_wait3A_137, %dma_wait3A_138] : memref<8x2x8x128xf32, #tpu.memory_space<vmem>> -> memref<1x2x8x128xf32, #tpu.memory_space<vmem>>
      %dma_wait3A_140 = tpu.memref_squeeze %dma_wait3A_139 : memref<1x2x8x128xf32, #tpu.memory_space<vmem>> -> memref<2x8x128xf32, #tpu.memory_space<vmem>>
      %dma_wait3A_141 = arith.constant 0 : i32
      %dma_wait3A_142 = arith.constant 0 : i32
      %dma_wait3A_143 = arith.constant 0 : i32
      %dma_wait3A_144 = tpu.memref_slice %arg5[%dma_wait3A_141, %dma_wait3A_142, %dma_wait3A_143] : memref<2x8x1000000xf32, #tpu.memory_space<hbm>> -> memref<2x8x128xf32, #tpu.memory_space<hbm>>
      %dma_wait3A_145 = arith.constant 0 : i32
      %dma_wait3A_146 = arith.constant 0 : i32
      %dma_wait3A_147 = arith.constant 0 : i32
      %dma_wait3A_148 = tpu.memref_slice %arg13[%dma_wait3A_135, %dma_wait3A_145, %dma_wait3A_146, %dma_wait3A_147] : memref<8x2x8x128xf32, #tpu.memory_space<vmem>> -> memref<1x2x8x128xf32, #tpu.memory_space<vmem>>
      %dma_wait3A_149 = tpu.memref_squeeze %dma_wait3A_148 : memref<1x2x8x128xf32, #tpu.memory_space<vmem>> -> memref<2x8x128xf32, #tpu.memory_space<vmem>>
      %dma_wait3A_150 = arith.constant 0 : i32
      %dma_wait3A_151 = arith.constant 0 : i32
      %dma_wait3A_152 = arith.constant 0 : i32
      %dma_wait3A_153 = tpu.memref_slice %arg5[%dma_wait3A_150, %dma_wait3A_151, %dma_wait3A_152] : memref<2x8x1000000xf32, #tpu.memory_space<hbm>> -> memref<2x8x128xf32, #tpu.memory_space<hbm>>
      tpu.wait_dma2 semaphore(%arg22 : memref<!tpu.dma_semaphore, #tpu.memory_space<semaphore_mem>>) src(%dma_wait3A_153 : memref<2x8x128xf32, #tpu.memory_space<hbm>>) dst(%dma_wait3A_149 : memref<2x8x128xf32, #tpu.memory_space<vmem>>)
      %dma_wait3A_154 = arith.constant 1 : i32
      %dma_wait3A_155 = arith.constant 0 : i32
      %dma_wait3A_156 = arith.constant 0 : i32
      %dma_wait3A_157 = arith.constant 0 : i32
      %dma_wait3A_158 = tpu.memref_slice %arg12[%dma_wait3A_154, %dma_wait3A_155, %dma_wait3A_156, %dma_wait3A_157] : memref<8x2x8x128xf32, #tpu.memory_space<vmem>> -> memref<1x2x8x128xf32, #tpu.memory_space<vmem>>
      %dma_wait3A_159 = tpu.memref_squeeze %dma_wait3A_158 : memref<1x2x8x128xf32, #tpu.memory_space<vmem>> -> memref<2x8x128xf32, #tpu.memory_space<vmem>>
      %dma_wait3A_160 = arith.constant 0 : i32
      %dma_wait3A_161 = arith.constant 0 : i32
      %dma_wait3A_162 = arith.constant 0 : i32
      %dma_wait3A_163 = tpu.memref_slice %arg4[%dma_wait3A_160, %dma_wait3A_161, %dma_wait3A_162] : memref<2x8x1000000xf32, #tpu.memory_space<hbm>> -> memref<2x8x128xf32, #tpu.memory_space<hbm>>
      %dma_wait3A_164 = arith.constant 0 : i32
      %dma_wait3A_165 = arith.constant 0 : i32
      %dma_wait3A_166 = arith.constant 0 : i32
      %dma_wait3A_167 = tpu.memref_slice %arg12[%dma_wait3A_154, %dma_wait3A_164, %dma_wait3A_165, %dma_wait3A_166] : memref<8x2x8x128xf32, #tpu.memory_space<vmem>> -> memref<1x2x8x128xf32, #tpu.memory_space<vmem>>
      %dma_wait3A_168 = tpu.memref_squeeze %dma_wait3A_167 : memref<1x2x8x128xf32, #tpu.memory_space<vmem>> -> memref<2x8x128xf32, #tpu.memory_space<vmem>>
      %dma_wait3A_169 = arith.constant 0 : i32
      %dma_wait3A_170 = arith.constant 0 : i32
      %dma_wait3A_171 = arith.constant 0 : i32
      %dma_wait3A_172 = tpu.memref_slice %arg4[%dma_wait3A_169, %dma_wait3A_170, %dma_wait3A_171] : memref<2x8x1000000xf32, #tpu.memory_space<hbm>> -> memref<2x8x128xf32, #tpu.memory_space<hbm>>
      tpu.wait_dma2 semaphore(%arg22 : memref<!tpu.dma_semaphore, #tpu.memory_space<semaphore_mem>>) src(%dma_wait3A_172 : memref<2x8x128xf32, #tpu.memory_space<hbm>>) dst(%dma_wait3A_168 : memref<2x8x128xf32, #tpu.memory_space<vmem>>)
      %dma_wait3A_173 = arith.constant 1 : i32
      %dma_wait3A_174 = arith.constant 0 : i32
      %dma_wait3A_175 = arith.constant 0 : i32
      %dma_wait3A_176 = arith.constant 0 : i32
      %dma_wait3A_177 = tpu.memref_slice %arg13[%dma_wait3A_173, %dma_wait3A_174, %dma_wait3A_175, %dma_wait3A_176] : memref<8x2x8x128xf32, #tpu.memory_space<vmem>> -> memref<1x2x8x128xf32, #tpu.memory_space<vmem>>
      %dma_wait3A_178 = tpu.memref_squeeze %dma_wait3A_177 : memref<1x2x8x128xf32, #tpu.memory_space<vmem>> -> memref<2x8x128xf32, #tpu.memory_space<vmem>>
      %dma_wait3A_179 = arith.constant 0 : i32
      %dma_wait3A_180 = arith.constant 0 : i32
      %dma_wait3A_181 = arith.constant 0 : i32
      %dma_wait3A_182 = tpu.memref_slice %arg5[%dma_wait3A_179, %dma_wait3A_180, %dma_wait3A_181] : memref<2x8x1000000xf32, #tpu.memory_space<hbm>> -> memref<2x8x128xf32, #tpu.memory_space<hbm>>
      %dma_wait3A_183 = arith.constant 0 : i32
      %dma_wait3A_184 = arith.constant 0 : i32
      %dma_wait3A_185 = arith.constant 0 : i32
      %dma_wait3A_186 = tpu.memref_slice %arg13[%dma_wait3A_173, %dma_wait3A_183, %dma_wait3A_184, %dma_wait3A_185] : memref<8x2x8x128xf32, #tpu.memory_space<vmem>> -> memref<1x2x8x128xf32, #tpu.memory_space<vmem>>
      %dma_wait3A_187 = tpu.memref_squeeze %dma_wait3A_186 : memref<1x2x8x128xf32, #tpu.memory_space<vmem>> -> memref<2x8x128xf32, #tpu.memory_space<vmem>>
      %dma_wait3A_188 = arith.constant 0 : i32
      %dma_wait3A_189 = arith.constant 0 : i32
      %dma_wait3A_190 = arith.constant 0 : i32
      %dma_wait3A_191 = tpu.memref_slice %arg5[%dma_wait3A_188, %dma_wait3A_189, %dma_wait3A_190] : memref<2x8x1000000xf32, #tpu.memory_space<hbm>> -> memref<2x8x128xf32, #tpu.memory_space<hbm>>
      tpu.wait_dma2 semaphore(%arg22 : memref<!tpu.dma_semaphore, #tpu.memory_space<semaphore_mem>>) src(%dma_wait3A_191 : memref<2x8x128xf32, #tpu.memory_space<hbm>>) dst(%dma_wait3A_187 : memref<2x8x128xf32, #tpu.memory_space<vmem>>)
      %dma_wait3A_192 = arith.constant 2 : i32
      %dma_wait3A_193 = arith.constant 0 : i32
      %dma_wait3A_194 = arith.constant 0 : i32
      %dma_wait3A_195 = arith.constant 0 : i32
      %dma_wait3A_196 = tpu.memref_slice %arg12[%dma_wait3A_192, %dma_wait3A_193, %dma_wait3A_194, %dma_wait3A_195] : memref<8x2x8x128xf32, #tpu.memory_space<vmem>> -> memref<1x2x8x128xf32, #tpu.memory_space<vmem>>
      %dma_wait3A_197 = tpu.memref_squeeze %dma_wait3A_196 : memref<1x2x8x128xf32, #tpu.memory_space<vmem>> -> memref<2x8x128xf32, #tpu.memory_space<vmem>>
      %dma_wait3A_198 = arith.constant 0 : i32
      %dma_wait3A_199 = arith.constant 0 : i32
      %dma_wait3A_200 = arith.constant 0 : i32
      %dma_wait3A_201 = tpu.memref_slice %arg4[%dma_wait3A_198, %dma_wait3A_199, %dma_wait3A_200] : memref<2x8x1000000xf32, #tpu.memory_space<hbm>> -> memref<2x8x128xf32, #tpu.memory_space<hbm>>
      %dma_wait3A_202 = arith.constant 0 : i32
      %dma_wait3A_203 = arith.constant 0 : i32
      %dma_wait3A_204 = arith.constant 0 : i32
      %dma_wait3A_205 = tpu.memref_slice %arg12[%dma_wait3A_192, %dma_wait3A_202, %dma_wait3A_203, %dma_wait3A_204] : memref<8x2x8x128xf32, #tpu.memory_space<vmem>> -> memref<1x2x8x128xf32, #tpu.memory_space<vmem>>
      %dma_wait3A_206 = tpu.memref_squeeze %dma_wait3A_205 : memref<1x2x8x128xf32, #tpu.memory_space<vmem>> -> memref<2x8x128xf32, #tpu.memory_space<vmem>>
      %dma_wait3A_207 = arith.constant 0 : i32
      %dma_wait3A_208 = arith.constant 0 : i32
      %dma_wait3A_209 = arith.constant 0 : i32
      %dma_wait3A_210 = tpu.memref_slice %arg4[%dma_wait3A_207, %dma_wait3A_208, %dma_wait3A_209] : memref<2x8x1000000xf32, #tpu.memory_space<hbm>> -> memref<2x8x128xf32, #tpu.memory_space<hbm>>
      tpu.wait_dma2 semaphore(%arg22 : memref<!tpu.dma_semaphore, #tpu.memory_space<semaphore_mem>>) src(%dma_wait3A_210 : memref<2x8x128xf32, #tpu.memory_space<hbm>>) dst(%dma_wait3A_206 : memref<2x8x128xf32, #tpu.memory_space<vmem>>)
      %dma_wait3A_211 = arith.constant 2 : i32
      %dma_wait3A_212 = arith.constant 0 : i32
      %dma_wait3A_213 = arith.constant 0 : i32
      %dma_wait3A_214 = arith.constant 0 : i32
      %dma_wait3A_215 = tpu.memref_slice %arg13[%dma_wait3A_211, %dma_wait3A_212, %dma_wait3A_213, %dma_wait3A_214] : memref<8x2x8x128xf32, #tpu.memory_space<vmem>> -> memref<1x2x8x128xf32, #tpu.memory_space<vmem>>
      %dma_wait3A_216 = tpu.memref_squeeze %dma_wait3A_215 : memref<1x2x8x128xf32, #tpu.memory_space<vmem>> -> memref<2x8x128xf32, #tpu.memory_space<vmem>>
      %dma_wait3A_217 = arith.constant 0 : i32
      %dma_wait3A_218 = arith.constant 0 : i32
      %dma_wait3A_219 = arith.constant 0 : i32
      %dma_wait3A_220 = tpu.memref_slice %arg5[%dma_wait3A_217, %dma_wait3A_218, %dma_wait3A_219] : memref<2x8x1000000xf32, #tpu.memory_space<hbm>> -> memref<2x8x128xf32, #tpu.memory_space<hbm>>
      %dma_wait3A_221 = arith.constant 0 : i32
      %dma_wait3A_222 = arith.constant 0 : i32
      %dma_wait3A_223 = arith.constant 0 : i32
      %dma_wait3A_224 = tpu.memref_slice %arg13[%dma_wait3A_211, %dma_wait3A_221, %dma_wait3A_222, %dma_wait3A_223] : memref<8x2x8x128xf32, #tpu.memory_space<vmem>> -> memref<1x2x8x128xf32, #tpu.memory_space<vmem>>
      %dma_wait3A_225 = tpu.memref_squeeze %dma_wait3A_224 : memref<1x2x8x128xf32, #tpu.memory_space<vmem>> -> memref<2x8x128xf32, #tpu.memory_space<vmem>>
      %dma_wait3A_226 = arith.constant 0 : i32
      %dma_wait3A_227 = arith.constant 0 : i32
      %dma_wait3A_228 = arith.constant 0 : i32
      %dma_wait3A_229 = tpu.memref_slice %arg5[%dma_wait3A_226, %dma_wait3A_227, %dma_wait3A_228] : memref<2x8x1000000xf32, #tpu.memory_space<hbm>> -> memref<2x8x128xf32, #tpu.memory_space<hbm>>
      tpu.wait_dma2 semaphore(%arg22 : memref<!tpu.dma_semaphore, #tpu.memory_space<semaphore_mem>>) src(%dma_wait3A_229 : memref<2x8x128xf32, #tpu.memory_space<hbm>>) dst(%dma_wait3A_225 : memref<2x8x128xf32, #tpu.memory_space<vmem>>)
      %dma_wait3A_230 = arith.constant 3 : i32
      %dma_wait3A_231 = arith.constant 0 : i32
      %dma_wait3A_232 = arith.constant 0 : i32
      %dma_wait3A_233 = arith.constant 0 : i32
      %dma_wait3A_234 = tpu.memref_slice %arg12[%dma_wait3A_230, %dma_wait3A_231, %dma_wait3A_232, %dma_wait3A_233] : memref<8x2x8x128xf32, #tpu.memory_space<vmem>> -> memref<1x2x8x128xf32, #tpu.memory_space<vmem>>
      %dma_wait3A_235 = tpu.memref_squeeze %dma_wait3A_234 : memref<1x2x8x128xf32, #tpu.memory_space<vmem>> -> memref<2x8x128xf32, #tpu.memory_space<vmem>>
      %dma_wait3A_236 = arith.constant 0 : i32
      %dma_wait3A_237 = arith.constant 0 : i32
      %dma_wait3A_238 = arith.constant 0 : i32
      %dma_wait3A_239 = tpu.memref_slice %arg4[%dma_wait3A_236, %dma_wait3A_237, %dma_wait3A_238] : memref<2x8x1000000xf32, #tpu.memory_space<hbm>> -> memref<2x8x128xf32, #tpu.memory_space<hbm>>
      %dma_wait3A_240 = arith.constant 0 : i32
      %dma_wait3A_241 = arith.constant 0 : i32
      %dma_wait3A_242 = arith.constant 0 : i32
      %dma_wait3A_243 = tpu.memref_slice %arg12[%dma_wait3A_230, %dma_wait3A_240, %dma_wait3A_241, %dma_wait3A_242] : memref<8x2x8x128xf32, #tpu.memory_space<vmem>> -> memref<1x2x8x128xf32, #tpu.memory_space<vmem>>
      %dma_wait3A_244 = tpu.memref_squeeze %dma_wait3A_243 : memref<1x2x8x128xf32, #tpu.memory_space<vmem>> -> memref<2x8x128xf32, #tpu.memory_space<vmem>>
      %dma_wait3A_245 = arith.constant 0 : i32
      %dma_wait3A_246 = arith.constant 0 : i32
      %dma_wait3A_247 = arith.constant 0 : i32
      %dma_wait3A_248 = tpu.memref_slice %arg4[%dma_wait3A_245, %dma_wait3A_246, %dma_wait3A_247] : memref<2x8x1000000xf32, #tpu.memory_space<hbm>> -> memref<2x8x128xf32, #tpu.memory_space<hbm>>
      tpu.wait_dma2 semaphore(%arg22 : memref<!tpu.dma_semaphore, #tpu.memory_space<semaphore_mem>>) src(%dma_wait3A_248 : memref<2x8x128xf32, #tpu.memory_space<hbm>>) dst(%dma_wait3A_244 : memref<2x8x128xf32, #tpu.memory_space<vmem>>)
      %dma_wait3A_249 = arith.constant 3 : i32
      %dma_wait3A_250 = arith.constant 0 : i32
      %dma_wait3A_251 = arith.constant 0 : i32
      %dma_wait3A_252 = arith.constant 0 : i32
      %dma_wait3A_253 = tpu.memref_slice %arg13[%dma_wait3A_249, %dma_wait3A_250, %dma_wait3A_251, %dma_wait3A_252] : memref<8x2x8x128xf32, #tpu.memory_space<vmem>> -> memref<1x2x8x128xf32, #tpu.memory_space<vmem>>
      %dma_wait3A_254 = tpu.memref_squeeze %dma_wait3A_253 : memref<1x2x8x128xf32, #tpu.memory_space<vmem>> -> memref<2x8x128xf32, #tpu.memory_space<vmem>>
      %dma_wait3A_255 = arith.constant 0 : i32
      %dma_wait3A_256 = arith.constant 0 : i32
      %dma_wait3A_257 = arith.constant 0 : i32
      %dma_wait3A_258 = tpu.memref_slice %arg5[%dma_wait3A_255, %dma_wait3A_256, %dma_wait3A_257] : memref<2x8x1000000xf32, #tpu.memory_space<hbm>> -> memref<2x8x128xf32, #tpu.memory_space<hbm>>
      %dma_wait3A_259 = arith.constant 0 : i32
      %dma_wait3A_260 = arith.constant 0 : i32
      %dma_wait3A_261 = arith.constant 0 : i32
      %dma_wait3A_262 = tpu.memref_slice %arg13[%dma_wait3A_249, %dma_wait3A_259, %dma_wait3A_260, %dma_wait3A_261] : memref<8x2x8x128xf32, #tpu.memory_space<vmem>> -> memref<1x2x8x128xf32, #tpu.memory_space<vmem>>
      %dma_wait3A_263 = tpu.memref_squeeze %dma_wait3A_262 : memref<1x2x8x128xf32, #tpu.memory_space<vmem>> -> memref<2x8x128xf32, #tpu.memory_space<vmem>>
      %dma_wait3A_264 = arith.constant 0 : i32
      %dma_wait3A_265 = arith.constant 0 : i32
      %dma_wait3A_266 = arith.constant 0 : i32
      %dma_wait3A_267 = tpu.memref_slice %arg5[%dma_wait3A_264, %dma_wait3A_265, %dma_wait3A_266] : memref<2x8x1000000xf32, #tpu.memory_space<hbm>> -> memref<2x8x128xf32, #tpu.memory_space<hbm>>
      tpu.wait_dma2 semaphore(%arg22 : memref<!tpu.dma_semaphore, #tpu.memory_space<semaphore_mem>>) src(%dma_wait3A_267 : memref<2x8x128xf32, #tpu.memory_space<hbm>>) dst(%dma_wait3A_263 : memref<2x8x128xf32, #tpu.memory_space<vmem>>)
      %dma_wait3A_268 = arith.constant 4 : i32
      %dma_wait3A_269 = arith.constant 0 : i32
      %dma_wait3A_270 = arith.constant 0 : i32
      %dma_wait3A_271 = arith.constant 0 : i32
      %dma_wait3A_272 = tpu.memref_slice %arg12[%dma_wait3A_268, %dma_wait3A_269, %dma_wait3A_270, %dma_wait3A_271] : memref<8x2x8x128xf32, #tpu.memory_space<vmem>> -> memref<1x2x8x128xf32, #tpu.memory_space<vmem>>
      %dma_wait3A_273 = tpu.memref_squeeze %dma_wait3A_272 : memref<1x2x8x128xf32, #tpu.memory_space<vmem>> -> memref<2x8x128xf32, #tpu.memory_space<vmem>>
      %dma_wait3A_274 = arith.constant 0 : i32
      %dma_wait3A_275 = arith.constant 0 : i32
      %dma_wait3A_276 = arith.constant 0 : i32
      %dma_wait3A_277 = tpu.memref_slice %arg4[%dma_wait3A_274, %dma_wait3A_275, %dma_wait3A_276] : memref<2x8x1000000xf32, #tpu.memory_space<hbm>> -> memref<2x8x128xf32, #tpu.memory_space<hbm>>
      %dma_wait3A_278 = arith.constant 0 : i32
      %dma_wait3A_279 = arith.constant 0 : i32
      %dma_wait3A_280 = arith.constant 0 : i32
      %dma_wait3A_281 = tpu.memref_slice %arg12[%dma_wait3A_268, %dma_wait3A_278, %dma_wait3A_279, %dma_wait3A_280] : memref<8x2x8x128xf32, #tpu.memory_space<vmem>> -> memref<1x2x8x128xf32, #tpu.memory_space<vmem>>
      %dma_wait3A_282 = tpu.memref_squeeze %dma_wait3A_281 : memref<1x2x8x128xf32, #tpu.memory_space<vmem>> -> memref<2x8x128xf32, #tpu.memory_space<vmem>>
      %dma_wait3A_283 = arith.constant 0 : i32
      %dma_wait3A_284 = arith.constant 0 : i32
      %dma_wait3A_285 = arith.constant 0 : i32
      %dma_wait3A_286 = tpu.memref_slice %arg4[%dma_wait3A_283, %dma_wait3A_284, %dma_wait3A_285] : memref<2x8x1000000xf32, #tpu.memory_space<hbm>> -> memref<2x8x128xf32, #tpu.memory_space<hbm>>
      tpu.wait_dma2 semaphore(%arg22 : memref<!tpu.dma_semaphore, #tpu.memory_space<semaphore_mem>>) src(%dma_wait3A_286 : memref<2x8x128xf32, #tpu.memory_space<hbm>>) dst(%dma_wait3A_282 : memref<2x8x128xf32, #tpu.memory_space<vmem>>)
      %dma_wait3A_287 = arith.constant 4 : i32
      %dma_wait3A_288 = arith.constant 0 : i32
      %dma_wait3A_289 = arith.constant 0 : i32
      %dma_wait3A_290 = arith.constant 0 : i32
      %dma_wait3A_291 = tpu.memref_slice %arg13[%dma_wait3A_287, %dma_wait3A_288, %dma_wait3A_289, %dma_wait3A_290] : memref<8x2x8x128xf32, #tpu.memory_space<vmem>> -> memref<1x2x8x128xf32, #tpu.memory_space<vmem>>
      %dma_wait3A_292 = tpu.memref_squeeze %dma_wait3A_291 : memref<1x2x8x128xf32, #tpu.memory_space<vmem>> -> memref<2x8x128xf32, #tpu.memory_space<vmem>>
      %dma_wait3A_293 = arith.constant 0 : i32
      %dma_wait3A_294 = arith.constant 0 : i32
      %dma_wait3A_295 = arith.constant 0 : i32
      %dma_wait3A_296 = tpu.memref_slice %arg5[%dma_wait3A_293, %dma_wait3A_294, %dma_wait3A_295] : memref<2x8x1000000xf32, #tpu.memory_space<hbm>> -> memref<2x8x128xf32, #tpu.memory_space<hbm>>
      %dma_wait3A_297 = arith.constant 0 : i32
      %dma_wait3A_298 = arith.constant 0 : i32
      %dma_wait3A_299 = arith.constant 0 : i32
      %dma_wait3A_300 = tpu.memref_slice %arg13[%dma_wait3A_287, %dma_wait3A_297, %dma_wait3A_298, %dma_wait3A_299] : memref<8x2x8x128xf32, #tpu.memory_space<vmem>> -> memref<1x2x8x128xf32, #tpu.memory_space<vmem>>
      %dma_wait3A_301 = tpu.memref_squeeze %dma_wait3A_300 : memref<1x2x8x128xf32, #tpu.memory_space<vmem>> -> memref<2x8x128xf32, #tpu.memory_space<vmem>>
      %dma_wait3A_302 = arith.constant 0 : i32
      %dma_wait3A_303 = arith.constant 0 : i32
      %dma_wait3A_304 = arith.constant 0 : i32
      %dma_wait3A_305 = tpu.memref_slice %arg5[%dma_wait3A_302, %dma_wait3A_303, %dma_wait3A_304] : memref<2x8x1000000xf32, #tpu.memory_space<hbm>> -> memref<2x8x128xf32, #tpu.memory_space<hbm>>
      tpu.wait_dma2 semaphore(%arg22 : memref<!tpu.dma_semaphore, #tpu.memory_space<semaphore_mem>>) src(%dma_wait3A_305 : memref<2x8x128xf32, #tpu.memory_space<hbm>>) dst(%dma_wait3A_301 : memref<2x8x128xf32, #tpu.memory_space<vmem>>)
      %dma_wait3A_306 = arith.constant 5 : i32
      %dma_wait3A_307 = arith.constant 0 : i32
      %dma_wait3A_308 = arith.constant 0 : i32
      %dma_wait3A_309 = arith.constant 0 : i32
      %dma_wait3A_310 = tpu.memref_slice %arg12[%dma_wait3A_306, %dma_wait3A_307, %dma_wait3A_308, %dma_wait3A_309] : memref<8x2x8x128xf32, #tpu.memory_space<vmem>> -> memref<1x2x8x128xf32, #tpu.memory_space<vmem>>
      %dma_wait3A_311 = tpu.memref_squeeze %dma_wait3A_310 : memref<1x2x8x128xf32, #tpu.memory_space<vmem>> -> memref<2x8x128xf32, #tpu.memory_space<vmem>>
      %dma_wait3A_312 = arith.constant 0 : i32
      %dma_wait3A_313 = arith.constant 0 : i32
      %dma_wait3A_314 = arith.constant 0 : i32
      %dma_wait3A_315 = tpu.memref_slice %arg4[%dma_wait3A_312, %dma_wait3A_313, %dma_wait3A_314] : memref<2x8x1000000xf32, #tpu.memory_space<hbm>> -> memref<2x8x128xf32, #tpu.memory_space<hbm>>
      %dma_wait3A_316 = arith.constant 0 : i32
      %dma_wait3A_317 = arith.constant 0 : i32
      %dma_wait3A_318 = arith.constant 0 : i32
      %dma_wait3A_319 = tpu.memref_slice %arg12[%dma_wait3A_306, %dma_wait3A_316, %dma_wait3A_317, %dma_wait3A_318] : memref<8x2x8x128xf32, #tpu.memory_space<vmem>> -> memref<1x2x8x128xf32, #tpu.memory_space<vmem>>
      %dma_wait3A_320 = tpu.memref_squeeze %dma_wait3A_319 : memref<1x2x8x128xf32, #tpu.memory_space<vmem>> -> memref<2x8x128xf32, #tpu.memory_space<vmem>>
      %dma_wait3A_321 = arith.constant 0 : i32
      %dma_wait3A_322 = arith.constant 0 : i32
      %dma_wait3A_323 = arith.constant 0 : i32
      %dma_wait3A_324 = tpu.memref_slice %arg4[%dma_wait3A_321, %dma_wait3A_322, %dma_wait3A_323] : memref<2x8x1000000xf32, #tpu.memory_space<hbm>> -> memref<2x8x128xf32, #tpu.memory_space<hbm>>
      tpu.wait_dma2 semaphore(%arg22 : memref<!tpu.dma_semaphore, #tpu.memory_space<semaphore_mem>>) src(%dma_wait3A_324 : memref<2x8x128xf32, #tpu.memory_space<hbm>>) dst(%dma_wait3A_320 : memref<2x8x128xf32, #tpu.memory_space<vmem>>)
      %dma_wait3A_325 = arith.constant 5 : i32
      %dma_wait3A_326 = arith.constant 0 : i32
      %dma_wait3A_327 = arith.constant 0 : i32
      %dma_wait3A_328 = arith.constant 0 : i32
      %dma_wait3A_329 = tpu.memref_slice %arg13[%dma_wait3A_325, %dma_wait3A_326, %dma_wait3A_327, %dma_wait3A_328] : memref<8x2x8x128xf32, #tpu.memory_space<vmem>> -> memref<1x2x8x128xf32, #tpu.memory_space<vmem>>
      %dma_wait3A_330 = tpu.memref_squeeze %dma_wait3A_329 : memref<1x2x8x128xf32, #tpu.memory_space<vmem>> -> memref<2x8x128xf32, #tpu.memory_space<vmem>>
      %dma_wait3A_331 = arith.constant 0 : i32
      %dma_wait3A_332 = arith.constant 0 : i32
      %dma_wait3A_333 = arith.constant 0 : i32
      %dma_wait3A_334 = tpu.memref_slice %arg5[%dma_wait3A_331, %dma_wait3A_332, %dma_wait3A_333] : memref<2x8x1000000xf32, #tpu.memory_space<hbm>> -> memref<2x8x128xf32, #tpu.memory_space<hbm>>
      %dma_wait3A_335 = arith.constant 0 : i32
      %dma_wait3A_336 = arith.constant 0 : i32
      %dma_wait3A_337 = arith.constant 0 : i32
      %dma_wait3A_338 = tpu.memref_slice %arg13[%dma_wait3A_325, %dma_wait3A_335, %dma_wait3A_336, %dma_wait3A_337] : memref<8x2x8x128xf32, #tpu.memory_space<vmem>> -> memref<1x2x8x128xf32, #tpu.memory_space<vmem>>
      %dma_wait3A_339 = tpu.memref_squeeze %dma_wait3A_338 : memref<1x2x8x128xf32, #tpu.memory_space<vmem>> -> memref<2x8x128xf32, #tpu.memory_space<vmem>>
      %dma_wait3A_340 = arith.constant 0 : i32
      %dma_wait3A_341 = arith.constant 0 : i32
      %dma_wait3A_342 = arith.constant 0 : i32
      %dma_wait3A_343 = tpu.memref_slice %arg5[%dma_wait3A_340, %dma_wait3A_341, %dma_wait3A_342] : memref<2x8x1000000xf32, #tpu.memory_space<hbm>> -> memref<2x8x128xf32, #tpu.memory_space<hbm>>
      tpu.wait_dma2 semaphore(%arg22 : memref<!tpu.dma_semaphore, #tpu.memory_space<semaphore_mem>>) src(%dma_wait3A_343 : memref<2x8x128xf32, #tpu.memory_space<hbm>>) dst(%dma_wait3A_339 : memref<2x8x128xf32, #tpu.memory_space<vmem>>)
      %dma_wait3A_344 = arith.constant 6 : i32
      %dma_wait3A_345 = arith.constant 0 : i32
      %dma_wait3A_346 = arith.constant 0 : i32
      %dma_wait3A_347 = arith.constant 0 : i32
      %dma_wait3A_348 = tpu.memref_slice %arg12[%dma_wait3A_344, %dma_wait3A_345, %dma_wait3A_346, %dma_wait3A_347] : memref<8x2x8x128xf32, #tpu.memory_space<vmem>> -> memref<1x2x8x128xf32, #tpu.memory_space<vmem>>
      %dma_wait3A_349 = tpu.memref_squeeze %dma_wait3A_348 : memref<1x2x8x128xf32, #tpu.memory_space<vmem>> -> memref<2x8x128xf32, #tpu.memory_space<vmem>>
      %dma_wait3A_350 = arith.constant 0 : i32
      %dma_wait3A_351 = arith.constant 0 : i32
      %dma_wait3A_352 = arith.constant 0 : i32
      %dma_wait3A_353 = tpu.memref_slice %arg4[%dma_wait3A_350, %dma_wait3A_351, %dma_wait3A_352] : memref<2x8x1000000xf32, #tpu.memory_space<hbm>> -> memref<2x8x128xf32, #tpu.memory_space<hbm>>
      %dma_wait3A_354 = arith.constant 0 : i32
      %dma_wait3A_355 = arith.constant 0 : i32
      %dma_wait3A_356 = arith.constant 0 : i32
      %dma_wait3A_357 = tpu.memref_slice %arg12[%dma_wait3A_344, %dma_wait3A_354, %dma_wait3A_355, %dma_wait3A_356] : memref<8x2x8x128xf32, #tpu.memory_space<vmem>> -> memref<1x2x8x128xf32, #tpu.memory_space<vmem>>
      %dma_wait3A_358 = tpu.memref_squeeze %dma_wait3A_357 : memref<1x2x8x128xf32, #tpu.memory_space<vmem>> -> memref<2x8x128xf32, #tpu.memory_space<vmem>>
      %dma_wait3A_359 = arith.constant 0 : i32
      %dma_wait3A_360 = arith.constant 0 : i32
      %dma_wait3A_361 = arith.constant 0 : i32
      %dma_wait3A_362 = tpu.memref_slice %arg4[%dma_wait3A_359, %dma_wait3A_360, %dma_wait3A_361] : memref<2x8x1000000xf32, #tpu.memory_space<hbm>> -> memref<2x8x128xf32, #tpu.memory_space<hbm>>
      tpu.wait_dma2 semaphore(%arg22 : memref<!tpu.dma_semaphore, #tpu.memory_space<semaphore_mem>>) src(%dma_wait3A_362 : memref<2x8x128xf32, #tpu.memory_space<hbm>>) dst(%dma_wait3A_358 : memref<2x8x128xf32, #tpu.memory_space<vmem>>)
      %dma_wait3A_363 = arith.constant 6 : i32
      %dma_wait3A_364 = arith.constant 0 : i32
      %dma_wait3A_365 = arith.constant 0 : i32
      %dma_wait3A_366 = arith.constant 0 : i32
      %dma_wait3A_367 = tpu.memref_slice %arg13[%dma_wait3A_363, %dma_wait3A_364, %dma_wait3A_365, %dma_wait3A_366] : memref<8x2x8x128xf32, #tpu.memory_space<vmem>> -> memref<1x2x8x128xf32, #tpu.memory_space<vmem>>
      %dma_wait3A_368 = tpu.memref_squeeze %dma_wait3A_367 : memref<1x2x8x128xf32, #tpu.memory_space<vmem>> -> memref<2x8x128xf32, #tpu.memory_space<vmem>>
      %dma_wait3A_369 = arith.constant 0 : i32
      %dma_wait3A_370 = arith.constant 0 : i32
      %dma_wait3A_371 = arith.constant 0 : i32
      %dma_wait3A_372 = tpu.memref_slice %arg5[%dma_wait3A_369, %dma_wait3A_370, %dma_wait3A_371] : memref<2x8x1000000xf32, #tpu.memory_space<hbm>> -> memref<2x8x128xf32, #tpu.memory_space<hbm>>
      %dma_wait3A_373 = arith.constant 0 : i32
      %dma_wait3A_374 = arith.constant 0 : i32
      %dma_wait3A_375 = arith.constant 0 : i32
      %dma_wait3A_376 = tpu.memref_slice %arg13[%dma_wait3A_363, %dma_wait3A_373, %dma_wait3A_374, %dma_wait3A_375] : memref<8x2x8x128xf32, #tpu.memory_space<vmem>> -> memref<1x2x8x128xf32, #tpu.memory_space<vmem>>
      %dma_wait3A_377 = tpu.memref_squeeze %dma_wait3A_376 : memref<1x2x8x128xf32, #tpu.memory_space<vmem>> -> memref<2x8x128xf32, #tpu.memory_space<vmem>>
      %dma_wait3A_378 = arith.constant 0 : i32
      %dma_wait3A_379 = arith.constant 0 : i32
      %dma_wait3A_380 = arith.constant 0 : i32
      %dma_wait3A_381 = tpu.memref_slice %arg5[%dma_wait3A_378, %dma_wait3A_379, %dma_wait3A_380] : memref<2x8x1000000xf32, #tpu.memory_space<hbm>> -> memref<2x8x128xf32, #tpu.memory_space<hbm>>
      tpu.wait_dma2 semaphore(%arg22 : memref<!tpu.dma_semaphore, #tpu.memory_space<semaphore_mem>>) src(%dma_wait3A_381 : memref<2x8x128xf32, #tpu.memory_space<hbm>>) dst(%dma_wait3A_377 : memref<2x8x128xf32, #tpu.memory_space<vmem>>)
      %dma_wait3A_382 = arith.constant 7 : i32
      %dma_wait3A_383 = arith.constant 0 : i32
      %dma_wait3A_384 = arith.constant 0 : i32
      %dma_wait3A_385 = arith.constant 0 : i32
      %dma_wait3A_386 = tpu.memref_slice %arg12[%dma_wait3A_382, %dma_wait3A_383, %dma_wait3A_384, %dma_wait3A_385] : memref<8x2x8x128xf32, #tpu.memory_space<vmem>> -> memref<1x2x8x128xf32, #tpu.memory_space<vmem>>
      %dma_wait3A_387 = tpu.memref_squeeze %dma_wait3A_386 : memref<1x2x8x128xf32, #tpu.memory_space<vmem>> -> memref<2x8x128xf32, #tpu.memory_space<vmem>>
      %dma_wait3A_388 = arith.constant 0 : i32
      %dma_wait3A_389 = arith.constant 0 : i32
      %dma_wait3A_390 = arith.constant 0 : i32
      %dma_wait3A_391 = tpu.memref_slice %arg4[%dma_wait3A_388, %dma_wait3A_389, %dma_wait3A_390] : memref<2x8x1000000xf32, #tpu.memory_space<hbm>> -> memref<2x8x128xf32, #tpu.memory_space<hbm>>
      %dma_wait3A_392 = arith.constant 0 : i32
      %dma_wait3A_393 = arith.constant 0 : i32
      %dma_wait3A_394 = arith.constant 0 : i32
      %dma_wait3A_395 = tpu.memref_slice %arg12[%dma_wait3A_382, %dma_wait3A_392, %dma_wait3A_393, %dma_wait3A_394] : memref<8x2x8x128xf32, #tpu.memory_space<vmem>> -> memref<1x2x8x128xf32, #tpu.memory_space<vmem>>
      %dma_wait3A_396 = tpu.memref_squeeze %dma_wait3A_395 : memref<1x2x8x128xf32, #tpu.memory_space<vmem>> -> memref<2x8x128xf32, #tpu.memory_space<vmem>>
      %dma_wait3A_397 = arith.constant 0 : i32
      %dma_wait3A_398 = arith.constant 0 : i32
      %dma_wait3A_399 = arith.constant 0 : i32
      %dma_wait3A_400 = tpu.memref_slice %arg4[%dma_wait3A_397, %dma_wait3A_398, %dma_wait3A_399] : memref<2x8x1000000xf32, #tpu.memory_space<hbm>> -> memref<2x8x128xf32, #tpu.memory_space<hbm>>
      tpu.wait_dma2 semaphore(%arg22 : memref<!tpu.dma_semaphore, #tpu.memory_space<semaphore_mem>>) src(%dma_wait3A_400 : memref<2x8x128xf32, #tpu.memory_space<hbm>>) dst(%dma_wait3A_396 : memref<2x8x128xf32, #tpu.memory_space<vmem>>)
      %dma_wait3A_401 = arith.constant 7 : i32
      %dma_wait3A_402 = arith.constant 0 : i32
      %dma_wait3A_403 = arith.constant 0 : i32
      %dma_wait3A_404 = arith.constant 0 : i32
      %dma_wait3A_405 = tpu.memref_slice %arg13[%dma_wait3A_401, %dma_wait3A_402, %dma_wait3A_403, %dma_wait3A_404] : memref<8x2x8x128xf32, #tpu.memory_space<vmem>> -> memref<1x2x8x128xf32, #tpu.memory_space<vmem>>
      %dma_wait3A_406 = tpu.memref_squeeze %dma_wait3A_405 : memref<1x2x8x128xf32, #tpu.memory_space<vmem>> -> memref<2x8x128xf32, #tpu.memory_space<vmem>>
      %dma_wait3A_407 = arith.constant 0 : i32
      %dma_wait3A_408 = arith.constant 0 : i32
      %dma_wait3A_409 = arith.constant 0 : i32
      %dma_wait3A_410 = tpu.memref_slice %arg5[%dma_wait3A_407, %dma_wait3A_408, %dma_wait3A_409] : memref<2x8x1000000xf32, #tpu.memory_space<hbm>> -> memref<2x8x128xf32, #tpu.memory_space<hbm>>
      %dma_wait3A_411 = arith.constant 0 : i32
      %dma_wait3A_412 = arith.constant 0 : i32
      %dma_wait3A_413 = arith.constant 0 : i32
      %dma_wait3A_414 = tpu.memref_slice %arg13[%dma_wait3A_401, %dma_wait3A_411, %dma_wait3A_412, %dma_wait3A_413] : memref<8x2x8x128xf32, #tpu.memory_space<vmem>> -> memref<1x2x8x128xf32, #tpu.memory_space<vmem>>
      %dma_wait3A_415 = tpu.memref_squeeze %dma_wait3A_414 : memref<1x2x8x128xf32, #tpu.memory_space<vmem>> -> memref<2x8x128xf32, #tpu.memory_space<vmem>>
      %dma_wait3A_416 = arith.constant 0 : i32
      %dma_wait3A_417 = arith.constant 0 : i32
      %dma_wait3A_418 = arith.constant 0 : i32
      %dma_wait3A_419 = tpu.memref_slice %arg5[%dma_wait3A_416, %dma_wait3A_417, %dma_wait3A_418] : memref<2x8x1000000xf32, #tpu.memory_space<hbm>> -> memref<2x8x128xf32, #tpu.memory_space<hbm>>
      tpu.wait_dma2 semaphore(%arg22 : memref<!tpu.dma_semaphore, #tpu.memory_space<semaphore_mem>>) src(%dma_wait3A_419 : memref<2x8x128xf32, #tpu.memory_space<hbm>>) dst(%dma_wait3A_415 : memref<2x8x128xf32, #tpu.memory_space<vmem>>)
      %mul3A_420 = arith.constant 64 : i32
      %mul3A_421 = arith.muli %scan3A_109, %mul3A_420 : i32
      %add3A_422 = arith.constant 0 : i32
      %add3A_423 = arith.addi %mul3A_421, %add3A_422 : i32
      %add3A_424 = arith.constant 0 : i32
      %add3A_425 = vector.broadcast %add3A_424 : i32 to vector<16xi32>
      %add3A_426 = arith.addi %add3A_425, %iota3A_56 : vector<16xi32>
      %shift_right_logical3A = arith.constant 3 : i32
      %shift_right_logical3A_427 = vector.broadcast %shift_right_logical3A : i32 to vector<16xi32>
      %shift_right_logical3A_428 = arith.shrui %add3A_426, %shift_right_logical3A_427 : vector<16xi32>
      %and3A_429 = arith.constant 7 : i32
      %and3A_430 = vector.broadcast %and3A_429 : i32 to vector<16xi32>
      %and3A_431 = arith.andi %add3A_426, %and3A_430 : vector<16xi32>
      %mul3A_432 = arith.constant 16 : i32
      %mul3A_433 = vector.broadcast %mul3A_432 : i32 to vector<16xi32>
      %mul3A_434 = arith.muli %and3A_431, %mul3A_433 : vector<16xi32>
      %get3A = arith.index_cast %add3A_423 : i32 to index
      %get3A_435 = tpu.vector_load %arg10[%get3A] {strides = array<i32>} : memref<512xi32, #tpu.memory_space<vmem>>, vector<16xi32>,
      %and3A_436 = arith.constant 15 : i32
      %and3A_437 = vector.broadcast %and3A_436 : i32 to vector<16xi32>
      %and3A_438 = arith.andi %get3A_435, %and3A_437 : vector<16xi32>
      %add3A_439 = arith.addi %mul3A_434, %and3A_438 : vector<16xi32>
      %get3A_440 = arith.index_cast %add3A_423 : i32 to index
      %get3A_441 = tpu.vector_load %arg11[%get3A_440] {strides = array<i32>} : memref<512xi32, #tpu.memory_space<vmem>>, vector<16xi32>,
      %and3A_442 = arith.constant 15 : i32
      %and3A_443 = vector.broadcast %and3A_442 : i32 to vector<16xi32>
      %and3A_444 = arith.andi %get3A_441, %and3A_443 : vector<16xi32>
      %add3A_445 = arith.addi %mul3A_434, %and3A_444 : vector<16xi32>
      %get3A_446 = arith.index_cast %add3A_423 : i32 to index
      %get3A_447 = tpu.vector_load %arg16[%get3A_446] {strides = array<i32>} : memref<512xf32, #tpu.memory_space<vmem>>, vector<16xf32>,
      %get3A_448 = arith.index_cast %add3A_423 : i32 to index
      %get3A_449 = tpu.vector_load %arg17[%get3A_448] {strides = array<i32>} : memref<512xf32, #tpu.memory_space<vmem>>, vector<16xf32>,
      %add3A_450 = arith.addf %get3A_447, %get3A_449 : vector<16xf32>
      %get3A_451 = arith.constant 0 : index
      %get3A_452 = tpu.vector_load %arg19[%get3A_451] {strides = array<i32>} : memref<16xf32, #tpu.memory_space<vmem>>, vector<16xf32>,
      %add3A_453 = arith.addf %add3A_450, %get3A_452 : vector<16xf32>
      %broadcast_in_dim3A = arith.constant 0 : i32
      %broadcast_in_dim3A_454 = vector.broadcast %broadcast_in_dim3A : i32 to vector<16xi32>
      %broadcast_in_dim3A_455 = arith.constant 0 : i32
      %broadcast_in_dim3A_456 = vector.broadcast %broadcast_in_dim3A_455 : i32 to vector<16xi32>
      %gather3A = tpu.vector_load_idx %arg12[%shift_right_logical3A_428, %broadcast_in_dim3A_454, %broadcast_in_dim3A_456, %add3A_439] : memref<8x2x8x128xf32, #tpu.memory_space<vmem>>[vector<16xi32>, vector<16xi32>, vector<16xi32>, vector<16xi32>], vector<16xf32>,
      %gather3A_457 = tpu.vector_load_idx %arg13[%shift_right_logical3A_428, %broadcast_in_dim3A_454, %broadcast_in_dim3A_456, %add3A_445] : memref<8x2x8x128xf32, #tpu.memory_space<vmem>>[vector<16xi32>, vector<16xi32>, vector<16xi32>, vector<16xi32>], vector<16xf32>,
      %mul3A_458 = arith.mulf %gather3A, %gather3A_457 : vector<16xf32>
      %add3A_459 = arith.addf %add3A_453, %mul3A_458 : vector<16xf32>
      %broadcast_in_dim3A_460 = arith.constant 0 : i32
      %broadcast_in_dim3A_461 = vector.broadcast %broadcast_in_dim3A_460 : i32 to vector<16xi32>
      %broadcast_in_dim3A_462 = arith.constant 1 : i32
      %broadcast_in_dim3A_463 = vector.broadcast %broadcast_in_dim3A_462 : i32 to vector<16xi32>
      %gather3A_464 = tpu.vector_load_idx %arg12[%shift_right_logical3A_428, %broadcast_in_dim3A_461, %broadcast_in_dim3A_463, %add3A_439] : memref<8x2x8x128xf32, #tpu.memory_space<vmem>>[vector<16xi32>, vector<16xi32>, vector<16xi32>, vector<16xi32>], vector<16xf32>,
      %gather3A_465 = tpu.vector_load_idx %arg13[%shift_right_logical3A_428, %broadcast_in_dim3A_461, %broadcast_in_dim3A_463, %add3A_445] : memref<8x2x8x128xf32, #tpu.memory_space<vmem>>[vector<16xi32>, vector<16xi32>, vector<16xi32>, vector<16xi32>], vector<16xf32>,
      %mul3A_466 = arith.mulf %gather3A_464, %gather3A_465 : vector<16xf32>
      %add3A_467 = arith.addf %add3A_459, %mul3A_466 : vector<16xf32>
      %broadcast_in_dim3A_468 = arith.constant 0 : i32
      %broadcast_in_dim3A_469 = vector.broadcast %broadcast_in_dim3A_468 : i32 to vector<16xi32>
      %broadcast_in_dim3A_470 = arith.constant 2 : i32
      %broadcast_in_dim3A_471 = vector.broadcast %broadcast_in_dim3A_470 : i32 to vector<16xi32>
      %gather3A_472 = tpu.vector_load_idx %arg12[%shift_right_logical3A_428, %broadcast_in_dim3A_469, %broadcast_in_dim3A_471, %add3A_439] : memref<8x2x8x128xf32, #tpu.memory_space<vmem>>[vector<16xi32>, vector<16xi32>, vector<16xi32>, vector<16xi32>], vector<16xf32>,
      %gather3A_473 = tpu.vector_load_idx %arg13[%shift_right_logical3A_428, %broadcast_in_dim3A_469, %broadcast_in_dim3A_471, %add3A_445] : memref<8x2x8x128xf32, #tpu.memory_space<vmem>>[vector<16xi32>, vector<16xi32>, vector<16xi32>, vector<16xi32>], vector<16xf32>,
      %mul3A_474 = arith.mulf %gather3A_472, %gather3A_473 : vector<16xf32>
      %add3A_475 = arith.addf %add3A_467, %mul3A_474 : vector<16xf32>
      %broadcast_in_dim3A_476 = arith.constant 0 : i32
      %broadcast_in_dim3A_477 = vector.broadcast %broadcast_in_dim3A_476 : i32 to vector<16xi32>
      %broadcast_in_dim3A_478 = arith.constant 3 : i32
      %broadcast_in_dim3A_479 = vector.broadcast %broadcast_in_dim3A_478 : i32 to vector<16xi32>
      %gather3A_480 = tpu.vector_load_idx %arg12[%shift_right_logical3A_428, %broadcast_in_dim3A_477, %broadcast_in_dim3A_479, %add3A_439] : memref<8x2x8x128xf32, #tpu.memory_space<vmem>>[vector<16xi32>, vector<16xi32>, vector<16xi32>, vector<16xi32>], vector<16xf32>,
      %gather3A_481 = tpu.vector_load_idx %arg13[%shift_right_logical3A_428, %broadcast_in_dim3A_477, %broadcast_in_dim3A_479, %add3A_445] : memref<8x2x8x128xf32, #tpu.memory_space<vmem>>[vector<16xi32>, vector<16xi32>, vector<16xi32>, vector<16xi32>], vector<16xf32>,
      %mul3A_482 = arith.mulf %gather3A_480, %gather3A_481 : vector<16xf32>
      %add3A_483 = arith.addf %add3A_475, %mul3A_482 : vector<16xf32>
      %broadcast_in_dim3A_484 = arith.constant 0 : i32
      %broadcast_in_dim3A_485 = vector.broadcast %broadcast_in_dim3A_484 : i32 to vector<16xi32>
      %broadcast_in_dim3A_486 = arith.constant 4 : i32
      %broadcast_in_dim3A_487 = vector.broadcast %broadcast_in_dim3A_486 : i32 to vector<16xi32>
      %gather3A_488 = tpu.vector_load_idx %arg12[%shift_right_logical3A_428, %broadcast_in_dim3A_485, %broadcast_in_dim3A_487, %add3A_439] : memref<8x2x8x128xf32, #tpu.memory_space<vmem>>[vector<16xi32>, vector<16xi32>, vector<16xi32>, vector<16xi32>], vector<16xf32>,
      %gather3A_489 = tpu.vector_load_idx %arg13[%shift_right_logical3A_428, %broadcast_in_dim3A_485, %broadcast_in_dim3A_487, %add3A_445] : memref<8x2x8x128xf32, #tpu.memory_space<vmem>>[vector<16xi32>, vector<16xi32>, vector<16xi32>, vector<16xi32>], vector<16xf32>,
      %mul3A_490 = arith.mulf %gather3A_488, %gather3A_489 : vector<16xf32>
      %add3A_491 = arith.addf %add3A_483, %mul3A_490 : vector<16xf32>
      %broadcast_in_dim3A_492 = arith.constant 0 : i32
      %broadcast_in_dim3A_493 = vector.broadcast %broadcast_in_dim3A_492 : i32 to vector<16xi32>
      %broadcast_in_dim3A_494 = arith.constant 5 : i32
      %broadcast_in_dim3A_495 = vector.broadcast %broadcast_in_dim3A_494 : i32 to vector<16xi32>
      %gather3A_496 = tpu.vector_load_idx %arg12[%shift_right_logical3A_428, %broadcast_in_dim3A_493, %broadcast_in_dim3A_495, %add3A_439] : memref<8x2x8x128xf32, #tpu.memory_space<vmem>>[vector<16xi32>, vector<16xi32>, vector<16xi32>, vector<16xi32>], vector<16xf32>,
      %gather3A_497 = tpu.vector_load_idx %arg13[%shift_right_logical3A_428, %broadcast_in_dim3A_493, %broadcast_in_dim3A_495, %add3A_445] : memref<8x2x8x128xf32, #tpu.memory_space<vmem>>[vector<16xi32>, vector<16xi32>, vector<16xi32>, vector<16xi32>], vector<16xf32>,
      %mul3A_498 = arith.mulf %gather3A_496, %gather3A_497 : vector<16xf32>
      %add3A_499 = arith.addf %add3A_491, %mul3A_498 : vector<16xf32>
      %broadcast_in_dim3A_500 = arith.constant 0 : i32
      %broadcast_in_dim3A_501 = vector.broadcast %broadcast_in_dim3A_500 : i32 to vector<16xi32>
      %broadcast_in_dim3A_502 = arith.constant 6 : i32
      %broadcast_in_dim3A_503 = vector.broadcast %broadcast_in_dim3A_502 : i32 to vector<16xi32>
      %gather3A_504 = tpu.vector_load_idx %arg12[%shift_right_logical3A_428, %broadcast_in_dim3A_501, %broadcast_in_dim3A_503, %add3A_439] : memref<8x2x8x128xf32, #tpu.memory_space<vmem>>[vector<16xi32>, vector<16xi32>, vector<16xi32>, vector<16xi32>], vector<16xf32>,
      %gather3A_505 = tpu.vector_load_idx %arg13[%shift_right_logical3A_428, %broadcast_in_dim3A_501, %broadcast_in_dim3A_503, %add3A_445] : memref<8x2x8x128xf32, #tpu.memory_space<vmem>>[vector<16xi32>, vector<16xi32>, vector<16xi32>, vector<16xi32>], vector<16xf32>,
      %mul3A_506 = arith.mulf %gather3A_504, %gather3A_505 : vector<16xf32>
      %add3A_507 = arith.addf %add3A_499, %mul3A_506 : vector<16xf32>
      %broadcast_in_dim3A_508 = arith.constant 0 : i32
      %broadcast_in_dim3A_509 = vector.broadcast %broadcast_in_dim3A_508 : i32 to vector<16xi32>
      %broadcast_in_dim3A_510 = arith.constant 7 : i32
      %broadcast_in_dim3A_511 = vector.broadcast %broadcast_in_dim3A_510 : i32 to vector<16xi32>
      %gather3A_512 = tpu.vector_load_idx %arg12[%shift_right_logical3A_428, %broadcast_in_dim3A_509, %broadcast_in_dim3A_511, %add3A_439] : memref<8x2x8x128xf32, #tpu.memory_space<vmem>>[vector<16xi32>, vector<16xi32>, vector<16xi32>, vector<16xi32>], vector<16xf32>,
      %gather3A_513 = tpu.vector_load_idx %arg13[%shift_right_logical3A_428, %broadcast_in_dim3A_509, %broadcast_in_dim3A_511, %add3A_445] : memref<8x2x8x128xf32, #tpu.memory_space<vmem>>[vector<16xi32>, vector<16xi32>, vector<16xi32>, vector<16xi32>], vector<16xf32>,
      %mul3A_514 = arith.mulf %gather3A_512, %gather3A_513 : vector<16xf32>
      %add3A_515 = arith.addf %add3A_507, %mul3A_514 : vector<16xf32>
      %broadcast_in_dim3A_516 = arith.constant 1 : i32
      %broadcast_in_dim3A_517 = vector.broadcast %broadcast_in_dim3A_516 : i32 to vector<16xi32>
      %broadcast_in_dim3A_518 = arith.constant 0 : i32
      %broadcast_in_dim3A_519 = vector.broadcast %broadcast_in_dim3A_518 : i32 to vector<16xi32>
      %gather3A_520 = tpu.vector_load_idx %arg12[%shift_right_logical3A_428, %broadcast_in_dim3A_517, %broadcast_in_dim3A_519, %add3A_439] : memref<8x2x8x128xf32, #tpu.memory_space<vmem>>[vector<16xi32>, vector<16xi32>, vector<16xi32>, vector<16xi32>], vector<16xf32>,
      %gather3A_521 = tpu.vector_load_idx %arg13[%shift_right_logical3A_428, %broadcast_in_dim3A_517, %broadcast_in_dim3A_519, %add3A_445] : memref<8x2x8x128xf32, #tpu.memory_space<vmem>>[vector<16xi32>, vector<16xi32>, vector<16xi32>, vector<16xi32>], vector<16xf32>,
      %mul3A_522 = arith.mulf %gather3A_520, %gather3A_521 : vector<16xf32>
      %add3A_523 = arith.addf %add3A_515, %mul3A_522 : vector<16xf32>
      %broadcast_in_dim3A_524 = arith.constant 1 : i32
      %broadcast_in_dim3A_525 = vector.broadcast %broadcast_in_dim3A_524 : i32 to vector<16xi32>
      %broadcast_in_dim3A_526 = arith.constant 1 : i32
      %broadcast_in_dim3A_527 = vector.broadcast %broadcast_in_dim3A_526 : i32 to vector<16xi32>
      %gather3A_528 = tpu.vector_load_idx %arg12[%shift_right_logical3A_428, %broadcast_in_dim3A_525, %broadcast_in_dim3A_527, %add3A_439] : memref<8x2x8x128xf32, #tpu.memory_space<vmem>>[vector<16xi32>, vector<16xi32>, vector<16xi32>, vector<16xi32>], vector<16xf32>,
      %gather3A_529 = tpu.vector_load_idx %arg13[%shift_right_logical3A_428, %broadcast_in_dim3A_525, %broadcast_in_dim3A_527, %add3A_445] : memref<8x2x8x128xf32, #tpu.memory_space<vmem>>[vector<16xi32>, vector<16xi32>, vector<16xi32>, vector<16xi32>], vector<16xf32>,
      %mul3A_530 = arith.mulf %gather3A_528, %gather3A_529 : vector<16xf32>
      %add3A_531 = arith.addf %add3A_523, %mul3A_530 : vector<16xf32>
      %broadcast_in_dim3A_532 = arith.constant 1 : i32
      %broadcast_in_dim3A_533 = vector.broadcast %broadcast_in_dim3A_532 : i32 to vector<16xi32>
      %broadcast_in_dim3A_534 = arith.constant 2 : i32
      %broadcast_in_dim3A_535 = vector.broadcast %broadcast_in_dim3A_534 : i32 to vector<16xi32>
      %gather3A_536 = tpu.vector_load_idx %arg12[%shift_right_logical3A_428, %broadcast_in_dim3A_533, %broadcast_in_dim3A_535, %add3A_439] : memref<8x2x8x128xf32, #tpu.memory_space<vmem>>[vector<16xi32>, vector<16xi32>, vector<16xi32>, vector<16xi32>], vector<16xf32>,
      %gather3A_537 = tpu.vector_load_idx %arg13[%shift_right_logical3A_428, %broadcast_in_dim3A_533, %broadcast_in_dim3A_535, %add3A_445] : memref<8x2x8x128xf32, #tpu.memory_space<vmem>>[vector<16xi32>, vector<16xi32>, vector<16xi32>, vector<16xi32>], vector<16xf32>,
      %mul3A_538 = arith.mulf %gather3A_536, %gather3A_537 : vector<16xf32>
      %add3A_539 = arith.addf %add3A_531, %mul3A_538 : vector<16xf32>
      %broadcast_in_dim3A_540 = arith.constant 1 : i32
      %broadcast_in_dim3A_541 = vector.broadcast %broadcast_in_dim3A_540 : i32 to vector<16xi32>
      %broadcast_in_dim3A_542 = arith.constant 3 : i32
      %broadcast_in_dim3A_543 = vector.broadcast %broadcast_in_dim3A_542 : i32 to vector<16xi32>
      %gather3A_544 = tpu.vector_load_idx %arg12[%shift_right_logical3A_428, %broadcast_in_dim3A_541, %broadcast_in_dim3A_543, %add3A_439] : memref<8x2x8x128xf32, #tpu.memory_space<vmem>>[vector<16xi32>, vector<16xi32>, vector<16xi32>, vector<16xi32>], vector<16xf32>,
      %gather3A_545 = tpu.vector_load_idx %arg13[%shift_right_logical3A_428, %broadcast_in_dim3A_541, %broadcast_in_dim3A_543, %add3A_445] : memref<8x2x8x128xf32, #tpu.memory_space<vmem>>[vector<16xi32>, vector<16xi32>, vector<16xi32>, vector<16xi32>], vector<16xf32>,
      %mul3A_546 = arith.mulf %gather3A_544, %gather3A_545 : vector<16xf32>
      %add3A_547 = arith.addf %add3A_539, %mul3A_546 : vector<16xf32>
      %broadcast_in_dim3A_548 = arith.constant 1 : i32
      %broadcast_in_dim3A_549 = vector.broadcast %broadcast_in_dim3A_548 : i32 to vector<16xi32>
      %broadcast_in_dim3A_550 = arith.constant 4 : i32
      %broadcast_in_dim3A_551 = vector.broadcast %broadcast_in_dim3A_550 : i32 to vector<16xi32>
      %gather3A_552 = tpu.vector_load_idx %arg12[%shift_right_logical3A_428, %broadcast_in_dim3A_549, %broadcast_in_dim3A_551, %add3A_439] : memref<8x2x8x128xf32, #tpu.memory_space<vmem>>[vector<16xi32>, vector<16xi32>, vector<16xi32>, vector<16xi32>], vector<16xf32>,
      %gather3A_553 = tpu.vector_load_idx %arg13[%shift_right_logical3A_428, %broadcast_in_dim3A_549, %broadcast_in_dim3A_551, %add3A_445] : memref<8x2x8x128xf32, #tpu.memory_space<vmem>>[vector<16xi32>, vector<16xi32>, vector<16xi32>, vector<16xi32>], vector<16xf32>,
      %mul3A_554 = arith.mulf %gather3A_552, %gather3A_553 : vector<16xf32>
      %add3A_555 = arith.addf %add3A_547, %mul3A_554 : vector<16xf32>
      %broadcast_in_dim3A_556 = arith.constant 1 : i32
      %broadcast_in_dim3A_557 = vector.broadcast %broadcast_in_dim3A_556 : i32 to vector<16xi32>
      %broadcast_in_dim3A_558 = arith.constant 5 : i32
      %broadcast_in_dim3A_559 = vector.broadcast %broadcast_in_dim3A_558 : i32 to vector<16xi32>
      %gather3A_560 = tpu.vector_load_idx %arg12[%shift_right_logical3A_428, %broadcast_in_dim3A_557, %broadcast_in_dim3A_559, %add3A_439] : memref<8x2x8x128xf32, #tpu.memory_space<vmem>>[vector<16xi32>, vector<16xi32>, vector<16xi32>, vector<16xi32>], vector<16xf32>,
      %gather3A_561 = tpu.vector_load_idx %arg13[%shift_right_logical3A_428, %broadcast_in_dim3A_557, %broadcast_in_dim3A_559, %add3A_445] : memref<8x2x8x128xf32, #tpu.memory_space<vmem>>[vector<16xi32>, vector<16xi32>, vector<16xi32>, vector<16xi32>], vector<16xf32>,
      %mul3A_562 = arith.mulf %gather3A_560, %gather3A_561 : vector<16xf32>
      %add3A_563 = arith.addf %add3A_555, %mul3A_562 : vector<16xf32>
      %broadcast_in_dim3A_564 = arith.constant 1 : i32
      %broadcast_in_dim3A_565 = vector.broadcast %broadcast_in_dim3A_564 : i32 to vector<16xi32>
      %broadcast_in_dim3A_566 = arith.constant 6 : i32
      %broadcast_in_dim3A_567 = vector.broadcast %broadcast_in_dim3A_566 : i32 to vector<16xi32>
      %gather3A_568 = tpu.vector_load_idx %arg12[%shift_right_logical3A_428, %broadcast_in_dim3A_565, %broadcast_in_dim3A_567, %add3A_439] : memref<8x2x8x128xf32, #tpu.memory_space<vmem>>[vector<16xi32>, vector<16xi32>, vector<16xi32>, vector<16xi32>], vector<16xf32>,
      %gather3A_569 = tpu.vector_load_idx %arg13[%shift_right_logical3A_428, %broadcast_in_dim3A_565, %broadcast_in_dim3A_567, %add3A_445] : memref<8x2x8x128xf32, #tpu.memory_space<vmem>>[vector<16xi32>, vector<16xi32>, vector<16xi32>, vector<16xi32>], vector<16xf32>,
      %mul3A_570 = arith.mulf %gather3A_568, %gather3A_569 : vector<16xf32>
      %add3A_571 = arith.addf %add3A_563, %mul3A_570 : vector<16xf32>
      %broadcast_in_dim3A_572 = arith.constant 1 : i32
      %broadcast_in_dim3A_573 = vector.broadcast %broadcast_in_dim3A_572 : i32 to vector<16xi32>
      %broadcast_in_dim3A_574 = arith.constant 7 : i32
      %broadcast_in_dim3A_575 = vector.broadcast %broadcast_in_dim3A_574 : i32 to vector<16xi32>
      %gather3A_576 = tpu.vector_load_idx %arg12[%shift_right_logical3A_428, %broadcast_in_dim3A_573, %broadcast_in_dim3A_575, %add3A_439] : memref<8x2x8x128xf32, #tpu.memory_space<vmem>>[vector<16xi32>, vector<16xi32>, vector<16xi32>, vector<16xi32>], vector<16xf32>,
      %gather3A_577 = tpu.vector_load_idx %arg13[%shift_right_logical3A_428, %broadcast_in_dim3A_573, %broadcast_in_dim3A_575, %add3A_445] : memref<8x2x8x128xf32, #tpu.memory_space<vmem>>[vector<16xi32>, vector<16xi32>, vector<16xi32>, vector<16xi32>], vector<16xf32>,
      %mul3A_578 = arith.mulf %gather3A_576, %gather3A_577 : vector<16xf32>
      %add3A_579 = arith.addf %add3A_571, %mul3A_578 : vector<16xf32>
      %swap3A_580 = arith.index_cast %add3A_423 : i32 to index
      %swap3A_581 = tpu.vector_load %arg18[%swap3A_580] {strides = array<i32>} : memref<512xf32, #tpu.memory_space<vmem>>, vector<16xf32>,
      tpu.vector_store %arg18[%swap3A_580], %add3A_579 {strides = array<i32>} : memref<512xf32, #tpu.memory_space<vmem>>, vector<16xf32>,
      %mul3A_582 = arith.constant 64 : i32
      %mul3A_583 = arith.muli %scan3A_109, %mul3A_582 : i32
      %add3A_584 = arith.constant 16 : i32
      %add3A_585 = arith.addi %mul3A_583, %add3A_584 : i32
      %add3A_586 = arith.constant 16 : i32
      %add3A_587 = vector.broadcast %add3A_586 : i32 to vector<16xi32>
      %add3A_588 = arith.addi %add3A_587, %iota3A_56 : vector<16xi32>
      %shift_right_logical3A_589 = arith.constant 3 : i32
      %shift_right_logical3A_590 = vector.broadcast %shift_right_logical3A_589 : i32 to vector<16xi32>
      %shift_right_logical3A_591 = arith.shrui %add3A_588, %shift_right_logical3A_590 : vector<16xi32>
      %and3A_592 = arith.constant 7 : i32
      %and3A_593 = vector.broadcast %and3A_592 : i32 to vector<16xi32>
      %and3A_594 = arith.andi %add3A_588, %and3A_593 : vector<16xi32>
      %mul3A_595 = arith.constant 16 : i32
      %mul3A_596 = vector.broadcast %mul3A_595 : i32 to vector<16xi32>
      %mul3A_597 = arith.muli %and3A_594, %mul3A_596 : vector<16xi32>
      %get3A_598 = arith.index_cast %add3A_585 : i32 to index
      %get3A_599 = tpu.vector_load %arg10[%get3A_598] {strides = array<i32>} : memref<512xi32, #tpu.memory_space<vmem>>, vector<16xi32>,
      %and3A_600 = arith.constant 15 : i32
      %and3A_601 = vector.broadcast %and3A_600 : i32 to vector<16xi32>
      %and3A_602 = arith.andi %get3A_599, %and3A_601 : vector<16xi32>
      %add3A_603 = arith.addi %mul3A_597, %and3A_602 : vector<16xi32>
      %get3A_604 = arith.index_cast %add3A_585 : i32 to index
      %get3A_605 = tpu.vector_load %arg11[%get3A_604] {strides = array<i32>} : memref<512xi32, #tpu.memory_space<vmem>>, vector<16xi32>,
      %and3A_606 = arith.constant 15 : i32
      %and3A_607 = vector.broadcast %and3A_606 : i32 to vector<16xi32>
      %and3A_608 = arith.andi %get3A_605, %and3A_607 : vector<16xi32>
      %add3A_609 = arith.addi %mul3A_597, %and3A_608 : vector<16xi32>
      %get3A_610 = arith.index_cast %add3A_585 : i32 to index
      %get3A_611 = tpu.vector_load %arg16[%get3A_610] {strides = array<i32>} : memref<512xf32, #tpu.memory_space<vmem>>, vector<16xf32>,
      %get3A_612 = arith.index_cast %add3A_585 : i32 to index
      %get3A_613 = tpu.vector_load %arg17[%get3A_612] {strides = array<i32>} : memref<512xf32, #tpu.memory_space<vmem>>, vector<16xf32>,
      %add3A_614 = arith.addf %get3A_611, %get3A_613 : vector<16xf32>
      %get3A_615 = arith.constant 0 : index
      %get3A_616 = tpu.vector_load %arg19[%get3A_615] {strides = array<i32>} : memref<16xf32, #tpu.memory_space<vmem>>, vector<16xf32>,
      %add3A_617 = arith.addf %add3A_614, %get3A_616 : vector<16xf32>
      %broadcast_in_dim3A_618 = arith.constant 0 : i32
      %broadcast_in_dim3A_619 = vector.broadcast %broadcast_in_dim3A_618 : i32 to vector<16xi32>
      %broadcast_in_dim3A_620 = arith.constant 0 : i32
      %broadcast_in_dim3A_621 = vector.broadcast %broadcast_in_dim3A_620 : i32 to vector<16xi32>
      %gather3A_622 = tpu.vector_load_idx %arg12[%shift_right_logical3A_591, %broadcast_in_dim3A_619, %broadcast_in_dim3A_621, %add3A_603] : memref<8x2x8x128xf32, #tpu.memory_space<vmem>>[vector<16xi32>, vector<16xi32>, vector<16xi32>, vector<16xi32>], vector<16xf32>,
      %gather3A_623 = tpu.vector_load_idx %arg13[%shift_right_logical3A_591, %broadcast_in_dim3A_619, %broadcast_in_dim3A_621, %add3A_609] : memref<8x2x8x128xf32, #tpu.memory_space<vmem>>[vector<16xi32>, vector<16xi32>, vector<16xi32>, vector<16xi32>], vector<16xf32>,
      %mul3A_624 = arith.mulf %gather3A_622, %gather3A_623 : vector<16xf32>
      %add3A_625 = arith.addf %add3A_617, %mul3A_624 : vector<16xf32>
      %broadcast_in_dim3A_626 = arith.constant 0 : i32
      %broadcast_in_dim3A_627 = vector.broadcast %broadcast_in_dim3A_626 : i32 to vector<16xi32>
      %broadcast_in_dim3A_628 = arith.constant 1 : i32
      %broadcast_in_dim3A_629 = vector.broadcast %broadcast_in_dim3A_628 : i32 to vector<16xi32>
      %gather3A_630 = tpu.vector_load_idx %arg12[%shift_right_logical3A_591, %broadcast_in_dim3A_627, %broadcast_in_dim3A_629, %add3A_603] : memref<8x2x8x128xf32, #tpu.memory_space<vmem>>[vector<16xi32>, vector<16xi32>, vector<16xi32>, vector<16xi32>], vector<16xf32>,
      %gather3A_631 = tpu.vector_load_idx %arg13[%shift_right_logical3A_591, %broadcast_in_dim3A_627, %broadcast_in_dim3A_629, %add3A_609] : memref<8x2x8x128xf32, #tpu.memory_space<vmem>>[vector<16xi32>, vector<16xi32>, vector<16xi32>, vector<16xi32>], vector<16xf32>,
      %mul3A_632 = arith.mulf %gather3A_630, %gather3A_631 : vector<16xf32>
      %add3A_633 = arith.addf %add3A_625, %mul3A_632 : vector<16xf32>
      %broadcast_in_dim3A_634 = arith.constant 0 : i32
      %broadcast_in_dim3A_635 = vector.broadcast %broadcast_in_dim3A_634 : i32 to vector<16xi32>
      %broadcast_in_dim3A_636 = arith.constant 2 : i32
      %broadcast_in_dim3A_637 = vector.broadcast %broadcast_in_dim3A_636 : i32 to vector<16xi32>
      %gather3A_638 = tpu.vector_load_idx %arg12[%shift_right_logical3A_591, %broadcast_in_dim3A_635, %broadcast_in_dim3A_637, %add3A_603] : memref<8x2x8x128xf32, #tpu.memory_space<vmem>>[vector<16xi32>, vector<16xi32>, vector<16xi32>, vector<16xi32>], vector<16xf32>,
      %gather3A_639 = tpu.vector_load_idx %arg13[%shift_right_logical3A_591, %broadcast_in_dim3A_635, %broadcast_in_dim3A_637, %add3A_609] : memref<8x2x8x128xf32, #tpu.memory_space<vmem>>[vector<16xi32>, vector<16xi32>, vector<16xi32>, vector<16xi32>], vector<16xf32>,
      %mul3A_640 = arith.mulf %gather3A_638, %gather3A_639 : vector<16xf32>
      %add3A_641 = arith.addf %add3A_633, %mul3A_640 : vector<16xf32>
      %broadcast_in_dim3A_642 = arith.constant 0 : i32
      %broadcast_in_dim3A_643 = vector.broadcast %broadcast_in_dim3A_642 : i32 to vector<16xi32>
      %broadcast_in_dim3A_644 = arith.constant 3 : i32
      %broadcast_in_dim3A_645 = vector.broadcast %broadcast_in_dim3A_644 : i32 to vector<16xi32>
      %gather3A_646 = tpu.vector_load_idx %arg12[%shift_right_logical3A_591, %broadcast_in_dim3A_643, %broadcast_in_dim3A_645, %add3A_603] : memref<8x2x8x128xf32, #tpu.memory_space<vmem>>[vector<16xi32>, vector<16xi32>, vector<16xi32>, vector<16xi32>], vector<16xf32>,
      %gather3A_647 = tpu.vector_load_idx %arg13[%shift_right_logical3A_591, %broadcast_in_dim3A_643, %broadcast_in_dim3A_645, %add3A_609] : memref<8x2x8x128xf32, #tpu.memory_space<vmem>>[vector<16xi32>, vector<16xi32>, vector<16xi32>, vector<16xi32>], vector<16xf32>,
      %mul3A_648 = arith.mulf %gather3A_646, %gather3A_647 : vector<16xf32>
      %add3A_649 = arith.addf %add3A_641, %mul3A_648 : vector<16xf32>
      %broadcast_in_dim3A_650 = arith.constant 0 : i32
      %broadcast_in_dim3A_651 = vector.broadcast %broadcast_in_dim3A_650 : i32 to vector<16xi32>
      %broadcast_in_dim3A_652 = arith.constant 4 : i32
      %broadcast_in_dim3A_653 = vector.broadcast %broadcast_in_dim3A_652 : i32 to vector<16xi32>
      %gather3A_654 = tpu.vector_load_idx %arg12[%shift_right_logical3A_591, %broadcast_in_dim3A_651, %broadcast_in_dim3A_653, %add3A_603] : memref<8x2x8x128xf32, #tpu.memory_space<vmem>>[vector<16xi32>, vector<16xi32>, vector<16xi32>, vector<16xi32>], vector<16xf32>,
      %gather3A_655 = tpu.vector_load_idx %arg13[%shift_right_logical3A_591, %broadcast_in_dim3A_651, %broadcast_in_dim3A_653, %add3A_609] : memref<8x2x8x128xf32, #tpu.memory_space<vmem>>[vector<16xi32>, vector<16xi32>, vector<16xi32>, vector<16xi32>], vector<16xf32>,
      %mul3A_656 = arith.mulf %gather3A_654, %gather3A_655 : vector<16xf32>
      %add3A_657 = arith.addf %add3A_649, %mul3A_656 : vector<16xf32>
      %broadcast_in_dim3A_658 = arith.constant 0 : i32
      %broadcast_in_dim3A_659 = vector.broadcast %broadcast_in_dim3A_658 : i32 to vector<16xi32>
      %broadcast_in_dim3A_660 = arith.constant 5 : i32
      %broadcast_in_dim3A_661 = vector.broadcast %broadcast_in_dim3A_660 : i32 to vector<16xi32>
      %gather3A_662 = tpu.vector_load_idx %arg12[%shift_right_logical3A_591, %broadcast_in_dim3A_659, %broadcast_in_dim3A_661, %add3A_603] : memref<8x2x8x128xf32, #tpu.memory_space<vmem>>[vector<16xi32>, vector<16xi32>, vector<16xi32>, vector<16xi32>], vector<16xf32>,
      %gather3A_663 = tpu.vector_load_idx %arg13[%shift_right_logical3A_591, %broadcast_in_dim3A_659, %broadcast_in_dim3A_661, %add3A_609] : memref<8x2x8x128xf32, #tpu.memory_space<vmem>>[vector<16xi32>, vector<16xi32>, vector<16xi32>, vector<16xi32>], vector<16xf32>,
      %mul3A_664 = arith.mulf %gather3A_662, %gather3A_663 : vector<16xf32>
      %add3A_665 = arith.addf %add3A_657, %mul3A_664 : vector<16xf32>
      %broadcast_in_dim3A_666 = arith.constant 0 : i32
      %broadcast_in_dim3A_667 = vector.broadcast %broadcast_in_dim3A_666 : i32 to vector<16xi32>
      %broadcast_in_dim3A_668 = arith.constant 6 : i32
      %broadcast_in_dim3A_669 = vector.broadcast %broadcast_in_dim3A_668 : i32 to vector<16xi32>
      %gather3A_670 = tpu.vector_load_idx %arg12[%shift_right_logical3A_591, %broadcast_in_dim3A_667, %broadcast_in_dim3A_669, %add3A_603] : memref<8x2x8x128xf32, #tpu.memory_space<vmem>>[vector<16xi32>, vector<16xi32>, vector<16xi32>, vector<16xi32>], vector<16xf32>,
      %gather3A_671 = tpu.vector_load_idx %arg13[%shift_right_logical3A_591, %broadcast_in_dim3A_667, %broadcast_in_dim3A_669, %add3A_609] : memref<8x2x8x128xf32, #tpu.memory_space<vmem>>[vector<16xi32>, vector<16xi32>, vector<16xi32>, vector<16xi32>], vector<16xf32>,
      %mul3A_672 = arith.mulf %gather3A_670, %gather3A_671 : vector<16xf32>
      %add3A_673 = arith.addf %add3A_665, %mul3A_672 : vector<16xf32>
      %broadcast_in_dim3A_674 = arith.constant 0 : i32
      %broadcast_in_dim3A_675 = vector.broadcast %broadcast_in_dim3A_674 : i32 to vector<16xi32>
      %broadcast_in_dim3A_676 = arith.constant 7 : i32
      %broadcast_in_dim3A_677 = vector.broadcast %broadcast_in_dim3A_676 : i32 to vector<16xi32>
      %gather3A_678 = tpu.vector_load_idx %arg12[%shift_right_logical3A_591, %broadcast_in_dim3A_675, %broadcast_in_dim3A_677, %add3A_603] : memref<8x2x8x128xf32, #tpu.memory_space<vmem>>[vector<16xi32>, vector<16xi32>, vector<16xi32>, vector<16xi32>], vector<16xf32>,
      %gather3A_679 = tpu.vector_load_idx %arg13[%shift_right_logical3A_591, %broadcast_in_dim3A_675, %broadcast_in_dim3A_677, %add3A_609] : memref<8x2x8x128xf32, #tpu.memory_space<vmem>>[vector<16xi32>, vector<16xi32>, vector<16xi32>, vector<16xi32>], vector<16xf32>,
      %mul3A_680 = arith.mulf %gather3A_678, %gather3A_679 : vector<16xf32>
      %add3A_681 = arith.addf %add3A_673, %mul3A_680 : vector<16xf32>
      %broadcast_in_dim3A_682 = arith.constant 1 : i32
      %broadcast_in_dim3A_683 = vector.broadcast %broadcast_in_dim3A_682 : i32 to vector<16xi32>
      %broadcast_in_dim3A_684 = arith.constant 0 : i32
      %broadcast_in_dim3A_685 = vector.broadcast %broadcast_in_dim3A_684 : i32 to vector<16xi32>
      %gather3A_686 = tpu.vector_load_idx %arg12[%shift_right_logical3A_591, %broadcast_in_dim3A_683, %broadcast_in_dim3A_685, %add3A_603] : memref<8x2x8x128xf32, #tpu.memory_space<vmem>>[vector<16xi32>, vector<16xi32>, vector<16xi32>, vector<16xi32>], vector<16xf32>,
      %gather3A_687 = tpu.vector_load_idx %arg13[%shift_right_logical3A_591, %broadcast_in_dim3A_683, %broadcast_in_dim3A_685, %add3A_609] : memref<8x2x8x128xf32, #tpu.memory_space<vmem>>[vector<16xi32>, vector<16xi32>, vector<16xi32>, vector<16xi32>], vector<16xf32>,
      %mul3A_688 = arith.mulf %gather3A_686, %gather3A_687 : vector<16xf32>
      %add3A_689 = arith.addf %add3A_681, %mul3A_688 : vector<16xf32>
      %broadcast_in_dim3A_690 = arith.constant 1 : i32
      %broadcast_in_dim3A_691 = vector.broadcast %broadcast_in_dim3A_690 : i32 to vector<16xi32>
      %broadcast_in_dim3A_692 = arith.constant 1 : i32
      %broadcast_in_dim3A_693 = vector.broadcast %broadcast_in_dim3A_692 : i32 to vector<16xi32>
      %gather3A_694 = tpu.vector_load_idx %arg12[%shift_right_logical3A_591, %broadcast_in_dim3A_691, %broadcast_in_dim3A_693, %add3A_603] : memref<8x2x8x128xf32, #tpu.memory_space<vmem>>[vector<16xi32>, vector<16xi32>, vector<16xi32>, vector<16xi32>], vector<16xf32>,
      %gather3A_695 = tpu.vector_load_idx %arg13[%shift_right_logical3A_591, %broadcast_in_dim3A_691, %broadcast_in_dim3A_693, %add3A_609] : memref<8x2x8x128xf32, #tpu.memory_space<vmem>>[vector<16xi32>, vector<16xi32>, vector<16xi32>, vector<16xi32>], vector<16xf32>,
      %mul3A_696 = arith.mulf %gather3A_694, %gather3A_695 : vector<16xf32>
      %add3A_697 = arith.addf %add3A_689, %mul3A_696 : vector<16xf32>
      %broadcast_in_dim3A_698 = arith.constant 1 : i32
      %broadcast_in_dim3A_699 = vector.broadcast %broadcast_in_dim3A_698 : i32 to vector<16xi32>
      %broadcast_in_dim3A_700 = arith.constant 2 : i32
      %broadcast_in_dim3A_701 = vector.broadcast %broadcast_in_dim3A_700 : i32 to vector<16xi32>
      %gather3A_702 = tpu.vector_load_idx %arg12[%shift_right_logical3A_591, %broadcast_in_dim3A_699, %broadcast_in_dim3A_701, %add3A_603] : memref<8x2x8x128xf32, #tpu.memory_space<vmem>>[vector<16xi32>, vector<16xi32>, vector<16xi32>, vector<16xi32>], vector<16xf32>,
      %gather3A_703 = tpu.vector_load_idx %arg13[%shift_right_logical3A_591, %broadcast_in_dim3A_699, %broadcast_in_dim3A_701, %add3A_609] : memref<8x2x8x128xf32, #tpu.memory_space<vmem>>[vector<16xi32>, vector<16xi32>, vector<16xi32>, vector<16xi32>], vector<16xf32>,
      %mul3A_704 = arith.mulf %gather3A_702, %gather3A_703 : vector<16xf32>
      %add3A_705 = arith.addf %add3A_697, %mul3A_704 : vector<16xf32>
      %broadcast_in_dim3A_706 = arith.constant 1 : i32
      %broadcast_in_dim3A_707 = vector.broadcast %broadcast_in_dim3A_706 : i32 to vector<16xi32>
      %broadcast_in_dim3A_708 = arith.constant 3 : i32
      %broadcast_in_dim3A_709 = vector.broadcast %broadcast_in_dim3A_708 : i32 to vector<16xi32>
      %gather3A_710 = tpu.vector_load_idx %arg12[%shift_right_logical3A_591, %broadcast_in_dim3A_707, %broadcast_in_dim3A_709, %add3A_603] : memref<8x2x8x128xf32, #tpu.memory_space<vmem>>[vector<16xi32>, vector<16xi32>, vector<16xi32>, vector<16xi32>], vector<16xf32>,
      %gather3A_711 = tpu.vector_load_idx %arg13[%shift_right_logical3A_591, %broadcast_in_dim3A_707, %broadcast_in_dim3A_709, %add3A_609] : memref<8x2x8x128xf32, #tpu.memory_space<vmem>>[vector<16xi32>, vector<16xi32>, vector<16xi32>, vector<16xi32>], vector<16xf32>,
      %mul3A_712 = arith.mulf %gather3A_710, %gather3A_711 : vector<16xf32>
      %add3A_713 = arith.addf %add3A_705, %mul3A_712 : vector<16xf32>
      %broadcast_in_dim3A_714 = arith.constant 1 : i32
      %broadcast_in_dim3A_715 = vector.broadcast %broadcast_in_dim3A_714 : i32 to vector<16xi32>
      %broadcast_in_dim3A_716 = arith.constant 4 : i32
      %broadcast_in_dim3A_717 = vector.broadcast %broadcast_in_dim3A_716 : i32 to vector<16xi32>
      %gather3A_718 = tpu.vector_load_idx %arg12[%shift_right_logical3A_591, %broadcast_in_dim3A_715, %broadcast_in_dim3A_717, %add3A_603] : memref<8x2x8x128xf32, #tpu.memory_space<vmem>>[vector<16xi32>, vector<16xi32>, vector<16xi32>, vector<16xi32>], vector<16xf32>,
      %gather3A_719 = tpu.vector_load_idx %arg13[%shift_right_logical3A_591, %broadcast_in_dim3A_715, %broadcast_in_dim3A_717, %add3A_609] : memref<8x2x8x128xf32, #tpu.memory_space<vmem>>[vector<16xi32>, vector<16xi32>, vector<16xi32>, vector<16xi32>], vector<16xf32>,
      %mul3A_720 = arith.mulf %gather3A_718, %gather3A_719 : vector<16xf32>
      %add3A_721 = arith.addf %add3A_713, %mul3A_720 : vector<16xf32>
      %broadcast_in_dim3A_722 = arith.constant 1 : i32
      %broadcast_in_dim3A_723 = vector.broadcast %broadcast_in_dim3A_722 : i32 to vector<16xi32>
      %broadcast_in_dim3A_724 = arith.constant 5 : i32
      %broadcast_in_dim3A_725 = vector.broadcast %broadcast_in_dim3A_724 : i32 to vector<16xi32>
      %gather3A_726 = tpu.vector_load_idx %arg12[%shift_right_logical3A_591, %broadcast_in_dim3A_723, %broadcast_in_dim3A_725, %add3A_603] : memref<8x2x8x128xf32, #tpu.memory_space<vmem>>[vector<16xi32>, vector<16xi32>, vector<16xi32>, vector<16xi32>], vector<16xf32>,
      %gather3A_727 = tpu.vector_load_idx %arg13[%shift_right_logical3A_591, %broadcast_in_dim3A_723, %broadcast_in_dim3A_725, %add3A_609] : memref<8x2x8x128xf32, #tpu.memory_space<vmem>>[vector<16xi32>, vector<16xi32>, vector<16xi32>, vector<16xi32>], vector<16xf32>,
      %mul3A_728 = arith.mulf %gather3A_726, %gather3A_727 : vector<16xf32>
      %add3A_729 = arith.addf %add3A_721, %mul3A_728 : vector<16xf32>
      %broadcast_in_dim3A_730 = arith.constant 1 : i32
      %broadcast_in_dim3A_731 = vector.broadcast %broadcast_in_dim3A_730 : i32 to vector<16xi32>
      %broadcast_in_dim3A_732 = arith.constant 6 : i32
      %broadcast_in_dim3A_733 = vector.broadcast %broadcast_in_dim3A_732 : i32 to vector<16xi32>
      %gather3A_734 = tpu.vector_load_idx %arg12[%shift_right_logical3A_591, %broadcast_in_dim3A_731, %broadcast_in_dim3A_733, %add3A_603] : memref<8x2x8x128xf32, #tpu.memory_space<vmem>>[vector<16xi32>, vector<16xi32>, vector<16xi32>, vector<16xi32>], vector<16xf32>,
      %gather3A_735 = tpu.vector_load_idx %arg13[%shift_right_logical3A_591, %broadcast_in_dim3A_731, %broadcast_in_dim3A_733, %add3A_609] : memref<8x2x8x128xf32, #tpu.memory_space<vmem>>[vector<16xi32>, vector<16xi32>, vector<16xi32>, vector<16xi32>], vector<16xf32>,
      %mul3A_736 = arith.mulf %gather3A_734, %gather3A_735 : vector<16xf32>
      %add3A_737 = arith.addf %add3A_729, %mul3A_736 : vector<16xf32>
      %broadcast_in_dim3A_738 = arith.constant 1 : i32
      %broadcast_in_dim3A_739 = vector.broadcast %broadcast_in_dim3A_738 : i32 to vector<16xi32>
      %broadcast_in_dim3A_740 = arith.constant 7 : i32
      %broadcast_in_dim3A_741 = vector.broadcast %broadcast_in_dim3A_740 : i32 to vector<16xi32>
      %gather3A_742 = tpu.vector_load_idx %arg12[%shift_right_logical3A_591, %broadcast_in_dim3A_739, %broadcast_in_dim3A_741, %add3A_603] : memref<8x2x8x128xf32, #tpu.memory_space<vmem>>[vector<16xi32>, vector<16xi32>, vector<16xi32>, vector<16xi32>], vector<16xf32>,
      %gather3A_743 = tpu.vector_load_idx %arg13[%shift_right_logical3A_591, %broadcast_in_dim3A_739, %broadcast_in_dim3A_741, %add3A_609] : memref<8x2x8x128xf32, #tpu.memory_space<vmem>>[vector<16xi32>, vector<16xi32>, vector<16xi32>, vector<16xi32>], vector<16xf32>,
      %mul3A_744 = arith.mulf %gather3A_742, %gather3A_743 : vector<16xf32>
      %add3A_745 = arith.addf %add3A_737, %mul3A_744 : vector<16xf32>
      %swap3A_746 = arith.index_cast %add3A_585 : i32 to index
      %swap3A_747 = tpu.vector_load %arg18[%swap3A_746] {strides = array<i32>} : memref<512xf32, #tpu.memory_space<vmem>>, vector<16xf32>,
      tpu.vector_store %arg18[%swap3A_746], %add3A_745 {strides = array<i32>} : memref<512xf32, #tpu.memory_space<vmem>>, vector<16xf32>,
      %mul3A_748 = arith.constant 64 : i32
      %mul3A_749 = arith.muli %scan3A_109, %mul3A_748 : i32
      %add3A_750 = arith.constant 32 : i32
      %add3A_751 = arith.addi %mul3A_749, %add3A_750 : i32
      %add3A_752 = arith.constant 32 : i32
      %add3A_753 = vector.broadcast %add3A_752 : i32 to vector<16xi32>
      %add3A_754 = arith.addi %add3A_753, %iota3A_56 : vector<16xi32>
      %shift_right_logical3A_755 = arith.constant 3 : i32
      %shift_right_logical3A_756 = vector.broadcast %shift_right_logical3A_755 : i32 to vector<16xi32>
      %shift_right_logical3A_757 = arith.shrui %add3A_754, %shift_right_logical3A_756 : vector<16xi32>
      %and3A_758 = arith.constant 7 : i32
      %and3A_759 = vector.broadcast %and3A_758 : i32 to vector<16xi32>
      %and3A_760 = arith.andi %add3A_754, %and3A_759 : vector<16xi32>
      %mul3A_761 = arith.constant 16 : i32
      %mul3A_762 = vector.broadcast %mul3A_761 : i32 to vector<16xi32>
      %mul3A_763 = arith.muli %and3A_760, %mul3A_762 : vector<16xi32>
      %get3A_764 = arith.index_cast %add3A_751 : i32 to index
      %get3A_765 = tpu.vector_load %arg10[%get3A_764] {strides = array<i32>} : memref<512xi32, #tpu.memory_space<vmem>>, vector<16xi32>,
      %and3A_766 = arith.constant 15 : i32
      %and3A_767 = vector.broadcast %and3A_766 : i32 to vector<16xi32>
      %and3A_768 = arith.andi %get3A_765, %and3A_767 : vector<16xi32>
      %add3A_769 = arith.addi %mul3A_763, %and3A_768 : vector<16xi32>
      %get3A_770 = arith.index_cast %add3A_751 : i32 to index
      %get3A_771 = tpu.vector_load %arg11[%get3A_770] {strides = array<i32>} : memref<512xi32, #tpu.memory_space<vmem>>, vector<16xi32>,
      %and3A_772 = arith.constant 15 : i32
      %and3A_773 = vector.broadcast %and3A_772 : i32 to vector<16xi32>
      %and3A_774 = arith.andi %get3A_771, %and3A_773 : vector<16xi32>
      %add3A_775 = arith.addi %mul3A_763, %and3A_774 : vector<16xi32>
      %get3A_776 = arith.index_cast %add3A_751 : i32 to index
      %get3A_777 = tpu.vector_load %arg16[%get3A_776] {strides = array<i32>} : memref<512xf32, #tpu.memory_space<vmem>>, vector<16xf32>,
      %get3A_778 = arith.index_cast %add3A_751 : i32 to index
      %get3A_779 = tpu.vector_load %arg17[%get3A_778] {strides = array<i32>} : memref<512xf32, #tpu.memory_space<vmem>>, vector<16xf32>,
      %add3A_780 = arith.addf %get3A_777, %get3A_779 : vector<16xf32>
      %get3A_781 = arith.constant 0 : index
      %get3A_782 = tpu.vector_load %arg19[%get3A_781] {strides = array<i32>} : memref<16xf32, #tpu.memory_space<vmem>>, vector<16xf32>,
      %add3A_783 = arith.addf %add3A_780, %get3A_782 : vector<16xf32>
      %broadcast_in_dim3A_784 = arith.constant 0 : i32
      %broadcast_in_dim3A_785 = vector.broadcast %broadcast_in_dim3A_784 : i32 to vector<16xi32>
      %broadcast_in_dim3A_786 = arith.constant 0 : i32
      %broadcast_in_dim3A_787 = vector.broadcast %broadcast_in_dim3A_786 : i32 to vector<16xi32>
      %gather3A_788 = tpu.vector_load_idx %arg12[%shift_right_logical3A_757, %broadcast_in_dim3A_785, %broadcast_in_dim3A_787, %add3A_769] : memref<8x2x8x128xf32, #tpu.memory_space<vmem>>[vector<16xi32>, vector<16xi32>, vector<16xi32>, vector<16xi32>], vector<16xf32>,
      %gather3A_789 = tpu.vector_load_idx %arg13[%shift_right_logical3A_757, %broadcast_in_dim3A_785, %broadcast_in_dim3A_787, %add3A_775] : memref<8x2x8x128xf32, #tpu.memory_space<vmem>>[vector<16xi32>, vector<16xi32>, vector<16xi32>, vector<16xi32>], vector<16xf32>,
      %mul3A_790 = arith.mulf %gather3A_788, %gather3A_789 : vector<16xf32>
      %add3A_791 = arith.addf %add3A_783, %mul3A_790 : vector<16xf32>
      %broadcast_in_dim3A_792 = arith.constant 0 : i32
      %broadcast_in_dim3A_793 = vector.broadcast %broadcast_in_dim3A_792 : i32 to vector<16xi32>
      %broadcast_in_dim3A_794 = arith.constant 1 : i32
      %broadcast_in_dim3A_795 = vector.broadcast %broadcast_in_dim3A_794 : i32 to vector<16xi32>
      %gather3A_796 = tpu.vector_load_idx %arg12[%shift_right_logical3A_757, %broadcast_in_dim3A_793, %broadcast_in_dim3A_795, %add3A_769] : memref<8x2x8x128xf32, #tpu.memory_space<vmem>>[vector<16xi32>, vector<16xi32>, vector<16xi32>, vector<16xi32>], vector<16xf32>,
      %gather3A_797 = tpu.vector_load_idx %arg13[%shift_right_logical3A_757, %broadcast_in_dim3A_793, %broadcast_in_dim3A_795, %add3A_775] : memref<8x2x8x128xf32, #tpu.memory_space<vmem>>[vector<16xi32>, vector<16xi32>, vector<16xi32>, vector<16xi32>], vector<16xf32>,
      %mul3A_798 = arith.mulf %gather3A_796, %gather3A_797 : vector<16xf32>
      %add3A_799 = arith.addf %add3A_791, %mul3A_798 : vector<16xf32>
      %broadcast_in_dim3A_800 = arith.constant 0 : i32
      %broadcast_in_dim3A_801 = vector.broadcast %broadcast_in_dim3A_800 : i32 to vector<16xi32>
      %broadcast_in_dim3A_802 = arith.constant 2 : i32
      %broadcast_in_dim3A_803 = vector.broadcast %broadcast_in_dim3A_802 : i32 to vector<16xi32>
      %gather3A_804 = tpu.vector_load_idx %arg12[%shift_right_logical3A_757, %broadcast_in_dim3A_801, %broadcast_in_dim3A_803, %add3A_769] : memref<8x2x8x128xf32, #tpu.memory_space<vmem>>[vector<16xi32>, vector<16xi32>, vector<16xi32>, vector<16xi32>], vector<16xf32>,
      %gather3A_805 = tpu.vector_load_idx %arg13[%shift_right_logical3A_757, %broadcast_in_dim3A_801, %broadcast_in_dim3A_803, %add3A_775] : memref<8x2x8x128xf32, #tpu.memory_space<vmem>>[vector<16xi32>, vector<16xi32>, vector<16xi32>, vector<16xi32>], vector<16xf32>,
      %mul3A_806 = arith.mulf %gather3A_804, %gather3A_805 : vector<16xf32>
      %add3A_807 = arith.addf %add3A_799, %mul3A_806 : vector<16xf32>
      %broadcast_in_dim3A_808 = arith.constant 0 : i32
      %broadcast_in_dim3A_809 = vector.broadcast %broadcast_in_dim3A_808 : i32 to vector<16xi32>
      %broadcast_in_dim3A_810 = arith.constant 3 : i32
      %broadcast_in_dim3A_811 = vector.broadcast %broadcast_in_dim3A_810 : i32 to vector<16xi32>
      %gather3A_812 = tpu.vector_load_idx %arg12[%shift_right_logical3A_757, %broadcast_in_dim3A_809, %broadcast_in_dim3A_811, %add3A_769] : memref<8x2x8x128xf32, #tpu.memory_space<vmem>>[vector<16xi32>, vector<16xi32>, vector<16xi32>, vector<16xi32>], vector<16xf32>,
      %gather3A_813 = tpu.vector_load_idx %arg13[%shift_right_logical3A_757, %broadcast_in_dim3A_809, %broadcast_in_dim3A_811, %add3A_775] : memref<8x2x8x128xf32, #tpu.memory_space<vmem>>[vector<16xi32>, vector<16xi32>, vector<16xi32>, vector<16xi32>], vector<16xf32>,
      %mul3A_814 = arith.mulf %gather3A_812, %gather3A_813 : vector<16xf32>
      %add3A_815 = arith.addf %add3A_807, %mul3A_814 : vector<16xf32>
      %broadcast_in_dim3A_816 = arith.constant 0 : i32
      %broadcast_in_dim3A_817 = vector.broadcast %broadcast_in_dim3A_816 : i32 to vector<16xi32>
      %broadcast_in_dim3A_818 = arith.constant 4 : i32
      %broadcast_in_dim3A_819 = vector.broadcast %broadcast_in_dim3A_818 : i32 to vector<16xi32>
      %gather3A_820 = tpu.vector_load_idx %arg12[%shift_right_logical3A_757, %broadcast_in_dim3A_817, %broadcast_in_dim3A_819, %add3A_769] : memref<8x2x8x128xf32, #tpu.memory_space<vmem>>[vector<16xi32>, vector<16xi32>, vector<16xi32>, vector<16xi32>], vector<16xf32>,
      %gather3A_821 = tpu.vector_load_idx %arg13[%shift_right_logical3A_757, %broadcast_in_dim3A_817, %broadcast_in_dim3A_819, %add3A_775] : memref<8x2x8x128xf32, #tpu.memory_space<vmem>>[vector<16xi32>, vector<16xi32>, vector<16xi32>, vector<16xi32>], vector<16xf32>,
      %mul3A_822 = arith.mulf %gather3A_820, %gather3A_821 : vector<16xf32>
      %add3A_823 = arith.addf %add3A_815, %mul3A_822 : vector<16xf32>
      %broadcast_in_dim3A_824 = arith.constant 0 : i32
      %broadcast_in_dim3A_825 = vector.broadcast %broadcast_in_dim3A_824 : i32 to vector<16xi32>
      %broadcast_in_dim3A_826 = arith.constant 5 : i32
      %broadcast_in_dim3A_827 = vector.broadcast %broadcast_in_dim3A_826 : i32 to vector<16xi32>
      %gather3A_828 = tpu.vector_load_idx %arg12[%shift_right_logical3A_757, %broadcast_in_dim3A_825, %broadcast_in_dim3A_827, %add3A_769] : memref<8x2x8x128xf32, #tpu.memory_space<vmem>>[vector<16xi32>, vector<16xi32>, vector<16xi32>, vector<16xi32>], vector<16xf32>,
      %gather3A_829 = tpu.vector_load_idx %arg13[%shift_right_logical3A_757, %broadcast_in_dim3A_825, %broadcast_in_dim3A_827, %add3A_775] : memref<8x2x8x128xf32, #tpu.memory_space<vmem>>[vector<16xi32>, vector<16xi32>, vector<16xi32>, vector<16xi32>], vector<16xf32>,
      %mul3A_830 = arith.mulf %gather3A_828, %gather3A_829 : vector<16xf32>
      %add3A_831 = arith.addf %add3A_823, %mul3A_830 : vector<16xf32>
      %broadcast_in_dim3A_832 = arith.constant 0 : i32
      %broadcast_in_dim3A_833 = vector.broadcast %broadcast_in_dim3A_832 : i32 to vector<16xi32>
      %broadcast_in_dim3A_834 = arith.constant 6 : i32
      %broadcast_in_dim3A_835 = vector.broadcast %broadcast_in_dim3A_834 : i32 to vector<16xi32>
      %gather3A_836 = tpu.vector_load_idx %arg12[%shift_right_logical3A_757, %broadcast_in_dim3A_833, %broadcast_in_dim3A_835, %add3A_769] : memref<8x2x8x128xf32, #tpu.memory_space<vmem>>[vector<16xi32>, vector<16xi32>, vector<16xi32>, vector<16xi32>], vector<16xf32>,
      %gather3A_837 = tpu.vector_load_idx %arg13[%shift_right_logical3A_757, %broadcast_in_dim3A_833, %broadcast_in_dim3A_835, %add3A_775] : memref<8x2x8x128xf32, #tpu.memory_space<vmem>>[vector<16xi32>, vector<16xi32>, vector<16xi32>, vector<16xi32>], vector<16xf32>,
      %mul3A_838 = arith.mulf %gather3A_836, %gather3A_837 : vector<16xf32>
      %add3A_839 = arith.addf %add3A_831, %mul3A_838 : vector<16xf32>
      %broadcast_in_dim3A_840 = arith.constant 0 : i32
      %broadcast_in_dim3A_841 = vector.broadcast %broadcast_in_dim3A_840 : i32 to vector<16xi32>
      %broadcast_in_dim3A_842 = arith.constant 7 : i32
      %broadcast_in_dim3A_843 = vector.broadcast %broadcast_in_dim3A_842 : i32 to vector<16xi32>
      %gather3A_844 = tpu.vector_load_idx %arg12[%shift_right_logical3A_757, %broadcast_in_dim3A_841, %broadcast_in_dim3A_843, %add3A_769] : memref<8x2x8x128xf32, #tpu.memory_space<vmem>>[vector<16xi32>, vector<16xi32>, vector<16xi32>, vector<16xi32>], vector<16xf32>,
      %gather3A_845 = tpu.vector_load_idx %arg13[%shift_right_logical3A_757, %broadcast_in_dim3A_841, %broadcast_in_dim3A_843, %add3A_775] : memref<8x2x8x128xf32, #tpu.memory_space<vmem>>[vector<16xi32>, vector<16xi32>, vector<16xi32>, vector<16xi32>], vector<16xf32>,
      %mul3A_846 = arith.mulf %gather3A_844, %gather3A_845 : vector<16xf32>
      %add3A_847 = arith.addf %add3A_839, %mul3A_846 : vector<16xf32>
      %broadcast_in_dim3A_848 = arith.constant 1 : i32
      %broadcast_in_dim3A_849 = vector.broadcast %broadcast_in_dim3A_848 : i32 to vector<16xi32>
      %broadcast_in_dim3A_850 = arith.constant 0 : i32
      %broadcast_in_dim3A_851 = vector.broadcast %broadcast_in_dim3A_850 : i32 to vector<16xi32>
      %gather3A_852 = tpu.vector_load_idx %arg12[%shift_right_logical3A_757, %broadcast_in_dim3A_849, %broadcast_in_dim3A_851, %add3A_769] : memref<8x2x8x128xf32, #tpu.memory_space<vmem>>[vector<16xi32>, vector<16xi32>, vector<16xi32>, vector<16xi32>], vector<16xf32>,
      %gather3A_853 = tpu.vector_load_idx %arg13[%shift_right_logical3A_757, %broadcast_in_dim3A_849, %broadcast_in_dim3A_851, %add3A_775] : memref<8x2x8x128xf32, #tpu.memory_space<vmem>>[vector<16xi32>, vector<16xi32>, vector<16xi32>, vector<16xi32>], vector<16xf32>,
      %mul3A_854 = arith.mulf %gather3A_852, %gather3A_853 : vector<16xf32>
      %add3A_855 = arith.addf %add3A_847, %mul3A_854 : vector<16xf32>
      %broadcast_in_dim3A_856 = arith.constant 1 : i32
      %broadcast_in_dim3A_857 = vector.broadcast %broadcast_in_dim3A_856 : i32 to vector<16xi32>
      %broadcast_in_dim3A_858 = arith.constant 1 : i32
      %broadcast_in_dim3A_859 = vector.broadcast %broadcast_in_dim3A_858 : i32 to vector<16xi32>
      %gather3A_860 = tpu.vector_load_idx %arg12[%shift_right_logical3A_757, %broadcast_in_dim3A_857, %broadcast_in_dim3A_859, %add3A_769] : memref<8x2x8x128xf32, #tpu.memory_space<vmem>>[vector<16xi32>, vector<16xi32>, vector<16xi32>, vector<16xi32>], vector<16xf32>,
      %gather3A_861 = tpu.vector_load_idx %arg13[%shift_right_logical3A_757, %broadcast_in_dim3A_857, %broadcast_in_dim3A_859, %add3A_775] : memref<8x2x8x128xf32, #tpu.memory_space<vmem>>[vector<16xi32>, vector<16xi32>, vector<16xi32>, vector<16xi32>], vector<16xf32>,
      %mul3A_862 = arith.mulf %gather3A_860, %gather3A_861 : vector<16xf32>
      %add3A_863 = arith.addf %add3A_855, %mul3A_862 : vector<16xf32>
      %broadcast_in_dim3A_864 = arith.constant 1 : i32
      %broadcast_in_dim3A_865 = vector.broadcast %broadcast_in_dim3A_864 : i32 to vector<16xi32>
      %broadcast_in_dim3A_866 = arith.constant 2 : i32
      %broadcast_in_dim3A_867 = vector.broadcast %broadcast_in_dim3A_866 : i32 to vector<16xi32>
      %gather3A_868 = tpu.vector_load_idx %arg12[%shift_right_logical3A_757, %broadcast_in_dim3A_865, %broadcast_in_dim3A_867, %add3A_769] : memref<8x2x8x128xf32, #tpu.memory_space<vmem>>[vector<16xi32>, vector<16xi32>, vector<16xi32>, vector<16xi32>], vector<16xf32>,
      %gather3A_869 = tpu.vector_load_idx %arg13[%shift_right_logical3A_757, %broadcast_in_dim3A_865, %broadcast_in_dim3A_867, %add3A_775] : memref<8x2x8x128xf32, #tpu.memory_space<vmem>>[vector<16xi32>, vector<16xi32>, vector<16xi32>, vector<16xi32>], vector<16xf32>,
      %mul3A_870 = arith.mulf %gather3A_868, %gather3A_869 : vector<16xf32>
      %add3A_871 = arith.addf %add3A_863, %mul3A_870 : vector<16xf32>
      %broadcast_in_dim3A_872 = arith.constant 1 : i32
      %broadcast_in_dim3A_873 = vector.broadcast %broadcast_in_dim3A_872 : i32 to vector<16xi32>
      %broadcast_in_dim3A_874 = arith.constant 3 : i32
      %broadcast_in_dim3A_875 = vector.broadcast %broadcast_in_dim3A_874 : i32 to vector<16xi32>
      %gather3A_876 = tpu.vector_load_idx %arg12[%shift_right_logical3A_757, %broadcast_in_dim3A_873, %broadcast_in_dim3A_875, %add3A_769] : memref<8x2x8x128xf32, #tpu.memory_space<vmem>>[vector<16xi32>, vector<16xi32>, vector<16xi32>, vector<16xi32>], vector<16xf32>,
      %gather3A_877 = tpu.vector_load_idx %arg13[%shift_right_logical3A_757, %broadcast_in_dim3A_873, %broadcast_in_dim3A_875, %add3A_775] : memref<8x2x8x128xf32, #tpu.memory_space<vmem>>[vector<16xi32>, vector<16xi32>, vector<16xi32>, vector<16xi32>], vector<16xf32>,
      %mul3A_878 = arith.mulf %gather3A_876, %gather3A_877 : vector<16xf32>
      %add3A_879 = arith.addf %add3A_871, %mul3A_878 : vector<16xf32>
      %broadcast_in_dim3A_880 = arith.constant 1 : i32
      %broadcast_in_dim3A_881 = vector.broadcast %broadcast_in_dim3A_880 : i32 to vector<16xi32>
      %broadcast_in_dim3A_882 = arith.constant 4 : i32
      %broadcast_in_dim3A_883 = vector.broadcast %broadcast_in_dim3A_882 : i32 to vector<16xi32>
      %gather3A_884 = tpu.vector_load_idx %arg12[%shift_right_logical3A_757, %broadcast_in_dim3A_881, %broadcast_in_dim3A_883, %add3A_769] : memref<8x2x8x128xf32, #tpu.memory_space<vmem>>[vector<16xi32>, vector<16xi32>, vector<16xi32>, vector<16xi32>], vector<16xf32>,
      %gather3A_885 = tpu.vector_load_idx %arg13[%shift_right_logical3A_757, %broadcast_in_dim3A_881, %broadcast_in_dim3A_883, %add3A_775] : memref<8x2x8x128xf32, #tpu.memory_space<vmem>>[vector<16xi32>, vector<16xi32>, vector<16xi32>, vector<16xi32>], vector<16xf32>,
      %mul3A_886 = arith.mulf %gather3A_884, %gather3A_885 : vector<16xf32>
      %add3A_887 = arith.addf %add3A_879, %mul3A_886 : vector<16xf32>
      %broadcast_in_dim3A_888 = arith.constant 1 : i32
      %broadcast_in_dim3A_889 = vector.broadcast %broadcast_in_dim3A_888 : i32 to vector<16xi32>
      %broadcast_in_dim3A_890 = arith.constant 5 : i32
      %broadcast_in_dim3A_891 = vector.broadcast %broadcast_in_dim3A_890 : i32 to vector<16xi32>
      %gather3A_892 = tpu.vector_load_idx %arg12[%shift_right_logical3A_757, %broadcast_in_dim3A_889, %broadcast_in_dim3A_891, %add3A_769] : memref<8x2x8x128xf32, #tpu.memory_space<vmem>>[vector<16xi32>, vector<16xi32>, vector<16xi32>, vector<16xi32>], vector<16xf32>,
      %gather3A_893 = tpu.vector_load_idx %arg13[%shift_right_logical3A_757, %broadcast_in_dim3A_889, %broadcast_in_dim3A_891, %add3A_775] : memref<8x2x8x128xf32, #tpu.memory_space<vmem>>[vector<16xi32>, vector<16xi32>, vector<16xi32>, vector<16xi32>], vector<16xf32>,
      %mul3A_894 = arith.mulf %gather3A_892, %gather3A_893 : vector<16xf32>
      %add3A_895 = arith.addf %add3A_887, %mul3A_894 : vector<16xf32>
      %broadcast_in_dim3A_896 = arith.constant 1 : i32
      %broadcast_in_dim3A_897 = vector.broadcast %broadcast_in_dim3A_896 : i32 to vector<16xi32>
      %broadcast_in_dim3A_898 = arith.constant 6 : i32
      %broadcast_in_dim3A_899 = vector.broadcast %broadcast_in_dim3A_898 : i32 to vector<16xi32>
      %gather3A_900 = tpu.vector_load_idx %arg12[%shift_right_logical3A_757, %broadcast_in_dim3A_897, %broadcast_in_dim3A_899, %add3A_769] : memref<8x2x8x128xf32, #tpu.memory_space<vmem>>[vector<16xi32>, vector<16xi32>, vector<16xi32>, vector<16xi32>], vector<16xf32>,
      %gather3A_901 = tpu.vector_load_idx %arg13[%shift_right_logical3A_757, %broadcast_in_dim3A_897, %broadcast_in_dim3A_899, %add3A_775] : memref<8x2x8x128xf32, #tpu.memory_space<vmem>>[vector<16xi32>, vector<16xi32>, vector<16xi32>, vector<16xi32>], vector<16xf32>,
      %mul3A_902 = arith.mulf %gather3A_900, %gather3A_901 : vector<16xf32>
      %add3A_903 = arith.addf %add3A_895, %mul3A_902 : vector<16xf32>
      %broadcast_in_dim3A_904 = arith.constant 1 : i32
      %broadcast_in_dim3A_905 = vector.broadcast %broadcast_in_dim3A_904 : i32 to vector<16xi32>
      %broadcast_in_dim3A_906 = arith.constant 7 : i32
      %broadcast_in_dim3A_907 = vector.broadcast %broadcast_in_dim3A_906 : i32 to vector<16xi32>
      %gather3A_908 = tpu.vector_load_idx %arg12[%shift_right_logical3A_757, %broadcast_in_dim3A_905, %broadcast_in_dim3A_907, %add3A_769] : memref<8x2x8x128xf32, #tpu.memory_space<vmem>>[vector<16xi32>, vector<16xi32>, vector<16xi32>, vector<16xi32>], vector<16xf32>,
      %gather3A_909 = tpu.vector_load_idx %arg13[%shift_right_logical3A_757, %broadcast_in_dim3A_905, %broadcast_in_dim3A_907, %add3A_775] : memref<8x2x8x128xf32, #tpu.memory_space<vmem>>[vector<16xi32>, vector<16xi32>, vector<16xi32>, vector<16xi32>], vector<16xf32>,
      %mul3A_910 = arith.mulf %gather3A_908, %gather3A_909 : vector<16xf32>
      %add3A_911 = arith.addf %add3A_903, %mul3A_910 : vector<16xf32>
      %swap3A_912 = arith.index_cast %add3A_751 : i32 to index
      %swap3A_913 = tpu.vector_load %arg18[%swap3A_912] {strides = array<i32>} : memref<512xf32, #tpu.memory_space<vmem>>, vector<16xf32>,
      tpu.vector_store %arg18[%swap3A_912], %add3A_911 {strides = array<i32>} : memref<512xf32, #tpu.memory_space<vmem>>, vector<16xf32>,
      %mul3A_914 = arith.constant 64 : i32
      %mul3A_915 = arith.muli %scan3A_109, %mul3A_914 : i32
      %add3A_916 = arith.constant 48 : i32
      %add3A_917 = arith.addi %mul3A_915, %add3A_916 : i32
      %add3A_918 = arith.constant 48 : i32
      %add3A_919 = vector.broadcast %add3A_918 : i32 to vector<16xi32>
      %add3A_920 = arith.addi %add3A_919, %iota3A_56 : vector<16xi32>
      %shift_right_logical3A_921 = arith.constant 3 : i32
      %shift_right_logical3A_922 = vector.broadcast %shift_right_logical3A_921 : i32 to vector<16xi32>
      %shift_right_logical3A_923 = arith.shrui %add3A_920, %shift_right_logical3A_922 : vector<16xi32>
      %and3A_924 = arith.constant 7 : i32
      %and3A_925 = vector.broadcast %and3A_924 : i32 to vector<16xi32>
      %and3A_926 = arith.andi %add3A_920, %and3A_925 : vector<16xi32>
      %mul3A_927 = arith.constant 16 : i32
      %mul3A_928 = vector.broadcast %mul3A_927 : i32 to vector<16xi32>
      %mul3A_929 = arith.muli %and3A_926, %mul3A_928 : vector<16xi32>
      %get3A_930 = arith.index_cast %add3A_917 : i32 to index
      %get3A_931 = tpu.vector_load %arg10[%get3A_930] {strides = array<i32>} : memref<512xi32, #tpu.memory_space<vmem>>, vector<16xi32>,
      %and3A_932 = arith.constant 15 : i32
      %and3A_933 = vector.broadcast %and3A_932 : i32 to vector<16xi32>
      %and3A_934 = arith.andi %get3A_931, %and3A_933 : vector<16xi32>
      %add3A_935 = arith.addi %mul3A_929, %and3A_934 : vector<16xi32>
      %get3A_936 = arith.index_cast %add3A_917 : i32 to index
      %get3A_937 = tpu.vector_load %arg11[%get3A_936] {strides = array<i32>} : memref<512xi32, #tpu.memory_space<vmem>>, vector<16xi32>,
      %and3A_938 = arith.constant 15 : i32
      %and3A_939 = vector.broadcast %and3A_938 : i32 to vector<16xi32>
      %and3A_940 = arith.andi %get3A_937, %and3A_939 : vector<16xi32>
      %add3A_941 = arith.addi %mul3A_929, %and3A_940 : vector<16xi32>
      %get3A_942 = arith.index_cast %add3A_917 : i32 to index
      %get3A_943 = tpu.vector_load %arg16[%get3A_942] {strides = array<i32>} : memref<512xf32, #tpu.memory_space<vmem>>, vector<16xf32>,
      %get3A_944 = arith.index_cast %add3A_917 : i32 to index
      %get3A_945 = tpu.vector_load %arg17[%get3A_944] {strides = array<i32>} : memref<512xf32, #tpu.memory_space<vmem>>, vector<16xf32>,
      %add3A_946 = arith.addf %get3A_943, %get3A_945 : vector<16xf32>
      %get3A_947 = arith.constant 0 : index
      %get3A_948 = tpu.vector_load %arg19[%get3A_947] {strides = array<i32>} : memref<16xf32, #tpu.memory_space<vmem>>, vector<16xf32>,
      %add3A_949 = arith.addf %add3A_946, %get3A_948 : vector<16xf32>
      %broadcast_in_dim3A_950 = arith.constant 0 : i32
      %broadcast_in_dim3A_951 = vector.broadcast %broadcast_in_dim3A_950 : i32 to vector<16xi32>
      %broadcast_in_dim3A_952 = arith.constant 0 : i32
      %broadcast_in_dim3A_953 = vector.broadcast %broadcast_in_dim3A_952 : i32 to vector<16xi32>
      %gather3A_954 = tpu.vector_load_idx %arg12[%shift_right_logical3A_923, %broadcast_in_dim3A_951, %broadcast_in_dim3A_953, %add3A_935] : memref<8x2x8x128xf32, #tpu.memory_space<vmem>>[vector<16xi32>, vector<16xi32>, vector<16xi32>, vector<16xi32>], vector<16xf32>,
      %gather3A_955 = tpu.vector_load_idx %arg13[%shift_right_logical3A_923, %broadcast_in_dim3A_951, %broadcast_in_dim3A_953, %add3A_941] : memref<8x2x8x128xf32, #tpu.memory_space<vmem>>[vector<16xi32>, vector<16xi32>, vector<16xi32>, vector<16xi32>], vector<16xf32>,
      %mul3A_956 = arith.mulf %gather3A_954, %gather3A_955 : vector<16xf32>
      %add3A_957 = arith.addf %add3A_949, %mul3A_956 : vector<16xf32>
      %broadcast_in_dim3A_958 = arith.constant 0 : i32
      %broadcast_in_dim3A_959 = vector.broadcast %broadcast_in_dim3A_958 : i32 to vector<16xi32>
      %broadcast_in_dim3A_960 = arith.constant 1 : i32
      %broadcast_in_dim3A_961 = vector.broadcast %broadcast_in_dim3A_960 : i32 to vector<16xi32>
      %gather3A_962 = tpu.vector_load_idx %arg12[%shift_right_logical3A_923, %broadcast_in_dim3A_959, %broadcast_in_dim3A_961, %add3A_935] : memref<8x2x8x128xf32, #tpu.memory_space<vmem>>[vector<16xi32>, vector<16xi32>, vector<16xi32>, vector<16xi32>], vector<16xf32>,
      %gather3A_963 = tpu.vector_load_idx %arg13[%shift_right_logical3A_923, %broadcast_in_dim3A_959, %broadcast_in_dim3A_961, %add3A_941] : memref<8x2x8x128xf32, #tpu.memory_space<vmem>>[vector<16xi32>, vector<16xi32>, vector<16xi32>, vector<16xi32>], vector<16xf32>,
      %mul3A_964 = arith.mulf %gather3A_962, %gather3A_963 : vector<16xf32>
      %add3A_965 = arith.addf %add3A_957, %mul3A_964 : vector<16xf32>
      %broadcast_in_dim3A_966 = arith.constant 0 : i32
      %broadcast_in_dim3A_967 = vector.broadcast %broadcast_in_dim3A_966 : i32 to vector<16xi32>
      %broadcast_in_dim3A_968 = arith.constant 2 : i32
      %broadcast_in_dim3A_969 = vector.broadcast %broadcast_in_dim3A_968 : i32 to vector<16xi32>
      %gather3A_970 = tpu.vector_load_idx %arg12[%shift_right_logical3A_923, %broadcast_in_dim3A_967, %broadcast_in_dim3A_969, %add3A_935] : memref<8x2x8x128xf32, #tpu.memory_space<vmem>>[vector<16xi32>, vector<16xi32>, vector<16xi32>, vector<16xi32>], vector<16xf32>,
      %gather3A_971 = tpu.vector_load_idx %arg13[%shift_right_logical3A_923, %broadcast_in_dim3A_967, %broadcast_in_dim3A_969, %add3A_941] : memref<8x2x8x128xf32, #tpu.memory_space<vmem>>[vector<16xi32>, vector<16xi32>, vector<16xi32>, vector<16xi32>], vector<16xf32>,
      %mul3A_972 = arith.mulf %gather3A_970, %gather3A_971 : vector<16xf32>
      %add3A_973 = arith.addf %add3A_965, %mul3A_972 : vector<16xf32>
      %broadcast_in_dim3A_974 = arith.constant 0 : i32
      %broadcast_in_dim3A_975 = vector.broadcast %broadcast_in_dim3A_974 : i32 to vector<16xi32>
      %broadcast_in_dim3A_976 = arith.constant 3 : i32
      %broadcast_in_dim3A_977 = vector.broadcast %broadcast_in_dim3A_976 : i32 to vector<16xi32>
      %gather3A_978 = tpu.vector_load_idx %arg12[%shift_right_logical3A_923, %broadcast_in_dim3A_975, %broadcast_in_dim3A_977, %add3A_935] : memref<8x2x8x128xf32, #tpu.memory_space<vmem>>[vector<16xi32>, vector<16xi32>, vector<16xi32>, vector<16xi32>], vector<16xf32>,
      %gather3A_979 = tpu.vector_load_idx %arg13[%shift_right_logical3A_923, %broadcast_in_dim3A_975, %broadcast_in_dim3A_977, %add3A_941] : memref<8x2x8x128xf32, #tpu.memory_space<vmem>>[vector<16xi32>, vector<16xi32>, vector<16xi32>, vector<16xi32>], vector<16xf32>,
      %mul3A_980 = arith.mulf %gather3A_978, %gather3A_979 : vector<16xf32>
      %add3A_981 = arith.addf %add3A_973, %mul3A_980 : vector<16xf32>
      %broadcast_in_dim3A_982 = arith.constant 0 : i32
      %broadcast_in_dim3A_983 = vector.broadcast %broadcast_in_dim3A_982 : i32 to vector<16xi32>
      %broadcast_in_dim3A_984 = arith.constant 4 : i32
      %broadcast_in_dim3A_985 = vector.broadcast %broadcast_in_dim3A_984 : i32 to vector<16xi32>
      %gather3A_986 = tpu.vector_load_idx %arg12[%shift_right_logical3A_923, %broadcast_in_dim3A_983, %broadcast_in_dim3A_985, %add3A_935] : memref<8x2x8x128xf32, #tpu.memory_space<vmem>>[vector<16xi32>, vector<16xi32>, vector<16xi32>, vector<16xi32>], vector<16xf32>,
      %gather3A_987 = tpu.vector_load_idx %arg13[%shift_right_logical3A_923, %broadcast_in_dim3A_983, %broadcast_in_dim3A_985, %add3A_941] : memref<8x2x8x128xf32, #tpu.memory_space<vmem>>[vector<16xi32>, vector<16xi32>, vector<16xi32>, vector<16xi32>], vector<16xf32>,
      %mul3A_988 = arith.mulf %gather3A_986, %gather3A_987 : vector<16xf32>
      %add3A_989 = arith.addf %add3A_981, %mul3A_988 : vector<16xf32>
      %broadcast_in_dim3A_990 = arith.constant 0 : i32
      %broadcast_in_dim3A_991 = vector.broadcast %broadcast_in_dim3A_990 : i32 to vector<16xi32>
      %broadcast_in_dim3A_992 = arith.constant 5 : i32
      %broadcast_in_dim3A_993 = vector.broadcast %broadcast_in_dim3A_992 : i32 to vector<16xi32>
      %gather3A_994 = tpu.vector_load_idx %arg12[%shift_right_logical3A_923, %broadcast_in_dim3A_991, %broadcast_in_dim3A_993, %add3A_935] : memref<8x2x8x128xf32, #tpu.memory_space<vmem>>[vector<16xi32>, vector<16xi32>, vector<16xi32>, vector<16xi32>], vector<16xf32>,
      %gather3A_995 = tpu.vector_load_idx %arg13[%shift_right_logical3A_923, %broadcast_in_dim3A_991, %broadcast_in_dim3A_993, %add3A_941] : memref<8x2x8x128xf32, #tpu.memory_space<vmem>>[vector<16xi32>, vector<16xi32>, vector<16xi32>, vector<16xi32>], vector<16xf32>,
      %mul3A_996 = arith.mulf %gather3A_994, %gather3A_995 : vector<16xf32>
      %add3A_997 = arith.addf %add3A_989, %mul3A_996 : vector<16xf32>
      %broadcast_in_dim3A_998 = arith.constant 0 : i32
      %broadcast_in_dim3A_999 = vector.broadcast %broadcast_in_dim3A_998 : i32 to vector<16xi32>
      %broadcast_in_dim3A_1000 = arith.constant 6 : i32
      %broadcast_in_dim3A_1001 = vector.broadcast %broadcast_in_dim3A_1000 : i32 to vector<16xi32>
      %gather3A_1002 = tpu.vector_load_idx %arg12[%shift_right_logical3A_923, %broadcast_in_dim3A_999, %broadcast_in_dim3A_1001, %add3A_935] : memref<8x2x8x128xf32, #tpu.memory_space<vmem>>[vector<16xi32>, vector<16xi32>, vector<16xi32>, vector<16xi32>], vector<16xf32>,
      %gather3A_1003 = tpu.vector_load_idx %arg13[%shift_right_logical3A_923, %broadcast_in_dim3A_999, %broadcast_in_dim3A_1001, %add3A_941] : memref<8x2x8x128xf32, #tpu.memory_space<vmem>>[vector<16xi32>, vector<16xi32>, vector<16xi32>, vector<16xi32>], vector<16xf32>,
      %mul3A_1004 = arith.mulf %gather3A_1002, %gather3A_1003 : vector<16xf32>
      %add3A_1005 = arith.addf %add3A_997, %mul3A_1004 : vector<16xf32>
      %broadcast_in_dim3A_1006 = arith.constant 0 : i32
      %broadcast_in_dim3A_1007 = vector.broadcast %broadcast_in_dim3A_1006 : i32 to vector<16xi32>
      %broadcast_in_dim3A_1008 = arith.constant 7 : i32
      %broadcast_in_dim3A_1009 = vector.broadcast %broadcast_in_dim3A_1008 : i32 to vector<16xi32>
      %gather3A_1010 = tpu.vector_load_idx %arg12[%shift_right_logical3A_923, %broadcast_in_dim3A_1007, %broadcast_in_dim3A_1009, %add3A_935] : memref<8x2x8x128xf32, #tpu.memory_space<vmem>>[vector<16xi32>, vector<16xi32>, vector<16xi32>, vector<16xi32>], vector<16xf32>,
      %gather3A_1011 = tpu.vector_load_idx %arg13[%shift_right_logical3A_923, %broadcast_in_dim3A_1007, %broadcast_in_dim3A_1009, %add3A_941] : memref<8x2x8x128xf32, #tpu.memory_space<vmem>>[vector<16xi32>, vector<16xi32>, vector<16xi32>, vector<16xi32>], vector<16xf32>,
      %mul3A_1012 = arith.mulf %gather3A_1010, %gather3A_1011 : vector<16xf32>
      %add3A_1013 = arith.addf %add3A_1005, %mul3A_1012 : vector<16xf32>
      %broadcast_in_dim3A_1014 = arith.constant 1 : i32
      %broadcast_in_dim3A_1015 = vector.broadcast %broadcast_in_dim3A_1014 : i32 to vector<16xi32>
      %broadcast_in_dim3A_1016 = arith.constant 0 : i32
      %broadcast_in_dim3A_1017 = vector.broadcast %broadcast_in_dim3A_1016 : i32 to vector<16xi32>
      %gather3A_1018 = tpu.vector_load_idx %arg12[%shift_right_logical3A_923, %broadcast_in_dim3A_1015, %broadcast_in_dim3A_1017, %add3A_935] : memref<8x2x8x128xf32, #tpu.memory_space<vmem>>[vector<16xi32>, vector<16xi32>, vector<16xi32>, vector<16xi32>], vector<16xf32>,
      %gather3A_1019 = tpu.vector_load_idx %arg13[%shift_right_logical3A_923, %broadcast_in_dim3A_1015, %broadcast_in_dim3A_1017, %add3A_941] : memref<8x2x8x128xf32, #tpu.memory_space<vmem>>[vector<16xi32>, vector<16xi32>, vector<16xi32>, vector<16xi32>], vector<16xf32>,
      %mul3A_1020 = arith.mulf %gather3A_1018, %gather3A_1019 : vector<16xf32>
      %add3A_1021 = arith.addf %add3A_1013, %mul3A_1020 : vector<16xf32>
      %broadcast_in_dim3A_1022 = arith.constant 1 : i32
      %broadcast_in_dim3A_1023 = vector.broadcast %broadcast_in_dim3A_1022 : i32 to vector<16xi32>
      %broadcast_in_dim3A_1024 = arith.constant 1 : i32
      %broadcast_in_dim3A_1025 = vector.broadcast %broadcast_in_dim3A_1024 : i32 to vector<16xi32>
      %gather3A_1026 = tpu.vector_load_idx %arg12[%shift_right_logical3A_923, %broadcast_in_dim3A_1023, %broadcast_in_dim3A_1025, %add3A_935] : memref<8x2x8x128xf32, #tpu.memory_space<vmem>>[vector<16xi32>, vector<16xi32>, vector<16xi32>, vector<16xi32>], vector<16xf32>,
      %gather3A_1027 = tpu.vector_load_idx %arg13[%shift_right_logical3A_923, %broadcast_in_dim3A_1023, %broadcast_in_dim3A_1025, %add3A_941] : memref<8x2x8x128xf32, #tpu.memory_space<vmem>>[vector<16xi32>, vector<16xi32>, vector<16xi32>, vector<16xi32>], vector<16xf32>,
      %mul3A_1028 = arith.mulf %gather3A_1026, %gather3A_1027 : vector<16xf32>
      %add3A_1029 = arith.addf %add3A_1021, %mul3A_1028 : vector<16xf32>
      %broadcast_in_dim3A_1030 = arith.constant 1 : i32
      %broadcast_in_dim3A_1031 = vector.broadcast %broadcast_in_dim3A_1030 : i32 to vector<16xi32>
      %broadcast_in_dim3A_1032 = arith.constant 2 : i32
      %broadcast_in_dim3A_1033 = vector.broadcast %broadcast_in_dim3A_1032 : i32 to vector<16xi32>
      %gather3A_1034 = tpu.vector_load_idx %arg12[%shift_right_logical3A_923, %broadcast_in_dim3A_1031, %broadcast_in_dim3A_1033, %add3A_935] : memref<8x2x8x128xf32, #tpu.memory_space<vmem>>[vector<16xi32>, vector<16xi32>, vector<16xi32>, vector<16xi32>], vector<16xf32>,
      %gather3A_1035 = tpu.vector_load_idx %arg13[%shift_right_logical3A_923, %broadcast_in_dim3A_1031, %broadcast_in_dim3A_1033, %add3A_941] : memref<8x2x8x128xf32, #tpu.memory_space<vmem>>[vector<16xi32>, vector<16xi32>, vector<16xi32>, vector<16xi32>], vector<16xf32>,
      %mul3A_1036 = arith.mulf %gather3A_1034, %gather3A_1035 : vector<16xf32>
      %add3A_1037 = arith.addf %add3A_1029, %mul3A_1036 : vector<16xf32>
      %broadcast_in_dim3A_1038 = arith.constant 1 : i32
      %broadcast_in_dim3A_1039 = vector.broadcast %broadcast_in_dim3A_1038 : i32 to vector<16xi32>
      %broadcast_in_dim3A_1040 = arith.constant 3 : i32
      %broadcast_in_dim3A_1041 = vector.broadcast %broadcast_in_dim3A_1040 : i32 to vector<16xi32>
      %gather3A_1042 = tpu.vector_load_idx %arg12[%shift_right_logical3A_923, %broadcast_in_dim3A_1039, %broadcast_in_dim3A_1041, %add3A_935] : memref<8x2x8x128xf32, #tpu.memory_space<vmem>>[vector<16xi32>, vector<16xi32>, vector<16xi32>, vector<16xi32>], vector<16xf32>,
      %gather3A_1043 = tpu.vector_load_idx %arg13[%shift_right_logical3A_923, %broadcast_in_dim3A_1039, %broadcast_in_dim3A_1041, %add3A_941] : memref<8x2x8x128xf32, #tpu.memory_space<vmem>>[vector<16xi32>, vector<16xi32>, vector<16xi32>, vector<16xi32>], vector<16xf32>,
      %mul3A_1044 = arith.mulf %gather3A_1042, %gather3A_1043 : vector<16xf32>
      %add3A_1045 = arith.addf %add3A_1037, %mul3A_1044 : vector<16xf32>
      %broadcast_in_dim3A_1046 = arith.constant 1 : i32
      %broadcast_in_dim3A_1047 = vector.broadcast %broadcast_in_dim3A_1046 : i32 to vector<16xi32>
      %broadcast_in_dim3A_1048 = arith.constant 4 : i32
      %broadcast_in_dim3A_1049 = vector.broadcast %broadcast_in_dim3A_1048 : i32 to vector<16xi32>
      %gather3A_1050 = tpu.vector_load_idx %arg12[%shift_right_logical3A_923, %broadcast_in_dim3A_1047, %broadcast_in_dim3A_1049, %add3A_935] : memref<8x2x8x128xf32, #tpu.memory_space<vmem>>[vector<16xi32>, vector<16xi32>, vector<16xi32>, vector<16xi32>], vector<16xf32>,
      %gather3A_1051 = tpu.vector_load_idx %arg13[%shift_right_logical3A_923, %broadcast_in_dim3A_1047, %broadcast_in_dim3A_1049, %add3A_941] : memref<8x2x8x128xf32, #tpu.memory_space<vmem>>[vector<16xi32>, vector<16xi32>, vector<16xi32>, vector<16xi32>], vector<16xf32>,
      %mul3A_1052 = arith.mulf %gather3A_1050, %gather3A_1051 : vector<16xf32>
      %add3A_1053 = arith.addf %add3A_1045, %mul3A_1052 : vector<16xf32>
      %broadcast_in_dim3A_1054 = arith.constant 1 : i32
      %broadcast_in_dim3A_1055 = vector.broadcast %broadcast_in_dim3A_1054 : i32 to vector<16xi32>
      %broadcast_in_dim3A_1056 = arith.constant 5 : i32
      %broadcast_in_dim3A_1057 = vector.broadcast %broadcast_in_dim3A_1056 : i32 to vector<16xi32>
      %gather3A_1058 = tpu.vector_load_idx %arg12[%shift_right_logical3A_923, %broadcast_in_dim3A_1055, %broadcast_in_dim3A_1057, %add3A_935] : memref<8x2x8x128xf32, #tpu.memory_space<vmem>>[vector<16xi32>, vector<16xi32>, vector<16xi32>, vector<16xi32>], vector<16xf32>,
      %gather3A_1059 = tpu.vector_load_idx %arg13[%shift_right_logical3A_923, %broadcast_in_dim3A_1055, %broadcast_in_dim3A_1057, %add3A_941] : memref<8x2x8x128xf32, #tpu.memory_space<vmem>>[vector<16xi32>, vector<16xi32>, vector<16xi32>, vector<16xi32>], vector<16xf32>,
      %mul3A_1060 = arith.mulf %gather3A_1058, %gather3A_1059 : vector<16xf32>
      %add3A_1061 = arith.addf %add3A_1053, %mul3A_1060 : vector<16xf32>
      %broadcast_in_dim3A_1062 = arith.constant 1 : i32
      %broadcast_in_dim3A_1063 = vector.broadcast %broadcast_in_dim3A_1062 : i32 to vector<16xi32>
      %broadcast_in_dim3A_1064 = arith.constant 6 : i32
      %broadcast_in_dim3A_1065 = vector.broadcast %broadcast_in_dim3A_1064 : i32 to vector<16xi32>
      %gather3A_1066 = tpu.vector_load_idx %arg12[%shift_right_logical3A_923, %broadcast_in_dim3A_1063, %broadcast_in_dim3A_1065, %add3A_935] : memref<8x2x8x128xf32, #tpu.memory_space<vmem>>[vector<16xi32>, vector<16xi32>, vector<16xi32>, vector<16xi32>], vector<16xf32>,
      %gather3A_1067 = tpu.vector_load_idx %arg13[%shift_right_logical3A_923, %broadcast_in_dim3A_1063, %broadcast_in_dim3A_1065, %add3A_941] : memref<8x2x8x128xf32, #tpu.memory_space<vmem>>[vector<16xi32>, vector<16xi32>, vector<16xi32>, vector<16xi32>], vector<16xf32>,
      %mul3A_1068 = arith.mulf %gather3A_1066, %gather3A_1067 : vector<16xf32>
      %add3A_1069 = arith.addf %add3A_1061, %mul3A_1068 : vector<16xf32>
      %broadcast_in_dim3A_1070 = arith.constant 1 : i32
      %broadcast_in_dim3A_1071 = vector.broadcast %broadcast_in_dim3A_1070 : i32 to vector<16xi32>
      %broadcast_in_dim3A_1072 = arith.constant 7 : i32
      %broadcast_in_dim3A_1073 = vector.broadcast %broadcast_in_dim3A_1072 : i32 to vector<16xi32>
      %gather3A_1074 = tpu.vector_load_idx %arg12[%shift_right_logical3A_923, %broadcast_in_dim3A_1071, %broadcast_in_dim3A_1073, %add3A_935] : memref<8x2x8x128xf32, #tpu.memory_space<vmem>>[vector<16xi32>, vector<16xi32>, vector<16xi32>, vector<16xi32>], vector<16xf32>,
      %gather3A_1075 = tpu.vector_load_idx %arg13[%shift_right_logical3A_923, %broadcast_in_dim3A_1071, %broadcast_in_dim3A_1073, %add3A_941] : memref<8x2x8x128xf32, #tpu.memory_space<vmem>>[vector<16xi32>, vector<16xi32>, vector<16xi32>, vector<16xi32>], vector<16xf32>,
      %mul3A_1076 = arith.mulf %gather3A_1074, %gather3A_1075 : vector<16xf32>
      %add3A_1077 = arith.addf %add3A_1069, %mul3A_1076 : vector<16xf32>
      %swap3A_1078 = arith.index_cast %add3A_917 : i32 to index
      %swap3A_1079 = tpu.vector_load %arg18[%swap3A_1078] {strides = array<i32>} : memref<512xf32, #tpu.memory_space<vmem>>, vector<16xf32>,
      tpu.vector_store %arg18[%swap3A_1078], %add3A_1077 {strides = array<i32>} : memref<512xf32, #tpu.memory_space<vmem>>, vector<16xf32>,
    }
    %scan3A_108 = arith.constant 8 : i32
    "tpu.region"() ({
      %run_scoped3A = tpu.sem_alloc : memref<!tpu.dma_semaphore, #tpu.memory_space<semaphore_mem>>
      %dma_start3A_109 = tpu.memref_slice %arg9[%mul3A_2] : memref<16384xf32, #tpu.memory_space<hbm>> -> memref<512xf32, #tpu.memory_space<hbm>>
      %dma_start3A_110 = tpu.memref_slice %arg9[%mul3A_2] : memref<16384xf32, #tpu.memory_space<hbm>> -> memref<512xf32, #tpu.memory_space<hbm>>
      tpu.enqueue_dma source(%arg18 : memref<512xf32, #tpu.memory_space<vmem>>) target(%dma_start3A_110 : memref<512xf32, #tpu.memory_space<hbm>>) target_semaphore(%run_scoped3A : memref<!tpu.dma_semaphore, #tpu.memory_space<semaphore_mem>>)
      %dma_wait3A_111 = tpu.memref_slice %arg9[%mul3A_2] : memref<16384xf32, #tpu.memory_space<hbm>> -> memref<512xf32, #tpu.memory_space<hbm>>
      %dma_wait3A_112 = tpu.memref_slice %arg9[%mul3A_2] : memref<16384xf32, #tpu.memory_space<hbm>> -> memref<512xf32, #tpu.memory_space<hbm>>
      tpu.wait_dma2 semaphore(%run_scoped3A : memref<!tpu.dma_semaphore, #tpu.memory_space<semaphore_mem>>) src(%arg18 : memref<512xf32, #tpu.memory_space<vmem>>) dst(%dma_wait3A_112 : memref<512xf32, #tpu.memory_space<hbm>>)
      tpu.yield
    }) : () -> ()
    return
  }
}

</mosaic_0001>

<sc_bundles>
// kernel: _svdpp.3.cloned.1.call-start
scs
__scs_entry_jumppad:
0x0: {  	(pc) =	sbr.rel $0x88, $3  }
0x1: {  	(tag) =	ssettag $0x0;
	lr =	simm.s32 $0x1  }
0x2: {  	[smem:$0x3F9A] =	sst lr;
	_ =	strace $0xD0000000  }
0x3: {  	_ = 	snop  }
0x4: {  	_ = 	snop  }
0x5: {  	_ = 	snop  }
0x6: {  	_ = 	snop  }
0x7: {  	_ = 	snop  }
__scs_overlays_trampoline_lowered:
0x8: {  	[smem:$0x3FA9] =	sst s0  }
0x9: {  	[smem:$0x3FAA] =	sst s1  }
0xa: {  	[smem:$0x3FAB] =	sst s2  }
0xb: {  	[smem:$0x3FAC] =	sst s3  }
0xc: {  	[smem:$0x3FAD] =	sst s4  }
0xd: {  	[smem:$0x3FAE] =	sst s5  }
0xe: {  	[smem:$0x3FAF] =	sst s6  }
0xf: {  	[smem:$0x3FB0] =	sst s7  }
0x10: {  	[smem:$0x3FB1] =	sst s8  }
0x11: {  	[smem:$0x3FB2] =	sst s9;
	s0 =	simm.s32 @!p0 $0x0  }
0x12: {  	s1 =	sld [smem:$0x3F98];
	s0 =	simm.s32 @p0 $0x1  }
0x13: {  	[smem:$0x3FB3] =	sst s0;
	s0 =	simm.s32 @!p1 $0x0  }
0x14: {  	s2 =	sld [smem:$0x3F97];
	s0 =	simm.s32 @p1 $0x1  }
0x15: {  	[smem:$0x3FB4] =	sst s0;
	s0 =	simm.s32 @!p2 $0x0  }
0x16: {  	s3 =	sld [smem:$0x3FDB];
	s0 =	simm.s32 @p2 $0x1  }
0x17: {  	s4 =	simm.s32 $0x1BF5;
	[smem:$0x3FB6] =	sst s0  }
0x18: {  	s0 =	sld [smem:$0x3F99];
	_ =	swait.ge [sflag:s4], $0x0  }
0x19: {  	s7 =	sld [smem:$0x3F9A]  }
0x1a: {  	s8 =	sadd.s32 $0xFFFFE003, lr  }
0x1b: {  	s9 =	sadd.s32 $0xFFFFFEF7, lr;
	s5 =	simm.s32 $0xFFFFFFFF;
	p2 =	slt.u32 s8, $0xFFFFF086  }
0x1c: {  	p1 =	slt.u32 s9, $0xF7A;
	s5 =	simm.s32 @!p2 $0x0  }
0x1d: {  	s5 =	simm.s32 @p1 $0x1;
	p0 =	seq.s32 s7, s2  }
0x1e: {  	s7 =	smul.u32 @!p0 $0xF7A, s2;
	p2 =	seq.s32 @!p0 s5, $0x0  }
0x1f: {  	s9 =	smul.u32 $0xF7A, s1;
	s8 =	simm.s32 @!p0 $0x1BF5;
	p2 =	por !p2, p0  }
0x20: {  	[sflag:s8] =	ssyncset.s32 @!p0 $0xFFFFF086;
	s6 =	sadd.s32 @!p0 s3, s7;
	s7 =	simm.s32 @!p0 $0x108  }
0x21: {  	s3 =	sadd.s32 s3, s9;
	s6 =	sadd.s32 @!p0 $0x88, s6;
	s7 =	simm.s32 @p2 $0x1082  }
0x22: {  	[simem:s7], [sflag:s8] =	dma.local @!p0 [hbm:s6], $0xF7A  }
0x23: {  	s9 =	sor.u32 $0xD0000000, s2;
	s6 =	simm.s32 $0x108;
	_ =	swait.ge @!p0 [sflag:s8], $0x0  }
0x24: {  	s3 =	sadd.s32 $0x88, s3;
	s6 =	simm.s32 @!p1 $0x1082;
	[sflag:s4] =	ssyncset.s32 $0xFFFFF086  }
0x25: {  	[simem:s6], [sflag:s4] =	dma.local [hbm:s3], $0xF7A  }
0x26: {  	[smem:$0x3F9A] =	sst s1;
	(tag) =	ssettag s2;
	_ =	strace s9  }
0x27: {  	s1 =	sld [smem:$0x3FAA]  }
0x28: {  	s2 =	sld [smem:$0x3FAB]  }
0x29: {  	s4 =	sld [smem:$0x3FAD]  }
0x2a: {  	p0 =	seq.s32 s5, $0x0;
	s5 =	sld [smem:$0x3FAE]  }
0x2b: {  	s6 =	sld [smem:$0x3FAF]  }
0x2c: {  	s7 =	sld [smem:$0x3FB0]  }
0x2d: {  	s3 =	simm.s32 $0x108;
	s8 =	sld [smem:$0x3FB1]  }
0x2e: {  	s3 =	simm.s32 @!p0 $0x1082;
	s9 =	sld [smem:$0x3FB2]  }
0x2f: {  	lr =	sadd.s32 s0, s3;
	s0 =	sld [smem:$0x3FA9]  }
0x30: {  	s3 =	sld [smem:$0x3FAC]  }
0x31: {  	[smem:$0x3FB5] =	sst s10  }
0x32: {  	s10 =	sld [smem:$0x3FB3];
	_ =	sdelay $0x3  }
0x33: {  	p0 =	seq.s32 s10, $0x1;
	s10 =	sld [smem:$0x3FB5];
	_ =	sdelay $0x3  }
0x34: {  	[smem:$0x3FB5] =	sst s10  }
0x35: {  	s10 =	sld [smem:$0x3FB4];
	_ =	sdelay $0x3  }
0x36: {  	p1 =	seq.s32 s10, $0x1;
	s10 =	sld [smem:$0x3FB5];
	_ =	sdelay $0x3  }
0x37: {  	[smem:$0x3FB5] =	sst s10  }
0x38: {  	s10 =	sld [smem:$0x3FB6]  }
0x39: {  	_ = 	snop;
	(pc) =	sbr.ind lr, $3  }
0x3a: {  	_ = 	snop  }
0x3b: {  	_ = 	snop  }
0x3c: {  	p2 =	seq.s32 s10, $0x1;
	s10 =	sld [smem:$0x3FB5]  }
0x3d: {  	_ =	shalt  }
0x3e: {  	_ =	shalt  }
0x3f: {  	_ =	shalt  }
0x40: {  	_ =	shalt  }
0x41: {  	_ =	shalt  }
0x42: {  	_ =	shalt  }
0x43: {  	_ =	shalt  }
0x44: {  	_ =	shalt  }
0x45: {  	_ =	shalt  }
0x46: {  	_ =	shalt  }
0x47: {  	_ =	shalt  }
0x48: {  	_ =	shalt  }
0x49: {  	_ =	shalt  }
0x4a: {  	_ =	shalt  }
0x4b: {  	_ =	shalt  }
0x4c: {  	_ =	shalt  }
0x4d: {  	_ =	shalt  }
0x4e: {  	_ =	shalt  }
0x4f: {  	_ =	shalt  }
0x50: {  	_ =	shalt  }
0x51: {  	_ =	shalt  }
0x52: {  	_ =	shalt  }
0x53: {  	_ =	shalt  }
0x54: {  	_ =	shalt  }
0x55: {  	_ =	shalt  }
0x56: {  	_ =	shalt  }
0x57: {  	_ =	shalt  }
0x58: {  	_ =	shalt  }
0x59: {  	_ =	shalt  }
0x5a: {  	_ =	shalt  }
0x5b: {  	_ =	shalt  }
0x5c: {  	_ =	shalt  }
0x5d: {  	_ =	shalt  }
0x5e: {  	_ =	shalt  }
0x5f: {  	_ =	shalt  }
0x60: {  	_ =	shalt  }
0x61: {  	_ =	shalt  }
0x62: {  	_ =	shalt  }
0x63: {  	_ =	shalt  }
0x64: {  	_ =	shalt  }
0x65: {  	_ =	shalt  }
0x66: {  	_ =	shalt  }
0x67: {  	_ =	shalt  }
0x68: {  	_ =	shalt  }
0x69: {  	_ =	shalt  }
0x6a: {  	_ =	shalt  }
0x6b: {  	_ =	shalt  }
0x6c: {  	_ =	shalt  }
0x6d: {  	_ =	shalt  }
0x6e: {  	_ =	shalt  }
0x6f: {  	_ =	shalt  }
0x70: {  	_ =	shalt  }
0x71: {  	_ =	shalt  }
0x72: {  	_ =	shalt  }
0x73: {  	_ =	shalt  }
0x74: {  	_ =	shalt  }
0x75: {  	_ =	shalt  }
0x76: {  	_ =	shalt  }
0x77: {  	_ =	shalt  }
0x78: {  	_ =	shalt  }
0x79: {  	_ =	shalt  }
0x7a: {  	_ =	shalt  }
0x7b: {  	_ =	shalt  }
0x7c: {  	_ =	shalt  }
0x7d: {  	_ =	shalt  }
0x7e: {  	_ =	shalt  }
0x7f: {  	_ =	shalt  }
0x80: {  	_ =	shalt  }
0x81: {  	_ =	shalt  }
0x82: {  	_ =	shalt  }
0x83: {  	_ =	shalt  }
0x84: {  	_ =	shalt  }
0x85: {  	_ =	shalt  }
0x86: {  	_ =	shalt  }
0x87: {  	_ =	shalt  }
.Lfunc_end0:
.L_simem_size_0:
called_computation_lowered:
.L_overlay_start_0:
0x88: {  	s2 =	sld [smem:$0x3FD9]  }
0x89: {  	s3 =	sld [smem:$0x3FFE];
	_ =	sdelay $0x1  }
0x8a: {  	s1 =	srdreg.scid  }
0x8b: {  	s0 =	sand.u32 $0x1, s1  }
0x8c: {  	s17 =	sshll.u32 s0, $0xA;
	s2 =	sadd.s32 s3, s2  }
0x8d: {  	s2 =	sadd.s32 s2, s17  }
0x8e: {  	[smem:$0x3FC1] =	sst s2  }
0x8f: {  	_ = 	snop  }
0x90: {  	s2 =	sld [smem:$0x3FC9]  }
0x91: {  	s18 =	sld [smem:$0x3FC8]  }
0x92: {  	s4 =	sld [smem:$0x3FC7]  }
0x93: {  	s5 =	sld [smem:$0x3FC6]  }
0x94: {  	s6 =	sld [smem:$0x3FD0];
	(tm) =	ssettm $0x1  }
0x95: {  	s7 =	sld [smem:$0x3FFB];
	_ =	sdelay $0x3  }
0x96: {  	_ =	strace s7  }
0x97: {  	s7 =	sld [smem:$0x3FFC];
	_ =	sdelay $0x3  }
0x98: {  	_ =	strace s7  }
0x99: {  	s7 =	sld [smem:$0x3FFD];
	_ =	sdelay $0x3  }
0x9a: {  	_ =	strace s7  }
0x9b: {  	_ =	strace $0x8FFFFFFF  }
0x9c: {  	s19 =	sld [smem:$0x3FDB];
	_ =	sdelay $0x1  }
0x9d: {  	s8 =	simm.s32 $_scs_section_size  }
0x9e: {  	s9 =	simm.s32 $_size__tile_overlayer_lowered;
	s10 =	simm.s32 $_tile_overlayer_lowered  }
0x9f: {  	s22 =	simm.s32 $0x1BFF;
	s21 =	sshll.u32 s10, $0x1;
	s7 =	sadd.s32 s8, s19  }
0xa0: {  	s11 =	simm.s32 $0x0;
	s20 =	sshll.u32 s9, $0x1;
	s9 =	sadd.s32 s21, s7  }
0xa1: {  	[timem:s11], [sflag:s22] =	dma.local [hbm:s9], s20  }
0xa2: {  	_ =	swait.ge [sflag:s22], s20  }
0xa3: {  	s8 =	ssub.s32 $0x0, s20;
	[sflag:s22] =	ssyncset.done $0x0  }
0xa4: {  	[sflag:s22] =	ssyncadd.s32 s8;
	_ =	sdelay $0x1  }
0xa5: {  	s23 =	simm.s32 $0x1B8B  }
0xa6: {  	_ =	swait.ge [sflag:s23], $0x1  }
0xa7: {  	[sflag:s23] =	ssyncset.done $0x0  }
0xa8: {  	s25 =	simm.s32 $0x1B8E;
	s24 =	sld [smem:$0x3FFE];
	[sflag:s23] =	ssyncadd.s32 $0xFFFFFFFF  }
0xa9: {  	s26 =	simm.s32 $execute0_lowered;
	[smem:$0x3FD2] =	sst s25  }
0xaa: {  	s9 =	sshll.u32 s26, $0x1;
	_ =	strace $0x80000046;
	[dreg:$0x1] =	wrdreg $0xFFFFFFFF  }
0xab: {  	s28 =	simm.s32 $_size_execute0_lowered;
	s7 =	sadd.s32 s7, s9;
	[dreg:$0x0] =	wrdreg $0x0  }
0xac: {  	s9 =	sshll.u32 s28, $0x1;
	[dreg:$0x2] =	wrdreg s7  }
0xad: {  	[dreg:$0x3] =	wrdreg s9  }
0xae: {  	[dreg:$0x4] =	wrdreg $0xC0  }
0xaf: {  	_ =	task [dreg:s11], $0x5FFFF  }
0xb0: {  	[dreg:$0x1] =	wrdreg $0xFFFFFFFF  }
0xb1: {  	[dreg:$0x0] =	wrdreg $0x60  }
0xb2: {  	[dreg:$0x2] =	wrdreg s2  }
0xb3: {  	[dreg:$0x3] =	wrdreg s18  }
0xb4: {  	[dreg:$0x4] =	wrdreg s4  }
0xb5: {  	[dreg:$0x5] =	wrdreg s5  }
0xb6: {  	[dreg:$0x6] =	wrdreg s24  }
0xb7: {  	[dreg:$0x7] =	wrdreg s6  }
0xb8: {  	[dreg:$0x8] =	wrdreg $0x9  }
0xb9: {  	_ =	task.clear_ibuf [dreg:s11], $0x9FFFF;
	_ =	strace $0x90000046  }
0xba: {  	s29 =	simm.s32 $0x9;
	_ =	strace $0x80000048  }
0xbb: {  	_ =	swait.ge [sflag:s29], $0x1  }
0xbc: {  	[sflag:s29] =	ssyncadd.s32 $0xFFFFFFFF  }
0xbd: {  	_ =	strace $0x90000048  }
0xbe: {  	_ =	sfence  }
0xbf: {  	s30 =	sld [smem:$0x0];
	_ =	sdelay $0x2  }
0xc0: {  	s31 =	sshll.u32 s1, $0xD;
	s1 =	sshrl.u32 s1, $0x2  }
0xc1: {  	s3 =	sand.u32 $0x4000, s31;
	s1 =	sadd.s32 s1, s30  }
0xc2: {  	s0 =	sor.u32 s3, s0;
	s1 =	sshll.u32 s1, $0x11  }
0xc3: {  	s0 =	sor.u32 s1, s0  }
0xc4: {  	s0 =	sadd.s32 $0x8F2B, s0  }
0xc5: {  	[sflag:s0] =	ssyncadd.remote.s32 $0x1  }
0xc6: {  	_ =	sfence.sel $0xFFFF  }
0xc7: {  	[dreg:$0x0] =	wrdreg $0xFFFFFFFF;
	(pc) =	sbr.abs _section_cstart, $3  }
0xc8: {  	[dreg:$0x1] =	wrdreg $0xFFFFFFFF  }
0xc9: {  	_ =	task.clear_ibuf [dreg:s11], $0x2FFFF;
	_ =	strace $0x9FFFFFFF  }
0xca: {  	(tm) =	ssettm $0x7FFFFFFF  }
0xcb: {  	_ =	shalt  }
tec
execute0_lowered:
.L_overlay_start_1:
0x0: {  	(tag) =	ssettag $0x1  }
0x1: {  	v0 =	vimm.s32 $0x30201000;
	v1 =	vimm.s32 $0x70605040  }
0x2: {  	vm0 =	vcmask $0xF00;
	vm7 =	vcmask $0x1F10;
	vm6 =	vcmask $0x2320  }
0x3: {  	vm5 =	vcmask $0x2724;
	vm4 =	vcmask $0x2B28;
	v0 =	vunpack.c.0.s8.s32 v0  }
0x4: {  	v2 =	vimm.s32 $0xB0A09080;
	vm1 =	vcmask $0x2F2C;
	v1 =	vunpack.c.0.s8.s32 v1  }
0x5: {  	v3 =	vimm.s32 $0xF0E0D0C0;
	vm3 =	vcmask $0x3330;
	v0 =	vnsel vm0, $0x870, v0  }
0x6: {  	vm2 =	vcmask $0x3734;
	v0 =	vsel vm7, v1, v0;
	v1 =	vlaneseq.u32  }
0x7: {  	vm14 =	vcmask $0x300;
	vm13 =	vcmask $0x704;
	v1 =	vand.u32 $0x7, v1  }
0x8: {  	vm12 =	vcmask $0xB08;
	v2 =	vunpack.c.0.s8.s32 v2;
	v1 =	vmul.u32 $0x10, v1  }
0x9: {  	vm11 =	vcmask $0xF0C;
	vm10 =	vcmask $0x1310;
	v3 =	vunpack.c.0.s8.s32 v3  }
0xa: {  	vm9 =	vcmask $0x1714;
	vm8 =	vcmask $0x1B18;
	[tilespmem:$0x1FEF0] =	vst v1;
	v1 =	vand.u32 $0xFF, v2  }
0xb: {  	vm15 =	vcmask $0x1F1C;
	v2 =	vand.u32 $0xFF, v3;
	v1 =	vnsel vm0, $0x8F0, v1  }
0xc: {  	v0 =	vsel vm6, $0x800, v0;
	v1 =	vsel vm7, v2, v1;
	v2 =	vimm.s32 $0x970  }
0xd: {  	v0 =	vsel vm5, $0x810, v0;
	v3 =	vimm.s32 $0x9F0;
	v2 =	vsel vm14, $0x100, v2  }
0xe: {  	v0 =	vsel vm4, $0x820, v0;
	v3 =	vsel vm14, $0x180, v3;
	v2 =	vsel vm13, $0x110, v2  }
0xf: {  	v0 =	vsel vm1, $0x830, v0;
	v3 =	vsel vm13, $0x190, v3;
	v2 =	vsel vm12, $0x120, v2  }
0x10: {  	v0 =	vsel vm3, $0x840, v0;
	v3 =	vsel vm12, $0x1A0, v3;
	v2 =	vsel vm11, $0x130, v2  }
0x11: {  	vm0 =	vcmask $0x3B38;
	v3 =	vsel vm11, $0x1B0, v3;
	v2 =	vsel vm10, $0x140, v2  }
0x12: {  	v0 =	vsel vm2, $0x850, v0;
	v3 =	vsel vm10, $0x1C0, v3;
	v2 =	vsel vm9, $0x150, v2  }
0x13: {  	v0 =	vsel vm0, $0x860, v0;
	v3 =	vsel vm9, $0x1D0, v3;
	v2 =	vsel vm8, $0x160, v2  }
0x14: {  	[tilespmem:$0x1FF00] =	vst v0;
	v3 =	vsel vm8, $0x1E0, v3;
	v0 =	vsel vm15, $0x170, v2  }
0x15: {  	v2 =	vsel vm15, $0x1F0, v3;
	v0 =	vsel vm6, $0x900, v0  }
0x16: {  	v2 =	vsel vm6, $0x980, v2;
	v0 =	vsel vm5, $0x910, v0  }
0x17: {  	v1 =	vsel vm6, $0x880, v1;
	v2 =	vsel vm5, $0x990, v2;
	v0 =	vsel vm4, $0x920, v0  }
0x18: {  	v1 =	vsel vm5, $0x890, v1;
	v2 =	vsel vm4, $0x9A0, v2;
	v0 =	vsel vm1, $0x930, v0  }
0x19: {  	v1 =	vsel vm4, $0x8A0, v1;
	v2 =	vsel vm1, $0x9B0, v2;
	v0 =	vsel vm3, $0x940, v0  }
0x1a: {  	v1 =	vsel vm1, $0x8B0, v1;
	v2 =	vsel vm3, $0x9C0, v2;
	v0 =	vsel vm2, $0x950, v0  }
0x1b: {  	v1 =	vsel vm3, $0x8C0, v1;
	v2 =	vsel vm2, $0x9D0, v2;
	v0 =	vsel vm0, $0x960, v0  }
0x1c: {  	v1 =	vsel vm2, $0x8D0, v1;
	[tilespmem:$0x1FF20] =	vst v0;
	v0 =	vsel vm0, $0x9E0, v2  }
0x1d: {  	v1 =	vsel vm0, $0x8E0, v1;
	[tilespmem:$0x1FF30] =	vst v0;
	v0 =	vimm.s32 $0xA70  }
0x1e: {  	[tilespmem:$0x1FF10] =	vst v1;
	v1 =	vimm.s32 $0xAF0;
	v0 =	vsel vm14, $0x200, v0  }
0x1f: {  	v1 =	vsel vm14, $0x280, v1;
	v2 =	vimm.s32 $0xB70;
	v0 =	vsel vm13, $0x210, v0  }
0x20: {  	v1 =	vsel vm13, $0x290, v1;
	v2 =	vsel vm14, $0x300, v2;
	v0 =	vsel vm12, $0x220, v0  }
0x21: {  	v1 =	vsel vm12, $0x2A0, v1;
	v2 =	vsel vm13, $0x310, v2;
	v0 =	vsel vm11, $0x230, v0  }
0x22: {  	v1 =	vsel vm11, $0x2B0, v1;
	v2 =	vsel vm12, $0x320, v2;
	v0 =	vsel vm10, $0x240, v0  }
0x23: {  	v1 =	vsel vm10, $0x2C0, v1;
	v2 =	vsel vm11, $0x330, v2;
	v0 =	vsel vm9, $0x250, v0  }
0x24: {  	v1 =	vsel vm9, $0x2D0, v1;
	v2 =	vsel vm10, $0x340, v2;
	v0 =	vsel vm8, $0x260, v0  }
0x25: {  	v1 =	vsel vm8, $0x2E0, v1;
	v2 =	vsel vm9, $0x350, v2;
	v0 =	vsel vm15, $0x270, v0  }
0x26: {  	v1 =	vsel vm15, $0x2F0, v1;
	v2 =	vsel vm8, $0x360, v2;
	v0 =	vsel vm6, $0xA00, v0  }
0x27: {  	v1 =	vsel vm6, $0xA80, v1;
	v2 =	vsel vm15, $0x370, v2;
	v0 =	vsel vm5, $0xA10, v0  }
0x28: {  	v1 =	vsel vm5, $0xA90, v1;
	v2 =	vsel vm6, $0xB00, v2;
	v0 =	vsel vm4, $0xA20, v0  }
0x29: {  	v1 =	vsel vm4, $0xAA0, v1;
	v2 =	vsel vm5, $0xB10, v2;
	v0 =	vsel vm1, $0xA30, v0  }
0x2a: {  	v1 =	vsel vm1, $0xAB0, v1;
	v2 =	vsel vm4, $0xB20, v2;
	v0 =	vsel vm3, $0xA40, v0  }
0x2b: {  	v1 =	vsel vm3, $0xAC0, v1;
	v2 =	vsel vm1, $0xB30, v2;
	v0 =	vsel vm2, $0xA50, v0  }
0x2c: {  	v1 =	vsel vm2, $0xAD0, v1;
	v2 =	vsel vm3, $0xB40, v2;
	v0 =	vsel vm0, $0xA60, v0  }
0x2d: {  	v2 =	vsel vm2, $0xB50, v2;
	[tilespmem:$0x1FF40] =	vst v0;
	v0 =	vsel vm0, $0xAE0, v1  }
0x2e: {  	[tilespmem:$0x1FF50] =	vst v0;
	v0 =	vsel vm0, $0xB60, v2  }
0x2f: {  	[tilespmem:$0x1FF60] =	vst v0;
	v0 =	vimm.s32 $0xBF0  }
0x30: {  	v1 =	vimm.s32 $0xC70;
	v0 =	vsel vm14, $0x380, v0  }
0x31: {  	v2 =	vimm.s32 $0xCF0;
	v1 =	vsel vm14, $0x400, v1;
	v0 =	vsel vm13, $0x390, v0  }
0x32: {  	v2 =	vsel vm14, $0x480, v2;
	v1 =	vsel vm13, $0x410, v1;
	v0 =	vsel vm12, $0x3A0, v0  }
0x33: {  	v2 =	vsel vm13, $0x490, v2;
	v1 =	vsel vm12, $0x420, v1;
	v0 =	vsel vm11, $0x3B0, v0  }
0x34: {  	v2 =	vsel vm12, $0x4A0, v2;
	v1 =	vsel vm11, $0x430, v1;
	v0 =	vsel vm10, $0x3C0, v0  }
0x35: {  	v2 =	vsel vm11, $0x4B0, v2;
	v1 =	vsel vm10, $0x440, v1;
	v0 =	vsel vm9, $0x3D0, v0  }
0x36: {  	v2 =	vsel vm10, $0x4C0, v2;
	v1 =	vsel vm9, $0x450, v1;
	v0 =	vsel vm8, $0x3E0, v0  }
0x37: {  	v2 =	vsel vm9, $0x4D0, v2;
	v1 =	vsel vm8, $0x460, v1;
	v0 =	vsel vm15, $0x3F0, v0  }
0x38: {  	v2 =	vsel vm8, $0x4E0, v2;
	v1 =	vsel vm15, $0x470, v1;
	v0 =	vsel vm6, $0xB80, v0  }
0x39: {  	v2 =	vsel vm15, $0x4F0, v2;
	v1 =	vsel vm6, $0xC00, v1;
	v0 =	vsel vm5, $0xB90, v0  }
0x3a: {  	v2 =	vsel vm6, $0xC80, v2;
	v1 =	vsel vm5, $0xC10, v1;
	v0 =	vsel vm4, $0xBA0, v0  }
0x3b: {  	v2 =	vsel vm5, $0xC90, v2;
	v1 =	vsel vm4, $0xC20, v1;
	v0 =	vsel vm1, $0xBB0, v0  }
0x3c: {  	v2 =	vsel vm4, $0xCA0, v2;
	v1 =	vsel vm1, $0xC30, v1;
	v0 =	vsel vm3, $0xBC0, v0  }
0x3d: {  	v2 =	vsel vm1, $0xCB0, v2;
	v1 =	vsel vm3, $0xC40, v1;
	v0 =	vsel vm2, $0xBD0, v0  }
0x3e: {  	v2 =	vsel vm3, $0xCC0, v2;
	v1 =	vsel vm2, $0xC50, v1;
	v0 =	vsel vm0, $0xBE0, v0  }
0x3f: {  	v2 =	vsel vm2, $0xCD0, v2;
	[tilespmem:$0x1FF70] =	vst v0;
	v0 =	vsel vm0, $0xC60, v1  }
0x40: {  	[tilespmem:$0x1FF80] =	vst v0;
	v0 =	vsel vm0, $0xCE0, v2  }
0x41: {  	[tilespmem:$0x1FF90] =	vst v0;
	v0 =	vimm.s32 $0xD70  }
0x42: {  	v1 =	vimm.s32 $0xDF0;
	v0 =	vsel vm14, $0x500, v0  }
0x43: {  	v2 =	vimm.s32 $0xE70;
	v1 =	vsel vm14, $0x580, v1;
	v0 =	vsel vm13, $0x510, v0  }
0x44: {  	v2 =	vsel vm14, $0x600, v2;
	v1 =	vsel vm13, $0x590, v1;
	v0 =	vsel vm12, $0x520, v0  }
0x45: {  	v2 =	vsel vm13, $0x610, v2;
	v1 =	vsel vm12, $0x5A0, v1;
	v0 =	vsel vm11, $0x530, v0  }
0x46: {  	v2 =	vsel vm12, $0x620, v2;
	v1 =	vsel vm11, $0x5B0, v1;
	v0 =	vsel vm10, $0x540, v0  }
0x47: {  	v2 =	vsel vm11, $0x630, v2;
	v1 =	vsel vm10, $0x5C0, v1;
	v0 =	vsel vm9, $0x550, v0  }
0x48: {  	v2 =	vsel vm10, $0x640, v2;
	v1 =	vsel vm9, $0x5D0, v1;
	v0 =	vsel vm8, $0x560, v0  }
0x49: {  	v2 =	vsel vm9, $0x650, v2;
	v1 =	vsel vm8, $0x5E0, v1;
	v0 =	vsel vm15, $0x570, v0  }
0x4a: {  	v2 =	vsel vm8, $0x660, v2;
	v1 =	vsel vm15, $0x5F0, v1;
	v0 =	vsel vm6, $0xD00, v0  }
0x4b: {  	v2 =	vsel vm15, $0x670, v2;
	v1 =	vsel vm6, $0xD80, v1;
	v0 =	vsel vm5, $0xD10, v0  }
0x4c: {  	v2 =	vsel vm6, $0xE00, v2;
	v1 =	vsel vm5, $0xD90, v1;
	v0 =	vsel vm4, $0xD20, v0  }
0x4d: {  	v2 =	vsel vm5, $0xE10, v2;
	v1 =	vsel vm4, $0xDA0, v1;
	v0 =	vsel vm1, $0xD30, v0  }
0x4e: {  	v2 =	vsel vm4, $0xE20, v2;
	v1 =	vsel vm1, $0xDB0, v1;
	v0 =	vsel vm3, $0xD40, v0  }
0x4f: {  	v2 =	vsel vm1, $0xE30, v2;
	v1 =	vsel vm3, $0xDC0, v1;
	v0 =	vsel vm2, $0xD50, v0  }
0x50: {  	v2 =	vsel vm3, $0xE40, v2;
	v1 =	vsel vm2, $0xDD0, v1;
	v0 =	vsel vm0, $0xD60, v0  }
0x51: {  	v2 =	vsel vm2, $0xE50, v2;
	[tilespmem:$0x1FFA0] =	vst v0;
	v0 =	vsel vm0, $0xDE0, v1  }
0x52: {  	[tilespmem:$0x1FFB0] =	vst v0;
	v0 =	vsel vm0, $0xE60, v2  }
0x53: {  	[tilespmem:$0x1FFC0] =	vst v0;
	v0 =	vimm.s32 $0xEF0  }
0x54: {  	v1 =	vimm.s32 $0xF70;
	v0 =	vsel vm14, $0x680, v0  }
0x55: {  	v2 =	vimm.s32 $0xFF0;
	v1 =	vsel vm14, $0x700, v1;
	v0 =	vsel vm13, $0x690, v0  }
0x56: {  	v2 =	vsel vm14, $0x780, v2;
	v1 =	vsel vm13, $0x710, v1;
	v0 =	vsel vm12, $0x6A0, v0  }
0x57: {  	v2 =	vsel vm13, $0x790, v2;
	v1 =	vsel vm12, $0x720, v1;
	v0 =	vsel vm11, $0x6B0, v0  }
0x58: {  	v2 =	vsel vm12, $0x7A0, v2;
	v1 =	vsel vm11, $0x730, v1;
	v0 =	vsel vm10, $0x6C0, v0  }
0x59: {  	v2 =	vsel vm11, $0x7B0, v2;
	v1 =	vsel vm10, $0x740, v1;
	v0 =	vsel vm9, $0x6D0, v0  }
0x5a: {  	v2 =	vsel vm10, $0x7C0, v2;
	v1 =	vsel vm9, $0x750, v1;
	v0 =	vsel vm8, $0x6E0, v0  }
0x5b: {  	v2 =	vsel vm9, $0x7D0, v2;
	v1 =	vsel vm8, $0x760, v1;
	v0 =	vsel vm15, $0x6F0, v0  }
0x5c: {  	v2 =	vsel vm8, $0x7E0, v2;
	v1 =	vsel vm15, $0x770, v1;
	v0 =	vsel vm6, $0xE80, v0  }
0x5d: {  	v2 =	vsel vm15, $0x7F0, v2;
	v1 =	vsel vm6, $0xF00, v1;
	v0 =	vsel vm5, $0xE90, v0  }
0x5e: {  	v2 =	vsel vm6, $0xF80, v2;
	v1 =	vsel vm5, $0xF10, v1;
	v0 =	vsel vm4, $0xEA0, v0  }
0x5f: {  	v2 =	vsel vm5, $0xF90, v2;
	v1 =	vsel vm4, $0xF20, v1;
	v0 =	vsel vm1, $0xEB0, v0  }
0x60: {  	v2 =	vsel vm4, $0xFA0, v2;
	v1 =	vsel vm1, $0xF30, v1;
	v0 =	vsel vm3, $0xEC0, v0  }
0x61: {  	v2 =	vsel vm1, $0xFB0, v2;
	v1 =	vsel vm3, $0xF40, v1;
	v0 =	vsel vm2, $0xED0, v0  }
0x62: {  	v2 =	vsel vm3, $0xFC0, v2;
	v1 =	vsel vm2, $0xF50, v1;
	v0 =	vsel vm0, $0xEE0, v0  }
0x63: {  	v2 =	vsel vm2, $0xFD0, v2;
	[tilespmem:$0x1FFD0] =	vst v0;
	v0 =	vsel vm0, $0xF60, v1;
	v1 =	vimm.s32 $0x18F0  }
0x64: {  	[tilespmem:$0x1FFE0] =	vst v0;
	v0 =	vsel vm0, $0xFE0, v2;
	v2 =	vimm.s32 $0x1970;
	v1 =	vsel vm14, $0x1080, v1  }
0x65: {  	[tilespmem:$0x1FFF0] =	vst v0;
	v0 =	vimm.s32 $0x1870;
	v2 =	vsel vm14, $0x1100, v2;
	v1 =	vsel vm13, $0x1090, v1  }
0x66: {  	v0 =	vsel vm14, $0x1000, v0;
	v2 =	vsel vm13, $0x1110, v2;
	v1 =	vsel vm12, $0x10A0, v1  }
0x67: {  	v0 =	vsel vm13, $0x1010, v0;
	v2 =	vsel vm12, $0x1120, v2;
	v1 =	vsel vm11, $0x10B0, v1  }
0x68: {  	v0 =	vsel vm12, $0x1020, v0;
	v2 =	vsel vm11, $0x1130, v2;
	v1 =	vsel vm10, $0x10C0, v1  }
0x69: {  	v0 =	vsel vm11, $0x1030, v0;
	v2 =	vsel vm10, $0x1140, v2;
	v1 =	vsel vm9, $0x10D0, v1  }
0x6a: {  	v0 =	vsel vm10, $0x1040, v0;
	v2 =	vsel vm9, $0x1150, v2;
	v1 =	vsel vm8, $0x10E0, v1  }
0x6b: {  	v0 =	vsel vm9, $0x1050, v0;
	v2 =	vsel vm8, $0x1160, v2;
	v1 =	vsel vm15, $0x10F0, v1  }
0x6c: {  	v0 =	vsel vm8, $0x1060, v0;
	v2 =	vsel vm15, $0x1170, v2;
	v1 =	vsel vm6, $0x1880, v1  }
0x6d: {  	v0 =	vsel vm15, $0x1070, v0;
	v2 =	vsel vm6, $0x1900, v2;
	v1 =	vsel vm5, $0x1890, v1  }
0x6e: {  	v0 =	vsel vm6, $0x1800, v0;
	v2 =	vsel vm5, $0x1910, v2;
	v1 =	vsel vm4, $0x18A0, v1  }
0x6f: {  	v0 =	vsel vm5, $0x1810, v0;
	v2 =	vsel vm4, $0x1920, v2;
	v1 =	vsel vm1, $0x18B0, v1  }
0x70: {  	v0 =	vsel vm4, $0x1820, v0;
	v2 =	vsel vm1, $0x1930, v2;
	v1 =	vsel vm3, $0x18C0, v1  }
0x71: {  	v0 =	vsel vm1, $0x1830, v0;
	v2 =	vsel vm3, $0x1940, v2;
	v1 =	vsel vm2, $0x18D0, v1  }
0x72: {  	v0 =	vsel vm3, $0x1840, v0;
	v2 =	vsel vm2, $0x1950, v2;
	v18 =	vsel vm0, $0x18E0, v1  }
0x73: {  	v1 =	vimm.s32 $0x1A70;
	v0 =	vsel vm2, $0x1850, v0;
	v19 =	vsel vm0, $0x1960, v2  }
0x74: {  	v2 =	vimm.s32 $0x1AF0;
	v1 =	vsel vm14, $0x1200, v1;
	v17 =	vsel vm0, $0x1860, v0  }
0x75: {  	v0 =	vimm.s32 $0x19F0;
	v2 =	vsel vm14, $0x1280, v2;
	v1 =	vsel vm13, $0x1210, v1  }
0x76: {  	v0 =	vsel vm14, $0x1180, v0;
	v2 =	vsel vm13, $0x1290, v2;
	v1 =	vsel vm12, $0x1220, v1  }
0x77: {  	v0 =	vsel vm13, $0x1190, v0;
	v2 =	vsel vm12, $0x12A0, v2;
	v1 =	vsel vm11, $0x1230, v1  }
0x78: {  	v0 =	vsel vm12, $0x11A0, v0;
	v2 =	vsel vm11, $0x12B0, v2;
	v1 =	vsel vm10, $0x1240, v1  }
0x79: {  	v0 =	vsel vm11, $0x11B0, v0;
	v2 =	vsel vm10, $0x12C0, v2;
	v1 =	vsel vm9, $0x1250, v1  }
0x7a: {  	v0 =	vsel vm10, $0x11C0, v0;
	v2 =	vsel vm9, $0x12D0, v2;
	v1 =	vsel vm8, $0x1260, v1  }
0x7b: {  	v0 =	vsel vm9, $0x11D0, v0;
	v2 =	vsel vm8, $0x12E0, v2;
	v1 =	vsel vm15, $0x1270, v1  }
0x7c: {  	v0 =	vsel vm8, $0x11E0, v0;
	v2 =	vsel vm15, $0x12F0, v2;
	v1 =	vsel vm6, $0x1A00, v1  }
0x7d: {  	v0 =	vsel vm15, $0x11F0, v0;
	v2 =	vsel vm6, $0x1A80, v2;
	v1 =	vsel vm5, $0x1A10, v1  }
0x7e: {  	v0 =	vsel vm6, $0x1980, v0;
	v2 =	vsel vm5, $0x1A90, v2;
	v1 =	vsel vm4, $0x1A20, v1  }
0x7f: {  	v0 =	vsel vm5, $0x1990, v0;
	v2 =	vsel vm4, $0x1AA0, v2;
	v1 =	vsel vm1, $0x1A30, v1  }
0x80: {  	v0 =	vsel vm4, $0x19A0, v0;
	v2 =	vsel vm1, $0x1AB0, v2;
	v1 =	vsel vm3, $0x1A40, v1  }
0x81: {  	v0 =	vsel vm1, $0x19B0, v0;
	v2 =	vsel vm3, $0x1AC0, v2;
	v1 =	vsel vm2, $0x1A50, v1  }
0x82: {  	v0 =	vsel vm3, $0x19C0, v0;
	v2 =	vsel vm2, $0x1AD0, v2;
	v21 =	vsel vm0, $0x1A60, v1  }
0x83: {  	v1 =	vimm.s32 $0x1BF0;
	v0 =	vsel vm2, $0x19D0, v0;
	v22 =	vsel vm0, $0x1AE0, v2  }
0x84: {  	v2 =	vimm.s32 $0x1C70;
	v1 =	vsel vm14, $0x1380, v1;
	v20 =	vsel vm0, $0x19E0, v0  }
0x85: {  	v0 =	vimm.s32 $0x1B70;
	v2 =	vsel vm14, $0x1400, v2;
	v1 =	vsel vm13, $0x1390, v1  }
0x86: {  	v0 =	vsel vm14, $0x1300, v0;
	v2 =	vsel vm13, $0x1410, v2;
	v1 =	vsel vm12, $0x13A0, v1  }
0x87: {  	v0 =	vsel vm13, $0x1310, v0;
	v2 =	vsel vm12, $0x1420, v2;
	v1 =	vsel vm11, $0x13B0, v1  }
0x88: {  	v0 =	vsel vm12, $0x1320, v0;
	v2 =	vsel vm11, $0x1430, v2;
	v1 =	vsel vm10, $0x13C0, v1  }
0x89: {  	v0 =	vsel vm11, $0x1330, v0;
	v2 =	vsel vm10, $0x1440, v2;
	v1 =	vsel vm9, $0x13D0, v1  }
0x8a: {  	v0 =	vsel vm10, $0x1340, v0;
	v2 =	vsel vm9, $0x1450, v2;
	v1 =	vsel vm8, $0x13E0, v1  }
0x8b: {  	v0 =	vsel vm9, $0x1350, v0;
	v2 =	vsel vm8, $0x1460, v2;
	v1 =	vsel vm15, $0x13F0, v1  }
0x8c: {  	v0 =	vsel vm8, $0x1360, v0;
	v2 =	vsel vm15, $0x1470, v2;
	v1 =	vsel vm6, $0x1B80, v1  }
0x8d: {  	v0 =	vsel vm15, $0x1370, v0;
	v2 =	vsel vm6, $0x1C00, v2;
	v1 =	vsel vm5, $0x1B90, v1  }
0x8e: {  	v0 =	vsel vm6, $0x1B00, v0;
	v2 =	vsel vm5, $0x1C10, v2;
	v1 =	vsel vm4, $0x1BA0, v1  }
0x8f: {  	v0 =	vsel vm5, $0x1B10, v0;
	v2 =	vsel vm4, $0x1C20, v2;
	v1 =	vsel vm1, $0x1BB0, v1  }
0x90: {  	v0 =	vsel vm4, $0x1B20, v0;
	v2 =	vsel vm1, $0x1C30, v2;
	v1 =	vsel vm3, $0x1BC0, v1  }
0x91: {  	v0 =	vsel vm1, $0x1B30, v0;
	v2 =	vsel vm3, $0x1C40, v2;
	v1 =	vsel vm2, $0x1BD0, v1  }
0x92: {  	v0 =	vsel vm3, $0x1B40, v0;
	v2 =	vsel vm2, $0x1C50, v2;
	v24 =	vsel vm0, $0x1BE0, v1  }
0x93: {  	v1 =	vimm.s32 $0x1D70;
	v0 =	vsel vm2, $0x1B50, v0;
	v25 =	vsel vm0, $0x1C60, v2  }
0x94: {  	v2 =	vimm.s32 $0x1DF0;
	v1 =	vsel vm14, $0x1500, v1;
	v23 =	vsel vm0, $0x1B60, v0  }
0x95: {  	v0 =	vimm.s32 $0x1CF0;
	v2 =	vsel vm14, $0x1580, v2;
	v1 =	vsel vm13, $0x1510, v1  }
0x96: {  	v0 =	vsel vm14, $0x1480, v0;
	v2 =	vsel vm13, $0x1590, v2;
	v1 =	vsel vm12, $0x1520, v1  }
0x97: {  	v0 =	vsel vm13, $0x1490, v0;
	v2 =	vsel vm12, $0x15A0, v2;
	v1 =	vsel vm11, $0x1530, v1  }
0x98: {  	v0 =	vsel vm12, $0x14A0, v0;
	v2 =	vsel vm11, $0x15B0, v2;
	v1 =	vsel vm10, $0x1540, v1  }
0x99: {  	v0 =	vsel vm11, $0x14B0, v0;
	v2 =	vsel vm10, $0x15C0, v2;
	v1 =	vsel vm9, $0x1550, v1  }
0x9a: {  	v0 =	vsel vm10, $0x14C0, v0;
	v2 =	vsel vm9, $0x15D0, v2;
	v1 =	vsel vm8, $0x1560, v1  }
0x9b: {  	v0 =	vsel vm9, $0x14D0, v0;
	v2 =	vsel vm8, $0x15E0, v2;
	v1 =	vsel vm15, $0x1570, v1  }
0x9c: {  	v0 =	vsel vm8, $0x14E0, v0;
	v2 =	vsel vm15, $0x15F0, v2;
	v1 =	vsel vm6, $0x1D00, v1  }
0x9d: {  	v0 =	vsel vm15, $0x14F0, v0;
	v2 =	vsel vm6, $0x1D80, v2;
	v1 =	vsel vm5, $0x1D10, v1  }
0x9e: {  	v0 =	vsel vm6, $0x1C80, v0;
	v2 =	vsel vm5, $0x1D90, v2;
	v1 =	vsel vm4, $0x1D20, v1  }
0x9f: {  	v0 =	vsel vm5, $0x1C90, v0;
	v2 =	vsel vm4, $0x1DA0, v2;
	v1 =	vsel vm1, $0x1D30, v1  }
0xa0: {  	v0 =	vsel vm4, $0x1CA0, v0;
	v2 =	vsel vm1, $0x1DB0, v2;
	v1 =	vsel vm3, $0x1D40, v1  }
0xa1: {  	v0 =	vsel vm1, $0x1CB0, v0;
	v2 =	vsel vm3, $0x1DC0, v2;
	v1 =	vsel vm2, $0x1D50, v1  }
0xa2: {  	v0 =	vsel vm3, $0x1CC0, v0;
	v2 =	vsel vm2, $0x1DD0, v2;
	v27 =	vsel vm0, $0x1D60, v1  }
0xa3: {  	v1 =	vimm.s32 $0x1EF0;
	v0 =	vsel vm2, $0x1CD0, v0;
	v28 =	vsel vm0, $0x1DE0, v2  }
0xa4: {  	v2 =	vimm.s32 $0x1F70;
	v1 =	vsel vm14, $0x1680, v1;
	v26 =	vsel vm0, $0x1CE0, v0  }
0xa5: {  	v0 =	vimm.s32 $0x1E70;
	v2 =	vsel vm14, $0x1700, v2;
	v1 =	vsel vm13, $0x1690, v1  }
0xa6: {  	v0 =	vsel vm14, $0x1600, v0;
	v2 =	vsel vm13, $0x1710, v2;
	v1 =	vsel vm12, $0x16A0, v1  }
0xa7: {  	v0 =	vsel vm13, $0x1610, v0;
	v2 =	vsel vm12, $0x1720, v2;
	v1 =	vsel vm11, $0x16B0, v1  }
0xa8: {  	v0 =	vsel vm12, $0x1620, v0;
	v2 =	vsel vm11, $0x1730, v2;
	v1 =	vsel vm10, $0x16C0, v1  }
0xa9: {  	v0 =	vsel vm11, $0x1630, v0;
	v2 =	vsel vm10, $0x1740, v2;
	v1 =	vsel vm9, $0x16D0, v1  }
0xaa: {  	v0 =	vsel vm10, $0x1640, v0;
	v2 =	vsel vm9, $0x1750, v2;
	v1 =	vsel vm8, $0x16E0, v1  }
0xab: {  	v0 =	vsel vm9, $0x1650, v0;
	v2 =	vsel vm8, $0x1760, v2;
	v1 =	vsel vm15, $0x16F0, v1  }
0xac: {  	v0 =	vsel vm8, $0x1660, v0;
	v2 =	vsel vm15, $0x1770, v2;
	v1 =	vsel vm6, $0x1E80, v1  }
0xad: {  	v0 =	vsel vm15, $0x1670, v0;
	v2 =	vsel vm6, $0x1F00, v2;
	v1 =	vsel vm5, $0x1E90, v1  }
0xae: {  	v0 =	vsel vm6, $0x1E00, v0;
	v2 =	vsel vm5, $0x1F10, v2;
	v1 =	vsel vm4, $0x1EA0, v1  }
0xaf: {  	v0 =	vsel vm5, $0x1E10, v0;
	v2 =	vsel vm4, $0x1F20, v2;
	v1 =	vsel vm1, $0x1EB0, v1  }
0xb0: {  	v0 =	vsel vm4, $0x1E20, v0;
	v2 =	vsel vm1, $0x1F30, v2;
	v1 =	vsel vm3, $0x1EC0, v1  }
0xb1: {  	v0 =	vsel vm1, $0x1E30, v0;
	v2 =	vsel vm3, $0x1F40, v2;
	v1 =	vsel vm2, $0x1ED0, v1  }
0xb2: {  	v0 =	vsel vm3, $0x1E40, v0;
	v2 =	vsel vm2, $0x1F50, v2;
	v30 =	vsel vm0, $0x1EE0, v1  }
0xb3: {  	v1 =	vimm.s32 $0x2870;
	v0 =	vsel vm2, $0x1E50, v0;
	v31 =	vsel vm0, $0x1F60, v2  }
0xb4: {  	v2 =	vimm.s32 $0x28F0;
	v1 =	vsel vm14, $0x2000, v1;
	v29 =	vsel vm0, $0x1E60, v0  }
0xb5: {  	v0 =	vimm.s32 $0x1FF0;
	v2 =	vsel vm14, $0x2080, v2;
	v1 =	vsel vm13, $0x2010, v1  }
0xb6: {  	v0 =	vsel vm14, $0x1780, v0;
	v2 =	vsel vm13, $0x2090, v2;
	v1 =	vsel vm12, $0x2020, v1  }
0xb7: {  	v0 =	vsel vm13, $0x1790, v0;
	v2 =	vsel vm12, $0x20A0, v2;
	v1 =	vsel vm11, $0x2030, v1  }
0xb8: {  	v0 =	vsel vm12, $0x17A0, v0;
	v2 =	vsel vm11, $0x20B0, v2;
	v1 =	vsel vm10, $0x2040, v1  }
0xb9: {  	v0 =	vsel vm11, $0x17B0, v0;
	v2 =	vsel vm10, $0x20C0, v2;
	v1 =	vsel vm9, $0x2050, v1  }
0xba: {  	v0 =	vsel vm10, $0x17C0, v0;
	v2 =	vsel vm9, $0x20D0, v2;
	v1 =	vsel vm8, $0x2060, v1  }
0xbb: {  	v0 =	vsel vm9, $0x17D0, v0;
	v2 =	vsel vm8, $0x20E0, v2;
	v1 =	vsel vm15, $0x2070, v1  }
0xbc: {  	v0 =	vsel vm8, $0x17E0, v0;
	v2 =	vsel vm15, $0x20F0, v2;
	v1 =	vsel vm6, $0x2800, v1  }
0xbd: {  	v0 =	vsel vm15, $0x17F0, v0;
	v2 =	vsel vm6, $0x2880, v2;
	v1 =	vsel vm5, $0x2810, v1  }
0xbe: {  	v0 =	vsel vm6, $0x1F80, v0;
	v2 =	vsel vm5, $0x2890, v2;
	v1 =	vsel vm4, $0x2820, v1  }
0xbf: {  	v0 =	vsel vm5, $0x1F90, v0;
	v2 =	vsel vm4, $0x28A0, v2;
	v1 =	vsel vm1, $0x2830, v1  }
0xc0: {  	v0 =	vsel vm4, $0x1FA0, v0;
	v2 =	vsel vm1, $0x28B0, v2;
	v1 =	vsel vm3, $0x2840, v1  }
0xc1: {  	v0 =	vsel vm1, $0x1FB0, v0;
	v2 =	vsel vm3, $0x28C0, v2;
	v1 =	vsel vm2, $0x2850, v1  }
0xc2: {  	v0 =	vsel vm3, $0x1FC0, v0;
	v2 =	vsel vm2, $0x28D0, v2;
	v33 =	vsel vm0, $0x2860, v1  }
0xc3: {  	v1 =	vimm.s32 $0x29F0;
	v0 =	vsel vm2, $0x1FD0, v0;
	v34 =	vsel vm0, $0x28E0, v2  }
0xc4: {  	v2 =	vimm.s32 $0x2A70;
	v1 =	vsel vm14, $0x2180, v1;
	v32 =	vsel vm0, $0x1FE0, v0  }
0xc5: {  	v0 =	vimm.s32 $0x2970;
	v2 =	vsel vm14, $0x2200, v2;
	v1 =	vsel vm13, $0x2190, v1  }
0xc6: {  	v0 =	vsel vm14, $0x2100, v0;
	v2 =	vsel vm13, $0x2210, v2;
	v1 =	vsel vm12, $0x21A0, v1  }
0xc7: {  	v0 =	vsel vm13, $0x2110, v0;
	v2 =	vsel vm12, $0x2220, v2;
	v1 =	vsel vm11, $0x21B0, v1  }
0xc8: {  	v0 =	vsel vm12, $0x2120, v0;
	v2 =	vsel vm11, $0x2230, v2;
	v1 =	vsel vm10, $0x21C0, v1  }
0xc9: {  	v0 =	vsel vm11, $0x2130, v0;
	v2 =	vsel vm10, $0x2240, v2;
	v1 =	vsel vm9, $0x21D0, v1  }
0xca: {  	v0 =	vsel vm10, $0x2140, v0;
	v2 =	vsel vm9, $0x2250, v2;
	v1 =	vsel vm8, $0x21E0, v1  }
0xcb: {  	v0 =	vsel vm9, $0x2150, v0;
	v2 =	vsel vm8, $0x2260, v2;
	v1 =	vsel vm15, $0x21F0, v1  }
0xcc: {  	v0 =	vsel vm8, $0x2160, v0;
	v2 =	vsel vm15, $0x2270, v2;
	v1 =	vsel vm6, $0x2980, v1  }
0xcd: {  	v0 =	vsel vm15, $0x2170, v0;
	v2 =	vsel vm6, $0x2A00, v2;
	v1 =	vsel vm5, $0x2990, v1  }
0xce: {  	v0 =	vsel vm6, $0x2900, v0;
	v2 =	vsel vm5, $0x2A10, v2;
	v1 =	vsel vm4, $0x29A0, v1  }
0xcf: {  	v0 =	vsel vm5, $0x2910, v0;
	v2 =	vsel vm4, $0x2A20, v2;
	v1 =	vsel vm1, $0x29B0, v1  }
0xd0: {  	v0 =	vsel vm4, $0x2920, v0;
	v2 =	vsel vm1, $0x2A30, v2;
	v1 =	vsel vm3, $0x29C0, v1  }
0xd1: {  	v0 =	vsel vm1, $0x2930, v0;
	v2 =	vsel vm3, $0x2A40, v2;
	v1 =	vsel vm2, $0x29D0, v1  }
0xd2: {  	v0 =	vsel vm3, $0x2940, v0;
	v2 =	vsel vm2, $0x2A50, v2;
	v36 =	vsel vm0, $0x29E0, v1  }
0xd3: {  	v1 =	vimm.s32 $0x2B70;
	v0 =	vsel vm2, $0x2950, v0;
	v37 =	vsel vm0, $0x2A60, v2  }
0xd4: {  	v2 =	vimm.s32 $0x2BF0;
	v1 =	vsel vm14, $0x2300, v1;
	v35 =	vsel vm0, $0x2960, v0  }
0xd5: {  	v0 =	vimm.s32 $0x2AF0;
	v2 =	vsel vm14, $0x2380, v2;
	v1 =	vsel vm13, $0x2310, v1  }
0xd6: {  	v0 =	vsel vm14, $0x2280, v0;
	v2 =	vsel vm13, $0x2390, v2;
	v1 =	vsel vm12, $0x2320, v1  }
0xd7: {  	v0 =	vsel vm13, $0x2290, v0;
	v2 =	vsel vm12, $0x23A0, v2;
	v1 =	vsel vm11, $0x2330, v1  }
0xd8: {  	v0 =	vsel vm12, $0x22A0, v0;
	v2 =	vsel vm11, $0x23B0, v2;
	v1 =	vsel vm10, $0x2340, v1  }
0xd9: {  	v0 =	vsel vm11, $0x22B0, v0;
	v2 =	vsel vm10, $0x23C0, v2;
	v1 =	vsel vm9, $0x2350, v1  }
0xda: {  	v0 =	vsel vm10, $0x22C0, v0;
	v2 =	vsel vm9, $0x23D0, v2;
	v1 =	vsel vm8, $0x2360, v1  }
0xdb: {  	v0 =	vsel vm9, $0x22D0, v0;
	v2 =	vsel vm8, $0x23E0, v2;
	v1 =	vsel vm15, $0x2370, v1  }
0xdc: {  	v0 =	vsel vm8, $0x22E0, v0;
	v2 =	vsel vm15, $0x23F0, v2;
	v1 =	vsel vm6, $0x2B00, v1  }
0xdd: {  	v0 =	vsel vm15, $0x22F0, v0;
	v2 =	vsel vm6, $0x2B80, v2;
	v1 =	vsel vm5, $0x2B10, v1  }
0xde: {  	v0 =	vsel vm6, $0x2A80, v0;
	v2 =	vsel vm5, $0x2B90, v2;
	v1 =	vsel vm4, $0x2B20, v1  }
0xdf: {  	v0 =	vsel vm5, $0x2A90, v0;
	v2 =	vsel vm4, $0x2BA0, v2;
	v1 =	vsel vm1, $0x2B30, v1  }
0xe0: {  	v0 =	vsel vm4, $0x2AA0, v0;
	v2 =	vsel vm1, $0x2BB0, v2;
	v1 =	vsel vm3, $0x2B40, v1  }
0xe1: {  	v0 =	vsel vm1, $0x2AB0, v0;
	v2 =	vsel vm3, $0x2BC0, v2;
	v1 =	vsel vm2, $0x2B50, v1  }
0xe2: {  	v0 =	vsel vm3, $0x2AC0, v0;
	v2 =	vsel vm2, $0x2BD0, v2;
	v39 =	vsel vm0, $0x2B60, v1  }
0xe3: {  	v1 =	vimm.s32 $0x2CF0;
	v0 =	vsel vm2, $0x2AD0, v0;
	v40 =	vsel vm0, $0x2BE0, v2  }
0xe4: {  	v2 =	vimm.s32 $0x2D70;
	v1 =	vsel vm14, $0x2480, v1;
	v38 =	vsel vm0, $0x2AE0, v0  }
0xe5: {  	v0 =	vimm.s32 $0x2C70;
	v2 =	vsel vm14, $0x2500, v2;
	v1 =	vsel vm13, $0x2490, v1  }
0xe6: {  	v0 =	vsel vm14, $0x2400, v0;
	v2 =	vsel vm13, $0x2510, v2;
	v1 =	vsel vm12, $0x24A0, v1  }
0xe7: {  	v0 =	vsel vm13, $0x2410, v0;
	v2 =	vsel vm12, $0x2520, v2;
	v1 =	vsel vm11, $0x24B0, v1  }
0xe8: {  	v0 =	vsel vm12, $0x2420, v0;
	v2 =	vsel vm11, $0x2530, v2;
	v1 =	vsel vm10, $0x24C0, v1  }
0xe9: {  	v0 =	vsel vm11, $0x2430, v0;
	v2 =	vsel vm10, $0x2540, v2;
	v1 =	vsel vm9, $0x24D0, v1  }
0xea: {  	v0 =	vsel vm10, $0x2440, v0;
	v2 =	vsel vm9, $0x2550, v2;
	v1 =	vsel vm8, $0x24E0, v1  }
0xeb: {  	v0 =	vsel vm9, $0x2450, v0;
	v2 =	vsel vm8, $0x2560, v2;
	v1 =	vsel vm15, $0x24F0, v1  }
0xec: {  	v0 =	vsel vm8, $0x2460, v0;
	v2 =	vsel vm15, $0x2570, v2;
	v1 =	vsel vm6, $0x2C80, v1  }
0xed: {  	v0 =	vsel vm15, $0x2470, v0;
	v2 =	vsel vm6, $0x2D00, v2;
	v1 =	vsel vm5, $0x2C90, v1  }
0xee: {  	v0 =	vsel vm6, $0x2C00, v0;
	v2 =	vsel vm5, $0x2D10, v2;
	v1 =	vsel vm4, $0x2CA0, v1  }
0xef: {  	v0 =	vsel vm5, $0x2C10, v0;
	v2 =	vsel vm4, $0x2D20, v2;
	v1 =	vsel vm1, $0x2CB0, v1  }
0xf0: {  	v0 =	vsel vm4, $0x2C20, v0;
	v2 =	vsel vm1, $0x2D30, v2;
	v1 =	vsel vm3, $0x2CC0, v1  }
0xf1: {  	v0 =	vsel vm1, $0x2C30, v0;
	v2 =	vsel vm3, $0x2D40, v2;
	v1 =	vsel vm2, $0x2CD0, v1  }
0xf2: {  	v0 =	vsel vm3, $0x2C40, v0;
	v2 =	vsel vm2, $0x2D50, v2;
	v42 =	vsel vm0, $0x2CE0, v1  }
0xf3: {  	v1 =	vimm.s32 $0x2E70;
	v0 =	vsel vm2, $0x2C50, v0;
	v43 =	vsel vm0, $0x2D60, v2  }
0xf4: {  	v2 =	vimm.s32 $0x2EF0;
	v1 =	vsel vm14, $0x2600, v1;
	v41 =	vsel vm0, $0x2C60, v0  }
0xf5: {  	v0 =	vimm.s32 $0x2DF0;
	v2 =	vsel vm14, $0x2680, v2;
	v1 =	vsel vm13, $0x2610, v1  }
0xf6: {  	v0 =	vsel vm14, $0x2580, v0;
	v2 =	vsel vm13, $0x2690, v2;
	v1 =	vsel vm12, $0x2620, v1  }
0xf7: {  	v0 =	vsel vm13, $0x2590, v0;
	v2 =	vsel vm12, $0x26A0, v2;
	v1 =	vsel vm11, $0x2630, v1  }
0xf8: {  	v0 =	vsel vm12, $0x25A0, v0;
	v2 =	vsel vm11, $0x26B0, v2;
	v1 =	vsel vm10, $0x2640, v1  }
0xf9: {  	v0 =	vsel vm11, $0x25B0, v0;
	v2 =	vsel vm10, $0x26C0, v2;
	v1 =	vsel vm9, $0x2650, v1  }
0xfa: {  	v0 =	vsel vm10, $0x25C0, v0;
	v2 =	vsel vm9, $0x26D0, v2;
	v1 =	vsel vm8, $0x2660, v1  }
0xfb: {  	v0 =	vsel vm9, $0x25D0, v0;
	v2 =	vsel vm8, $0x26E0, v2;
	v1 =	vsel vm15, $0x2670, v1  }
0xfc: {  	v0 =	vsel vm8, $0x25E0, v0;
	v2 =	vsel vm15, $0x26F0, v2;
	v1 =	vsel vm6, $0x2E00, v1  }
0xfd: {  	v0 =	vsel vm15, $0x25F0, v0;
	v2 =	vsel vm6, $0x2E80, v2;
	v1 =	vsel vm5, $0x2E10, v1  }
0xfe: {  	v0 =	vsel vm6, $0x2D80, v0;
	v2 =	vsel vm5, $0x2E90, v2;
	v1 =	vsel vm4, $0x2E20, v1  }
0xff: {  	v0 =	vsel vm5, $0x2D90, v0;
	v2 =	vsel vm4, $0x2EA0, v2;
	v1 =	vsel vm1, $0x2E30, v1  }
0x100: {  	v0 =	vsel vm4, $0x2DA0, v0;
	v2 =	vsel vm1, $0x2EB0, v2;
	v1 =	vsel vm3, $0x2E40, v1  }
0x101: {  	v0 =	vsel vm1, $0x2DB0, v0;
	v2 =	vsel vm3, $0x2EC0, v2;
	v1 =	vsel vm2, $0x2E50, v1  }
0x102: {  	v0 =	vsel vm3, $0x2DC0, v0;
	v2 =	vsel vm2, $0x2ED0, v2;
	v45 =	vsel vm0, $0x2E60, v1  }
0x103: {  	v1 =	vimm.s32 $0x2FF0;
	v0 =	vsel vm2, $0x2DD0, v0;
	v46 =	vsel vm0, $0x2EE0, v2  }
0x104: {  	v2 =	vimm.s32 $0x3870;
	v1 =	vsel vm14, $0x2780, v1;
	v44 =	vsel vm0, $0x2DE0, v0  }
0x105: {  	v0 =	vimm.s32 $0x2F70;
	v2 =	vsel vm14, $0x3000, v2;
	v1 =	vsel vm13, $0x2790, v1  }
0x106: {  	v0 =	vsel vm14, $0x2700, v0;
	v2 =	vsel vm13, $0x3010, v2;
	v1 =	vsel vm12, $0x27A0, v1  }
0x107: {  	v0 =	vsel vm13, $0x2710, v0;
	v2 =	vsel vm12, $0x3020, v2;
	v1 =	vsel vm11, $0x27B0, v1  }
0x108: {  	v0 =	vsel vm12, $0x2720, v0;
	v2 =	vsel vm11, $0x3030, v2;
	v1 =	vsel vm10, $0x27C0, v1  }
0x109: {  	v0 =	vsel vm11, $0x2730, v0;
	v2 =	vsel vm10, $0x3040, v2;
	v1 =	vsel vm9, $0x27D0, v1  }
0x10a: {  	v0 =	vsel vm10, $0x2740, v0;
	v2 =	vsel vm9, $0x3050, v2;
	v1 =	vsel vm8, $0x27E0, v1  }
0x10b: {  	v0 =	vsel vm9, $0x2750, v0;
	v2 =	vsel vm8, $0x3060, v2;
	v1 =	vsel vm15, $0x27F0, v1  }
0x10c: {  	v0 =	vsel vm8, $0x2760, v0;
	v2 =	vsel vm15, $0x3070, v2;
	v1 =	vsel vm6, $0x2F80, v1  }
0x10d: {  	v0 =	vsel vm15, $0x2770, v0;
	v2 =	vsel vm6, $0x3800, v2;
	v1 =	vsel vm5, $0x2F90, v1  }
0x10e: {  	v0 =	vsel vm6, $0x2F00, v0;
	v2 =	vsel vm5, $0x3810, v2;
	v1 =	vsel vm4, $0x2FA0, v1  }
0x10f: {  	v0 =	vsel vm5, $0x2F10, v0;
	v2 =	vsel vm4, $0x3820, v2;
	v1 =	vsel vm1, $0x2FB0, v1  }
0x110: {  	v0 =	vsel vm4, $0x2F20, v0;
	v2 =	vsel vm1, $0x3830, v2;
	v1 =	vsel vm3, $0x2FC0, v1  }
0x111: {  	v0 =	vsel vm1, $0x2F30, v0;
	v2 =	vsel vm3, $0x3840, v2;
	v1 =	vsel vm2, $0x2FD0, v1  }
0x112: {  	v0 =	vsel vm3, $0x2F40, v0;
	v2 =	vsel vm2, $0x3850, v2;
	v48 =	vsel vm0, $0x2FE0, v1  }
0x113: {  	v1 =	vimm.s32 $0x3970;
	v0 =	vsel vm2, $0x2F50, v0;
	v49 =	vsel vm0, $0x3860, v2  }
0x114: {  	v2 =	vimm.s32 $0x39F0;
	v1 =	vsel vm14, $0x3100, v1;
	v47 =	vsel vm0, $0x2F60, v0  }
0x115: {  	v0 =	vimm.s32 $0x38F0;
	v2 =	vsel vm14, $0x3180, v2;
	v1 =	vsel vm13, $0x3110, v1  }
0x116: {  	v0 =	vsel vm14, $0x3080, v0;
	v2 =	vsel vm13, $0x3190, v2;
	v1 =	vsel vm12, $0x3120, v1  }
0x117: {  	v0 =	vsel vm13, $0x3090, v0;
	v2 =	vsel vm12, $0x31A0, v2;
	v1 =	vsel vm11, $0x3130, v1  }
0x118: {  	v0 =	vsel vm12, $0x30A0, v0;
	v2 =	vsel vm11, $0x31B0, v2;
	v1 =	vsel vm10, $0x3140, v1  }
0x119: {  	v0 =	vsel vm11, $0x30B0, v0;
	v2 =	vsel vm10, $0x31C0, v2;
	v1 =	vsel vm9, $0x3150, v1  }
0x11a: {  	v0 =	vsel vm10, $0x30C0, v0;
	v2 =	vsel vm9, $0x31D0, v2;
	v1 =	vsel vm8, $0x3160, v1  }
0x11b: {  	v0 =	vsel vm9, $0x30D0, v0;
	v2 =	vsel vm8, $0x31E0, v2;
	v1 =	vsel vm15, $0x3170, v1  }
0x11c: {  	v0 =	vsel vm8, $0x30E0, v0;
	v2 =	vsel vm15, $0x31F0, v2;
	v1 =	vsel vm6, $0x3900, v1  }
0x11d: {  	v0 =	vsel vm15, $0x30F0, v0;
	v2 =	vsel vm6, $0x3980, v2;
	v1 =	vsel vm5, $0x3910, v1  }
0x11e: {  	v0 =	vsel vm6, $0x3880, v0;
	v2 =	vsel vm5, $0x3990, v2;
	v1 =	vsel vm4, $0x3920, v1  }
0x11f: {  	v0 =	vsel vm5, $0x3890, v0;
	v2 =	vsel vm4, $0x39A0, v2;
	v1 =	vsel vm1, $0x3930, v1  }
0x120: {  	v0 =	vsel vm4, $0x38A0, v0;
	v2 =	vsel vm1, $0x39B0, v2;
	v1 =	vsel vm3, $0x3940, v1  }
0x121: {  	v0 =	vsel vm1, $0x38B0, v0;
	v2 =	vsel vm3, $0x39C0, v2;
	v1 =	vsel vm2, $0x3950, v1  }
0x122: {  	v0 =	vsel vm3, $0x38C0, v0;
	v2 =	vsel vm2, $0x39D0, v2;
	v51 =	vsel vm0, $0x3960, v1  }
0x123: {  	v1 =	vimm.s32 $0x3AF0;
	v0 =	vsel vm2, $0x38D0, v0;
	v52 =	vsel vm0, $0x39E0, v2  }
0x124: {  	v2 =	vimm.s32 $0x3B70;
	v1 =	vsel vm14, $0x3280, v1;
	v50 =	vsel vm0, $0x38E0, v0  }
0x125: {  	v0 =	vimm.s32 $0x3A70;
	v2 =	vsel vm14, $0x3300, v2;
	v1 =	vsel vm13, $0x3290, v1  }
0x126: {  	v0 =	vsel vm14, $0x3200, v0;
	v2 =	vsel vm13, $0x3310, v2;
	v1 =	vsel vm12, $0x32A0, v1  }
0x127: {  	v0 =	vsel vm13, $0x3210, v0;
	v2 =	vsel vm12, $0x3320, v2;
	v1 =	vsel vm11, $0x32B0, v1  }
0x128: {  	v0 =	vsel vm12, $0x3220, v0;
	v2 =	vsel vm11, $0x3330, v2;
	v1 =	vsel vm10, $0x32C0, v1  }
0x129: {  	v0 =	vsel vm11, $0x3230, v0;
	v2 =	vsel vm10, $0x3340, v2;
	v1 =	vsel vm9, $0x32D0, v1  }
0x12a: {  	v0 =	vsel vm10, $0x3240, v0;
	v2 =	vsel vm9, $0x3350, v2;
	v1 =	vsel vm8, $0x32E0, v1  }
0x12b: {  	v0 =	vsel vm9, $0x3250, v0;
	v2 =	vsel vm8, $0x3360, v2;
	v1 =	vsel vm15, $0x32F0, v1  }
0x12c: {  	v0 =	vsel vm8, $0x3260, v0;
	v2 =	vsel vm15, $0x3370, v2;
	v1 =	vsel vm6, $0x3A80, v1  }
0x12d: {  	v0 =	vsel vm15, $0x3270, v0;
	v2 =	vsel vm6, $0x3B00, v2;
	v1 =	vsel vm5, $0x3A90, v1  }
0x12e: {  	v0 =	vsel vm6, $0x3A00, v0;
	v2 =	vsel vm5, $0x3B10, v2;
	v1 =	vsel vm4, $0x3AA0, v1  }
0x12f: {  	v0 =	vsel vm5, $0x3A10, v0;
	v2 =	vsel vm4, $0x3B20, v2;
	v1 =	vsel vm1, $0x3AB0, v1  }
0x130: {  	v0 =	vsel vm4, $0x3A20, v0;
	v2 =	vsel vm1, $0x3B30, v2;
	v1 =	vsel vm3, $0x3AC0, v1  }
0x131: {  	v0 =	vsel vm1, $0x3A30, v0;
	v2 =	vsel vm3, $0x3B40, v2;
	v1 =	vsel vm2, $0x3AD0, v1  }
0x132: {  	v0 =	vsel vm3, $0x3A40, v0;
	v2 =	vsel vm2, $0x3B50, v2;
	v54 =	vsel vm0, $0x3AE0, v1  }
0x133: {  	v1 =	vimm.s32 $0x3C70;
	v0 =	vsel vm2, $0x3A50, v0;
	v55 =	vsel vm0, $0x3B60, v2  }
0x134: {  	v2 =	vimm.s32 $0x3CF0;
	v1 =	vsel vm14, $0x3400, v1;
	v53 =	vsel vm0, $0x3A60, v0  }
0x135: {  	v0 =	vimm.s32 $0x3BF0;
	v2 =	vsel vm14, $0x3480, v2;
	v1 =	vsel vm13, $0x3410, v1  }
0x136: {  	v0 =	vsel vm14, $0x3380, v0;
	v2 =	vsel vm13, $0x3490, v2;
	v1 =	vsel vm12, $0x3420, v1  }
0x137: {  	v0 =	vsel vm13, $0x3390, v0;
	v2 =	vsel vm12, $0x34A0, v2;
	v1 =	vsel vm11, $0x3430, v1  }
0x138: {  	v0 =	vsel vm12, $0x33A0, v0;
	v2 =	vsel vm11, $0x34B0, v2;
	v1 =	vsel vm10, $0x3440, v1  }
0x139: {  	v0 =	vsel vm11, $0x33B0, v0;
	v2 =	vsel vm10, $0x34C0, v2;
	v1 =	vsel vm9, $0x3450, v1  }
0x13a: {  	v0 =	vsel vm10, $0x33C0, v0;
	v2 =	vsel vm9, $0x34D0, v2;
	v1 =	vsel vm8, $0x3460, v1  }
0x13b: {  	v0 =	vsel vm9, $0x33D0, v0;
	v2 =	vsel vm8, $0x34E0, v2;
	v1 =	vsel vm15, $0x3470, v1  }
0x13c: {  	v0 =	vsel vm8, $0x33E0, v0;
	v2 =	vsel vm15, $0x34F0, v2;
	v1 =	vsel vm6, $0x3C00, v1  }
0x13d: {  	v0 =	vsel vm15, $0x33F0, v0;
	v2 =	vsel vm6, $0x3C80, v2;
	v1 =	vsel vm5, $0x3C10, v1  }
0x13e: {  	v0 =	vsel vm6, $0x3B80, v0;
	v2 =	vsel vm5, $0x3C90, v2;
	v1 =	vsel vm4, $0x3C20, v1  }
0x13f: {  	v0 =	vsel vm5, $0x3B90, v0;
	v2 =	vsel vm4, $0x3CA0, v2;
	v1 =	vsel vm1, $0x3C30, v1  }
0x140: {  	v0 =	vsel vm4, $0x3BA0, v0;
	v2 =	vsel vm1, $0x3CB0, v2;
	v1 =	vsel vm3, $0x3C40, v1  }
0x141: {  	v0 =	vsel vm1, $0x3BB0, v0;
	v2 =	vsel vm3, $0x3CC0, v2;
	v1 =	vsel vm2, $0x3C50, v1  }
0x142: {  	v0 =	vsel vm3, $0x3BC0, v0;
	v2 =	vsel vm2, $0x3CD0, v2;
	v57 =	vsel vm0, $0x3C60, v1  }
0x143: {  	v1 =	vimm.s32 $0x3DF0;
	v0 =	vsel vm2, $0x3BD0, v0;
	v58 =	vsel vm0, $0x3CE0, v2  }
0x144: {  	v2 =	vimm.s32 $0x3E70;
	v1 =	vsel vm14, $0x3580, v1;
	v56 =	vsel vm0, $0x3BE0, v0  }
0x145: {  	v0 =	vimm.s32 $0x3D70;
	v2 =	vsel vm14, $0x3600, v2;
	v1 =	vsel vm13, $0x3590, v1  }
0x146: {  	v0 =	vsel vm14, $0x3500, v0;
	v2 =	vsel vm13, $0x3610, v2;
	v1 =	vsel vm12, $0x35A0, v1  }
0x147: {  	v0 =	vsel vm13, $0x3510, v0;
	v2 =	vsel vm12, $0x3620, v2;
	v1 =	vsel vm11, $0x35B0, v1  }
0x148: {  	v0 =	vsel vm12, $0x3520, v0;
	v2 =	vsel vm11, $0x3630, v2;
	v1 =	vsel vm10, $0x35C0, v1  }
0x149: {  	v0 =	vsel vm11, $0x3530, v0;
	v2 =	vsel vm10, $0x3640, v2;
	v1 =	vsel vm9, $0x35D0, v1  }
0x14a: {  	v0 =	vsel vm10, $0x3540, v0;
	v2 =	vsel vm9, $0x3650, v2;
	v1 =	vsel vm8, $0x35E0, v1  }
0x14b: {  	v0 =	vsel vm9, $0x3550, v0;
	v2 =	vsel vm8, $0x3660, v2;
	v1 =	vsel vm15, $0x35F0, v1  }
0x14c: {  	v0 =	vsel vm8, $0x3560, v0;
	v2 =	vsel vm15, $0x3670, v2;
	v1 =	vsel vm6, $0x3D80, v1  }
0x14d: {  	v0 =	vsel vm15, $0x3570, v0;
	v2 =	vsel vm6, $0x3E00, v2;
	v1 =	vsel vm5, $0x3D90, v1  }
0x14e: {  	v0 =	vsel vm6, $0x3D00, v0;
	v2 =	vsel vm5, $0x3E10, v2;
	v1 =	vsel vm4, $0x3DA0, v1  }
0x14f: {  	v0 =	vsel vm5, $0x3D10, v0;
	v2 =	vsel vm4, $0x3E20, v2;
	v1 =	vsel vm1, $0x3DB0, v1  }
0x150: {  	v0 =	vsel vm4, $0x3D20, v0;
	v2 =	vsel vm1, $0x3E30, v2;
	v1 =	vsel vm3, $0x3DC0, v1  }
0x151: {  	v0 =	vsel vm1, $0x3D30, v0;
	v2 =	vsel vm3, $0x3E40, v2;
	v1 =	vsel vm2, $0x3DD0, v1  }
0x152: {  	v0 =	vsel vm3, $0x3D40, v0;
	v2 =	vsel vm2, $0x3E50, v2;
	v60 =	vsel vm0, $0x3DE0, v1  }
0x153: {  	v1 =	vimm.s32 $0x3F70;
	v0 =	vsel vm2, $0x3D50, v0;
	v61 =	vsel vm0, $0x3E60, v2  }
0x154: {  	s3 =	rddreg [dreg:$0x0];
	v2 =	vimm.s32 $0x3FF0;
	v59 =	vsel vm0, $0x3D60, v0;
	v0 =	vimm.s32 $0x3EF0  }
0x155: {  	s5 =	rddreg [dreg:$0x1];
	v1 =	vsel vm14, $0x3700, v1;
	v2 =	vsel vm14, $0x3780, v2;
	v0 =	vsel vm14, $0x3680, v0  }
0x156: {  	s0 =	rddreg [dreg:$0x2];
	v1 =	vsel vm13, $0x3710, v1;
	v2 =	vsel vm13, $0x3790, v2;
	v0 =	vsel vm13, $0x3690, v0  }
0x157: {  	s1 =	rddreg [dreg:$0x3];
	v1 =	vsel vm12, $0x3720, v1;
	v2 =	vsel vm12, $0x37A0, v2;
	v0 =	vsel vm12, $0x36A0, v0  }
0x158: {  	s2 =	rddreg [dreg:$0x4];
	v1 =	vsel vm11, $0x3730, v1;
	v2 =	vsel vm11, $0x37B0, v2;
	v0 =	vsel vm11, $0x36B0, v0  }
0x159: {  	s10 =	rddreg [dreg:$0x5];
	s4 =	simm.s32 $0x0;
	v1 =	vsel vm10, $0x3740, v1;
	v2 =	vsel vm10, $0x37C0, v2;
	v0 =	vsel vm10, $0x36C0, v0  }
0x15a: {  	s6 =	srdreg.scid;
	s11 =	stileid.u32;
	s15 =	simm.s32 $0x80;
	v1 =	vsel vm9, $0x3750, v1;
	v2 =	vsel vm9, $0x37D0, v2;
	v0 =	vsel vm9, $0x36D0, v0  }
0x15b: {  	s25 =	simm.s32 $0x180;
	s26 =	simm.s32 $0x8580;
	s28 =	simm.s32 $0x380;
	v1 =	vsel vm8, $0x3760, v1;
	v2 =	vsel vm8, $0x37E0, v2;
	v0 =	vsel vm8, $0x36E0, v0  }
0x15c: {  	s29 =	simm.s32 $0x8780;
	s30 =	simm.s32 $0x1;
	s31 =	simm.s32 $0x2;
	v1 =	vsel vm15, $0x3770, v1;
	v2 =	vsel vm15, $0x37F0, v2;
	v0 =	vsel vm15, $0x36F0, v0  }
0x15d: {  	s14 =	simm.s32 $0x8800;
	s16 =	simm.s32 $0x0;
	[smem:$0x7FF] =	sst s4;
	v1 =	vsel vm6, $0x3F00, v1;
	v2 =	vsel vm6, $0x3F80, v2;
	v0 =	vsel vm6, $0x3E80, v0  }
0x15e: {  	s7 =	sand.u32 $0x1, s6;
	s6 =	sadd.s32 $0x1EA00, s2;
	s11 =	sshll.u32 s11, $0x7;
	v1 =	vsel vm5, $0x3F10, v1;
	v2 =	vsel vm5, $0x3F90, v2;
	v0 =	vsel vm5, $0x3E90, v0  }
0x15f: {  	s8 =	ssub.s32 $0x2, s7;
	s12 =	sshll.u32 s7, $0x6;
	s7 =	sadd.s32 $0x3D400, s2;
	v1 =	vsel vm4, $0x3F20, v1;
	v2 =	vsel vm4, $0x3FA0, v2;
	v0 =	vsel vm4, $0x3EA0, v0  }
0x160: {  	s9 =	sshrl.u32 s8, $0x1;
	s11 =	sor.u32 s12, s11;
	s12 =	simm.s32 $0x3;
	v1 =	vsel vm1, $0x3F30, v1;
	v2 =	vsel vm1, $0x3FB0, v2;
	v0 =	vsel vm1, $0x3EB0, v0  }
0x161: {  	s13 =	ssub.s32 s8, s9;
	s8 =	sadd.s32 s3, s11;
	s9 =	sadd.s32 s5, s11;
	v1 =	vsel vm3, $0x3F40, v1;
	v2 =	vsel vm3, $0x3FC0, v2;
	v0 =	vsel vm3, $0x3EC0, v0  }
0x162: {  	s10 =	sadd.s32 s10, s11;
	s3 =	simm.s32 $0x400;
	s5 =	simm.s32 $0x4400;
	v1 =	vsel vm2, $0x3F50, v1;
	v2 =	vsel vm2, $0x3FD0, v2;
	v0 =	vsel vm2, $0x3ED0, v0  }
0x163: {  	s11 =	smax.u32 s13, $0x1;
	s13 =	simm.s32 $0x200;
	_ =	strace $0x80000047;
	v63 =	vsel vm0, $0x3F60, v1;
	v62 =	vsel vm0, $0x3EE0, v0;
	v0 =	vsel vm0, $0x3FE0, v2  }
.LBB2_1:
0x164: {  	[tilespmem:s4], [sflag:$0x3] =	stream.linear.gather [hbm4b:s8+s4], $0x200, $0x38;
	[tilespmem:$0x8B00] =	vst v63  }
0x165: {  	_ =	swait.ge [sflag:s12], $0x200  }
0x166: {  	[sflag:s12] =	ssyncset.done $0x0  }
0x167: {  	[sflag:s12] =	ssyncadd.s32 $0xFFFFFE00  }
0x168: {  	[tilespmem:s13], [sflag:$0x3] =	stream.linear.gather [hbm4b:s9+s4], $0x200, $0x38;
	[tilespmem:$0x8B00] =	vst v63  }
0x169: {  	_ =	swait.ge [sflag:s12], $0x200  }
0x16a: {  	[sflag:s12] =	ssyncset.done $0x0  }
0x16b: {  	s17 =	simm.s32 $0x8A00;
	[sflag:s12] =	ssyncadd.s32 $0xFFFFFE00  }
0x16c: {  	[tilespmem:s17], [sflag:$0x3] =	stream.linear.gather [hbm4b:s7+s4], $0x80, $0x38;
	[tilespmem:$0x8B00] =	vst v63  }
0x16d: {  	_ =	swait.ge [sflag:s12], $0x80  }
0x16e: {  	[sflag:s12] =	ssyncset.done $0x0  }
0x16f: {  	s24 =	simm.s32 $0x8400;
	[sflag:s12] =	ssyncadd.s32 $0xFFFFFF80  }
0x170: {  	[tilespmem:s24], [sflag:$0x1] =	stream.indirect.gather [hbm4b:s2+s15], $0x1, s4, s15, $0xb8;
	[tilespmem:$0x8B00] =	vst v63  }
0x171: {  	s18 =	simm.s32 $0x8600  }
0x172: {  	[tilespmem:s18], [sflag:$0x1] =	stream.indirect.gather [hbm4b:s6+s15], $0x1, s13, s15, $0xb8;
	[tilespmem:$0x8B00] =	vst v63  }
0x173: {  	s19 =	simm.s32 $0x8480  }
0x174: {  	[tilespmem:s19], [sflag:$0x1] =	stream.indirect.gather [hbm4b:s2+s15], $0x1, s15, s15, $0xb8;
	[tilespmem:$0x8B00] =	vst v63  }
0x175: {  	s20 =	simm.s32 $0x280;
	s18 =	simm.s32 $0x8680  }
0x176: {  	[tilespmem:s18], [sflag:$0x1] =	stream.indirect.gather [hbm4b:s6+s15], $0x1, s20, s15, $0xb8;
	[tilespmem:$0x8B00] =	vst v63  }
0x177: {  	s21 =	simm.s32 $0x100;
	s22 =	simm.s32 $0x8500  }
0x178: {  	[tilespmem:s22], [sflag:$0x1] =	stream.indirect.gather [hbm4b:s2+s15], $0x1, s21, s15, $0xb8;
	[tilespmem:$0x8B00] =	vst v63  }
0x179: {  	s23 =	simm.s32 $0x300;
	s24 =	simm.s32 $0x8700  }
0x17a: {  	v1 =	vld [tilespmem:$0x1FEF0];
	[tilespmem:s24], [sflag:$0x1] =	stream.indirect.gather [hbm4b:s6+s15], $0x1, s23, s15, $0xb8  }
0x17b: {  	_ = 	snop  }
0x17c: {  	[tilespmem:s26], [sflag:$0x1] =	stream.indirect.gather [hbm4b:s2+s15], $0x1, s25, s15, $0xb8;
	[tilespmem:$0x8B00] =	vst v63  }
0x17d: {  	_ = 	snop  }
0x17e: {  	[tilespmem:s29], [sflag:$0x1] =	stream.indirect.gather [hbm4b:s6+s15], $0x1, s28, s15, $0xb8;
	[tilespmem:$0x8B00] =	vst v63  }
0x17f: {  	[tilespmem:$0x8A80] =	vst v1  }
0x180: {  	_ =	swait.ge [sflag:s30], $0x80  }
0x181: {  	[sflag:s30] =	ssyncset.done $0x0  }
0x182: {  	[sflag:s30] =	ssyncadd.s32 $0xFFFFFF80  }
0x183: {  	_ =	swait.ge [sflag:s30], $0x80  }
0x184: {  	[sflag:s30] =	ssyncset.done $0x0  }
0x185: {  	[sflag:s30] =	ssyncadd.s32 $0xFFFFFF80  }
0x186: {  	_ =	swait.ge [sflag:s30], $0x80  }
0x187: {  	[sflag:s30] =	ssyncset.done $0x0  }
0x188: {  	[sflag:s30] =	ssyncadd.s32 $0xFFFFFF80  }
0x189: {  	_ =	swait.ge [sflag:s30], $0x80  }
0x18a: {  	[sflag:s30] =	ssyncset.done $0x0  }
0x18b: {  	[sflag:s30] =	ssyncadd.s32 $0xFFFFFF80  }
0x18c: {  	_ =	swait.ge [sflag:s30], $0x80  }
0x18d: {  	[sflag:s30] =	ssyncset.done $0x0  }
0x18e: {  	[sflag:s30] =	ssyncadd.s32 $0xFFFFFF80  }
0x18f: {  	_ =	swait.ge [sflag:s30], $0x80  }
0x190: {  	[sflag:s30] =	ssyncset.done $0x0  }
0x191: {  	[sflag:s30] =	ssyncadd.s32 $0xFFFFFF80  }
0x192: {  	_ =	swait.ge [sflag:s30], $0x80  }
0x193: {  	[sflag:s30] =	ssyncset.done $0x0  }
0x194: {  	[sflag:s30] =	ssyncadd.s32 $0xFFFFFF80  }
0x195: {  	_ =	swait.ge [sflag:s30], $0x80  }
0x196: {  	[sflag:s30] =	ssyncset.done $0x0  }
0x197: {  	s17 =	simm.s32 $0x0;
	[sflag:s30] =	ssyncadd.s32 $0xFFFFFF80  }
.LBB2_2:
0x198: {  	s18 =	sshll.u32 s17, $0x6  }
0x199: {  	v1 =	vmov s18;
	_ =	sdelay $0x2  }
0x19a: {  	s19 =	simm.s32 $0x0  }
.LBB2_3:
0x19b: {  	s22 =	sshll.u32 s19, $0x4;
	v4 =	vld [tilespmem:$0x8A80]  }
0x19c: {  	v3 =	vld.idx.msk [tilespmem:v1+s22+$0x0 ss:$0x1], $0xffff;
	_ =	sdelay $0x3  }
0x19d: {  	(v2sf) =	vpush v4, $0x0  }
0x19e: {  	(v2sf) =	vpush v3, $0x0;
	_ =	sdelay $0xd  }
0x19f: {  	s21 =	spop (v2sf)  }
0x1a0: {  	s20 =	sshll.u32 s19, $0xC;
	s21 =	sand.u32 $0xFFFFFF80, s21;
	s23 =	spop (v2sf)  }
0x1a1: {  	s21 =	sadd.s32 s20, s21;
	s23 =	sand.u32 $0x1FFFFF80, s23  }
0x1a2: {  	s24 =	sadd.s32 $0x400, s21;
	s23 =	sadd.s32 s0, s23  }
0x1a3: {  	v2 =	vld.idx.msk [tilespmem:v1+s22+$0x200 ss:$0x1], $0xffff;
	[tilespmem:s24], [sflag:$0x2] =	stream.linear.gather [hbm4b:s23+s4], $0x10, $0x38  }
0x1a4: {  	s22 =	sadd.s32 $0x10, s23;
	s24 =	sadd.s32 $0x480, s21  }
0x1a5: {  	[tilespmem:s24], [sflag:$0x2] =	stream.linear.gather [hbm4b:s22+s4], $0x10, $0x38;
	[tilespmem:$0x8B00] =	vst v63  }
0x1a6: {  	s22 =	sadd.s32 $0x20, s23;
	s24 =	sadd.s32 $0x500, s21  }
0x1a7: {  	[tilespmem:s24], [sflag:$0x2] =	stream.linear.gather [hbm4b:s22+s4], $0x10, $0x38;
	[tilespmem:$0x8B00] =	vst v63  }
0x1a8: {  	s22 =	sadd.s32 $0x30, s23;
	s24 =	sadd.s32 $0x580, s21  }
0x1a9: {  	[tilespmem:s24], [sflag:$0x2] =	stream.linear.gather [hbm4b:s22+s4], $0x10, $0x38;
	[tilespmem:$0x8B00] =	vst v63  }
0x1aa: {  	s22 =	sadd.s32 $0x40, s23;
	s24 =	sadd.s32 $0x600, s21  }
0x1ab: {  	[tilespmem:s24], [sflag:$0x2] =	stream.linear.gather [hbm4b:s22+s4], $0x10, $0x38;
	[tilespmem:$0x8B00] =	vst v63  }
0x1ac: {  	s22 =	sadd.s32 $0x50, s23;
	s24 =	sadd.s32 $0x680, s21  }
0x1ad: {  	[tilespmem:s24], [sflag:$0x2] =	stream.linear.gather [hbm4b:s22+s4], $0x10, $0x38;
	[tilespmem:$0x8B00] =	vst v63  }
0x1ae: {  	s22 =	sadd.s32 $0x60, s23;
	s24 =	sadd.s32 $0x700, s21  }
0x1af: {  	[tilespmem:s24], [sflag:$0x2] =	stream.linear.gather [hbm4b:s22+s4], $0x10, $0x38;
	[tilespmem:$0x8B00] =	vst v63  }
0x1b0: {  	s22 =	sadd.s32 $0x70, s23;
	s24 =	sadd.s32 $0x780, s21  }
0x1b1: {  	(v2sf) =	vpush v2, $0x0;
	[tilespmem:s24], [sflag:$0x2] =	stream.linear.gather [hbm4b:s22+s4], $0x10, $0x38;
	[tilespmem:$0x8B00] =	vst v63  }
0x1b2: {  	s22 =	sadd.s32 $0xF4280, s23;
	s24 =	sadd.s32 $0x800, s21  }
0x1b3: {  	[tilespmem:s24], [sflag:$0x2] =	stream.linear.gather [hbm4b:s22+s4], $0x10, $0x38;
	[tilespmem:$0x8B00] =	vst v63  }
0x1b4: {  	s23 =	sadd.s32 $0x10, s22;
	s24 =	sadd.s32 $0x880, s21  }
0x1b5: {  	[tilespmem:s24], [sflag:$0x2] =	stream.linear.gather [hbm4b:s23+s4], $0x10, $0x38;
	[tilespmem:$0x8B00] =	vst v63  }
0x1b6: {  	s23 =	sadd.s32 $0x20, s22;
	s24 =	sadd.s32 $0x900, s21  }
0x1b7: {  	[tilespmem:s24], [sflag:$0x2] =	stream.linear.gather [hbm4b:s23+s4], $0x10, $0x38;
	[tilespmem:$0x8B00] =	vst v63  }
0x1b8: {  	s23 =	sadd.s32 $0x30, s22;
	s24 =	sadd.s32 $0x980, s21  }
0x1b9: {  	[tilespmem:s24], [sflag:$0x2] =	stream.linear.gather [hbm4b:s23+s4], $0x10, $0x38;
	[tilespmem:$0x8B00] =	vst v63  }
0x1ba: {  	s23 =	sadd.s32 $0x40, s22;
	s24 =	sadd.s32 $0xA00, s21  }
0x1bb: {  	[tilespmem:s24], [sflag:$0x2] =	stream.linear.gather [hbm4b:s23+s4], $0x10, $0x38;
	[tilespmem:$0x8B00] =	vst v63  }
0x1bc: {  	s23 =	sadd.s32 $0x50, s22;
	s24 =	sadd.s32 $0xA80, s21  }
0x1bd: {  	[tilespmem:s24], [sflag:$0x2] =	stream.linear.gather [hbm4b:s23+s4], $0x10, $0x38;
	[tilespmem:$0x8B00] =	vst v63  }
0x1be: {  	s23 =	sadd.s32 $0x60, s22;
	s24 =	sadd.s32 $0xB00, s21  }
0x1bf: {  	[tilespmem:s24], [sflag:$0x2] =	stream.linear.gather [hbm4b:s23+s4], $0x10, $0x38;
	[tilespmem:$0x8B00] =	vst v63  }
0x1c0: {  	s22 =	sadd.s32 $0x70, s22;
	s24 =	sadd.s32 $0xB80, s21;
	s23 =	spop (v2sf)  }
0x1c1: {  	[tilespmem:s24], [sflag:$0x2] =	stream.linear.gather [hbm4b:s22+s4], $0x10, $0x38;
	[tilespmem:$0x8B00] =	vst v63  }
0x1c2: {  	s22 =	sand.u32 $0x1FFFFF80, s23  }
0x1c3: {  	s24 =	sadd.s32 $0x4400, s21;
	s22 =	sadd.s32 s1, s22  }
0x1c4: {  	[tilespmem:s24], [sflag:$0x2] =	stream.linear.gather [hbm4b:s22+s4], $0x10, $0x38;
	[tilespmem:$0x8B00] =	vst v63  }
0x1c5: {  	s23 =	sadd.s32 $0x10, s22;
	s24 =	sadd.s32 $0x4480, s21  }
0x1c6: {  	[tilespmem:s24], [sflag:$0x2] =	stream.linear.gather [hbm4b:s23+s4], $0x10, $0x38;
	[tilespmem:$0x8B00] =	vst v63  }
0x1c7: {  	s23 =	sadd.s32 $0x20, s22;
	s24 =	sadd.s32 $0x4500, s21  }
0x1c8: {  	[tilespmem:s24], [sflag:$0x2] =	stream.linear.gather [hbm4b:s23+s4], $0x10, $0x38;
	[tilespmem:$0x8B00] =	vst v63  }
0x1c9: {  	s23 =	sadd.s32 $0x30, s22;
	s24 =	sadd.s32 $0x4580, s21  }
0x1ca: {  	[tilespmem:s24], [sflag:$0x2] =	stream.linear.gather [hbm4b:s23+s4], $0x10, $0x38;
	[tilespmem:$0x8B00] =	vst v63  }
0x1cb: {  	s23 =	sadd.s32 $0x40, s22;
	s24 =	sadd.s32 $0x4600, s21  }
0x1cc: {  	[tilespmem:s24], [sflag:$0x2] =	stream.linear.gather [hbm4b:s23+s4], $0x10, $0x38;
	[tilespmem:$0x8B00] =	vst v63  }
0x1cd: {  	s23 =	sadd.s32 $0x50, s22;
	s24 =	sadd.s32 $0x4680, s21  }
0x1ce: {  	[tilespmem:s24], [sflag:$0x2] =	stream.linear.gather [hbm4b:s23+s4], $0x10, $0x38;
	[tilespmem:$0x8B00] =	vst v63  }
0x1cf: {  	s23 =	sadd.s32 $0x60, s22;
	s24 =	sadd.s32 $0x4700, s21  }
0x1d0: {  	[tilespmem:s24], [sflag:$0x2] =	stream.linear.gather [hbm4b:s23+s4], $0x10, $0x38;
	[tilespmem:$0x8B00] =	vst v63  }
0x1d1: {  	s23 =	sadd.s32 $0x70, s22;
	s24 =	sadd.s32 $0x4780, s21  }
0x1d2: {  	[tilespmem:s24], [sflag:$0x2] =	stream.linear.gather [hbm4b:s23+s4], $0x10, $0x38;
	[tilespmem:$0x8B00] =	vst v63  }
0x1d3: {  	s22 =	sadd.s32 $0xF4280, s22;
	s24 =	sadd.s32 $0x4800, s21  }
0x1d4: {  	(v2sf) =	vpush v4, $0x1;
	[tilespmem:s24], [sflag:$0x2] =	stream.linear.gather [hbm4b:s22+s4], $0x10, $0x38;
	[tilespmem:$0x8B00] =	vst v63  }
0x1d5: {  	(v2sf) =	vpush v3, $0x1;
	s23 =	sadd.s32 $0x10, s22;
	s24 =	sadd.s32 $0x4880, s21  }
0x1d6: {  	[tilespmem:s24], [sflag:$0x2] =	stream.linear.gather [hbm4b:s23+s4], $0x10, $0x38;
	[tilespmem:$0x8B00] =	vst v63  }
0x1d7: {  	s23 =	sadd.s32 $0x20, s22;
	s24 =	sadd.s32 $0x4900, s21  }
0x1d8: {  	[tilespmem:s24], [sflag:$0x2] =	stream.linear.gather [hbm4b:s23+s4], $0x10, $0x38;
	[tilespmem:$0x8B00] =	vst v63  }
0x1d9: {  	s23 =	sadd.s32 $0x30, s22;
	s24 =	sadd.s32 $0x4980, s21  }
0x1da: {  	[tilespmem:s24], [sflag:$0x2] =	stream.linear.gather [hbm4b:s23+s4], $0x10, $0x38;
	[tilespmem:$0x8B00] =	vst v63  }
0x1db: {  	s23 =	sadd.s32 $0x40, s22;
	s24 =	sadd.s32 $0x4A00, s21  }
0x1dc: {  	[tilespmem:s24], [sflag:$0x2] =	stream.linear.gather [hbm4b:s23+s4], $0x10, $0x38;
	[tilespmem:$0x8B00] =	vst v63  }
0x1dd: {  	s23 =	sadd.s32 $0x50, s22;
	s24 =	sadd.s32 $0x4A80, s21  }
0x1de: {  	[tilespmem:s24], [sflag:$0x2] =	stream.linear.gather [hbm4b:s23+s4], $0x10, $0x38;
	[tilespmem:$0x8B00] =	vst v63  }
0x1df: {  	s23 =	sadd.s32 $0x60, s22;
	s24 =	sadd.s32 $0x4B00, s21  }
0x1e0: {  	[tilespmem:s24], [sflag:$0x2] =	stream.linear.gather [hbm4b:s23+s4], $0x10, $0x38;
	[tilespmem:$0x8B00] =	vst v63  }
0x1e1: {  	s22 =	sadd.s32 $0x70, s22;
	s21 =	sadd.s32 $0x4B80, s21  }
0x1e2: {  	[tilespmem:s21], [sflag:$0x2] =	stream.linear.gather [hbm4b:s22+s4], $0x10, $0x38;
	[tilespmem:$0x8B00] =	vst v63  }
0x1e3: {  	s22 =	spop (v2sf)  }
0x1e4: {  	s21 =	sand.u32 $0xFFFFFF80, s22;
	s23 =	spop (v2sf)  }
0x1e5: {  	s21 =	sadd.s32 s20, s21;
	s22 =	sand.u32 $0x1FFFFF80, s23  }
0x1e6: {  	s24 =	sadd.s32 $0x400, s21;
	s22 =	sadd.s32 s0, s22  }
0x1e7: {  	[tilespmem:s24], [sflag:$0x2] =	stream.linear.gather [hbm4b:s22+s4], $0x10, $0x38;
	[tilespmem:$0x8B00] =	vst v63  }
0x1e8: {  	s23 =	sadd.s32 $0x10, s22;
	s24 =	sadd.s32 $0x480, s21  }
0x1e9: {  	[tilespmem:s24], [sflag:$0x2] =	stream.linear.gather [hbm4b:s23+s4], $0x10, $0x38;
	[tilespmem:$0x8B00] =	vst v63  }
0x1ea: {  	s23 =	sadd.s32 $0x20, s22;
	s24 =	sadd.s32 $0x500, s21  }
0x1eb: {  	[tilespmem:s24], [sflag:$0x2] =	stream.linear.gather [hbm4b:s23+s4], $0x10, $0x38;
	[tilespmem:$0x8B00] =	vst v63  }
0x1ec: {  	s23 =	sadd.s32 $0x30, s22;
	s24 =	sadd.s32 $0x580, s21  }
0x1ed: {  	[tilespmem:s24], [sflag:$0x2] =	stream.linear.gather [hbm4b:s23+s4], $0x10, $0x38;
	[tilespmem:$0x8B00] =	vst v63  }
0x1ee: {  	s23 =	sadd.s32 $0x40, s22;
	s24 =	sadd.s32 $0x600, s21  }
0x1ef: {  	[tilespmem:s24], [sflag:$0x2] =	stream.linear.gather [hbm4b:s23+s4], $0x10, $0x38;
	[tilespmem:$0x8B00] =	vst v63  }
0x1f0: {  	s23 =	sadd.s32 $0x50, s22;
	s24 =	sadd.s32 $0x680, s21  }
0x1f1: {  	[tilespmem:s24], [sflag:$0x2] =	stream.linear.gather [hbm4b:s23+s4], $0x10, $0x38;
	[tilespmem:$0x8B00] =	vst v63  }
0x1f2: {  	s23 =	sadd.s32 $0x60, s22;
	s24 =	sadd.s32 $0x700, s21  }
0x1f3: {  	[tilespmem:s24], [sflag:$0x2] =	stream.linear.gather [hbm4b:s23+s4], $0x10, $0x38;
	[tilespmem:$0x8B00] =	vst v63  }
0x1f4: {  	s23 =	sadd.s32 $0x70, s22;
	s24 =	sadd.s32 $0x780, s21  }
0x1f5: {  	(v2sf) =	vpush v2, $0x1;
	[tilespmem:s24], [sflag:$0x2] =	stream.linear.gather [hbm4b:s23+s4], $0x10, $0x38;
	[tilespmem:$0x8B00] =	vst v63  }
0x1f6: {  	s22 =	sadd.s32 $0xF4280, s22;
	s24 =	sadd.s32 $0x800, s21  }
0x1f7: {  	[tilespmem:s24], [sflag:$0x2] =	stream.linear.gather [hbm4b:s22+s4], $0x10, $0x38;
	[tilespmem:$0x8B00] =	vst v63  }
0x1f8: {  	s23 =	sadd.s32 $0x10, s22;
	s24 =	sadd.s32 $0x880, s21  }
0x1f9: {  	[tilespmem:s24], [sflag:$0x2] =	stream.linear.gather [hbm4b:s23+s4], $0x10, $0x38;
	[tilespmem:$0x8B00] =	vst v63  }
0x1fa: {  	s23 =	sadd.s32 $0x20, s22;
	s24 =	sadd.s32 $0x900, s21  }
0x1fb: {  	[tilespmem:s24], [sflag:$0x2] =	stream.linear.gather [hbm4b:s23+s4], $0x10, $0x38;
	[tilespmem:$0x8B00] =	vst v63  }
0x1fc: {  	s23 =	sadd.s32 $0x30, s22;
	s24 =	sadd.s32 $0x980, s21  }
0x1fd: {  	[tilespmem:s24], [sflag:$0x2] =	stream.linear.gather [hbm4b:s23+s4], $0x10, $0x38;
	[tilespmem:$0x8B00] =	vst v63  }
0x1fe: {  	s23 =	sadd.s32 $0x40, s22;
	s24 =	sadd.s32 $0xA00, s21  }
0x1ff: {  	[tilespmem:s24], [sflag:$0x2] =	stream.linear.gather [hbm4b:s23+s4], $0x10, $0x38;
	[tilespmem:$0x8B00] =	vst v63  }
0x200: {  	s23 =	sadd.s32 $0x50, s22;
	s24 =	sadd.s32 $0xA80, s21  }
0x201: {  	[tilespmem:s24], [sflag:$0x2] =	stream.linear.gather [hbm4b:s23+s4], $0x10, $0x38;
	[tilespmem:$0x8B00] =	vst v63  }
0x202: {  	s23 =	sadd.s32 $0x60, s22;
	s24 =	sadd.s32 $0xB00, s21  }
0x203: {  	[tilespmem:s24], [sflag:$0x2] =	stream.linear.gather [hbm4b:s23+s4], $0x10, $0x38;
	[tilespmem:$0x8B00] =	vst v63  }
0x204: {  	s22 =	sadd.s32 $0x70, s22;
	s24 =	sadd.s32 $0xB80, s21;
	s23 =	spop (v2sf)  }
0x205: {  	[tilespmem:s24], [sflag:$0x2] =	stream.linear.gather [hbm4b:s22+s4], $0x10, $0x38;
	[tilespmem:$0x8B00] =	vst v63  }
0x206: {  	s22 =	sand.u32 $0x1FFFFF80, s23  }
0x207: {  	s24 =	sadd.s32 $0x4400, s21;
	s22 =	sadd.s32 s1, s22  }
0x208: {  	[tilespmem:s24], [sflag:$0x2] =	stream.linear.gather [hbm4b:s22+s4], $0x10, $0x38;
	[tilespmem:$0x8B00] =	vst v63  }
0x209: {  	s23 =	sadd.s32 $0x10, s22;
	s24 =	sadd.s32 $0x4480, s21  }
0x20a: {  	[tilespmem:s24], [sflag:$0x2] =	stream.linear.gather [hbm4b:s23+s4], $0x10, $0x38;
	[tilespmem:$0x8B00] =	vst v63  }
0x20b: {  	s23 =	sadd.s32 $0x20, s22;
	s24 =	sadd.s32 $0x4500, s21  }
0x20c: {  	[tilespmem:s24], [sflag:$0x2] =	stream.linear.gather [hbm4b:s23+s4], $0x10, $0x38;
	[tilespmem:$0x8B00] =	vst v63  }
0x20d: {  	s23 =	sadd.s32 $0x30, s22;
	s24 =	sadd.s32 $0x4580, s21  }
0x20e: {  	[tilespmem:s24], [sflag:$0x2] =	stream.linear.gather [hbm4b:s23+s4], $0x10, $0x38;
	[tilespmem:$0x8B00] =	vst v63  }
0x20f: {  	s23 =	sadd.s32 $0x40, s22;
	s24 =	sadd.s32 $0x4600, s21  }
0x210: {  	[tilespmem:s24], [sflag:$0x2] =	stream.linear.gather [hbm4b:s23+s4], $0x10, $0x38;
	[tilespmem:$0x8B00] =	vst v63  }
0x211: {  	s23 =	sadd.s32 $0x50, s22;
	s24 =	sadd.s32 $0x4680, s21  }
0x212: {  	[tilespmem:s24], [sflag:$0x2] =	stream.linear.gather [hbm4b:s23+s4], $0x10, $0x38;
	[tilespmem:$0x8B00] =	vst v63  }
0x213: {  	s23 =	sadd.s32 $0x60, s22;
	s24 =	sadd.s32 $0x4700, s21  }
0x214: {  	[tilespmem:s24], [sflag:$0x2] =	stream.linear.gather [hbm4b:s23+s4], $0x10, $0x38;
	[tilespmem:$0x8B00] =	vst v63  }
0x215: {  	s23 =	sadd.s32 $0x70, s22;
	s24 =	sadd.s32 $0x4780, s21  }
0x216: {  	[tilespmem:s24], [sflag:$0x2] =	stream.linear.gather [hbm4b:s23+s4], $0x10, $0x38;
	[tilespmem:$0x8B00] =	vst v63  }
0x217: {  	s22 =	sadd.s32 $0xF4280, s22;
	s24 =	sadd.s32 $0x4800, s21  }
0x218: {  	(v2sf) =	vpush v4, $0x2;
	[tilespmem:s24], [sflag:$0x2] =	stream.linear.gather [hbm4b:s22+s4], $0x10, $0x38;
	[tilespmem:$0x8B00] =	vst v63  }
0x219: {  	(v2sf) =	vpush v3, $0x2;
	s23 =	sadd.s32 $0x10, s22;
	s24 =	sadd.s32 $0x4880, s21  }
0x21a: {  	[tilespmem:s24], [sflag:$0x2] =	stream.linear.gather [hbm4b:s23+s4], $0x10, $0x38;
	[tilespmem:$0x8B00] =	vst v63  }
0x21b: {  	s23 =	sadd.s32 $0x20, s22;
	s24 =	sadd.s32 $0x4900, s21  }
0x21c: {  	[tilespmem:s24], [sflag:$0x2] =	stream.linear.gather [hbm4b:s23+s4], $0x10, $0x38;
	[tilespmem:$0x8B00] =	vst v63  }
0x21d: {  	s23 =	sadd.s32 $0x30, s22;
	s24 =	sadd.s32 $0x4980, s21  }
0x21e: {  	[tilespmem:s24], [sflag:$0x2] =	stream.linear.gather [hbm4b:s23+s4], $0x10, $0x38;
	[tilespmem:$0x8B00] =	vst v63  }
0x21f: {  	s23 =	sadd.s32 $0x40, s22;
	s24 =	sadd.s32 $0x4A00, s21  }
0x220: {  	[tilespmem:s24], [sflag:$0x2] =	stream.linear.gather [hbm4b:s23+s4], $0x10, $0x38;
	[tilespmem:$0x8B00] =	vst v63  }
0x221: {  	s23 =	sadd.s32 $0x50, s22;
	s24 =	sadd.s32 $0x4A80, s21  }
0x222: {  	[tilespmem:s24], [sflag:$0x2] =	stream.linear.gather [hbm4b:s23+s4], $0x10, $0x38;
	[tilespmem:$0x8B00] =	vst v63  }
0x223: {  	s23 =	sadd.s32 $0x60, s22;
	s24 =	sadd.s32 $0x4B00, s21  }
0x224: {  	[tilespmem:s24], [sflag:$0x2] =	stream.linear.gather [hbm4b:s23+s4], $0x10, $0x38;
	[tilespmem:$0x8B00] =	vst v63  }
0x225: {  	s22 =	sadd.s32 $0x70, s22;
	s21 =	sadd.s32 $0x4B80, s21  }
0x226: {  	[tilespmem:s21], [sflag:$0x2] =	stream.linear.gather [hbm4b:s22+s4], $0x10, $0x38;
	[tilespmem:$0x8B00] =	vst v63  }
0x227: {  	s22 =	spop (v2sf)  }
0x228: {  	s21 =	sand.u32 $0xFFFFFF80, s22;
	s23 =	spop (v2sf)  }
0x229: {  	s21 =	sadd.s32 s20, s21;
	s22 =	sand.u32 $0x1FFFFF80, s23  }
0x22a: {  	s24 =	sadd.s32 $0x400, s21;
	s22 =	sadd.s32 s0, s22  }
0x22b: {  	[tilespmem:s24], [sflag:$0x2] =	stream.linear.gather [hbm4b:s22+s4], $0x10, $0x38;
	[tilespmem:$0x8B00] =	vst v63  }
0x22c: {  	s23 =	sadd.s32 $0x10, s22;
	s24 =	sadd.s32 $0x480, s21  }
0x22d: {  	[tilespmem:s24], [sflag:$0x2] =	stream.linear.gather [hbm4b:s23+s4], $0x10, $0x38;
	[tilespmem:$0x8B00] =	vst v63  }
0x22e: {  	s23 =	sadd.s32 $0x20, s22;
	s24 =	sadd.s32 $0x500, s21  }
0x22f: {  	[tilespmem:s24], [sflag:$0x2] =	stream.linear.gather [hbm4b:s23+s4], $0x10, $0x38;
	[tilespmem:$0x8B00] =	vst v63  }
0x230: {  	s23 =	sadd.s32 $0x30, s22;
	s24 =	sadd.s32 $0x580, s21  }
0x231: {  	[tilespmem:s24], [sflag:$0x2] =	stream.linear.gather [hbm4b:s23+s4], $0x10, $0x38;
	[tilespmem:$0x8B00] =	vst v63  }
0x232: {  	s23 =	sadd.s32 $0x40, s22;
	s24 =	sadd.s32 $0x600, s21  }
0x233: {  	[tilespmem:s24], [sflag:$0x2] =	stream.linear.gather [hbm4b:s23+s4], $0x10, $0x38;
	[tilespmem:$0x8B00] =	vst v63  }
0x234: {  	s23 =	sadd.s32 $0x50, s22;
	s24 =	sadd.s32 $0x680, s21  }
0x235: {  	[tilespmem:s24], [sflag:$0x2] =	stream.linear.gather [hbm4b:s23+s4], $0x10, $0x38;
	[tilespmem:$0x8B00] =	vst v63  }
0x236: {  	s23 =	sadd.s32 $0x60, s22;
	s24 =	sadd.s32 $0x700, s21  }
0x237: {  	[tilespmem:s24], [sflag:$0x2] =	stream.linear.gather [hbm4b:s23+s4], $0x10, $0x38;
	[tilespmem:$0x8B00] =	vst v63  }
0x238: {  	s23 =	sadd.s32 $0x70, s22;
	s24 =	sadd.s32 $0x780, s21  }
0x239: {  	(v2sf) =	vpush v2, $0x2;
	[tilespmem:s24], [sflag:$0x2] =	stream.linear.gather [hbm4b:s23+s4], $0x10, $0x38;
	[tilespmem:$0x8B00] =	vst v63  }
0x23a: {  	s22 =	sadd.s32 $0xF4280, s22;
	s24 =	sadd.s32 $0x800, s21  }
0x23b: {  	[tilespmem:s24], [sflag:$0x2] =	stream.linear.gather [hbm4b:s22+s4], $0x10, $0x38;
	[tilespmem:$0x8B00] =	vst v63  }
0x23c: {  	s23 =	sadd.s32 $0x10, s22;
	s24 =	sadd.s32 $0x880, s21  }
0x23d: {  	[tilespmem:s24], [sflag:$0x2] =	stream.linear.gather [hbm4b:s23+s4], $0x10, $0x38;
	[tilespmem:$0x8B00] =	vst v63  }
0x23e: {  	s23 =	sadd.s32 $0x20, s22;
	s24 =	sadd.s32 $0x900, s21  }
0x23f: {  	[tilespmem:s24], [sflag:$0x2] =	stream.linear.gather [hbm4b:s23+s4], $0x10, $0x38;
	[tilespmem:$0x8B00] =	vst v63  }
0x240: {  	s23 =	sadd.s32 $0x30, s22;
	s24 =	sadd.s32 $0x980, s21  }
0x241: {  	[tilespmem:s24], [sflag:$0x2] =	stream.linear.gather [hbm4b:s23+s4], $0x10, $0x38;
	[tilespmem:$0x8B00] =	vst v63  }
0x242: {  	s23 =	sadd.s32 $0x40, s22;
	s24 =	sadd.s32 $0xA00, s21  }
0x243: {  	[tilespmem:s24], [sflag:$0x2] =	stream.linear.gather [hbm4b:s23+s4], $0x10, $0x38;
	[tilespmem:$0x8B00] =	vst v63  }
0x244: {  	s23 =	sadd.s32 $0x50, s22;
	s24 =	sadd.s32 $0xA80, s21  }
0x245: {  	[tilespmem:s24], [sflag:$0x2] =	stream.linear.gather [hbm4b:s23+s4], $0x10, $0x38;
	[tilespmem:$0x8B00] =	vst v63  }
0x246: {  	s23 =	sadd.s32 $0x60, s22;
	s24 =	sadd.s32 $0xB00, s21  }
0x247: {  	[tilespmem:s24], [sflag:$0x2] =	stream.linear.gather [hbm4b:s23+s4], $0x10, $0x38;
	[tilespmem:$0x8B00] =	vst v63  }
0x248: {  	s22 =	sadd.s32 $0x70, s22;
	s24 =	sadd.s32 $0xB80, s21;
	s23 =	spop (v2sf)  }
0x249: {  	[tilespmem:s24], [sflag:$0x2] =	stream.linear.gather [hbm4b:s22+s4], $0x10, $0x38;
	[tilespmem:$0x8B00] =	vst v63  }
0x24a: {  	s22 =	sand.u32 $0x1FFFFF80, s23  }
0x24b: {  	s24 =	sadd.s32 $0x4400, s21;
	s22 =	sadd.s32 s1, s22  }
0x24c: {  	[tilespmem:s24], [sflag:$0x2] =	stream.linear.gather [hbm4b:s22+s4], $0x10, $0x38;
	[tilespmem:$0x8B00] =	vst v63  }
0x24d: {  	s23 =	sadd.s32 $0x10, s22;
	s24 =	sadd.s32 $0x4480, s21  }
0x24e: {  	[tilespmem:s24], [sflag:$0x2] =	stream.linear.gather [hbm4b:s23+s4], $0x10, $0x38;
	[tilespmem:$0x8B00] =	vst v63  }
0x24f: {  	s23 =	sadd.s32 $0x20, s22;
	s24 =	sadd.s32 $0x4500, s21  }
0x250: {  	[tilespmem:s24], [sflag:$0x2] =	stream.linear.gather [hbm4b:s23+s4], $0x10, $0x38;
	[tilespmem:$0x8B00] =	vst v63  }
0x251: {  	s23 =	sadd.s32 $0x30, s22;
	s24 =	sadd.s32 $0x4580, s21  }
0x252: {  	[tilespmem:s24], [sflag:$0x2] =	stream.linear.gather [hbm4b:s23+s4], $0x10, $0x38;
	[tilespmem:$0x8B00] =	vst v63  }
0x253: {  	s23 =	sadd.s32 $0x40, s22;
	s24 =	sadd.s32 $0x4600, s21  }
0x254: {  	[tilespmem:s24], [sflag:$0x2] =	stream.linear.gather [hbm4b:s23+s4], $0x10, $0x38;
	[tilespmem:$0x8B00] =	vst v63  }
0x255: {  	s23 =	sadd.s32 $0x50, s22;
	s24 =	sadd.s32 $0x4680, s21  }
0x256: {  	[tilespmem:s24], [sflag:$0x2] =	stream.linear.gather [hbm4b:s23+s4], $0x10, $0x38;
	[tilespmem:$0x8B00] =	vst v63  }
0x257: {  	s23 =	sadd.s32 $0x60, s22;
	s24 =	sadd.s32 $0x4700, s21  }
0x258: {  	[tilespmem:s24], [sflag:$0x2] =	stream.linear.gather [hbm4b:s23+s4], $0x10, $0x38;
	[tilespmem:$0x8B00] =	vst v63  }
0x259: {  	s23 =	sadd.s32 $0x70, s22;
	s24 =	sadd.s32 $0x4780, s21  }
0x25a: {  	[tilespmem:s24], [sflag:$0x2] =	stream.linear.gather [hbm4b:s23+s4], $0x10, $0x38;
	[tilespmem:$0x8B00] =	vst v63  }
0x25b: {  	s22 =	sadd.s32 $0xF4280, s22;
	s24 =	sadd.s32 $0x4800, s21  }
0x25c: {  	[tilespmem:s24], [sflag:$0x2] =	stream.linear.gather [hbm4b:s22+s4], $0x10, $0x38;
	[tilespmem:$0x8B00] =	vst v63  }
0x25d: {  	s23 =	sadd.s32 $0x10, s22;
	s24 =	sadd.s32 $0x4880, s21  }
0x25e: {  	[tilespmem:s24], [sflag:$0x2] =	stream.linear.gather [hbm4b:s23+s4], $0x10, $0x38;
	[tilespmem:$0x8B00] =	vst v63  }
0x25f: {  	s23 =	sadd.s32 $0x20, s22;
	s24 =	sadd.s32 $0x4900, s21  }
0x260: {  	[tilespmem:s24], [sflag:$0x2] =	stream.linear.gather [hbm4b:s23+s4], $0x10, $0x38;
	[tilespmem:$0x8B00] =	vst v63  }
0x261: {  	(v2sf) =	vpush v4, $0x3  }
0x262: {  	(v2sf) =	vpush v3, $0x3;
	_ =	sdelay $0x3  }
0x263: {  	s23 =	sadd.s32 $0x30, s22;
	s24 =	sadd.s32 $0x4980, s21  }
0x264: {  	[tilespmem:s24], [sflag:$0x2] =	stream.linear.gather [hbm4b:s23+s4], $0x10, $0x38;
	[tilespmem:$0x8B00] =	vst v63  }
0x265: {  	s23 =	sadd.s32 $0x40, s22;
	s24 =	sadd.s32 $0x4A00, s21  }
0x266: {  	[tilespmem:s24], [sflag:$0x2] =	stream.linear.gather [hbm4b:s23+s4], $0x10, $0x38;
	[tilespmem:$0x8B00] =	vst v63  }
0x267: {  	s23 =	sadd.s32 $0x50, s22;
	s24 =	sadd.s32 $0x4A80, s21  }
0x268: {  	[tilespmem:s24], [sflag:$0x2] =	stream.linear.gather [hbm4b:s23+s4], $0x10, $0x38;
	[tilespmem:$0x8B00] =	vst v63  }
0x269: {  	s23 =	sadd.s32 $0x60, s22;
	s24 =	sadd.s32 $0x4B00, s21  }
0x26a: {  	[tilespmem:s24], [sflag:$0x2] =	stream.linear.gather [hbm4b:s23+s4], $0x10, $0x38;
	[tilespmem:$0x8B00] =	vst v63  }
0x26b: {  	s22 =	sadd.s32 $0x70, s22;
	s21 =	sadd.s32 $0x4B80, s21  }
0x26c: {  	[tilespmem:s21], [sflag:$0x2] =	stream.linear.gather [hbm4b:s22+s4], $0x10, $0x38;
	[tilespmem:$0x8B00] =	vst v63  }
0x26d: {  	s22 =	spop (v2sf)  }
0x26e: {  	s21 =	sand.u32 $0xFFFFFF80, s22;
	s23 =	spop (v2sf)  }
0x26f: {  	s21 =	sadd.s32 s20, s21;
	s22 =	sand.u32 $0x1FFFFF80, s23  }
0x270: {  	s24 =	sadd.s32 $0x400, s21;
	s22 =	sadd.s32 s0, s22  }
0x271: {  	[tilespmem:s24], [sflag:$0x2] =	stream.linear.gather [hbm4b:s22+s4], $0x10, $0x38;
	[tilespmem:$0x8B00] =	vst v63  }
0x272: {  	s23 =	sadd.s32 $0x10, s22;
	s24 =	sadd.s32 $0x480, s21  }
0x273: {  	[tilespmem:s24], [sflag:$0x2] =	stream.linear.gather [hbm4b:s23+s4], $0x10, $0x38;
	[tilespmem:$0x8B00] =	vst v63  }
0x274: {  	s23 =	sadd.s32 $0x20, s22;
	s24 =	sadd.s32 $0x500, s21  }
0x275: {  	[tilespmem:s24], [sflag:$0x2] =	stream.linear.gather [hbm4b:s23+s4], $0x10, $0x38;
	[tilespmem:$0x8B00] =	vst v63  }
0x276: {  	s23 =	sadd.s32 $0x30, s22;
	s24 =	sadd.s32 $0x580, s21  }
0x277: {  	[tilespmem:s24], [sflag:$0x2] =	stream.linear.gather [hbm4b:s23+s4], $0x10, $0x38;
	[tilespmem:$0x8B00] =	vst v63  }
0x278: {  	s23 =	sadd.s32 $0x40, s22;
	s24 =	sadd.s32 $0x600, s21  }
0x279: {  	[tilespmem:s24], [sflag:$0x2] =	stream.linear.gather [hbm4b:s23+s4], $0x10, $0x38;
	[tilespmem:$0x8B00] =	vst v63  }
0x27a: {  	s23 =	sadd.s32 $0x50, s22;
	s24 =	sadd.s32 $0x680, s21  }
0x27b: {  	[tilespmem:s24], [sflag:$0x2] =	stream.linear.gather [hbm4b:s23+s4], $0x10, $0x38;
	[tilespmem:$0x8B00] =	vst v63  }
0x27c: {  	s23 =	sadd.s32 $0x60, s22;
	s24 =	sadd.s32 $0x700, s21  }
0x27d: {  	[tilespmem:s24], [sflag:$0x2] =	stream.linear.gather [hbm4b:s23+s4], $0x10, $0x38;
	[tilespmem:$0x8B00] =	vst v63  }
0x27e: {  	s23 =	sadd.s32 $0x70, s22;
	s24 =	sadd.s32 $0x780, s21  }
0x27f: {  	(v2sf) =	vpush v2, $0x3;
	[tilespmem:s24], [sflag:$0x2] =	stream.linear.gather [hbm4b:s23+s4], $0x10, $0x38;
	[tilespmem:$0x8B00] =	vst v63  }
0x280: {  	s22 =	sadd.s32 $0xF4280, s22;
	s24 =	sadd.s32 $0x800, s21  }
0x281: {  	[tilespmem:s24], [sflag:$0x2] =	stream.linear.gather [hbm4b:s22+s4], $0x10, $0x38;
	[tilespmem:$0x8B00] =	vst v63  }
0x282: {  	s23 =	sadd.s32 $0x10, s22;
	s24 =	sadd.s32 $0x880, s21  }
0x283: {  	[tilespmem:s24], [sflag:$0x2] =	stream.linear.gather [hbm4b:s23+s4], $0x10, $0x38;
	[tilespmem:$0x8B00] =	vst v63  }
0x284: {  	s23 =	sadd.s32 $0x20, s22;
	s24 =	sadd.s32 $0x900, s21  }
0x285: {  	[tilespmem:s24], [sflag:$0x2] =	stream.linear.gather [hbm4b:s23+s4], $0x10, $0x38;
	[tilespmem:$0x8B00] =	vst v63  }
0x286: {  	s23 =	sadd.s32 $0x30, s22;
	s24 =	sadd.s32 $0x980, s21  }
0x287: {  	[tilespmem:s24], [sflag:$0x2] =	stream.linear.gather [hbm4b:s23+s4], $0x10, $0x38;
	[tilespmem:$0x8B00] =	vst v63  }
0x288: {  	s23 =	sadd.s32 $0x40, s22;
	s24 =	sadd.s32 $0xA00, s21  }
0x289: {  	[tilespmem:s24], [sflag:$0x2] =	stream.linear.gather [hbm4b:s23+s4], $0x10, $0x38;
	[tilespmem:$0x8B00] =	vst v63  }
0x28a: {  	s23 =	sadd.s32 $0x50, s22;
	s24 =	sadd.s32 $0xA80, s21  }
0x28b: {  	[tilespmem:s24], [sflag:$0x2] =	stream.linear.gather [hbm4b:s23+s4], $0x10, $0x38;
	[tilespmem:$0x8B00] =	vst v63  }
0x28c: {  	s23 =	sadd.s32 $0x60, s22;
	s24 =	sadd.s32 $0xB00, s21  }
0x28d: {  	[tilespmem:s24], [sflag:$0x2] =	stream.linear.gather [hbm4b:s23+s4], $0x10, $0x38;
	[tilespmem:$0x8B00] =	vst v63  }
0x28e: {  	s22 =	sadd.s32 $0x70, s22;
	s24 =	sadd.s32 $0xB80, s21;
	s23 =	spop (v2sf)  }
0x28f: {  	[tilespmem:s24], [sflag:$0x2] =	stream.linear.gather [hbm4b:s22+s4], $0x10, $0x38;
	[tilespmem:$0x8B00] =	vst v63  }
0x290: {  	s22 =	sand.u32 $0x1FFFFF80, s23  }
0x291: {  	s24 =	sadd.s32 $0x4400, s21;
	s22 =	sadd.s32 s1, s22  }
0x292: {  	[tilespmem:s24], [sflag:$0x2] =	stream.linear.gather [hbm4b:s22+s4], $0x10, $0x38;
	[tilespmem:$0x8B00] =	vst v63  }
0x293: {  	s23 =	sadd.s32 $0x10, s22;
	s24 =	sadd.s32 $0x4480, s21  }
0x294: {  	[tilespmem:s24], [sflag:$0x2] =	stream.linear.gather [hbm4b:s23+s4], $0x10, $0x38;
	[tilespmem:$0x8B00] =	vst v63  }
0x295: {  	s23 =	sadd.s32 $0x20, s22;
	s24 =	sadd.s32 $0x4500, s21  }
0x296: {  	[tilespmem:s24], [sflag:$0x2] =	stream.linear.gather [hbm4b:s23+s4], $0x10, $0x38;
	[tilespmem:$0x8B00] =	vst v63  }
0x297: {  	s23 =	sadd.s32 $0x30, s22;
	s24 =	sadd.s32 $0x4580, s21  }
0x298: {  	[tilespmem:s24], [sflag:$0x2] =	stream.linear.gather [hbm4b:s23+s4], $0x10, $0x38;
	[tilespmem:$0x8B00] =	vst v63  }
0x299: {  	s23 =	sadd.s32 $0x40, s22;
	s24 =	sadd.s32 $0x4600, s21  }
0x29a: {  	[tilespmem:s24], [sflag:$0x2] =	stream.linear.gather [hbm4b:s23+s4], $0x10, $0x38;
	[tilespmem:$0x8B00] =	vst v63  }
0x29b: {  	s23 =	sadd.s32 $0x50, s22;
	s24 =	sadd.s32 $0x4680, s21  }
0x29c: {  	[tilespmem:s24], [sflag:$0x2] =	stream.linear.gather [hbm4b:s23+s4], $0x10, $0x38;
	[tilespmem:$0x8B00] =	vst v63  }
0x29d: {  	s23 =	sadd.s32 $0x60, s22;
	s24 =	sadd.s32 $0x4700, s21  }
0x29e: {  	[tilespmem:s24], [sflag:$0x2] =	stream.linear.gather [hbm4b:s23+s4], $0x10, $0x38;
	[tilespmem:$0x8B00] =	vst v63  }
0x29f: {  	s23 =	sadd.s32 $0x70, s22;
	s24 =	sadd.s32 $0x4780, s21  }
0x2a0: {  	[tilespmem:s24], [sflag:$0x2] =	stream.linear.gather [hbm4b:s23+s4], $0x10, $0x38;
	[tilespmem:$0x8B00] =	vst v63  }
0x2a1: {  	s22 =	sadd.s32 $0xF4280, s22;
	s24 =	sadd.s32 $0x4800, s21  }
0x2a2: {  	(v2sf) =	vpush v4, $0x4;
	[tilespmem:s24], [sflag:$0x2] =	stream.linear.gather [hbm4b:s22+s4], $0x10, $0x38;
	[tilespmem:$0x8B00] =	vst v63  }
0x2a3: {  	(v2sf) =	vpush v3, $0x4;
	s23 =	sadd.s32 $0x10, s22;
	s24 =	sadd.s32 $0x4880, s21  }
0x2a4: {  	[tilespmem:s24], [sflag:$0x2] =	stream.linear.gather [hbm4b:s23+s4], $0x10, $0x38;
	[tilespmem:$0x8B00] =	vst v63  }
0x2a5: {  	s23 =	sadd.s32 $0x20, s22;
	s24 =	sadd.s32 $0x4900, s21  }
0x2a6: {  	[tilespmem:s24], [sflag:$0x2] =	stream.linear.gather [hbm4b:s23+s4], $0x10, $0x38;
	[tilespmem:$0x8B00] =	vst v63  }
0x2a7: {  	s23 =	sadd.s32 $0x30, s22;
	s24 =	sadd.s32 $0x4980, s21  }
0x2a8: {  	[tilespmem:s24], [sflag:$0x2] =	stream.linear.gather [hbm4b:s23+s4], $0x10, $0x38;
	[tilespmem:$0x8B00] =	vst v63  }
0x2a9: {  	s23 =	sadd.s32 $0x40, s22;
	s24 =	sadd.s32 $0x4A00, s21  }
0x2aa: {  	[tilespmem:s24], [sflag:$0x2] =	stream.linear.gather [hbm4b:s23+s4], $0x10, $0x38;
	[tilespmem:$0x8B00] =	vst v63  }
0x2ab: {  	s23 =	sadd.s32 $0x50, s22;
	s24 =	sadd.s32 $0x4A80, s21  }
0x2ac: {  	[tilespmem:s24], [sflag:$0x2] =	stream.linear.gather [hbm4b:s23+s4], $0x10, $0x38;
	[tilespmem:$0x8B00] =	vst v63  }
0x2ad: {  	s23 =	sadd.s32 $0x60, s22;
	s24 =	sadd.s32 $0x4B00, s21  }
0x2ae: {  	[tilespmem:s24], [sflag:$0x2] =	stream.linear.gather [hbm4b:s23+s4], $0x10, $0x38;
	[tilespmem:$0x8B00] =	vst v63  }
0x2af: {  	s22 =	sadd.s32 $0x70, s22;
	s21 =	sadd.s32 $0x4B80, s21  }
0x2b0: {  	[tilespmem:s21], [sflag:$0x2] =	stream.linear.gather [hbm4b:s22+s4], $0x10, $0x38;
	[tilespmem:$0x8B00] =	vst v63  }
0x2b1: {  	s22 =	spop (v2sf)  }
0x2b2: {  	s21 =	sand.u32 $0xFFFFFF80, s22;
	s23 =	spop (v2sf)  }
0x2b3: {  	s21 =	sadd.s32 s20, s21;
	s22 =	sand.u32 $0x1FFFFF80, s23  }
0x2b4: {  	s24 =	sadd.s32 $0x400, s21;
	s22 =	sadd.s32 s0, s22  }
0x2b5: {  	[tilespmem:s24], [sflag:$0x2] =	stream.linear.gather [hbm4b:s22+s4], $0x10, $0x38;
	[tilespmem:$0x8B00] =	vst v63  }
0x2b6: {  	s23 =	sadd.s32 $0x10, s22;
	s24 =	sadd.s32 $0x480, s21  }
0x2b7: {  	[tilespmem:s24], [sflag:$0x2] =	stream.linear.gather [hbm4b:s23+s4], $0x10, $0x38;
	[tilespmem:$0x8B00] =	vst v63  }
0x2b8: {  	s23 =	sadd.s32 $0x20, s22;
	s24 =	sadd.s32 $0x500, s21  }
0x2b9: {  	[tilespmem:s24], [sflag:$0x2] =	stream.linear.gather [hbm4b:s23+s4], $0x10, $0x38;
	[tilespmem:$0x8B00] =	vst v63  }
0x2ba: {  	s23 =	sadd.s32 $0x30, s22;
	s24 =	sadd.s32 $0x580, s21  }
0x2bb: {  	[tilespmem:s24], [sflag:$0x2] =	stream.linear.gather [hbm4b:s23+s4], $0x10, $0x38;
	[tilespmem:$0x8B00] =	vst v63  }
0x2bc: {  	s23 =	sadd.s32 $0x40, s22;
	s24 =	sadd.s32 $0x600, s21  }
0x2bd: {  	[tilespmem:s24], [sflag:$0x2] =	stream.linear.gather [hbm4b:s23+s4], $0x10, $0x38;
	[tilespmem:$0x8B00] =	vst v63  }
0x2be: {  	s23 =	sadd.s32 $0x50, s22;
	s24 =	sadd.s32 $0x680, s21  }
0x2bf: {  	[tilespmem:s24], [sflag:$0x2] =	stream.linear.gather [hbm4b:s23+s4], $0x10, $0x38;
	[tilespmem:$0x8B00] =	vst v63  }
0x2c0: {  	s23 =	sadd.s32 $0x60, s22;
	s24 =	sadd.s32 $0x700, s21  }
0x2c1: {  	[tilespmem:s24], [sflag:$0x2] =	stream.linear.gather [hbm4b:s23+s4], $0x10, $0x38;
	[tilespmem:$0x8B00] =	vst v63  }
0x2c2: {  	s23 =	sadd.s32 $0x70, s22;
	s24 =	sadd.s32 $0x780, s21  }
0x2c3: {  	(v2sf) =	vpush v2, $0x4;
	[tilespmem:s24], [sflag:$0x2] =	stream.linear.gather [hbm4b:s23+s4], $0x10, $0x38;
	[tilespmem:$0x8B00] =	vst v63  }
0x2c4: {  	s22 =	sadd.s32 $0xF4280, s22;
	s24 =	sadd.s32 $0x800, s21  }
0x2c5: {  	[tilespmem:s24], [sflag:$0x2] =	stream.linear.gather [hbm4b:s22+s4], $0x10, $0x38;
	[tilespmem:$0x8B00] =	vst v63  }
0x2c6: {  	s23 =	sadd.s32 $0x10, s22;
	s24 =	sadd.s32 $0x880, s21  }
0x2c7: {  	[tilespmem:s24], [sflag:$0x2] =	stream.linear.gather [hbm4b:s23+s4], $0x10, $0x38;
	[tilespmem:$0x8B00] =	vst v63  }
0x2c8: {  	s23 =	sadd.s32 $0x20, s22;
	s24 =	sadd.s32 $0x900, s21  }
0x2c9: {  	[tilespmem:s24], [sflag:$0x2] =	stream.linear.gather [hbm4b:s23+s4], $0x10, $0x38;
	[tilespmem:$0x8B00] =	vst v63  }
0x2ca: {  	s23 =	sadd.s32 $0x30, s22;
	s24 =	sadd.s32 $0x980, s21  }
0x2cb: {  	[tilespmem:s24], [sflag:$0x2] =	stream.linear.gather [hbm4b:s23+s4], $0x10, $0x38;
	[tilespmem:$0x8B00] =	vst v63  }
0x2cc: {  	s23 =	sadd.s32 $0x40, s22;
	s24 =	sadd.s32 $0xA00, s21  }
0x2cd: {  	[tilespmem:s24], [sflag:$0x2] =	stream.linear.gather [hbm4b:s23+s4], $0x10, $0x38;
	[tilespmem:$0x8B00] =	vst v63  }
0x2ce: {  	s23 =	sadd.s32 $0x50, s22;
	s24 =	sadd.s32 $0xA80, s21  }
0x2cf: {  	[tilespmem:s24], [sflag:$0x2] =	stream.linear.gather [hbm4b:s23+s4], $0x10, $0x38;
	[tilespmem:$0x8B00] =	vst v63  }
0x2d0: {  	s23 =	sadd.s32 $0x60, s22;
	s24 =	sadd.s32 $0xB00, s21  }
0x2d1: {  	[tilespmem:s24], [sflag:$0x2] =	stream.linear.gather [hbm4b:s23+s4], $0x10, $0x38;
	[tilespmem:$0x8B00] =	vst v63  }
0x2d2: {  	s22 =	sadd.s32 $0x70, s22;
	s24 =	sadd.s32 $0xB80, s21;
	s23 =	spop (v2sf)  }
0x2d3: {  	[tilespmem:s24], [sflag:$0x2] =	stream.linear.gather [hbm4b:s22+s4], $0x10, $0x38;
	[tilespmem:$0x8B00] =	vst v63  }
0x2d4: {  	s22 =	sand.u32 $0x1FFFFF80, s23  }
0x2d5: {  	s24 =	sadd.s32 $0x4400, s21;
	s22 =	sadd.s32 s1, s22  }
0x2d6: {  	[tilespmem:s24], [sflag:$0x2] =	stream.linear.gather [hbm4b:s22+s4], $0x10, $0x38;
	[tilespmem:$0x8B00] =	vst v63  }
0x2d7: {  	s23 =	sadd.s32 $0x10, s22;
	s24 =	sadd.s32 $0x4480, s21  }
0x2d8: {  	[tilespmem:s24], [sflag:$0x2] =	stream.linear.gather [hbm4b:s23+s4], $0x10, $0x38;
	[tilespmem:$0x8B00] =	vst v63  }
0x2d9: {  	s23 =	sadd.s32 $0x20, s22;
	s24 =	sadd.s32 $0x4500, s21  }
0x2da: {  	[tilespmem:s24], [sflag:$0x2] =	stream.linear.gather [hbm4b:s23+s4], $0x10, $0x38;
	[tilespmem:$0x8B00] =	vst v63  }
0x2db: {  	s23 =	sadd.s32 $0x30, s22;
	s24 =	sadd.s32 $0x4580, s21  }
0x2dc: {  	[tilespmem:s24], [sflag:$0x2] =	stream.linear.gather [hbm4b:s23+s4], $0x10, $0x38;
	[tilespmem:$0x8B00] =	vst v63  }
0x2dd: {  	s23 =	sadd.s32 $0x40, s22;
	s24 =	sadd.s32 $0x4600, s21  }
0x2de: {  	[tilespmem:s24], [sflag:$0x2] =	stream.linear.gather [hbm4b:s23+s4], $0x10, $0x38;
	[tilespmem:$0x8B00] =	vst v63  }
0x2df: {  	s23 =	sadd.s32 $0x50, s22;
	s24 =	sadd.s32 $0x4680, s21  }
0x2e0: {  	[tilespmem:s24], [sflag:$0x2] =	stream.linear.gather [hbm4b:s23+s4], $0x10, $0x38;
	[tilespmem:$0x8B00] =	vst v63  }
0x2e1: {  	s23 =	sadd.s32 $0x60, s22;
	s24 =	sadd.s32 $0x4700, s21  }
0x2e2: {  	[tilespmem:s24], [sflag:$0x2] =	stream.linear.gather [hbm4b:s23+s4], $0x10, $0x38;
	[tilespmem:$0x8B00] =	vst v63  }
0x2e3: {  	s23 =	sadd.s32 $0x70, s22;
	s24 =	sadd.s32 $0x4780, s21  }
0x2e4: {  	[tilespmem:s24], [sflag:$0x2] =	stream.linear.gather [hbm4b:s23+s4], $0x10, $0x38;
	[tilespmem:$0x8B00] =	vst v63  }
0x2e5: {  	s22 =	sadd.s32 $0xF4280, s22;
	s24 =	sadd.s32 $0x4800, s21  }
0x2e6: {  	(v2sf) =	vpush v4, $0x5;
	[tilespmem:s24], [sflag:$0x2] =	stream.linear.gather [hbm4b:s22+s4], $0x10, $0x38;
	[tilespmem:$0x8B00] =	vst v63  }
0x2e7: {  	(v2sf) =	vpush v3, $0x5;
	s23 =	sadd.s32 $0x10, s22;
	s24 =	sadd.s32 $0x4880, s21  }
0x2e8: {  	[tilespmem:s24], [sflag:$0x2] =	stream.linear.gather [hbm4b:s23+s4], $0x10, $0x38;
	[tilespmem:$0x8B00] =	vst v63  }
0x2e9: {  	s23 =	sadd.s32 $0x20, s22;
	s24 =	sadd.s32 $0x4900, s21  }
0x2ea: {  	[tilespmem:s24], [sflag:$0x2] =	stream.linear.gather [hbm4b:s23+s4], $0x10, $0x38;
	[tilespmem:$0x8B00] =	vst v63  }
0x2eb: {  	s23 =	sadd.s32 $0x30, s22;
	s24 =	sadd.s32 $0x4980, s21  }
0x2ec: {  	[tilespmem:s24], [sflag:$0x2] =	stream.linear.gather [hbm4b:s23+s4], $0x10, $0x38;
	[tilespmem:$0x8B00] =	vst v63  }
0x2ed: {  	s23 =	sadd.s32 $0x40, s22;
	s24 =	sadd.s32 $0x4A00, s21  }
0x2ee: {  	[tilespmem:s24], [sflag:$0x2] =	stream.linear.gather [hbm4b:s23+s4], $0x10, $0x38;
	[tilespmem:$0x8B00] =	vst v63  }
0x2ef: {  	s23 =	sadd.s32 $0x50, s22;
	s24 =	sadd.s32 $0x4A80, s21  }
0x2f0: {  	[tilespmem:s24], [sflag:$0x2] =	stream.linear.gather [hbm4b:s23+s4], $0x10, $0x38;
	[tilespmem:$0x8B00] =	vst v63  }
0x2f1: {  	s23 =	sadd.s32 $0x60, s22;
	s24 =	sadd.s32 $0x4B00, s21  }
0x2f2: {  	[tilespmem:s24], [sflag:$0x2] =	stream.linear.gather [hbm4b:s23+s4], $0x10, $0x38;
	[tilespmem:$0x8B00] =	vst v63  }
0x2f3: {  	s22 =	sadd.s32 $0x70, s22;
	s21 =	sadd.s32 $0x4B80, s21  }
0x2f4: {  	[tilespmem:s21], [sflag:$0x2] =	stream.linear.gather [hbm4b:s22+s4], $0x10, $0x38;
	[tilespmem:$0x8B00] =	vst v63  }
0x2f5: {  	s22 =	spop (v2sf)  }
0x2f6: {  	s21 =	sand.u32 $0xFFFFFF80, s22;
	s23 =	spop (v2sf)  }
0x2f7: {  	s21 =	sadd.s32 s20, s21;
	s22 =	sand.u32 $0x1FFFFF80, s23  }
0x2f8: {  	s24 =	sadd.s32 $0x400, s21;
	s22 =	sadd.s32 s0, s22  }
0x2f9: {  	[tilespmem:s24], [sflag:$0x2] =	stream.linear.gather [hbm4b:s22+s4], $0x10, $0x38;
	[tilespmem:$0x8B00] =	vst v63  }
0x2fa: {  	s23 =	sadd.s32 $0x10, s22;
	s24 =	sadd.s32 $0x480, s21  }
0x2fb: {  	[tilespmem:s24], [sflag:$0x2] =	stream.linear.gather [hbm4b:s23+s4], $0x10, $0x38;
	[tilespmem:$0x8B00] =	vst v63  }
0x2fc: {  	s23 =	sadd.s32 $0x20, s22;
	s24 =	sadd.s32 $0x500, s21  }
0x2fd: {  	[tilespmem:s24], [sflag:$0x2] =	stream.linear.gather [hbm4b:s23+s4], $0x10, $0x38;
	[tilespmem:$0x8B00] =	vst v63  }
0x2fe: {  	s23 =	sadd.s32 $0x30, s22;
	s24 =	sadd.s32 $0x580, s21  }
0x2ff: {  	[tilespmem:s24], [sflag:$0x2] =	stream.linear.gather [hbm4b:s23+s4], $0x10, $0x38;
	[tilespmem:$0x8B00] =	vst v63  }
0x300: {  	s23 =	sadd.s32 $0x40, s22;
	s24 =	sadd.s32 $0x600, s21  }
0x301: {  	[tilespmem:s24], [sflag:$0x2] =	stream.linear.gather [hbm4b:s23+s4], $0x10, $0x38;
	[tilespmem:$0x8B00] =	vst v63  }
0x302: {  	s23 =	sadd.s32 $0x50, s22;
	s24 =	sadd.s32 $0x680, s21  }
0x303: {  	[tilespmem:s24], [sflag:$0x2] =	stream.linear.gather [hbm4b:s23+s4], $0x10, $0x38;
	[tilespmem:$0x8B00] =	vst v63  }
0x304: {  	s23 =	sadd.s32 $0x60, s22;
	s24 =	sadd.s32 $0x700, s21  }
0x305: {  	[tilespmem:s24], [sflag:$0x2] =	stream.linear.gather [hbm4b:s23+s4], $0x10, $0x38;
	[tilespmem:$0x8B00] =	vst v63  }
0x306: {  	s23 =	sadd.s32 $0x70, s22;
	s24 =	sadd.s32 $0x780, s21  }
0x307: {  	(v2sf) =	vpush v2, $0x5;
	[tilespmem:s24], [sflag:$0x2] =	stream.linear.gather [hbm4b:s23+s4], $0x10, $0x38;
	[tilespmem:$0x8B00] =	vst v63  }
0x308: {  	s22 =	sadd.s32 $0xF4280, s22;
	s24 =	sadd.s32 $0x800, s21  }
0x309: {  	[tilespmem:s24], [sflag:$0x2] =	stream.linear.gather [hbm4b:s22+s4], $0x10, $0x38;
	[tilespmem:$0x8B00] =	vst v63  }
0x30a: {  	s23 =	sadd.s32 $0x10, s22;
	s24 =	sadd.s32 $0x880, s21  }
0x30b: {  	[tilespmem:s24], [sflag:$0x2] =	stream.linear.gather [hbm4b:s23+s4], $0x10, $0x38;
	[tilespmem:$0x8B00] =	vst v63  }
0x30c: {  	s23 =	sadd.s32 $0x20, s22;
	s24 =	sadd.s32 $0x900, s21  }
0x30d: {  	[tilespmem:s24], [sflag:$0x2] =	stream.linear.gather [hbm4b:s23+s4], $0x10, $0x38;
	[tilespmem:$0x8B00] =	vst v63  }
0x30e: {  	s23 =	sadd.s32 $0x30, s22;
	s24 =	sadd.s32 $0x980, s21  }
0x30f: {  	[tilespmem:s24], [sflag:$0x2] =	stream.linear.gather [hbm4b:s23+s4], $0x10, $0x38;
	[tilespmem:$0x8B00] =	vst v63  }
0x310: {  	s23 =	sadd.s32 $0x40, s22;
	s24 =	sadd.s32 $0xA00, s21  }
0x311: {  	[tilespmem:s24], [sflag:$0x2] =	stream.linear.gather [hbm4b:s23+s4], $0x10, $0x38;
	[tilespmem:$0x8B00] =	vst v63  }
0x312: {  	s23 =	sadd.s32 $0x50, s22;
	s24 =	sadd.s32 $0xA80, s21  }
0x313: {  	[tilespmem:s24], [sflag:$0x2] =	stream.linear.gather [hbm4b:s23+s4], $0x10, $0x38;
	[tilespmem:$0x8B00] =	vst v63  }
0x314: {  	s23 =	sadd.s32 $0x60, s22;
	s24 =	sadd.s32 $0xB00, s21  }
0x315: {  	[tilespmem:s24], [sflag:$0x2] =	stream.linear.gather [hbm4b:s23+s4], $0x10, $0x38;
	[tilespmem:$0x8B00] =	vst v63  }
0x316: {  	s22 =	sadd.s32 $0x70, s22;
	s24 =	sadd.s32 $0xB80, s21;
	s23 =	spop (v2sf)  }
0x317: {  	[tilespmem:s24], [sflag:$0x2] =	stream.linear.gather [hbm4b:s22+s4], $0x10, $0x38;
	[tilespmem:$0x8B00] =	vst v63  }
0x318: {  	s22 =	sand.u32 $0x1FFFFF80, s23  }
0x319: {  	s24 =	sadd.s32 $0x4400, s21;
	s22 =	sadd.s32 s1, s22  }
0x31a: {  	[tilespmem:s24], [sflag:$0x2] =	stream.linear.gather [hbm4b:s22+s4], $0x10, $0x38;
	[tilespmem:$0x8B00] =	vst v63  }
0x31b: {  	s23 =	sadd.s32 $0x10, s22;
	s24 =	sadd.s32 $0x4480, s21  }
0x31c: {  	[tilespmem:s24], [sflag:$0x2] =	stream.linear.gather [hbm4b:s23+s4], $0x10, $0x38;
	[tilespmem:$0x8B00] =	vst v63  }
0x31d: {  	s23 =	sadd.s32 $0x20, s22;
	s24 =	sadd.s32 $0x4500, s21  }
0x31e: {  	[tilespmem:s24], [sflag:$0x2] =	stream.linear.gather [hbm4b:s23+s4], $0x10, $0x38;
	[tilespmem:$0x8B00] =	vst v63  }
0x31f: {  	s23 =	sadd.s32 $0x30, s22;
	s24 =	sadd.s32 $0x4580, s21  }
0x320: {  	[tilespmem:s24], [sflag:$0x2] =	stream.linear.gather [hbm4b:s23+s4], $0x10, $0x38;
	[tilespmem:$0x8B00] =	vst v63  }
0x321: {  	s23 =	sadd.s32 $0x40, s22;
	s24 =	sadd.s32 $0x4600, s21  }
0x322: {  	[tilespmem:s24], [sflag:$0x2] =	stream.linear.gather [hbm4b:s23+s4], $0x10, $0x38;
	[tilespmem:$0x8B00] =	vst v63  }
0x323: {  	s23 =	sadd.s32 $0x50, s22;
	s24 =	sadd.s32 $0x4680, s21  }
0x324: {  	[tilespmem:s24], [sflag:$0x2] =	stream.linear.gather [hbm4b:s23+s4], $0x10, $0x38;
	[tilespmem:$0x8B00] =	vst v63  }
0x325: {  	s23 =	sadd.s32 $0x60, s22;
	s24 =	sadd.s32 $0x4700, s21  }
0x326: {  	[tilespmem:s24], [sflag:$0x2] =	stream.linear.gather [hbm4b:s23+s4], $0x10, $0x38;
	[tilespmem:$0x8B00] =	vst v63  }
0x327: {  	s23 =	sadd.s32 $0x70, s22;
	s24 =	sadd.s32 $0x4780, s21  }
0x328: {  	[tilespmem:s24], [sflag:$0x2] =	stream.linear.gather [hbm4b:s23+s4], $0x10, $0x38;
	[tilespmem:$0x8B00] =	vst v63  }
0x329: {  	s22 =	sadd.s32 $0xF4280, s22;
	s24 =	sadd.s32 $0x4800, s21  }
0x32a: {  	(v2sf) =	vpush v4, $0x6;
	[tilespmem:s24], [sflag:$0x2] =	stream.linear.gather [hbm4b:s22+s4], $0x10, $0x38;
	[tilespmem:$0x8B00] =	vst v63  }
0x32b: {  	(v2sf) =	vpush v3, $0x6;
	s23 =	sadd.s32 $0x10, s22;
	s24 =	sadd.s32 $0x4880, s21  }
0x32c: {  	[tilespmem:s24], [sflag:$0x2] =	stream.linear.gather [hbm4b:s23+s4], $0x10, $0x38;
	[tilespmem:$0x8B00] =	vst v63  }
0x32d: {  	s23 =	sadd.s32 $0x20, s22;
	s24 =	sadd.s32 $0x4900, s21  }
0x32e: {  	[tilespmem:s24], [sflag:$0x2] =	stream.linear.gather [hbm4b:s23+s4], $0x10, $0x38;
	[tilespmem:$0x8B00] =	vst v63  }
0x32f: {  	s23 =	sadd.s32 $0x30, s22;
	s24 =	sadd.s32 $0x4980, s21  }
0x330: {  	[tilespmem:s24], [sflag:$0x2] =	stream.linear.gather [hbm4b:s23+s4], $0x10, $0x38;
	[tilespmem:$0x8B00] =	vst v63  }
0x331: {  	s23 =	sadd.s32 $0x40, s22;
	s24 =	sadd.s32 $0x4A00, s21  }
0x332: {  	[tilespmem:s24], [sflag:$0x2] =	stream.linear.gather [hbm4b:s23+s4], $0x10, $0x38;
	[tilespmem:$0x8B00] =	vst v63  }
0x333: {  	s23 =	sadd.s32 $0x50, s22;
	s24 =	sadd.s32 $0x4A80, s21  }
0x334: {  	[tilespmem:s24], [sflag:$0x2] =	stream.linear.gather [hbm4b:s23+s4], $0x10, $0x38;
	[tilespmem:$0x8B00] =	vst v63  }
0x335: {  	s23 =	sadd.s32 $0x60, s22;
	s24 =	sadd.s32 $0x4B00, s21  }
0x336: {  	[tilespmem:s24], [sflag:$0x2] =	stream.linear.gather [hbm4b:s23+s4], $0x10, $0x38;
	[tilespmem:$0x8B00] =	vst v63  }
0x337: {  	s22 =	sadd.s32 $0x70, s22;
	s21 =	sadd.s32 $0x4B80, s21  }
0x338: {  	[tilespmem:s21], [sflag:$0x2] =	stream.linear.gather [hbm4b:s22+s4], $0x10, $0x38;
	[tilespmem:$0x8B00] =	vst v63  }
0x339: {  	s22 =	spop (v2sf)  }
0x33a: {  	s21 =	sand.u32 $0xFFFFFF80, s22;
	s23 =	spop (v2sf)  }
0x33b: {  	s21 =	sadd.s32 s20, s21;
	s22 =	sand.u32 $0x1FFFFF80, s23  }
0x33c: {  	s24 =	sadd.s32 $0x400, s21;
	s22 =	sadd.s32 s0, s22  }
0x33d: {  	[tilespmem:s24], [sflag:$0x2] =	stream.linear.gather [hbm4b:s22+s4], $0x10, $0x38;
	[tilespmem:$0x8B00] =	vst v63  }
0x33e: {  	s23 =	sadd.s32 $0x10, s22;
	s24 =	sadd.s32 $0x480, s21  }
0x33f: {  	[tilespmem:s24], [sflag:$0x2] =	stream.linear.gather [hbm4b:s23+s4], $0x10, $0x38;
	[tilespmem:$0x8B00] =	vst v63  }
0x340: {  	s23 =	sadd.s32 $0x20, s22;
	s24 =	sadd.s32 $0x500, s21  }
0x341: {  	[tilespmem:s24], [sflag:$0x2] =	stream.linear.gather [hbm4b:s23+s4], $0x10, $0x38;
	[tilespmem:$0x8B00] =	vst v63  }
0x342: {  	s23 =	sadd.s32 $0x30, s22;
	s24 =	sadd.s32 $0x580, s21  }
0x343: {  	[tilespmem:s24], [sflag:$0x2] =	stream.linear.gather [hbm4b:s23+s4], $0x10, $0x38;
	[tilespmem:$0x8B00] =	vst v63  }
0x344: {  	s23 =	sadd.s32 $0x40, s22;
	s24 =	sadd.s32 $0x600, s21  }
0x345: {  	[tilespmem:s24], [sflag:$0x2] =	stream.linear.gather [hbm4b:s23+s4], $0x10, $0x38;
	[tilespmem:$0x8B00] =	vst v63  }
0x346: {  	s23 =	sadd.s32 $0x50, s22;
	s24 =	sadd.s32 $0x680, s21  }
0x347: {  	[tilespmem:s24], [sflag:$0x2] =	stream.linear.gather [hbm4b:s23+s4], $0x10, $0x38;
	[tilespmem:$0x8B00] =	vst v63  }
0x348: {  	s23 =	sadd.s32 $0x60, s22;
	s24 =	sadd.s32 $0x700, s21  }
0x349: {  	[tilespmem:s24], [sflag:$0x2] =	stream.linear.gather [hbm4b:s23+s4], $0x10, $0x38;
	[tilespmem:$0x8B00] =	vst v63  }
0x34a: {  	s23 =	sadd.s32 $0x70, s22;
	s24 =	sadd.s32 $0x780, s21  }
0x34b: {  	(v2sf) =	vpush v2, $0x6;
	[tilespmem:s24], [sflag:$0x2] =	stream.linear.gather [hbm4b:s23+s4], $0x10, $0x38;
	[tilespmem:$0x8B00] =	vst v63  }
0x34c: {  	s22 =	sadd.s32 $0xF4280, s22;
	s24 =	sadd.s32 $0x800, s21  }
0x34d: {  	[tilespmem:s24], [sflag:$0x2] =	stream.linear.gather [hbm4b:s22+s4], $0x10, $0x38;
	[tilespmem:$0x8B00] =	vst v63  }
0x34e: {  	s23 =	sadd.s32 $0x10, s22;
	s24 =	sadd.s32 $0x880, s21  }
0x34f: {  	[tilespmem:s24], [sflag:$0x2] =	stream.linear.gather [hbm4b:s23+s4], $0x10, $0x38;
	[tilespmem:$0x8B00] =	vst v63  }
0x350: {  	s23 =	sadd.s32 $0x20, s22;
	s24 =	sadd.s32 $0x900, s21  }
0x351: {  	[tilespmem:s24], [sflag:$0x2] =	stream.linear.gather [hbm4b:s23+s4], $0x10, $0x38;
	[tilespmem:$0x8B00] =	vst v63  }
0x352: {  	s23 =	sadd.s32 $0x30, s22;
	s24 =	sadd.s32 $0x980, s21  }
0x353: {  	[tilespmem:s24], [sflag:$0x2] =	stream.linear.gather [hbm4b:s23+s4], $0x10, $0x38;
	[tilespmem:$0x8B00] =	vst v63  }
0x354: {  	s23 =	sadd.s32 $0x40, s22;
	s24 =	sadd.s32 $0xA00, s21  }
0x355: {  	[tilespmem:s24], [sflag:$0x2] =	stream.linear.gather [hbm4b:s23+s4], $0x10, $0x38;
	[tilespmem:$0x8B00] =	vst v63  }
0x356: {  	s23 =	sadd.s32 $0x50, s22;
	s24 =	sadd.s32 $0xA80, s21  }
0x357: {  	[tilespmem:s24], [sflag:$0x2] =	stream.linear.gather [hbm4b:s23+s4], $0x10, $0x38;
	[tilespmem:$0x8B00] =	vst v63  }
0x358: {  	s23 =	sadd.s32 $0x60, s22;
	s24 =	sadd.s32 $0xB00, s21  }
0x359: {  	[tilespmem:s24], [sflag:$0x2] =	stream.linear.gather [hbm4b:s23+s4], $0x10, $0x38;
	[tilespmem:$0x8B00] =	vst v63  }
0x35a: {  	s22 =	sadd.s32 $0x70, s22;
	s24 =	sadd.s32 $0xB80, s21;
	s23 =	spop (v2sf)  }
0x35b: {  	[tilespmem:s24], [sflag:$0x2] =	stream.linear.gather [hbm4b:s22+s4], $0x10, $0x38;
	[tilespmem:$0x8B00] =	vst v63  }
0x35c: {  	s22 =	sand.u32 $0x1FFFFF80, s23  }
0x35d: {  	s24 =	sadd.s32 $0x4400, s21;
	s22 =	sadd.s32 s1, s22  }
0x35e: {  	[tilespmem:s24], [sflag:$0x2] =	stream.linear.gather [hbm4b:s22+s4], $0x10, $0x38;
	[tilespmem:$0x8B00] =	vst v63  }
0x35f: {  	s23 =	sadd.s32 $0x10, s22;
	s24 =	sadd.s32 $0x4480, s21  }
0x360: {  	[tilespmem:s24], [sflag:$0x2] =	stream.linear.gather [hbm4b:s23+s4], $0x10, $0x38;
	[tilespmem:$0x8B00] =	vst v63  }
0x361: {  	s23 =	sadd.s32 $0x20, s22;
	s24 =	sadd.s32 $0x4500, s21  }
0x362: {  	[tilespmem:s24], [sflag:$0x2] =	stream.linear.gather [hbm4b:s23+s4], $0x10, $0x38;
	[tilespmem:$0x8B00] =	vst v63  }
0x363: {  	s23 =	sadd.s32 $0x30, s22;
	s24 =	sadd.s32 $0x4580, s21  }
0x364: {  	[tilespmem:s24], [sflag:$0x2] =	stream.linear.gather [hbm4b:s23+s4], $0x10, $0x38;
	[tilespmem:$0x8B00] =	vst v63  }
0x365: {  	s23 =	sadd.s32 $0x40, s22;
	s24 =	sadd.s32 $0x4600, s21  }
0x366: {  	[tilespmem:s24], [sflag:$0x2] =	stream.linear.gather [hbm4b:s23+s4], $0x10, $0x38;
	[tilespmem:$0x8B00] =	vst v63  }
0x367: {  	s23 =	sadd.s32 $0x50, s22;
	s24 =	sadd.s32 $0x4680, s21  }
0x368: {  	[tilespmem:s24], [sflag:$0x2] =	stream.linear.gather [hbm4b:s23+s4], $0x10, $0x38;
	[tilespmem:$0x8B00] =	vst v63  }
0x369: {  	s23 =	sadd.s32 $0x60, s22;
	s24 =	sadd.s32 $0x4700, s21  }
0x36a: {  	[tilespmem:s24], [sflag:$0x2] =	stream.linear.gather [hbm4b:s23+s4], $0x10, $0x38;
	[tilespmem:$0x8B00] =	vst v63  }
0x36b: {  	s23 =	sadd.s32 $0x70, s22;
	s24 =	sadd.s32 $0x4780, s21  }
0x36c: {  	[tilespmem:s24], [sflag:$0x2] =	stream.linear.gather [hbm4b:s23+s4], $0x10, $0x38;
	[tilespmem:$0x8B00] =	vst v63  }
0x36d: {  	s22 =	sadd.s32 $0xF4280, s22;
	s24 =	sadd.s32 $0x4800, s21  }
0x36e: {  	(v2sf) =	vpush v4, $0x7;
	[tilespmem:s24], [sflag:$0x2] =	stream.linear.gather [hbm4b:s22+s4], $0x10, $0x38;
	[tilespmem:$0x8B00] =	vst v63  }
0x36f: {  	(v2sf) =	vpush v3, $0x7;
	s23 =	sadd.s32 $0x10, s22;
	s24 =	sadd.s32 $0x4880, s21  }
0x370: {  	[tilespmem:s24], [sflag:$0x2] =	stream.linear.gather [hbm4b:s23+s4], $0x10, $0x38;
	[tilespmem:$0x8B00] =	vst v63  }
0x371: {  	s23 =	sadd.s32 $0x20, s22;
	s24 =	sadd.s32 $0x4900, s21  }
0x372: {  	[tilespmem:s24], [sflag:$0x2] =	stream.linear.gather [hbm4b:s23+s4], $0x10, $0x38;
	[tilespmem:$0x8B00] =	vst v63  }
0x373: {  	s23 =	sadd.s32 $0x30, s22;
	s24 =	sadd.s32 $0x4980, s21  }
0x374: {  	[tilespmem:s24], [sflag:$0x2] =	stream.linear.gather [hbm4b:s23+s4], $0x10, $0x38;
	[tilespmem:$0x8B00] =	vst v63  }
0x375: {  	s23 =	sadd.s32 $0x40, s22;
	s24 =	sadd.s32 $0x4A00, s21  }
0x376: {  	[tilespmem:s24], [sflag:$0x2] =	stream.linear.gather [hbm4b:s23+s4], $0x10, $0x38;
	[tilespmem:$0x8B00] =	vst v63  }
0x377: {  	s23 =	sadd.s32 $0x50, s22;
	s24 =	sadd.s32 $0x4A80, s21  }
0x378: {  	[tilespmem:s24], [sflag:$0x2] =	stream.linear.gather [hbm4b:s23+s4], $0x10, $0x38;
	[tilespmem:$0x8B00] =	vst v63  }
0x379: {  	s23 =	sadd.s32 $0x60, s22;
	s24 =	sadd.s32 $0x4B00, s21  }
0x37a: {  	[tilespmem:s24], [sflag:$0x2] =	stream.linear.gather [hbm4b:s23+s4], $0x10, $0x38;
	[tilespmem:$0x8B00] =	vst v63  }
0x37b: {  	s22 =	sadd.s32 $0x70, s22;
	s21 =	sadd.s32 $0x4B80, s21  }
0x37c: {  	[tilespmem:s21], [sflag:$0x2] =	stream.linear.gather [hbm4b:s22+s4], $0x10, $0x38;
	[tilespmem:$0x8B00] =	vst v63  }
0x37d: {  	s22 =	spop (v2sf)  }
0x37e: {  	s21 =	sand.u32 $0xFFFFFF80, s22;
	s23 =	spop (v2sf)  }
0x37f: {  	s21 =	sadd.s32 s20, s21;
	s22 =	sand.u32 $0x1FFFFF80, s23  }
0x380: {  	s24 =	sadd.s32 $0x400, s21;
	s22 =	sadd.s32 s0, s22  }
0x381: {  	[tilespmem:s24], [sflag:$0x2] =	stream.linear.gather [hbm4b:s22+s4], $0x10, $0x38;
	[tilespmem:$0x8B00] =	vst v63  }
0x382: {  	s23 =	sadd.s32 $0x10, s22;
	s24 =	sadd.s32 $0x480, s21  }
0x383: {  	[tilespmem:s24], [sflag:$0x2] =	stream.linear.gather [hbm4b:s23+s4], $0x10, $0x38;
	[tilespmem:$0x8B00] =	vst v63  }
0x384: {  	s23 =	sadd.s32 $0x20, s22;
	s24 =	sadd.s32 $0x500, s21  }
0x385: {  	[tilespmem:s24], [sflag:$0x2] =	stream.linear.gather [hbm4b:s23+s4], $0x10, $0x38;
	[tilespmem:$0x8B00] =	vst v63  }
0x386: {  	s23 =	sadd.s32 $0x30, s22;
	s24 =	sadd.s32 $0x580, s21  }
0x387: {  	[tilespmem:s24], [sflag:$0x2] =	stream.linear.gather [hbm4b:s23+s4], $0x10, $0x38;
	[tilespmem:$0x8B00] =	vst v63  }
0x388: {  	s23 =	sadd.s32 $0x40, s22;
	s24 =	sadd.s32 $0x600, s21  }
0x389: {  	[tilespmem:s24], [sflag:$0x2] =	stream.linear.gather [hbm4b:s23+s4], $0x10, $0x38;
	[tilespmem:$0x8B00] =	vst v63  }
0x38a: {  	s23 =	sadd.s32 $0x50, s22;
	s24 =	sadd.s32 $0x680, s21  }
0x38b: {  	[tilespmem:s24], [sflag:$0x2] =	stream.linear.gather [hbm4b:s23+s4], $0x10, $0x38;
	[tilespmem:$0x8B00] =	vst v63  }
0x38c: {  	s23 =	sadd.s32 $0x60, s22;
	s24 =	sadd.s32 $0x700, s21  }
0x38d: {  	[tilespmem:s24], [sflag:$0x2] =	stream.linear.gather [hbm4b:s23+s4], $0x10, $0x38;
	[tilespmem:$0x8B00] =	vst v63  }
0x38e: {  	s23 =	sadd.s32 $0x70, s22;
	s24 =	sadd.s32 $0x780, s21  }
0x38f: {  	(v2sf) =	vpush v2, $0x7;
	[tilespmem:s24], [sflag:$0x2] =	stream.linear.gather [hbm4b:s23+s4], $0x10, $0x38;
	[tilespmem:$0x8B00] =	vst v63  }
0x390: {  	s22 =	sadd.s32 $0xF4280, s22;
	s24 =	sadd.s32 $0x800, s21  }
0x391: {  	[tilespmem:s24], [sflag:$0x2] =	stream.linear.gather [hbm4b:s22+s4], $0x10, $0x38;
	[tilespmem:$0x8B00] =	vst v63  }
0x392: {  	s23 =	sadd.s32 $0x10, s22;
	s24 =	sadd.s32 $0x880, s21  }
0x393: {  	[tilespmem:s24], [sflag:$0x2] =	stream.linear.gather [hbm4b:s23+s4], $0x10, $0x38;
	[tilespmem:$0x8B00] =	vst v63  }
0x394: {  	s23 =	sadd.s32 $0x20, s22;
	s24 =	sadd.s32 $0x900, s21  }
0x395: {  	[tilespmem:s24], [sflag:$0x2] =	stream.linear.gather [hbm4b:s23+s4], $0x10, $0x38;
	[tilespmem:$0x8B00] =	vst v63  }
0x396: {  	s23 =	sadd.s32 $0x30, s22;
	s24 =	sadd.s32 $0x980, s21  }
0x397: {  	[tilespmem:s24], [sflag:$0x2] =	stream.linear.gather [hbm4b:s23+s4], $0x10, $0x38;
	[tilespmem:$0x8B00] =	vst v63  }
0x398: {  	s23 =	sadd.s32 $0x40, s22;
	s24 =	sadd.s32 $0xA00, s21  }
0x399: {  	[tilespmem:s24], [sflag:$0x2] =	stream.linear.gather [hbm4b:s23+s4], $0x10, $0x38;
	[tilespmem:$0x8B00] =	vst v63  }
0x39a: {  	s23 =	sadd.s32 $0x50, s22;
	s24 =	sadd.s32 $0xA80, s21  }
0x39b: {  	[tilespmem:s24], [sflag:$0x2] =	stream.linear.gather [hbm4b:s23+s4], $0x10, $0x38;
	[tilespmem:$0x8B00] =	vst v63  }
0x39c: {  	s23 =	sadd.s32 $0x60, s22;
	s24 =	sadd.s32 $0xB00, s21  }
0x39d: {  	[tilespmem:s24], [sflag:$0x2] =	stream.linear.gather [hbm4b:s23+s4], $0x10, $0x38;
	[tilespmem:$0x8B00] =	vst v63  }
0x39e: {  	s22 =	sadd.s32 $0x70, s22;
	s24 =	sadd.s32 $0xB80, s21;
	s23 =	spop (v2sf)  }
0x39f: {  	[tilespmem:s24], [sflag:$0x2] =	stream.linear.gather [hbm4b:s22+s4], $0x10, $0x38;
	[tilespmem:$0x8B00] =	vst v63  }
0x3a0: {  	s22 =	sand.u32 $0x1FFFFF80, s23  }
0x3a1: {  	s24 =	sadd.s32 $0x4400, s21;
	s22 =	sadd.s32 s1, s22  }
0x3a2: {  	[tilespmem:s24], [sflag:$0x2] =	stream.linear.gather [hbm4b:s22+s4], $0x10, $0x38;
	[tilespmem:$0x8B00] =	vst v63  }
0x3a3: {  	s23 =	sadd.s32 $0x10, s22;
	s24 =	sadd.s32 $0x4480, s21  }
0x3a4: {  	[tilespmem:s24], [sflag:$0x2] =	stream.linear.gather [hbm4b:s23+s4], $0x10, $0x38;
	[tilespmem:$0x8B00] =	vst v63  }
0x3a5: {  	s23 =	sadd.s32 $0x20, s22;
	s24 =	sadd.s32 $0x4500, s21  }
0x3a6: {  	[tilespmem:s24], [sflag:$0x2] =	stream.linear.gather [hbm4b:s23+s4], $0x10, $0x38;
	[tilespmem:$0x8B00] =	vst v63  }
0x3a7: {  	s23 =	sadd.s32 $0x30, s22;
	s24 =	sadd.s32 $0x4580, s21  }
0x3a8: {  	[tilespmem:s24], [sflag:$0x2] =	stream.linear.gather [hbm4b:s23+s4], $0x10, $0x38;
	[tilespmem:$0x8B00] =	vst v63  }
0x3a9: {  	s23 =	sadd.s32 $0x40, s22;
	s24 =	sadd.s32 $0x4600, s21  }
0x3aa: {  	[tilespmem:s24], [sflag:$0x2] =	stream.linear.gather [hbm4b:s23+s4], $0x10, $0x38;
	[tilespmem:$0x8B00] =	vst v63  }
0x3ab: {  	s23 =	sadd.s32 $0x50, s22;
	s24 =	sadd.s32 $0x4680, s21  }
0x3ac: {  	[tilespmem:s24], [sflag:$0x2] =	stream.linear.gather [hbm4b:s23+s4], $0x10, $0x38;
	[tilespmem:$0x8B00] =	vst v63  }
0x3ad: {  	s23 =	sadd.s32 $0x60, s22;
	s24 =	sadd.s32 $0x4700, s21  }
0x3ae: {  	[tilespmem:s24], [sflag:$0x2] =	stream.linear.gather [hbm4b:s23+s4], $0x10, $0x38;
	[tilespmem:$0x8B00] =	vst v63  }
0x3af: {  	s23 =	sadd.s32 $0x70, s22;
	s24 =	sadd.s32 $0x4780, s21  }
0x3b0: {  	[tilespmem:s24], [sflag:$0x2] =	stream.linear.gather [hbm4b:s23+s4], $0x10, $0x38;
	[tilespmem:$0x8B00] =	vst v63  }
0x3b1: {  	s22 =	sadd.s32 $0xF4280, s22;
	s24 =	sadd.s32 $0x4800, s21  }
0x3b2: {  	(v2sf) =	vpush v4, $0x8;
	[tilespmem:s24], [sflag:$0x2] =	stream.linear.gather [hbm4b:s22+s4], $0x10, $0x38;
	[tilespmem:$0x8B00] =	vst v63  }
0x3b3: {  	(v2sf) =	vpush v3, $0x8;
	s23 =	sadd.s32 $0x10, s22;
	s24 =	sadd.s32 $0x4880, s21  }
0x3b4: {  	[tilespmem:s24], [sflag:$0x2] =	stream.linear.gather [hbm4b:s23+s4], $0x10, $0x38;
	[tilespmem:$0x8B00] =	vst v63  }
0x3b5: {  	s23 =	sadd.s32 $0x20, s22;
	s24 =	sadd.s32 $0x4900, s21  }
0x3b6: {  	[tilespmem:s24], [sflag:$0x2] =	stream.linear.gather [hbm4b:s23+s4], $0x10, $0x38;
	[tilespmem:$0x8B00] =	vst v63  }
0x3b7: {  	s23 =	sadd.s32 $0x30, s22;
	s24 =	sadd.s32 $0x4980, s21  }
0x3b8: {  	[tilespmem:s24], [sflag:$0x2] =	stream.linear.gather [hbm4b:s23+s4], $0x10, $0x38;
	[tilespmem:$0x8B00] =	vst v63  }
0x3b9: {  	s23 =	sadd.s32 $0x40, s22;
	s24 =	sadd.s32 $0x4A00, s21  }
0x3ba: {  	[tilespmem:s24], [sflag:$0x2] =	stream.linear.gather [hbm4b:s23+s4], $0x10, $0x38;
	[tilespmem:$0x8B00] =	vst v63  }
0x3bb: {  	s23 =	sadd.s32 $0x50, s22;
	s24 =	sadd.s32 $0x4A80, s21  }
0x3bc: {  	[tilespmem:s24], [sflag:$0x2] =	stream.linear.gather [hbm4b:s23+s4], $0x10, $0x38;
	[tilespmem:$0x8B00] =	vst v63  }
0x3bd: {  	s23 =	sadd.s32 $0x60, s22;
	s24 =	sadd.s32 $0x4B00, s21  }
0x3be: {  	[tilespmem:s24], [sflag:$0x2] =	stream.linear.gather [hbm4b:s23+s4], $0x10, $0x38;
	[tilespmem:$0x8B00] =	vst v63  }
0x3bf: {  	s22 =	sadd.s32 $0x70, s22;
	s21 =	sadd.s32 $0x4B80, s21  }
0x3c0: {  	[tilespmem:s21], [sflag:$0x2] =	stream.linear.gather [hbm4b:s22+s4], $0x10, $0x38;
	[tilespmem:$0x8B00] =	vst v63  }
0x3c1: {  	s22 =	spop (v2sf)  }
0x3c2: {  	s20 =	sor.u32 $0x800, s20;
	s21 =	sand.u32 $0xFFFFFF80, s22;
	s23 =	spop (v2sf)  }
0x3c3: {  	s21 =	sadd.s32 s20, s21;
	s22 =	sand.u32 $0x1FFFFF80, s23  }
0x3c4: {  	s24 =	sadd.s32 $0x400, s21;
	s22 =	sadd.s32 s0, s22  }
0x3c5: {  	[tilespmem:s24], [sflag:$0x2] =	stream.linear.gather [hbm4b:s22+s4], $0x10, $0x38;
	[tilespmem:$0x8B00] =	vst v63  }
0x3c6: {  	s23 =	sadd.s32 $0x10, s22;
	s24 =	sadd.s32 $0x480, s21  }
0x3c7: {  	[tilespmem:s24], [sflag:$0x2] =	stream.linear.gather [hbm4b:s23+s4], $0x10, $0x38;
	[tilespmem:$0x8B00] =	vst v63  }
0x3c8: {  	s23 =	sadd.s32 $0x20, s22;
	s24 =	sadd.s32 $0x500, s21  }
0x3c9: {  	[tilespmem:s24], [sflag:$0x2] =	stream.linear.gather [hbm4b:s23+s4], $0x10, $0x38;
	[tilespmem:$0x8B00] =	vst v63  }
0x3ca: {  	s23 =	sadd.s32 $0x30, s22;
	s24 =	sadd.s32 $0x580, s21  }
0x3cb: {  	[tilespmem:s24], [sflag:$0x2] =	stream.linear.gather [hbm4b:s23+s4], $0x10, $0x38;
	[tilespmem:$0x8B00] =	vst v63  }
0x3cc: {  	s23 =	sadd.s32 $0x40, s22;
	s24 =	sadd.s32 $0x600, s21  }
0x3cd: {  	[tilespmem:s24], [sflag:$0x2] =	stream.linear.gather [hbm4b:s23+s4], $0x10, $0x38;
	[tilespmem:$0x8B00] =	vst v63  }
0x3ce: {  	s23 =	sadd.s32 $0x50, s22;
	s24 =	sadd.s32 $0x680, s21  }
0x3cf: {  	[tilespmem:s24], [sflag:$0x2] =	stream.linear.gather [hbm4b:s23+s4], $0x10, $0x38;
	[tilespmem:$0x8B00] =	vst v63  }
0x3d0: {  	s23 =	sadd.s32 $0x60, s22;
	s24 =	sadd.s32 $0x700, s21  }
0x3d1: {  	[tilespmem:s24], [sflag:$0x2] =	stream.linear.gather [hbm4b:s23+s4], $0x10, $0x38;
	[tilespmem:$0x8B00] =	vst v63  }
0x3d2: {  	s23 =	sadd.s32 $0x70, s22;
	s24 =	sadd.s32 $0x780, s21  }
0x3d3: {  	(v2sf) =	vpush v2, $0x8;
	[tilespmem:s24], [sflag:$0x2] =	stream.linear.gather [hbm4b:s23+s4], $0x10, $0x38;
	[tilespmem:$0x8B00] =	vst v63  }
0x3d4: {  	s22 =	sadd.s32 $0xF4280, s22;
	s24 =	sadd.s32 $0x800, s21  }
0x3d5: {  	[tilespmem:s24], [sflag:$0x2] =	stream.linear.gather [hbm4b:s22+s4], $0x10, $0x38;
	[tilespmem:$0x8B00] =	vst v63  }
0x3d6: {  	s23 =	sadd.s32 $0x10, s22;
	s24 =	sadd.s32 $0x880, s21  }
0x3d7: {  	[tilespmem:s24], [sflag:$0x2] =	stream.linear.gather [hbm4b:s23+s4], $0x10, $0x38;
	[tilespmem:$0x8B00] =	vst v63  }
0x3d8: {  	s23 =	sadd.s32 $0x20, s22;
	s24 =	sadd.s32 $0x900, s21  }
0x3d9: {  	[tilespmem:s24], [sflag:$0x2] =	stream.linear.gather [hbm4b:s23+s4], $0x10, $0x38;
	[tilespmem:$0x8B00] =	vst v63  }
0x3da: {  	s23 =	sadd.s32 $0x30, s22;
	s24 =	sadd.s32 $0x980, s21  }
0x3db: {  	[tilespmem:s24], [sflag:$0x2] =	stream.linear.gather [hbm4b:s23+s4], $0x10, $0x38;
	[tilespmem:$0x8B00] =	vst v63  }
0x3dc: {  	s23 =	sadd.s32 $0x40, s22;
	s24 =	sadd.s32 $0xA00, s21  }
0x3dd: {  	[tilespmem:s24], [sflag:$0x2] =	stream.linear.gather [hbm4b:s23+s4], $0x10, $0x38;
	[tilespmem:$0x8B00] =	vst v63  }
0x3de: {  	s23 =	sadd.s32 $0x50, s22;
	s24 =	sadd.s32 $0xA80, s21  }
0x3df: {  	[tilespmem:s24], [sflag:$0x2] =	stream.linear.gather [hbm4b:s23+s4], $0x10, $0x38;
	[tilespmem:$0x8B00] =	vst v63  }
0x3e0: {  	s23 =	sadd.s32 $0x60, s22;
	s24 =	sadd.s32 $0xB00, s21  }
0x3e1: {  	[tilespmem:s24], [sflag:$0x2] =	stream.linear.gather [hbm4b:s23+s4], $0x10, $0x38;
	[tilespmem:$0x8B00] =	vst v63  }
0x3e2: {  	s22 =	sadd.s32 $0x70, s22;
	s24 =	sadd.s32 $0xB80, s21;
	s23 =	spop (v2sf)  }
0x3e3: {  	[tilespmem:s24], [sflag:$0x2] =	stream.linear.gather [hbm4b:s22+s4], $0x10, $0x38;
	[tilespmem:$0x8B00] =	vst v63  }
0x3e4: {  	s22 =	sand.u32 $0x1FFFFF80, s23  }
0x3e5: {  	s24 =	sadd.s32 $0x4400, s21;
	s22 =	sadd.s32 s1, s22  }
0x3e6: {  	[tilespmem:s24], [sflag:$0x2] =	stream.linear.gather [hbm4b:s22+s4], $0x10, $0x38;
	[tilespmem:$0x8B00] =	vst v63  }
0x3e7: {  	s23 =	sadd.s32 $0x10, s22;
	s24 =	sadd.s32 $0x4480, s21  }
0x3e8: {  	[tilespmem:s24], [sflag:$0x2] =	stream.linear.gather [hbm4b:s23+s4], $0x10, $0x38;
	[tilespmem:$0x8B00] =	vst v63  }
0x3e9: {  	s23 =	sadd.s32 $0x20, s22;
	s24 =	sadd.s32 $0x4500, s21  }
0x3ea: {  	[tilespmem:s24], [sflag:$0x2] =	stream.linear.gather [hbm4b:s23+s4], $0x10, $0x38;
	[tilespmem:$0x8B00] =	vst v63  }
0x3eb: {  	s23 =	sadd.s32 $0x30, s22;
	s24 =	sadd.s32 $0x4580, s21  }
0x3ec: {  	[tilespmem:s24], [sflag:$0x2] =	stream.linear.gather [hbm4b:s23+s4], $0x10, $0x38;
	[tilespmem:$0x8B00] =	vst v63  }
0x3ed: {  	s23 =	sadd.s32 $0x40, s22;
	s24 =	sadd.s32 $0x4600, s21  }
0x3ee: {  	[tilespmem:s24], [sflag:$0x2] =	stream.linear.gather [hbm4b:s23+s4], $0x10, $0x38;
	[tilespmem:$0x8B00] =	vst v63  }
0x3ef: {  	s23 =	sadd.s32 $0x50, s22;
	s24 =	sadd.s32 $0x4680, s21  }
0x3f0: {  	[tilespmem:s24], [sflag:$0x2] =	stream.linear.gather [hbm4b:s23+s4], $0x10, $0x38;
	[tilespmem:$0x8B00] =	vst v63  }
0x3f1: {  	s23 =	sadd.s32 $0x60, s22;
	s24 =	sadd.s32 $0x4700, s21  }
0x3f2: {  	[tilespmem:s24], [sflag:$0x2] =	stream.linear.gather [hbm4b:s23+s4], $0x10, $0x38;
	[tilespmem:$0x8B00] =	vst v63  }
0x3f3: {  	s23 =	sadd.s32 $0x70, s22;
	s24 =	sadd.s32 $0x4780, s21  }
0x3f4: {  	[tilespmem:s24], [sflag:$0x2] =	stream.linear.gather [hbm4b:s23+s4], $0x10, $0x38;
	[tilespmem:$0x8B00] =	vst v63  }
0x3f5: {  	s22 =	sadd.s32 $0xF4280, s22;
	s24 =	sadd.s32 $0x4800, s21  }
0x3f6: {  	(v2sf) =	vpush v4, $0x9;
	[tilespmem:s24], [sflag:$0x2] =	stream.linear.gather [hbm4b:s22+s4], $0x10, $0x38;
	[tilespmem:$0x8B00] =	vst v63  }
0x3f7: {  	(v2sf) =	vpush v3, $0x9;
	s23 =	sadd.s32 $0x10, s22;
	s24 =	sadd.s32 $0x4880, s21  }
0x3f8: {  	[tilespmem:s24], [sflag:$0x2] =	stream.linear.gather [hbm4b:s23+s4], $0x10, $0x38;
	[tilespmem:$0x8B00] =	vst v63  }
0x3f9: {  	s23 =	sadd.s32 $0x20, s22;
	s24 =	sadd.s32 $0x4900, s21  }
0x3fa: {  	[tilespmem:s24], [sflag:$0x2] =	stream.linear.gather [hbm4b:s23+s4], $0x10, $0x38;
	[tilespmem:$0x8B00] =	vst v63  }
0x3fb: {  	s23 =	sadd.s32 $0x30, s22;
	s24 =	sadd.s32 $0x4980, s21  }
0x3fc: {  	[tilespmem:s24], [sflag:$0x2] =	stream.linear.gather [hbm4b:s23+s4], $0x10, $0x38;
	[tilespmem:$0x8B00] =	vst v63  }
0x3fd: {  	s23 =	sadd.s32 $0x40, s22;
	s24 =	sadd.s32 $0x4A00, s21  }
0x3fe: {  	[tilespmem:s24], [sflag:$0x2] =	stream.linear.gather [hbm4b:s23+s4], $0x10, $0x38;
	[tilespmem:$0x8B00] =	vst v63  }
0x3ff: {  	s23 =	sadd.s32 $0x50, s22;
	s24 =	sadd.s32 $0x4A80, s21  }
0x400: {  	[tilespmem:s24], [sflag:$0x2] =	stream.linear.gather [hbm4b:s23+s4], $0x10, $0x38;
	[tilespmem:$0x8B00] =	vst v63  }
0x401: {  	s23 =	sadd.s32 $0x60, s22;
	s24 =	sadd.s32 $0x4B00, s21  }
0x402: {  	[tilespmem:s24], [sflag:$0x2] =	stream.linear.gather [hbm4b:s23+s4], $0x10, $0x38;
	[tilespmem:$0x8B00] =	vst v63  }
0x403: {  	s22 =	sadd.s32 $0x70, s22;
	s21 =	sadd.s32 $0x4B80, s21  }
0x404: {  	[tilespmem:s21], [sflag:$0x2] =	stream.linear.gather [hbm4b:s22+s4], $0x10, $0x38;
	[tilespmem:$0x8B00] =	vst v63  }
0x405: {  	s22 =	spop (v2sf)  }
0x406: {  	s21 =	sand.u32 $0xFFFFFF80, s22;
	s23 =	spop (v2sf)  }
0x407: {  	s21 =	sadd.s32 s20, s21;
	s22 =	sand.u32 $0x1FFFFF80, s23  }
0x408: {  	s24 =	sadd.s32 $0x400, s21;
	s22 =	sadd.s32 s0, s22  }
0x409: {  	[tilespmem:s24], [sflag:$0x2] =	stream.linear.gather [hbm4b:s22+s4], $0x10, $0x38;
	[tilespmem:$0x8B00] =	vst v63  }
0x40a: {  	s23 =	sadd.s32 $0x10, s22;
	s24 =	sadd.s32 $0x480, s21  }
0x40b: {  	[tilespmem:s24], [sflag:$0x2] =	stream.linear.gather [hbm4b:s23+s4], $0x10, $0x38;
	[tilespmem:$0x8B00] =	vst v63  }
0x40c: {  	s23 =	sadd.s32 $0x20, s22;
	s24 =	sadd.s32 $0x500, s21  }
0x40d: {  	[tilespmem:s24], [sflag:$0x2] =	stream.linear.gather [hbm4b:s23+s4], $0x10, $0x38;
	[tilespmem:$0x8B00] =	vst v63  }
0x40e: {  	s23 =	sadd.s32 $0x30, s22;
	s24 =	sadd.s32 $0x580, s21  }
0x40f: {  	[tilespmem:s24], [sflag:$0x2] =	stream.linear.gather [hbm4b:s23+s4], $0x10, $0x38;
	[tilespmem:$0x8B00] =	vst v63  }
0x410: {  	s23 =	sadd.s32 $0x40, s22;
	s24 =	sadd.s32 $0x600, s21  }
0x411: {  	[tilespmem:s24], [sflag:$0x2] =	stream.linear.gather [hbm4b:s23+s4], $0x10, $0x38;
	[tilespmem:$0x8B00] =	vst v63  }
0x412: {  	s23 =	sadd.s32 $0x50, s22;
	s24 =	sadd.s32 $0x680, s21  }
0x413: {  	[tilespmem:s24], [sflag:$0x2] =	stream.linear.gather [hbm4b:s23+s4], $0x10, $0x38;
	[tilespmem:$0x8B00] =	vst v63  }
0x414: {  	s23 =	sadd.s32 $0x60, s22;
	s24 =	sadd.s32 $0x700, s21  }
0x415: {  	[tilespmem:s24], [sflag:$0x2] =	stream.linear.gather [hbm4b:s23+s4], $0x10, $0x38;
	[tilespmem:$0x8B00] =	vst v63  }
0x416: {  	s23 =	sadd.s32 $0x70, s22;
	s24 =	sadd.s32 $0x780, s21  }
0x417: {  	(v2sf) =	vpush v2, $0x9;
	[tilespmem:s24], [sflag:$0x2] =	stream.linear.gather [hbm4b:s23+s4], $0x10, $0x38;
	[tilespmem:$0x8B00] =	vst v63  }
0x418: {  	s22 =	sadd.s32 $0xF4280, s22;
	s24 =	sadd.s32 $0x800, s21  }
0x419: {  	[tilespmem:s24], [sflag:$0x2] =	stream.linear.gather [hbm4b:s22+s4], $0x10, $0x38;
	[tilespmem:$0x8B00] =	vst v63  }
0x41a: {  	s23 =	sadd.s32 $0x10, s22;
	s24 =	sadd.s32 $0x880, s21  }
0x41b: {  	[tilespmem:s24], [sflag:$0x2] =	stream.linear.gather [hbm4b:s23+s4], $0x10, $0x38;
	[tilespmem:$0x8B00] =	vst v63  }
0x41c: {  	s23 =	sadd.s32 $0x20, s22;
	s24 =	sadd.s32 $0x900, s21  }
0x41d: {  	[tilespmem:s24], [sflag:$0x2] =	stream.linear.gather [hbm4b:s23+s4], $0x10, $0x38;
	[tilespmem:$0x8B00] =	vst v63  }
0x41e: {  	s23 =	sadd.s32 $0x30, s22;
	s24 =	sadd.s32 $0x980, s21  }
0x41f: {  	[tilespmem:s24], [sflag:$0x2] =	stream.linear.gather [hbm4b:s23+s4], $0x10, $0x38;
	[tilespmem:$0x8B00] =	vst v63  }
0x420: {  	s23 =	sadd.s32 $0x40, s22;
	s24 =	sadd.s32 $0xA00, s21  }
0x421: {  	[tilespmem:s24], [sflag:$0x2] =	stream.linear.gather [hbm4b:s23+s4], $0x10, $0x38;
	[tilespmem:$0x8B00] =	vst v63  }
0x422: {  	s23 =	sadd.s32 $0x50, s22;
	s24 =	sadd.s32 $0xA80, s21  }
0x423: {  	[tilespmem:s24], [sflag:$0x2] =	stream.linear.gather [hbm4b:s23+s4], $0x10, $0x38;
	[tilespmem:$0x8B00] =	vst v63  }
0x424: {  	s23 =	sadd.s32 $0x60, s22;
	s24 =	sadd.s32 $0xB00, s21  }
0x425: {  	[tilespmem:s24], [sflag:$0x2] =	stream.linear.gather [hbm4b:s23+s4], $0x10, $0x38;
	[tilespmem:$0x8B00] =	vst v63  }
0x426: {  	s22 =	sadd.s32 $0x70, s22;
	s24 =	sadd.s32 $0xB80, s21;
	s23 =	spop (v2sf)  }
0x427: {  	[tilespmem:s24], [sflag:$0x2] =	stream.linear.gather [hbm4b:s22+s4], $0x10, $0x38;
	[tilespmem:$0x8B00] =	vst v63  }
0x428: {  	s22 =	sand.u32 $0x1FFFFF80, s23  }
0x429: {  	s24 =	sadd.s32 $0x4400, s21;
	s22 =	sadd.s32 s1, s22  }
0x42a: {  	[tilespmem:s24], [sflag:$0x2] =	stream.linear.gather [hbm4b:s22+s4], $0x10, $0x38;
	[tilespmem:$0x8B00] =	vst v63  }
0x42b: {  	s23 =	sadd.s32 $0x10, s22;
	s24 =	sadd.s32 $0x4480, s21  }
0x42c: {  	[tilespmem:s24], [sflag:$0x2] =	stream.linear.gather [hbm4b:s23+s4], $0x10, $0x38;
	[tilespmem:$0x8B00] =	vst v63  }
0x42d: {  	s23 =	sadd.s32 $0x20, s22;
	s24 =	sadd.s32 $0x4500, s21  }
0x42e: {  	[tilespmem:s24], [sflag:$0x2] =	stream.linear.gather [hbm4b:s23+s4], $0x10, $0x38;
	[tilespmem:$0x8B00] =	vst v63  }
0x42f: {  	s23 =	sadd.s32 $0x30, s22;
	s24 =	sadd.s32 $0x4580, s21  }
0x430: {  	[tilespmem:s24], [sflag:$0x2] =	stream.linear.gather [hbm4b:s23+s4], $0x10, $0x38;
	[tilespmem:$0x8B00] =	vst v63  }
0x431: {  	s23 =	sadd.s32 $0x40, s22;
	s24 =	sadd.s32 $0x4600, s21  }
0x432: {  	[tilespmem:s24], [sflag:$0x2] =	stream.linear.gather [hbm4b:s23+s4], $0x10, $0x38;
	[tilespmem:$0x8B00] =	vst v63  }
0x433: {  	s23 =	sadd.s32 $0x50, s22;
	s24 =	sadd.s32 $0x4680, s21  }
0x434: {  	[tilespmem:s24], [sflag:$0x2] =	stream.linear.gather [hbm4b:s23+s4], $0x10, $0x38;
	[tilespmem:$0x8B00] =	vst v63  }
0x435: {  	s23 =	sadd.s32 $0x60, s22;
	s24 =	sadd.s32 $0x4700, s21  }
0x436: {  	[tilespmem:s24], [sflag:$0x2] =	stream.linear.gather [hbm4b:s23+s4], $0x10, $0x38;
	[tilespmem:$0x8B00] =	vst v63  }
0x437: {  	s23 =	sadd.s32 $0x70, s22;
	s24 =	sadd.s32 $0x4780, s21  }
0x438: {  	[tilespmem:s24], [sflag:$0x2] =	stream.linear.gather [hbm4b:s23+s4], $0x10, $0x38;
	[tilespmem:$0x8B00] =	vst v63  }
0x439: {  	s22 =	sadd.s32 $0xF4280, s22;
	s24 =	sadd.s32 $0x4800, s21  }
0x43a: {  	(v2sf) =	vpush v4, $0xA;
	[tilespmem:s24], [sflag:$0x2] =	stream.linear.gather [hbm4b:s22+s4], $0x10, $0x38;
	[tilespmem:$0x8B00] =	vst v63  }
0x43b: {  	(v2sf) =	vpush v3, $0xA;
	s23 =	sadd.s32 $0x10, s22;
	s24 =	sadd.s32 $0x4880, s21  }
0x43c: {  	[tilespmem:s24], [sflag:$0x2] =	stream.linear.gather [hbm4b:s23+s4], $0x10, $0x38;
	[tilespmem:$0x8B00] =	vst v63  }
0x43d: {  	s23 =	sadd.s32 $0x20, s22;
	s24 =	sadd.s32 $0x4900, s21  }
0x43e: {  	[tilespmem:s24], [sflag:$0x2] =	stream.linear.gather [hbm4b:s23+s4], $0x10, $0x38;
	[tilespmem:$0x8B00] =	vst v63  }
0x43f: {  	s23 =	sadd.s32 $0x30, s22;
	s24 =	sadd.s32 $0x4980, s21  }
0x440: {  	[tilespmem:s24], [sflag:$0x2] =	stream.linear.gather [hbm4b:s23+s4], $0x10, $0x38;
	[tilespmem:$0x8B00] =	vst v63  }
0x441: {  	s23 =	sadd.s32 $0x40, s22;
	s24 =	sadd.s32 $0x4A00, s21  }
0x442: {  	[tilespmem:s24], [sflag:$0x2] =	stream.linear.gather [hbm4b:s23+s4], $0x10, $0x38;
	[tilespmem:$0x8B00] =	vst v63  }
0x443: {  	s23 =	sadd.s32 $0x50, s22;
	s24 =	sadd.s32 $0x4A80, s21  }
0x444: {  	[tilespmem:s24], [sflag:$0x2] =	stream.linear.gather [hbm4b:s23+s4], $0x10, $0x38;
	[tilespmem:$0x8B00] =	vst v63  }
0x445: {  	s23 =	sadd.s32 $0x60, s22;
	s24 =	sadd.s32 $0x4B00, s21  }
0x446: {  	[tilespmem:s24], [sflag:$0x2] =	stream.linear.gather [hbm4b:s23+s4], $0x10, $0x38;
	[tilespmem:$0x8B00] =	vst v63  }
0x447: {  	s22 =	sadd.s32 $0x70, s22;
	s21 =	sadd.s32 $0x4B80, s21  }
0x448: {  	[tilespmem:s21], [sflag:$0x2] =	stream.linear.gather [hbm4b:s22+s4], $0x10, $0x38;
	[tilespmem:$0x8B00] =	vst v63  }
0x449: {  	s22 =	spop (v2sf)  }
0x44a: {  	s21 =	sand.u32 $0xFFFFFF80, s22;
	s23 =	spop (v2sf)  }
0x44b: {  	s21 =	sadd.s32 s20, s21;
	s22 =	sand.u32 $0x1FFFFF80, s23  }
0x44c: {  	s24 =	sadd.s32 $0x400, s21;
	s22 =	sadd.s32 s0, s22  }
0x44d: {  	[tilespmem:s24], [sflag:$0x2] =	stream.linear.gather [hbm4b:s22+s4], $0x10, $0x38;
	[tilespmem:$0x8B00] =	vst v63  }
0x44e: {  	s23 =	sadd.s32 $0x10, s22;
	s24 =	sadd.s32 $0x480, s21  }
0x44f: {  	[tilespmem:s24], [sflag:$0x2] =	stream.linear.gather [hbm4b:s23+s4], $0x10, $0x38;
	[tilespmem:$0x8B00] =	vst v63  }
0x450: {  	s23 =	sadd.s32 $0x20, s22;
	s24 =	sadd.s32 $0x500, s21  }
0x451: {  	[tilespmem:s24], [sflag:$0x2] =	stream.linear.gather [hbm4b:s23+s4], $0x10, $0x38;
	[tilespmem:$0x8B00] =	vst v63  }
0x452: {  	s23 =	sadd.s32 $0x30, s22;
	s24 =	sadd.s32 $0x580, s21  }
0x453: {  	[tilespmem:s24], [sflag:$0x2] =	stream.linear.gather [hbm4b:s23+s4], $0x10, $0x38;
	[tilespmem:$0x8B00] =	vst v63  }
0x454: {  	s23 =	sadd.s32 $0x40, s22;
	s24 =	sadd.s32 $0x600, s21  }
0x455: {  	[tilespmem:s24], [sflag:$0x2] =	stream.linear.gather [hbm4b:s23+s4], $0x10, $0x38;
	[tilespmem:$0x8B00] =	vst v63  }
0x456: {  	s23 =	sadd.s32 $0x50, s22;
	s24 =	sadd.s32 $0x680, s21  }
0x457: {  	[tilespmem:s24], [sflag:$0x2] =	stream.linear.gather [hbm4b:s23+s4], $0x10, $0x38;
	[tilespmem:$0x8B00] =	vst v63  }
0x458: {  	s23 =	sadd.s32 $0x60, s22;
	s24 =	sadd.s32 $0x700, s21  }
0x459: {  	[tilespmem:s24], [sflag:$0x2] =	stream.linear.gather [hbm4b:s23+s4], $0x10, $0x38;
	[tilespmem:$0x8B00] =	vst v63  }
0x45a: {  	s23 =	sadd.s32 $0x70, s22;
	s24 =	sadd.s32 $0x780, s21  }
0x45b: {  	(v2sf) =	vpush v2, $0xA;
	[tilespmem:s24], [sflag:$0x2] =	stream.linear.gather [hbm4b:s23+s4], $0x10, $0x38;
	[tilespmem:$0x8B00] =	vst v63  }
0x45c: {  	s22 =	sadd.s32 $0xF4280, s22;
	s24 =	sadd.s32 $0x800, s21  }
0x45d: {  	[tilespmem:s24], [sflag:$0x2] =	stream.linear.gather [hbm4b:s22+s4], $0x10, $0x38;
	[tilespmem:$0x8B00] =	vst v63  }
0x45e: {  	s23 =	sadd.s32 $0x10, s22;
	s24 =	sadd.s32 $0x880, s21  }
0x45f: {  	[tilespmem:s24], [sflag:$0x2] =	stream.linear.gather [hbm4b:s23+s4], $0x10, $0x38;
	[tilespmem:$0x8B00] =	vst v63  }
0x460: {  	s23 =	sadd.s32 $0x20, s22;
	s24 =	sadd.s32 $0x900, s21  }
0x461: {  	[tilespmem:s24], [sflag:$0x2] =	stream.linear.gather [hbm4b:s23+s4], $0x10, $0x38;
	[tilespmem:$0x8B00] =	vst v63  }
0x462: {  	s23 =	sadd.s32 $0x30, s22;
	s24 =	sadd.s32 $0x980, s21  }
0x463: {  	[tilespmem:s24], [sflag:$0x2] =	stream.linear.gather [hbm4b:s23+s4], $0x10, $0x38;
	[tilespmem:$0x8B00] =	vst v63  }
0x464: {  	s23 =	sadd.s32 $0x40, s22;
	s24 =	sadd.s32 $0xA00, s21  }
0x465: {  	[tilespmem:s24], [sflag:$0x2] =	stream.linear.gather [hbm4b:s23+s4], $0x10, $0x38;
	[tilespmem:$0x8B00] =	vst v63  }
0x466: {  	s23 =	sadd.s32 $0x50, s22;
	s24 =	sadd.s32 $0xA80, s21  }
0x467: {  	[tilespmem:s24], [sflag:$0x2] =	stream.linear.gather [hbm4b:s23+s4], $0x10, $0x38;
	[tilespmem:$0x8B00] =	vst v63  }
0x468: {  	s23 =	sadd.s32 $0x60, s22;
	s24 =	sadd.s32 $0xB00, s21  }
0x469: {  	[tilespmem:s24], [sflag:$0x2] =	stream.linear.gather [hbm4b:s23+s4], $0x10, $0x38;
	[tilespmem:$0x8B00] =	vst v63  }
0x46a: {  	s22 =	sadd.s32 $0x70, s22;
	s24 =	sadd.s32 $0xB80, s21;
	s23 =	spop (v2sf)  }
0x46b: {  	[tilespmem:s24], [sflag:$0x2] =	stream.linear.gather [hbm4b:s22+s4], $0x10, $0x38;
	[tilespmem:$0x8B00] =	vst v63  }
0x46c: {  	s22 =	sand.u32 $0x1FFFFF80, s23  }
0x46d: {  	s24 =	sadd.s32 $0x4400, s21;
	s22 =	sadd.s32 s1, s22  }
0x46e: {  	[tilespmem:s24], [sflag:$0x2] =	stream.linear.gather [hbm4b:s22+s4], $0x10, $0x38;
	[tilespmem:$0x8B00] =	vst v63  }
0x46f: {  	s23 =	sadd.s32 $0x10, s22;
	s24 =	sadd.s32 $0x4480, s21  }
0x470: {  	[tilespmem:s24], [sflag:$0x2] =	stream.linear.gather [hbm4b:s23+s4], $0x10, $0x38;
	[tilespmem:$0x8B00] =	vst v63  }
0x471: {  	s23 =	sadd.s32 $0x20, s22;
	s24 =	sadd.s32 $0x4500, s21  }
0x472: {  	[tilespmem:s24], [sflag:$0x2] =	stream.linear.gather [hbm4b:s23+s4], $0x10, $0x38;
	[tilespmem:$0x8B00] =	vst v63  }
0x473: {  	s23 =	sadd.s32 $0x30, s22;
	s24 =	sadd.s32 $0x4580, s21  }
0x474: {  	[tilespmem:s24], [sflag:$0x2] =	stream.linear.gather [hbm4b:s23+s4], $0x10, $0x38;
	[tilespmem:$0x8B00] =	vst v63  }
0x475: {  	s23 =	sadd.s32 $0x40, s22;
	s24 =	sadd.s32 $0x4600, s21  }
0x476: {  	[tilespmem:s24], [sflag:$0x2] =	stream.linear.gather [hbm4b:s23+s4], $0x10, $0x38;
	[tilespmem:$0x8B00] =	vst v63  }
0x477: {  	s23 =	sadd.s32 $0x50, s22;
	s24 =	sadd.s32 $0x4680, s21  }
0x478: {  	[tilespmem:s24], [sflag:$0x2] =	stream.linear.gather [hbm4b:s23+s4], $0x10, $0x38;
	[tilespmem:$0x8B00] =	vst v63  }
0x479: {  	s23 =	sadd.s32 $0x60, s22;
	s24 =	sadd.s32 $0x4700, s21  }
0x47a: {  	[tilespmem:s24], [sflag:$0x2] =	stream.linear.gather [hbm4b:s23+s4], $0x10, $0x38;
	[tilespmem:$0x8B00] =	vst v63  }
0x47b: {  	s23 =	sadd.s32 $0x70, s22;
	s24 =	sadd.s32 $0x4780, s21  }
0x47c: {  	[tilespmem:s24], [sflag:$0x2] =	stream.linear.gather [hbm4b:s23+s4], $0x10, $0x38;
	[tilespmem:$0x8B00] =	vst v63  }
0x47d: {  	s22 =	sadd.s32 $0xF4280, s22;
	s24 =	sadd.s32 $0x4800, s21  }
0x47e: {  	(v2sf) =	vpush v4, $0xB;
	[tilespmem:s24], [sflag:$0x2] =	stream.linear.gather [hbm4b:s22+s4], $0x10, $0x38;
	[tilespmem:$0x8B00] =	vst v63  }
0x47f: {  	(v2sf) =	vpush v3, $0xB;
	s23 =	sadd.s32 $0x10, s22;
	s24 =	sadd.s32 $0x4880, s21  }
0x480: {  	[tilespmem:s24], [sflag:$0x2] =	stream.linear.gather [hbm4b:s23+s4], $0x10, $0x38;
	[tilespmem:$0x8B00] =	vst v63  }
0x481: {  	s23 =	sadd.s32 $0x20, s22;
	s24 =	sadd.s32 $0x4900, s21  }
0x482: {  	[tilespmem:s24], [sflag:$0x2] =	stream.linear.gather [hbm4b:s23+s4], $0x10, $0x38;
	[tilespmem:$0x8B00] =	vst v63  }
0x483: {  	s23 =	sadd.s32 $0x30, s22;
	s24 =	sadd.s32 $0x4980, s21  }
0x484: {  	[tilespmem:s24], [sflag:$0x2] =	stream.linear.gather [hbm4b:s23+s4], $0x10, $0x38;
	[tilespmem:$0x8B00] =	vst v63  }
0x485: {  	s23 =	sadd.s32 $0x40, s22;
	s24 =	sadd.s32 $0x4A00, s21  }
0x486: {  	[tilespmem:s24], [sflag:$0x2] =	stream.linear.gather [hbm4b:s23+s4], $0x10, $0x38;
	[tilespmem:$0x8B00] =	vst v63  }
0x487: {  	s23 =	sadd.s32 $0x50, s22;
	s24 =	sadd.s32 $0x4A80, s21  }
0x488: {  	[tilespmem:s24], [sflag:$0x2] =	stream.linear.gather [hbm4b:s23+s4], $0x10, $0x38;
	[tilespmem:$0x8B00] =	vst v63  }
0x489: {  	s23 =	sadd.s32 $0x60, s22;
	s24 =	sadd.s32 $0x4B00, s21  }
0x48a: {  	[tilespmem:s24], [sflag:$0x2] =	stream.linear.gather [hbm4b:s23+s4], $0x10, $0x38;
	[tilespmem:$0x8B00] =	vst v63  }
0x48b: {  	s22 =	sadd.s32 $0x70, s22;
	s21 =	sadd.s32 $0x4B80, s21  }
0x48c: {  	[tilespmem:s21], [sflag:$0x2] =	stream.linear.gather [hbm4b:s22+s4], $0x10, $0x38;
	[tilespmem:$0x8B00] =	vst v63  }
0x48d: {  	s22 =	spop (v2sf)  }
0x48e: {  	s21 =	sand.u32 $0xFFFFFF80, s22;
	s23 =	spop (v2sf)  }
0x48f: {  	s21 =	sadd.s32 s20, s21;
	s22 =	sand.u32 $0x1FFFFF80, s23  }
0x490: {  	s24 =	sadd.s32 $0x400, s21;
	s22 =	sadd.s32 s0, s22  }
0x491: {  	[tilespmem:s24], [sflag:$0x2] =	stream.linear.gather [hbm4b:s22+s4], $0x10, $0x38;
	[tilespmem:$0x8B00] =	vst v63  }
0x492: {  	s23 =	sadd.s32 $0x10, s22;
	s24 =	sadd.s32 $0x480, s21  }
0x493: {  	[tilespmem:s24], [sflag:$0x2] =	stream.linear.gather [hbm4b:s23+s4], $0x10, $0x38;
	[tilespmem:$0x8B00] =	vst v63  }
0x494: {  	s23 =	sadd.s32 $0x20, s22;
	s24 =	sadd.s32 $0x500, s21  }
0x495: {  	[tilespmem:s24], [sflag:$0x2] =	stream.linear.gather [hbm4b:s23+s4], $0x10, $0x38;
	[tilespmem:$0x8B00] =	vst v63  }
0x496: {  	s23 =	sadd.s32 $0x30, s22;
	s24 =	sadd.s32 $0x580, s21  }
0x497: {  	[tilespmem:s24], [sflag:$0x2] =	stream.linear.gather [hbm4b:s23+s4], $0x10, $0x38;
	[tilespmem:$0x8B00] =	vst v63  }
0x498: {  	s23 =	sadd.s32 $0x40, s22;
	s24 =	sadd.s32 $0x600, s21  }
0x499: {  	[tilespmem:s24], [sflag:$0x2] =	stream.linear.gather [hbm4b:s23+s4], $0x10, $0x38;
	[tilespmem:$0x8B00] =	vst v63  }
0x49a: {  	s23 =	sadd.s32 $0x50, s22;
	s24 =	sadd.s32 $0x680, s21  }
0x49b: {  	[tilespmem:s24], [sflag:$0x2] =	stream.linear.gather [hbm4b:s23+s4], $0x10, $0x38;
	[tilespmem:$0x8B00] =	vst v63  }
0x49c: {  	s23 =	sadd.s32 $0x60, s22;
	s24 =	sadd.s32 $0x700, s21  }
0x49d: {  	[tilespmem:s24], [sflag:$0x2] =	stream.linear.gather [hbm4b:s23+s4], $0x10, $0x38;
	[tilespmem:$0x8B00] =	vst v63  }
0x49e: {  	s23 =	sadd.s32 $0x70, s22;
	s24 =	sadd.s32 $0x780, s21  }
0x49f: {  	(v2sf) =	vpush v2, $0xB;
	[tilespmem:s24], [sflag:$0x2] =	stream.linear.gather [hbm4b:s23+s4], $0x10, $0x38;
	[tilespmem:$0x8B00] =	vst v63  }
0x4a0: {  	s22 =	sadd.s32 $0xF4280, s22;
	s24 =	sadd.s32 $0x800, s21  }
0x4a1: {  	[tilespmem:s24], [sflag:$0x2] =	stream.linear.gather [hbm4b:s22+s4], $0x10, $0x38;
	[tilespmem:$0x8B00] =	vst v63  }
0x4a2: {  	s23 =	sadd.s32 $0x10, s22;
	s24 =	sadd.s32 $0x880, s21  }
0x4a3: {  	[tilespmem:s24], [sflag:$0x2] =	stream.linear.gather [hbm4b:s23+s4], $0x10, $0x38;
	[tilespmem:$0x8B00] =	vst v63  }
0x4a4: {  	s23 =	sadd.s32 $0x20, s22;
	s24 =	sadd.s32 $0x900, s21  }
0x4a5: {  	[tilespmem:s24], [sflag:$0x2] =	stream.linear.gather [hbm4b:s23+s4], $0x10, $0x38;
	[tilespmem:$0x8B00] =	vst v63  }
0x4a6: {  	s23 =	sadd.s32 $0x30, s22;
	s24 =	sadd.s32 $0x980, s21  }
0x4a7: {  	[tilespmem:s24], [sflag:$0x2] =	stream.linear.gather [hbm4b:s23+s4], $0x10, $0x38;
	[tilespmem:$0x8B00] =	vst v63  }
0x4a8: {  	s23 =	sadd.s32 $0x40, s22;
	s24 =	sadd.s32 $0xA00, s21  }
0x4a9: {  	[tilespmem:s24], [sflag:$0x2] =	stream.linear.gather [hbm4b:s23+s4], $0x10, $0x38;
	[tilespmem:$0x8B00] =	vst v63  }
0x4aa: {  	s23 =	sadd.s32 $0x50, s22;
	s24 =	sadd.s32 $0xA80, s21  }
0x4ab: {  	[tilespmem:s24], [sflag:$0x2] =	stream.linear.gather [hbm4b:s23+s4], $0x10, $0x38;
	[tilespmem:$0x8B00] =	vst v63  }
0x4ac: {  	s23 =	sadd.s32 $0x60, s22;
	s24 =	sadd.s32 $0xB00, s21  }
0x4ad: {  	[tilespmem:s24], [sflag:$0x2] =	stream.linear.gather [hbm4b:s23+s4], $0x10, $0x38;
	[tilespmem:$0x8B00] =	vst v63  }
0x4ae: {  	s22 =	sadd.s32 $0x70, s22;
	s24 =	sadd.s32 $0xB80, s21;
	s23 =	spop (v2sf)  }
0x4af: {  	[tilespmem:s24], [sflag:$0x2] =	stream.linear.gather [hbm4b:s22+s4], $0x10, $0x38;
	[tilespmem:$0x8B00] =	vst v63  }
0x4b0: {  	s22 =	sand.u32 $0x1FFFFF80, s23  }
0x4b1: {  	s24 =	sadd.s32 $0x4400, s21;
	s22 =	sadd.s32 s1, s22  }
0x4b2: {  	[tilespmem:s24], [sflag:$0x2] =	stream.linear.gather [hbm4b:s22+s4], $0x10, $0x38;
	[tilespmem:$0x8B00] =	vst v63  }
0x4b3: {  	s23 =	sadd.s32 $0x10, s22;
	s24 =	sadd.s32 $0x4480, s21  }
0x4b4: {  	[tilespmem:s24], [sflag:$0x2] =	stream.linear.gather [hbm4b:s23+s4], $0x10, $0x38;
	[tilespmem:$0x8B00] =	vst v63  }
0x4b5: {  	s23 =	sadd.s32 $0x20, s22;
	s24 =	sadd.s32 $0x4500, s21  }
0x4b6: {  	[tilespmem:s24], [sflag:$0x2] =	stream.linear.gather [hbm4b:s23+s4], $0x10, $0x38;
	[tilespmem:$0x8B00] =	vst v63  }
0x4b7: {  	s23 =	sadd.s32 $0x30, s22;
	s24 =	sadd.s32 $0x4580, s21  }
0x4b8: {  	[tilespmem:s24], [sflag:$0x2] =	stream.linear.gather [hbm4b:s23+s4], $0x10, $0x38;
	[tilespmem:$0x8B00] =	vst v63  }
0x4b9: {  	s23 =	sadd.s32 $0x40, s22;
	s24 =	sadd.s32 $0x4600, s21  }
0x4ba: {  	[tilespmem:s24], [sflag:$0x2] =	stream.linear.gather [hbm4b:s23+s4], $0x10, $0x38;
	[tilespmem:$0x8B00] =	vst v63  }
0x4bb: {  	s23 =	sadd.s32 $0x50, s22;
	s24 =	sadd.s32 $0x4680, s21  }
0x4bc: {  	[tilespmem:s24], [sflag:$0x2] =	stream.linear.gather [hbm4b:s23+s4], $0x10, $0x38;
	[tilespmem:$0x8B00] =	vst v63  }
0x4bd: {  	s23 =	sadd.s32 $0x60, s22;
	s24 =	sadd.s32 $0x4700, s21  }
0x4be: {  	[tilespmem:s24], [sflag:$0x2] =	stream.linear.gather [hbm4b:s23+s4], $0x10, $0x38;
	[tilespmem:$0x8B00] =	vst v63  }
0x4bf: {  	s23 =	sadd.s32 $0x70, s22;
	s24 =	sadd.s32 $0x4780, s21  }
0x4c0: {  	[tilespmem:s24], [sflag:$0x2] =	stream.linear.gather [hbm4b:s23+s4], $0x10, $0x38;
	[tilespmem:$0x8B00] =	vst v63  }
0x4c1: {  	s22 =	sadd.s32 $0xF4280, s22;
	s24 =	sadd.s32 $0x4800, s21  }
0x4c2: {  	(v2sf) =	vpush v4, $0xC;
	[tilespmem:s24], [sflag:$0x2] =	stream.linear.gather [hbm4b:s22+s4], $0x10, $0x38;
	[tilespmem:$0x8B00] =	vst v63  }
0x4c3: {  	(v2sf) =	vpush v3, $0xC;
	s23 =	sadd.s32 $0x10, s22;
	s24 =	sadd.s32 $0x4880, s21  }
0x4c4: {  	[tilespmem:s24], [sflag:$0x2] =	stream.linear.gather [hbm4b:s23+s4], $0x10, $0x38;
	[tilespmem:$0x8B00] =	vst v63  }
0x4c5: {  	s23 =	sadd.s32 $0x20, s22;
	s24 =	sadd.s32 $0x4900, s21  }
0x4c6: {  	[tilespmem:s24], [sflag:$0x2] =	stream.linear.gather [hbm4b:s23+s4], $0x10, $0x38;
	[tilespmem:$0x8B00] =	vst v63  }
0x4c7: {  	s23 =	sadd.s32 $0x30, s22;
	s24 =	sadd.s32 $0x4980, s21  }
0x4c8: {  	[tilespmem:s24], [sflag:$0x2] =	stream.linear.gather [hbm4b:s23+s4], $0x10, $0x38;
	[tilespmem:$0x8B00] =	vst v63  }
0x4c9: {  	s23 =	sadd.s32 $0x40, s22;
	s24 =	sadd.s32 $0x4A00, s21  }
0x4ca: {  	[tilespmem:s24], [sflag:$0x2] =	stream.linear.gather [hbm4b:s23+s4], $0x10, $0x38;
	[tilespmem:$0x8B00] =	vst v63  }
0x4cb: {  	s23 =	sadd.s32 $0x50, s22;
	s24 =	sadd.s32 $0x4A80, s21  }
0x4cc: {  	[tilespmem:s24], [sflag:$0x2] =	stream.linear.gather [hbm4b:s23+s4], $0x10, $0x38;
	[tilespmem:$0x8B00] =	vst v63  }
0x4cd: {  	s23 =	sadd.s32 $0x60, s22;
	s24 =	sadd.s32 $0x4B00, s21  }
0x4ce: {  	[tilespmem:s24], [sflag:$0x2] =	stream.linear.gather [hbm4b:s23+s4], $0x10, $0x38;
	[tilespmem:$0x8B00] =	vst v63  }
0x4cf: {  	s22 =	sadd.s32 $0x70, s22;
	s21 =	sadd.s32 $0x4B80, s21  }
0x4d0: {  	[tilespmem:s21], [sflag:$0x2] =	stream.linear.gather [hbm4b:s22+s4], $0x10, $0x38;
	[tilespmem:$0x8B00] =	vst v63  }
0x4d1: {  	s22 =	spop (v2sf)  }
0x4d2: {  	s21 =	sand.u32 $0xFFFFFF80, s22;
	s23 =	spop (v2sf)  }
0x4d3: {  	s21 =	sadd.s32 s20, s21;
	s22 =	sand.u32 $0x1FFFFF80, s23  }
0x4d4: {  	s24 =	sadd.s32 $0x400, s21;
	s22 =	sadd.s32 s0, s22  }
0x4d5: {  	[tilespmem:s24], [sflag:$0x2] =	stream.linear.gather [hbm4b:s22+s4], $0x10, $0x38;
	[tilespmem:$0x8B00] =	vst v63  }
0x4d6: {  	s23 =	sadd.s32 $0x10, s22;
	s24 =	sadd.s32 $0x480, s21  }
0x4d7: {  	[tilespmem:s24], [sflag:$0x2] =	stream.linear.gather [hbm4b:s23+s4], $0x10, $0x38;
	[tilespmem:$0x8B00] =	vst v63  }
0x4d8: {  	s23 =	sadd.s32 $0x20, s22;
	s24 =	sadd.s32 $0x500, s21  }
0x4d9: {  	[tilespmem:s24], [sflag:$0x2] =	stream.linear.gather [hbm4b:s23+s4], $0x10, $0x38;
	[tilespmem:$0x8B00] =	vst v63  }
0x4da: {  	s23 =	sadd.s32 $0x30, s22;
	s24 =	sadd.s32 $0x580, s21  }
0x4db: {  	[tilespmem:s24], [sflag:$0x2] =	stream.linear.gather [hbm4b:s23+s4], $0x10, $0x38;
	[tilespmem:$0x8B00] =	vst v63  }
0x4dc: {  	s23 =	sadd.s32 $0x40, s22;
	s24 =	sadd.s32 $0x600, s21  }
0x4dd: {  	[tilespmem:s24], [sflag:$0x2] =	stream.linear.gather [hbm4b:s23+s4], $0x10, $0x38;
	[tilespmem:$0x8B00] =	vst v63  }
0x4de: {  	s23 =	sadd.s32 $0x50, s22;
	s24 =	sadd.s32 $0x680, s21  }
0x4df: {  	[tilespmem:s24], [sflag:$0x2] =	stream.linear.gather [hbm4b:s23+s4], $0x10, $0x38;
	[tilespmem:$0x8B00] =	vst v63  }
0x4e0: {  	s23 =	sadd.s32 $0x60, s22;
	s24 =	sadd.s32 $0x700, s21  }
0x4e1: {  	[tilespmem:s24], [sflag:$0x2] =	stream.linear.gather [hbm4b:s23+s4], $0x10, $0x38;
	[tilespmem:$0x8B00] =	vst v63  }
0x4e2: {  	s23 =	sadd.s32 $0x70, s22;
	s24 =	sadd.s32 $0x780, s21  }
0x4e3: {  	(v2sf) =	vpush v2, $0xC;
	[tilespmem:s24], [sflag:$0x2] =	stream.linear.gather [hbm4b:s23+s4], $0x10, $0x38;
	[tilespmem:$0x8B00] =	vst v63  }
0x4e4: {  	s22 =	sadd.s32 $0xF4280, s22;
	s24 =	sadd.s32 $0x800, s21  }
0x4e5: {  	[tilespmem:s24], [sflag:$0x2] =	stream.linear.gather [hbm4b:s22+s4], $0x10, $0x38;
	[tilespmem:$0x8B00] =	vst v63  }
0x4e6: {  	s23 =	sadd.s32 $0x10, s22;
	s24 =	sadd.s32 $0x880, s21  }
0x4e7: {  	[tilespmem:s24], [sflag:$0x2] =	stream.linear.gather [hbm4b:s23+s4], $0x10, $0x38;
	[tilespmem:$0x8B00] =	vst v63  }
0x4e8: {  	s23 =	sadd.s32 $0x20, s22;
	s24 =	sadd.s32 $0x900, s21  }
0x4e9: {  	[tilespmem:s24], [sflag:$0x2] =	stream.linear.gather [hbm4b:s23+s4], $0x10, $0x38;
	[tilespmem:$0x8B00] =	vst v63  }
0x4ea: {  	s23 =	sadd.s32 $0x30, s22;
	s24 =	sadd.s32 $0x980, s21  }
0x4eb: {  	[tilespmem:s24], [sflag:$0x2] =	stream.linear.gather [hbm4b:s23+s4], $0x10, $0x38;
	[tilespmem:$0x8B00] =	vst v63  }
0x4ec: {  	s23 =	sadd.s32 $0x40, s22;
	s24 =	sadd.s32 $0xA00, s21  }
0x4ed: {  	[tilespmem:s24], [sflag:$0x2] =	stream.linear.gather [hbm4b:s23+s4], $0x10, $0x38;
	[tilespmem:$0x8B00] =	vst v63  }
0x4ee: {  	s23 =	sadd.s32 $0x50, s22;
	s24 =	sadd.s32 $0xA80, s21  }
0x4ef: {  	[tilespmem:s24], [sflag:$0x2] =	stream.linear.gather [hbm4b:s23+s4], $0x10, $0x38;
	[tilespmem:$0x8B00] =	vst v63  }
0x4f0: {  	s23 =	sadd.s32 $0x60, s22;
	s24 =	sadd.s32 $0xB00, s21  }
0x4f1: {  	[tilespmem:s24], [sflag:$0x2] =	stream.linear.gather [hbm4b:s23+s4], $0x10, $0x38;
	[tilespmem:$0x8B00] =	vst v63  }
0x4f2: {  	s22 =	sadd.s32 $0x70, s22;
	s24 =	sadd.s32 $0xB80, s21;
	s23 =	spop (v2sf)  }
0x4f3: {  	[tilespmem:s24], [sflag:$0x2] =	stream.linear.gather [hbm4b:s22+s4], $0x10, $0x38;
	[tilespmem:$0x8B00] =	vst v63  }
0x4f4: {  	s22 =	sand.u32 $0x1FFFFF80, s23  }
0x4f5: {  	s24 =	sadd.s32 $0x4400, s21;
	s22 =	sadd.s32 s1, s22  }
0x4f6: {  	[tilespmem:s24], [sflag:$0x2] =	stream.linear.gather [hbm4b:s22+s4], $0x10, $0x38;
	[tilespmem:$0x8B00] =	vst v63  }
0x4f7: {  	s23 =	sadd.s32 $0x10, s22;
	s24 =	sadd.s32 $0x4480, s21  }
0x4f8: {  	[tilespmem:s24], [sflag:$0x2] =	stream.linear.gather [hbm4b:s23+s4], $0x10, $0x38;
	[tilespmem:$0x8B00] =	vst v63  }
0x4f9: {  	s23 =	sadd.s32 $0x20, s22;
	s24 =	sadd.s32 $0x4500, s21  }
0x4fa: {  	[tilespmem:s24], [sflag:$0x2] =	stream.linear.gather [hbm4b:s23+s4], $0x10, $0x38;
	[tilespmem:$0x8B00] =	vst v63  }
0x4fb: {  	s23 =	sadd.s32 $0x30, s22;
	s24 =	sadd.s32 $0x4580, s21  }
0x4fc: {  	[tilespmem:s24], [sflag:$0x2] =	stream.linear.gather [hbm4b:s23+s4], $0x10, $0x38;
	[tilespmem:$0x8B00] =	vst v63  }
0x4fd: {  	s23 =	sadd.s32 $0x40, s22;
	s24 =	sadd.s32 $0x4600, s21  }
0x4fe: {  	[tilespmem:s24], [sflag:$0x2] =	stream.linear.gather [hbm4b:s23+s4], $0x10, $0x38;
	[tilespmem:$0x8B00] =	vst v63  }
0x4ff: {  	s23 =	sadd.s32 $0x50, s22;
	s24 =	sadd.s32 $0x4680, s21  }
0x500: {  	[tilespmem:s24], [sflag:$0x2] =	stream.linear.gather [hbm4b:s23+s4], $0x10, $0x38;
	[tilespmem:$0x8B00] =	vst v63  }
0x501: {  	s23 =	sadd.s32 $0x60, s22;
	s24 =	sadd.s32 $0x4700, s21  }
0x502: {  	[tilespmem:s24], [sflag:$0x2] =	stream.linear.gather [hbm4b:s23+s4], $0x10, $0x38;
	[tilespmem:$0x8B00] =	vst v63  }
0x503: {  	s23 =	sadd.s32 $0x70, s22;
	s24 =	sadd.s32 $0x4780, s21  }
0x504: {  	[tilespmem:s24], [sflag:$0x2] =	stream.linear.gather [hbm4b:s23+s4], $0x10, $0x38;
	[tilespmem:$0x8B00] =	vst v63  }
0x505: {  	s22 =	sadd.s32 $0xF4280, s22;
	s24 =	sadd.s32 $0x4800, s21  }
0x506: {  	(v2sf) =	vpush v4, $0xD;
	[tilespmem:s24], [sflag:$0x2] =	stream.linear.gather [hbm4b:s22+s4], $0x10, $0x38;
	[tilespmem:$0x8B00] =	vst v63  }
0x507: {  	(v2sf) =	vpush v3, $0xD;
	s23 =	sadd.s32 $0x10, s22;
	s24 =	sadd.s32 $0x4880, s21  }
0x508: {  	[tilespmem:s24], [sflag:$0x2] =	stream.linear.gather [hbm4b:s23+s4], $0x10, $0x38;
	[tilespmem:$0x8B00] =	vst v63  }
0x509: {  	s23 =	sadd.s32 $0x20, s22;
	s24 =	sadd.s32 $0x4900, s21  }
0x50a: {  	[tilespmem:s24], [sflag:$0x2] =	stream.linear.gather [hbm4b:s23+s4], $0x10, $0x38;
	[tilespmem:$0x8B00] =	vst v63  }
0x50b: {  	s23 =	sadd.s32 $0x30, s22;
	s24 =	sadd.s32 $0x4980, s21  }
0x50c: {  	[tilespmem:s24], [sflag:$0x2] =	stream.linear.gather [hbm4b:s23+s4], $0x10, $0x38;
	[tilespmem:$0x8B00] =	vst v63  }
0x50d: {  	s23 =	sadd.s32 $0x40, s22;
	s24 =	sadd.s32 $0x4A00, s21  }
0x50e: {  	[tilespmem:s24], [sflag:$0x2] =	stream.linear.gather [hbm4b:s23+s4], $0x10, $0x38;
	[tilespmem:$0x8B00] =	vst v63  }
0x50f: {  	s23 =	sadd.s32 $0x50, s22;
	s24 =	sadd.s32 $0x4A80, s21  }
0x510: {  	[tilespmem:s24], [sflag:$0x2] =	stream.linear.gather [hbm4b:s23+s4], $0x10, $0x38;
	[tilespmem:$0x8B00] =	vst v63  }
0x511: {  	s23 =	sadd.s32 $0x60, s22;
	s24 =	sadd.s32 $0x4B00, s21  }
0x512: {  	[tilespmem:s24], [sflag:$0x2] =	stream.linear.gather [hbm4b:s23+s4], $0x10, $0x38;
	[tilespmem:$0x8B00] =	vst v63  }
0x513: {  	s22 =	sadd.s32 $0x70, s22;
	s21 =	sadd.s32 $0x4B80, s21  }
0x514: {  	[tilespmem:s21], [sflag:$0x2] =	stream.linear.gather [hbm4b:s22+s4], $0x10, $0x38;
	[tilespmem:$0x8B00] =	vst v63  }
0x515: {  	s22 =	spop (v2sf)  }
0x516: {  	s21 =	sand.u32 $0xFFFFFF80, s22;
	s23 =	spop (v2sf)  }
0x517: {  	s21 =	sadd.s32 s20, s21;
	s22 =	sand.u32 $0x1FFFFF80, s23  }
0x518: {  	s24 =	sadd.s32 $0x400, s21;
	s22 =	sadd.s32 s0, s22  }
0x519: {  	[tilespmem:s24], [sflag:$0x2] =	stream.linear.gather [hbm4b:s22+s4], $0x10, $0x38;
	[tilespmem:$0x8B00] =	vst v63  }
0x51a: {  	s23 =	sadd.s32 $0x10, s22;
	s24 =	sadd.s32 $0x480, s21  }
0x51b: {  	[tilespmem:s24], [sflag:$0x2] =	stream.linear.gather [hbm4b:s23+s4], $0x10, $0x38;
	[tilespmem:$0x8B00] =	vst v63  }
0x51c: {  	s23 =	sadd.s32 $0x20, s22;
	s24 =	sadd.s32 $0x500, s21  }
0x51d: {  	[tilespmem:s24], [sflag:$0x2] =	stream.linear.gather [hbm4b:s23+s4], $0x10, $0x38;
	[tilespmem:$0x8B00] =	vst v63  }
0x51e: {  	s23 =	sadd.s32 $0x30, s22;
	s24 =	sadd.s32 $0x580, s21  }
0x51f: {  	[tilespmem:s24], [sflag:$0x2] =	stream.linear.gather [hbm4b:s23+s4], $0x10, $0x38;
	[tilespmem:$0x8B00] =	vst v63  }
0x520: {  	s23 =	sadd.s32 $0x40, s22;
	s24 =	sadd.s32 $0x600, s21  }
0x521: {  	[tilespmem:s24], [sflag:$0x2] =	stream.linear.gather [hbm4b:s23+s4], $0x10, $0x38;
	[tilespmem:$0x8B00] =	vst v63  }
0x522: {  	s23 =	sadd.s32 $0x50, s22;
	s24 =	sadd.s32 $0x680, s21  }
0x523: {  	[tilespmem:s24], [sflag:$0x2] =	stream.linear.gather [hbm4b:s23+s4], $0x10, $0x38;
	[tilespmem:$0x8B00] =	vst v63  }
0x524: {  	s23 =	sadd.s32 $0x60, s22;
	s24 =	sadd.s32 $0x700, s21  }
0x525: {  	[tilespmem:s24], [sflag:$0x2] =	stream.linear.gather [hbm4b:s23+s4], $0x10, $0x38;
	[tilespmem:$0x8B00] =	vst v63  }
0x526: {  	s23 =	sadd.s32 $0x70, s22;
	s24 =	sadd.s32 $0x780, s21  }
0x527: {  	(v2sf) =	vpush v2, $0xD;
	[tilespmem:s24], [sflag:$0x2] =	stream.linear.gather [hbm4b:s23+s4], $0x10, $0x38;
	[tilespmem:$0x8B00] =	vst v63  }
0x528: {  	s22 =	sadd.s32 $0xF4280, s22;
	s24 =	sadd.s32 $0x800, s21  }
0x529: {  	[tilespmem:s24], [sflag:$0x2] =	stream.linear.gather [hbm4b:s22+s4], $0x10, $0x38;
	[tilespmem:$0x8B00] =	vst v63  }
0x52a: {  	s23 =	sadd.s32 $0x10, s22;
	s24 =	sadd.s32 $0x880, s21  }
0x52b: {  	[tilespmem:s24], [sflag:$0x2] =	stream.linear.gather [hbm4b:s23+s4], $0x10, $0x38;
	[tilespmem:$0x8B00] =	vst v63  }
0x52c: {  	s23 =	sadd.s32 $0x20, s22;
	s24 =	sadd.s32 $0x900, s21  }
0x52d: {  	[tilespmem:s24], [sflag:$0x2] =	stream.linear.gather [hbm4b:s23+s4], $0x10, $0x38;
	[tilespmem:$0x8B00] =	vst v63  }
0x52e: {  	s23 =	sadd.s32 $0x30, s22;
	s24 =	sadd.s32 $0x980, s21  }
0x52f: {  	[tilespmem:s24], [sflag:$0x2] =	stream.linear.gather [hbm4b:s23+s4], $0x10, $0x38;
	[tilespmem:$0x8B00] =	vst v63  }
0x530: {  	s23 =	sadd.s32 $0x40, s22;
	s24 =	sadd.s32 $0xA00, s21  }
0x531: {  	[tilespmem:s24], [sflag:$0x2] =	stream.linear.gather [hbm4b:s23+s4], $0x10, $0x38;
	[tilespmem:$0x8B00] =	vst v63  }
0x532: {  	s23 =	sadd.s32 $0x50, s22;
	s24 =	sadd.s32 $0xA80, s21  }
0x533: {  	[tilespmem:s24], [sflag:$0x2] =	stream.linear.gather [hbm4b:s23+s4], $0x10, $0x38;
	[tilespmem:$0x8B00] =	vst v63  }
0x534: {  	s23 =	sadd.s32 $0x60, s22;
	s24 =	sadd.s32 $0xB00, s21  }
0x535: {  	[tilespmem:s24], [sflag:$0x2] =	stream.linear.gather [hbm4b:s23+s4], $0x10, $0x38;
	[tilespmem:$0x8B00] =	vst v63  }
0x536: {  	s22 =	sadd.s32 $0x70, s22;
	s24 =	sadd.s32 $0xB80, s21;
	s23 =	spop (v2sf)  }
0x537: {  	[tilespmem:s24], [sflag:$0x2] =	stream.linear.gather [hbm4b:s22+s4], $0x10, $0x38;
	[tilespmem:$0x8B00] =	vst v63  }
0x538: {  	s22 =	sand.u32 $0x1FFFFF80, s23  }
0x539: {  	s24 =	sadd.s32 $0x4400, s21;
	s22 =	sadd.s32 s1, s22  }
0x53a: {  	[tilespmem:s24], [sflag:$0x2] =	stream.linear.gather [hbm4b:s22+s4], $0x10, $0x38;
	[tilespmem:$0x8B00] =	vst v63  }
0x53b: {  	s23 =	sadd.s32 $0x10, s22;
	s24 =	sadd.s32 $0x4480, s21  }
0x53c: {  	[tilespmem:s24], [sflag:$0x2] =	stream.linear.gather [hbm4b:s23+s4], $0x10, $0x38;
	[tilespmem:$0x8B00] =	vst v63  }
0x53d: {  	s23 =	sadd.s32 $0x20, s22;
	s24 =	sadd.s32 $0x4500, s21  }
0x53e: {  	[tilespmem:s24], [sflag:$0x2] =	stream.linear.gather [hbm4b:s23+s4], $0x10, $0x38;
	[tilespmem:$0x8B00] =	vst v63  }
0x53f: {  	s23 =	sadd.s32 $0x30, s22;
	s24 =	sadd.s32 $0x4580, s21  }
0x540: {  	[tilespmem:s24], [sflag:$0x2] =	stream.linear.gather [hbm4b:s23+s4], $0x10, $0x38;
	[tilespmem:$0x8B00] =	vst v63  }
0x541: {  	s23 =	sadd.s32 $0x40, s22;
	s24 =	sadd.s32 $0x4600, s21  }
0x542: {  	[tilespmem:s24], [sflag:$0x2] =	stream.linear.gather [hbm4b:s23+s4], $0x10, $0x38;
	[tilespmem:$0x8B00] =	vst v63  }
0x543: {  	s23 =	sadd.s32 $0x50, s22;
	s24 =	sadd.s32 $0x4680, s21  }
0x544: {  	[tilespmem:s24], [sflag:$0x2] =	stream.linear.gather [hbm4b:s23+s4], $0x10, $0x38;
	[tilespmem:$0x8B00] =	vst v63  }
0x545: {  	s23 =	sadd.s32 $0x60, s22;
	s24 =	sadd.s32 $0x4700, s21  }
0x546: {  	[tilespmem:s24], [sflag:$0x2] =	stream.linear.gather [hbm4b:s23+s4], $0x10, $0x38;
	[tilespmem:$0x8B00] =	vst v63  }
0x547: {  	s23 =	sadd.s32 $0x70, s22;
	s24 =	sadd.s32 $0x4780, s21  }
0x548: {  	[tilespmem:s24], [sflag:$0x2] =	stream.linear.gather [hbm4b:s23+s4], $0x10, $0x38;
	[tilespmem:$0x8B00] =	vst v63  }
0x549: {  	s22 =	sadd.s32 $0xF4280, s22;
	s24 =	sadd.s32 $0x4800, s21  }
0x54a: {  	(v2sf) =	vpush v4, $0xE;
	[tilespmem:s24], [sflag:$0x2] =	stream.linear.gather [hbm4b:s22+s4], $0x10, $0x38;
	[tilespmem:$0x8B00] =	vst v63  }
0x54b: {  	(v2sf) =	vpush v3, $0xE;
	s23 =	sadd.s32 $0x10, s22;
	s24 =	sadd.s32 $0x4880, s21  }
0x54c: {  	[tilespmem:s24], [sflag:$0x2] =	stream.linear.gather [hbm4b:s23+s4], $0x10, $0x38;
	[tilespmem:$0x8B00] =	vst v63  }
0x54d: {  	s23 =	sadd.s32 $0x20, s22;
	s24 =	sadd.s32 $0x4900, s21  }
0x54e: {  	[tilespmem:s24], [sflag:$0x2] =	stream.linear.gather [hbm4b:s23+s4], $0x10, $0x38;
	[tilespmem:$0x8B00] =	vst v63  }
0x54f: {  	s23 =	sadd.s32 $0x30, s22;
	s24 =	sadd.s32 $0x4980, s21  }
0x550: {  	[tilespmem:s24], [sflag:$0x2] =	stream.linear.gather [hbm4b:s23+s4], $0x10, $0x38;
	[tilespmem:$0x8B00] =	vst v63  }
0x551: {  	s23 =	sadd.s32 $0x40, s22;
	s24 =	sadd.s32 $0x4A00, s21  }
0x552: {  	[tilespmem:s24], [sflag:$0x2] =	stream.linear.gather [hbm4b:s23+s4], $0x10, $0x38;
	[tilespmem:$0x8B00] =	vst v63  }
0x553: {  	s23 =	sadd.s32 $0x50, s22;
	s24 =	sadd.s32 $0x4A80, s21  }
0x554: {  	[tilespmem:s24], [sflag:$0x2] =	stream.linear.gather [hbm4b:s23+s4], $0x10, $0x38;
	[tilespmem:$0x8B00] =	vst v63  }
0x555: {  	s23 =	sadd.s32 $0x60, s22;
	s24 =	sadd.s32 $0x4B00, s21  }
0x556: {  	[tilespmem:s24], [sflag:$0x2] =	stream.linear.gather [hbm4b:s23+s4], $0x10, $0x38;
	[tilespmem:$0x8B00] =	vst v63  }
0x557: {  	s22 =	sadd.s32 $0x70, s22;
	s21 =	sadd.s32 $0x4B80, s21  }
0x558: {  	[tilespmem:s21], [sflag:$0x2] =	stream.linear.gather [hbm4b:s22+s4], $0x10, $0x38;
	[tilespmem:$0x8B00] =	vst v63  }
0x559: {  	s22 =	spop (v2sf)  }
0x55a: {  	s21 =	sand.u32 $0xFFFFFF80, s22;
	s23 =	spop (v2sf)  }
0x55b: {  	s21 =	sadd.s32 s20, s21;
	s22 =	sand.u32 $0x1FFFFF80, s23  }
0x55c: {  	s24 =	sadd.s32 $0x400, s21;
	s22 =	sadd.s32 s0, s22  }
0x55d: {  	[tilespmem:s24], [sflag:$0x2] =	stream.linear.gather [hbm4b:s22+s4], $0x10, $0x38;
	[tilespmem:$0x8B00] =	vst v63  }
0x55e: {  	s23 =	sadd.s32 $0x10, s22;
	s24 =	sadd.s32 $0x480, s21  }
0x55f: {  	[tilespmem:s24], [sflag:$0x2] =	stream.linear.gather [hbm4b:s23+s4], $0x10, $0x38;
	[tilespmem:$0x8B00] =	vst v63  }
0x560: {  	s23 =	sadd.s32 $0x20, s22;
	s24 =	sadd.s32 $0x500, s21  }
0x561: {  	[tilespmem:s24], [sflag:$0x2] =	stream.linear.gather [hbm4b:s23+s4], $0x10, $0x38;
	[tilespmem:$0x8B00] =	vst v63  }
0x562: {  	s23 =	sadd.s32 $0x30, s22;
	s24 =	sadd.s32 $0x580, s21  }
0x563: {  	[tilespmem:s24], [sflag:$0x2] =	stream.linear.gather [hbm4b:s23+s4], $0x10, $0x38;
	[tilespmem:$0x8B00] =	vst v63  }
0x564: {  	s23 =	sadd.s32 $0x40, s22;
	s24 =	sadd.s32 $0x600, s21  }
0x565: {  	[tilespmem:s24], [sflag:$0x2] =	stream.linear.gather [hbm4b:s23+s4], $0x10, $0x38;
	[tilespmem:$0x8B00] =	vst v63  }
0x566: {  	s23 =	sadd.s32 $0x50, s22;
	s24 =	sadd.s32 $0x680, s21  }
0x567: {  	[tilespmem:s24], [sflag:$0x2] =	stream.linear.gather [hbm4b:s23+s4], $0x10, $0x38;
	[tilespmem:$0x8B00] =	vst v63  }
0x568: {  	s23 =	sadd.s32 $0x60, s22;
	s24 =	sadd.s32 $0x700, s21  }
0x569: {  	[tilespmem:s24], [sflag:$0x2] =	stream.linear.gather [hbm4b:s23+s4], $0x10, $0x38;
	[tilespmem:$0x8B00] =	vst v63  }
0x56a: {  	s23 =	sadd.s32 $0x70, s22;
	s24 =	sadd.s32 $0x780, s21  }
0x56b: {  	(v2sf) =	vpush v2, $0xE;
	[tilespmem:s24], [sflag:$0x2] =	stream.linear.gather [hbm4b:s23+s4], $0x10, $0x38;
	[tilespmem:$0x8B00] =	vst v63  }
0x56c: {  	s22 =	sadd.s32 $0xF4280, s22;
	s24 =	sadd.s32 $0x800, s21  }
0x56d: {  	[tilespmem:s24], [sflag:$0x2] =	stream.linear.gather [hbm4b:s22+s4], $0x10, $0x38;
	[tilespmem:$0x8B00] =	vst v63  }
0x56e: {  	s23 =	sadd.s32 $0x10, s22;
	s24 =	sadd.s32 $0x880, s21  }
0x56f: {  	[tilespmem:s24], [sflag:$0x2] =	stream.linear.gather [hbm4b:s23+s4], $0x10, $0x38;
	[tilespmem:$0x8B00] =	vst v63  }
0x570: {  	s23 =	sadd.s32 $0x20, s22;
	s24 =	sadd.s32 $0x900, s21  }
0x571: {  	[tilespmem:s24], [sflag:$0x2] =	stream.linear.gather [hbm4b:s23+s4], $0x10, $0x38;
	[tilespmem:$0x8B00] =	vst v63  }
0x572: {  	s23 =	sadd.s32 $0x30, s22;
	s24 =	sadd.s32 $0x980, s21  }
0x573: {  	[tilespmem:s24], [sflag:$0x2] =	stream.linear.gather [hbm4b:s23+s4], $0x10, $0x38;
	[tilespmem:$0x8B00] =	vst v63  }
0x574: {  	s23 =	sadd.s32 $0x40, s22;
	s24 =	sadd.s32 $0xA00, s21  }
0x575: {  	[tilespmem:s24], [sflag:$0x2] =	stream.linear.gather [hbm4b:s23+s4], $0x10, $0x38;
	[tilespmem:$0x8B00] =	vst v63  }
0x576: {  	s23 =	sadd.s32 $0x50, s22;
	s24 =	sadd.s32 $0xA80, s21  }
0x577: {  	[tilespmem:s24], [sflag:$0x2] =	stream.linear.gather [hbm4b:s23+s4], $0x10, $0x38;
	[tilespmem:$0x8B00] =	vst v63  }
0x578: {  	s23 =	sadd.s32 $0x60, s22;
	s24 =	sadd.s32 $0xB00, s21  }
0x579: {  	[tilespmem:s24], [sflag:$0x2] =	stream.linear.gather [hbm4b:s23+s4], $0x10, $0x38;
	[tilespmem:$0x8B00] =	vst v63  }
0x57a: {  	s22 =	sadd.s32 $0x70, s22;
	s24 =	sadd.s32 $0xB80, s21;
	s23 =	spop (v2sf)  }
0x57b: {  	[tilespmem:s24], [sflag:$0x2] =	stream.linear.gather [hbm4b:s22+s4], $0x10, $0x38;
	[tilespmem:$0x8B00] =	vst v63  }
0x57c: {  	s22 =	sand.u32 $0x1FFFFF80, s23  }
0x57d: {  	s24 =	sadd.s32 $0x4400, s21;
	s22 =	sadd.s32 s1, s22  }
0x57e: {  	[tilespmem:s24], [sflag:$0x2] =	stream.linear.gather [hbm4b:s22+s4], $0x10, $0x38;
	[tilespmem:$0x8B00] =	vst v63  }
0x57f: {  	s23 =	sadd.s32 $0x10, s22;
	s24 =	sadd.s32 $0x4480, s21  }
0x580: {  	[tilespmem:s24], [sflag:$0x2] =	stream.linear.gather [hbm4b:s23+s4], $0x10, $0x38;
	[tilespmem:$0x8B00] =	vst v63  }
0x581: {  	s23 =	sadd.s32 $0x20, s22;
	s24 =	sadd.s32 $0x4500, s21  }
0x582: {  	[tilespmem:s24], [sflag:$0x2] =	stream.linear.gather [hbm4b:s23+s4], $0x10, $0x38;
	[tilespmem:$0x8B00] =	vst v63  }
0x583: {  	s23 =	sadd.s32 $0x30, s22;
	s24 =	sadd.s32 $0x4580, s21  }
0x584: {  	[tilespmem:s24], [sflag:$0x2] =	stream.linear.gather [hbm4b:s23+s4], $0x10, $0x38;
	[tilespmem:$0x8B00] =	vst v63  }
0x585: {  	s23 =	sadd.s32 $0x40, s22;
	s24 =	sadd.s32 $0x4600, s21  }
0x586: {  	[tilespmem:s24], [sflag:$0x2] =	stream.linear.gather [hbm4b:s23+s4], $0x10, $0x38;
	[tilespmem:$0x8B00] =	vst v63  }
0x587: {  	s23 =	sadd.s32 $0x50, s22;
	s24 =	sadd.s32 $0x4680, s21  }
0x588: {  	[tilespmem:s24], [sflag:$0x2] =	stream.linear.gather [hbm4b:s23+s4], $0x10, $0x38;
	[tilespmem:$0x8B00] =	vst v63  }
0x589: {  	s23 =	sadd.s32 $0x60, s22;
	s24 =	sadd.s32 $0x4700, s21  }
0x58a: {  	[tilespmem:s24], [sflag:$0x2] =	stream.linear.gather [hbm4b:s23+s4], $0x10, $0x38;
	[tilespmem:$0x8B00] =	vst v63  }
0x58b: {  	s23 =	sadd.s32 $0x70, s22;
	s24 =	sadd.s32 $0x4780, s21  }
0x58c: {  	(v2sf) =	vpush v4, $0xF;
	[tilespmem:s24], [sflag:$0x2] =	stream.linear.gather [hbm4b:s23+s4], $0x10, $0x38;
	[tilespmem:$0x8B00] =	vst v63  }
0x58d: {  	(v2sf) =	vpush v3, $0xF;
	s22 =	sadd.s32 $0xF4280, s22;
	s24 =	sadd.s32 $0x4800, s21  }
0x58e: {  	[tilespmem:s24], [sflag:$0x2] =	stream.linear.gather [hbm4b:s22+s4], $0x10, $0x38;
	[tilespmem:$0x8B00] =	vst v63  }
0x58f: {  	s23 =	sadd.s32 $0x10, s22;
	s24 =	sadd.s32 $0x4880, s21  }
0x590: {  	[tilespmem:s24], [sflag:$0x2] =	stream.linear.gather [hbm4b:s23+s4], $0x10, $0x38;
	[tilespmem:$0x8B00] =	vst v63  }
0x591: {  	s23 =	sadd.s32 $0x20, s22;
	s24 =	sadd.s32 $0x4900, s21  }
0x592: {  	[tilespmem:s24], [sflag:$0x2] =	stream.linear.gather [hbm4b:s23+s4], $0x10, $0x38;
	[tilespmem:$0x8B00] =	vst v63  }
0x593: {  	s23 =	sadd.s32 $0x30, s22;
	s24 =	sadd.s32 $0x4980, s21  }
0x594: {  	[tilespmem:s24], [sflag:$0x2] =	stream.linear.gather [hbm4b:s23+s4], $0x10, $0x38;
	[tilespmem:$0x8B00] =	vst v63  }
0x595: {  	s23 =	sadd.s32 $0x40, s22;
	s24 =	sadd.s32 $0x4A00, s21  }
0x596: {  	[tilespmem:s24], [sflag:$0x2] =	stream.linear.gather [hbm4b:s23+s4], $0x10, $0x38;
	[tilespmem:$0x8B00] =	vst v63  }
0x597: {  	s23 =	sadd.s32 $0x50, s22;
	s24 =	sadd.s32 $0x4A80, s21  }
0x598: {  	[tilespmem:s24], [sflag:$0x2] =	stream.linear.gather [hbm4b:s23+s4], $0x10, $0x38;
	[tilespmem:$0x8B00] =	vst v63  }
0x599: {  	s23 =	sadd.s32 $0x60, s22;
	s24 =	sadd.s32 $0x4B00, s21  }
0x59a: {  	[tilespmem:s24], [sflag:$0x2] =	stream.linear.gather [hbm4b:s23+s4], $0x10, $0x38;
	[tilespmem:$0x8B00] =	vst v63  }
0x59b: {  	s22 =	sadd.s32 $0x70, s22;
	s24 =	spop (v2sf)  }
0x59c: {  	s21 =	sadd.s32 $0x4B80, s21;
	s23 =	sand.u32 $0xFFFFFF80, s24;
	s24 =	spop (v2sf)  }
0x59d: {  	[tilespmem:s21], [sflag:$0x2] =	stream.linear.gather [hbm4b:s22+s4], $0x10, $0x38;
	[tilespmem:$0x8B00] =	vst v63  }
0x59e: {  	s20 =	sadd.s32 s20, s23;
	s23 =	sand.u32 $0x1FFFFF80, s24  }
0x59f: {  	s24 =	sadd.s32 $0x400, s20;
	s21 =	sadd.s32 s0, s23  }
0x5a0: {  	[tilespmem:s24], [sflag:$0x2] =	stream.linear.gather [hbm4b:s21+s4], $0x10, $0x38;
	[tilespmem:$0x8B00] =	vst v63  }
0x5a1: {  	s23 =	sadd.s32 $0x10, s21;
	s24 =	sadd.s32 $0x480, s20  }
0x5a2: {  	[tilespmem:s24], [sflag:$0x2] =	stream.linear.gather [hbm4b:s23+s4], $0x10, $0x38;
	[tilespmem:$0x8B00] =	vst v63  }
0x5a3: {  	s23 =	sadd.s32 $0x20, s21;
	s24 =	sadd.s32 $0x500, s20  }
0x5a4: {  	[tilespmem:s24], [sflag:$0x2] =	stream.linear.gather [hbm4b:s23+s4], $0x10, $0x38;
	[tilespmem:$0x8B00] =	vst v63  }
0x5a5: {  	s23 =	sadd.s32 $0x30, s21;
	s24 =	sadd.s32 $0x580, s20  }
0x5a6: {  	[tilespmem:s24], [sflag:$0x2] =	stream.linear.gather [hbm4b:s23+s4], $0x10, $0x38;
	[tilespmem:$0x8B00] =	vst v63  }
0x5a7: {  	s23 =	sadd.s32 $0x40, s21;
	s24 =	sadd.s32 $0x600, s20  }
0x5a8: {  	[tilespmem:s24], [sflag:$0x2] =	stream.linear.gather [hbm4b:s23+s4], $0x10, $0x38;
	[tilespmem:$0x8B00] =	vst v63  }
0x5a9: {  	s23 =	sadd.s32 $0x50, s21;
	s24 =	sadd.s32 $0x680, s20  }
0x5aa: {  	[tilespmem:s24], [sflag:$0x2] =	stream.linear.gather [hbm4b:s23+s4], $0x10, $0x38;
	[tilespmem:$0x8B00] =	vst v63  }
0x5ab: {  	s23 =	sadd.s32 $0x60, s21;
	s24 =	sadd.s32 $0x700, s20  }
0x5ac: {  	[tilespmem:s24], [sflag:$0x2] =	stream.linear.gather [hbm4b:s23+s4], $0x10, $0x38;
	[tilespmem:$0x8B00] =	vst v63  }
0x5ad: {  	s23 =	sadd.s32 $0x70, s21;
	s24 =	sadd.s32 $0x780, s20  }
0x5ae: {  	(v2sf) =	vpush v2, $0xF;
	[tilespmem:s24], [sflag:$0x2] =	stream.linear.gather [hbm4b:s23+s4], $0x10, $0x38;
	[tilespmem:$0x8B00] =	vst v63  }
0x5af: {  	s21 =	sadd.s32 $0xF4280, s21;
	s24 =	sadd.s32 $0x800, s20  }
0x5b0: {  	[tilespmem:s24], [sflag:$0x2] =	stream.linear.gather [hbm4b:s21+s4], $0x10, $0x38;
	[tilespmem:$0x8B00] =	vst v63  }
0x5b1: {  	s23 =	sadd.s32 $0x10, s21;
	s24 =	sadd.s32 $0x880, s20  }
0x5b2: {  	[tilespmem:s24], [sflag:$0x2] =	stream.linear.gather [hbm4b:s23+s4], $0x10, $0x38;
	[tilespmem:$0x8B00] =	vst v63  }
0x5b3: {  	s23 =	sadd.s32 $0x20, s21;
	s24 =	sadd.s32 $0x900, s20  }
0x5b4: {  	[tilespmem:s24], [sflag:$0x2] =	stream.linear.gather [hbm4b:s23+s4], $0x10, $0x38;
	[tilespmem:$0x8B00] =	vst v63  }
0x5b5: {  	s23 =	sadd.s32 $0x30, s21;
	s24 =	sadd.s32 $0x980, s20  }
0x5b6: {  	[tilespmem:s24], [sflag:$0x2] =	stream.linear.gather [hbm4b:s23+s4], $0x10, $0x38;
	[tilespmem:$0x8B00] =	vst v63  }
0x5b7: {  	s23 =	sadd.s32 $0x40, s21;
	s24 =	sadd.s32 $0xA00, s20  }
0x5b8: {  	[tilespmem:s24], [sflag:$0x2] =	stream.linear.gather [hbm4b:s23+s4], $0x10, $0x38;
	[tilespmem:$0x8B00] =	vst v63  }
0x5b9: {  	s23 =	sadd.s32 $0x50, s21;
	s24 =	sadd.s32 $0xA80, s20  }
0x5ba: {  	[tilespmem:s24], [sflag:$0x2] =	stream.linear.gather [hbm4b:s23+s4], $0x10, $0x38;
	[tilespmem:$0x8B00] =	vst v63  }
0x5bb: {  	s23 =	sadd.s32 $0x60, s21;
	s24 =	sadd.s32 $0xB00, s20  }
0x5bc: {  	[tilespmem:s24], [sflag:$0x2] =	stream.linear.gather [hbm4b:s23+s4], $0x10, $0x38;
	[tilespmem:$0x8B00] =	vst v63  }
0x5bd: {  	s21 =	sadd.s32 $0x70, s21;
	s24 =	sadd.s32 $0xB80, s20;
	s23 =	spop (v2sf)  }
0x5be: {  	[tilespmem:s24], [sflag:$0x2] =	stream.linear.gather [hbm4b:s21+s4], $0x10, $0x38;
	[tilespmem:$0x8B00] =	vst v63  }
0x5bf: {  	s21 =	sand.u32 $0x1FFFFF80, s23  }
0x5c0: {  	s24 =	sadd.s32 $0x4400, s20;
	s21 =	sadd.s32 s1, s21  }
0x5c1: {  	[tilespmem:s24], [sflag:$0x2] =	stream.linear.gather [hbm4b:s21+s4], $0x10, $0x38;
	[tilespmem:$0x8B00] =	vst v63  }
0x5c2: {  	s23 =	sadd.s32 $0x10, s21;
	s24 =	sadd.s32 $0x4480, s20  }
0x5c3: {  	[tilespmem:s24], [sflag:$0x2] =	stream.linear.gather [hbm4b:s23+s4], $0x10, $0x38;
	[tilespmem:$0x8B00] =	vst v63  }
0x5c4: {  	s23 =	sadd.s32 $0x20, s21;
	s24 =	sadd.s32 $0x4500, s20  }
0x5c5: {  	[tilespmem:s24], [sflag:$0x2] =	stream.linear.gather [hbm4b:s23+s4], $0x10, $0x38;
	[tilespmem:$0x8B00] =	vst v63  }
0x5c6: {  	s23 =	sadd.s32 $0x30, s21;
	s24 =	sadd.s32 $0x4580, s20  }
0x5c7: {  	[tilespmem:s24], [sflag:$0x2] =	stream.linear.gather [hbm4b:s23+s4], $0x10, $0x38;
	[tilespmem:$0x8B00] =	vst v63  }
0x5c8: {  	s23 =	sadd.s32 $0x40, s21;
	s24 =	sadd.s32 $0x4600, s20  }
0x5c9: {  	[tilespmem:s24], [sflag:$0x2] =	stream.linear.gather [hbm4b:s23+s4], $0x10, $0x38;
	[tilespmem:$0x8B00] =	vst v63  }
0x5ca: {  	s23 =	sadd.s32 $0x50, s21;
	s24 =	sadd.s32 $0x4680, s20  }
0x5cb: {  	[tilespmem:s24], [sflag:$0x2] =	stream.linear.gather [hbm4b:s23+s4], $0x10, $0x38;
	[tilespmem:$0x8B00] =	vst v63  }
0x5cc: {  	s23 =	sadd.s32 $0x60, s21;
	s24 =	sadd.s32 $0x4700, s20  }
0x5cd: {  	[tilespmem:s24], [sflag:$0x2] =	stream.linear.gather [hbm4b:s23+s4], $0x10, $0x38;
	[tilespmem:$0x8B00] =	vst v63  }
0x5ce: {  	s23 =	sadd.s32 $0x70, s21;
	s24 =	sadd.s32 $0x4780, s20  }
0x5cf: {  	[tilespmem:s24], [sflag:$0x2] =	stream.linear.gather [hbm4b:s23+s4], $0x10, $0x38;
	[tilespmem:$0x8B00] =	vst v63  }
0x5d0: {  	s21 =	sadd.s32 $0xF4280, s21;
	s24 =	sadd.s32 $0x4800, s20  }
0x5d1: {  	[tilespmem:s24], [sflag:$0x2] =	stream.linear.gather [hbm4b:s21+s4], $0x10, $0x38;
	[tilespmem:$0x8B00] =	vst v63  }
0x5d2: {  	s23 =	sadd.s32 $0x10, s21;
	s24 =	sadd.s32 $0x4880, s20  }
0x5d3: {  	[tilespmem:s24], [sflag:$0x2] =	stream.linear.gather [hbm4b:s23+s4], $0x10, $0x38;
	[tilespmem:$0x8B00] =	vst v63  }
0x5d4: {  	s23 =	sadd.s32 $0x20, s21;
	s24 =	sadd.s32 $0x4900, s20  }
0x5d5: {  	[tilespmem:s24], [sflag:$0x2] =	stream.linear.gather [hbm4b:s23+s4], $0x10, $0x38;
	[tilespmem:$0x8B00] =	vst v63  }
0x5d6: {  	s23 =	sadd.s32 $0x30, s21;
	s24 =	sadd.s32 $0x4980, s20  }
0x5d7: {  	[tilespmem:s24], [sflag:$0x2] =	stream.linear.gather [hbm4b:s23+s4], $0x10, $0x38;
	[tilespmem:$0x8B00] =	vst v63  }
0x5d8: {  	s23 =	sadd.s32 $0x40, s21;
	s24 =	sadd.s32 $0x4A00, s20  }
0x5d9: {  	[tilespmem:s24], [sflag:$0x2] =	stream.linear.gather [hbm4b:s23+s4], $0x10, $0x38;
	[tilespmem:$0x8B00] =	vst v63  }
0x5da: {  	p0 =	sne.s32 s19, $0x3;
	s23 =	sadd.s32 $0x50, s21;
	s24 =	sadd.s32 $0x4A80, s20  }
0x5db: {  	[tilespmem:s24], [sflag:$0x2] =	stream.linear.gather [hbm4b:s23+s4], $0x10, $0x38;
	[tilespmem:$0x8B00] =	vst v63  }
.Ltmp0:
0x5dc: {  	_ = 	snop;
	(pc) =	sbr.rel @p0 .LBB2_3-.Ltmp0, $4  }
0x5dd: {  	s23 =	sadd.s32 $0x60, s21;
	s24 =	sadd.s32 $0x4B00, s20  }
0x5de: {  	[tilespmem:s24], [sflag:$0x2] =	stream.linear.gather [hbm4b:s23+s4], $0x10, $0x38;
	[tilespmem:$0x8B00] =	vst v63  }
0x5df: {  	s19 =	sadd.s32 $0x1, s19;
	s21 =	sadd.s32 $0x70, s21;
	s20 =	sadd.s32 $0x4B80, s20  }
0x5e0: {  	[tilespmem:s20], [sflag:$0x2] =	stream.linear.gather [hbm4b:s21+s4], $0x10, $0x38;
	[tilespmem:$0x8B00] =	vst v63  }
0x5e1: {  	_ =	swait.ge [sflag:s31], $0x800  }
0x5e2: {  	[sflag:s31] =	ssyncset.done $0x0  }
0x5e3: {  	[sflag:s31] =	ssyncadd.s32 $0xFFFFF800  }
0x5e4: {  	_ =	swait.ge [sflag:s31], $0x800  }
0x5e5: {  	[sflag:s31] =	ssyncset.done $0x0  }
0x5e6: {  	[sflag:s31] =	ssyncadd.s32 $0xFFFFF800  }
0x5e7: {  	_ =	swait.ge [sflag:s31], $0x800  }
0x5e8: {  	[sflag:s31] =	ssyncset.done $0x0  }
0x5e9: {  	[sflag:s31] =	ssyncadd.s32 $0xFFFFF800  }
0x5ea: {  	_ =	swait.ge [sflag:s31], $0x800  }
0x5eb: {  	[sflag:s31] =	ssyncset.done $0x0  }
0x5ec: {  	[sflag:s31] =	ssyncadd.s32 $0xFFFFF800  }
0x5ed: {  	_ =	swait.ge [sflag:s31], $0x800  }
0x5ee: {  	[sflag:s31] =	ssyncset.done $0x0  }
0x5ef: {  	[sflag:s31] =	ssyncadd.s32 $0xFFFFF800  }
0x5f0: {  	_ =	swait.ge [sflag:s31], $0x800  }
0x5f1: {  	[sflag:s31] =	ssyncset.done $0x0  }
0x5f2: {  	[sflag:s31] =	ssyncadd.s32 $0xFFFFF800  }
0x5f3: {  	_ =	swait.ge [sflag:s31], $0x800  }
0x5f4: {  	[sflag:s31] =	ssyncset.done $0x0  }
0x5f5: {  	[sflag:s31] =	ssyncadd.s32 $0xFFFFF800  }
0x5f6: {  	_ =	swait.ge [sflag:s31], $0x800  }
0x5f7: {  	[sflag:s31] =	ssyncset.done $0x0  }
0x5f8: {  	[sflag:s31] =	ssyncadd.s32 $0xFFFFF800  }
0x5f9: {  	_ =	swait.ge [sflag:s31], $0x800  }
0x5fa: {  	[sflag:s31] =	ssyncset.done $0x0  }
0x5fb: {  	[sflag:s31] =	ssyncadd.s32 $0xFFFFF800  }
0x5fc: {  	_ =	swait.ge [sflag:s31], $0x800  }
0x5fd: {  	[sflag:s31] =	ssyncset.done $0x0  }
0x5fe: {  	[sflag:s31] =	ssyncadd.s32 $0xFFFFF800  }
0x5ff: {  	_ =	swait.ge [sflag:s31], $0x800  }
0x600: {  	[sflag:s31] =	ssyncset.done $0x0  }
0x601: {  	[sflag:s31] =	ssyncadd.s32 $0xFFFFF800  }
0x602: {  	_ =	swait.ge [sflag:s31], $0x800  }
0x603: {  	[sflag:s31] =	ssyncset.done $0x0  }
0x604: {  	[sflag:s31] =	ssyncadd.s32 $0xFFFFF800  }
0x605: {  	_ =	swait.ge [sflag:s31], $0x800  }
0x606: {  	[sflag:s31] =	ssyncset.done $0x0  }
0x607: {  	[sflag:s31] =	ssyncadd.s32 $0xFFFFF800  }
0x608: {  	_ =	swait.ge [sflag:s31], $0x800  }
0x609: {  	[sflag:s31] =	ssyncset.done $0x0  }
0x60a: {  	[sflag:s31] =	ssyncadd.s32 $0xFFFFF800  }
0x60b: {  	_ =	swait.ge [sflag:s31], $0x800  }
0x60c: {  	[sflag:s31] =	ssyncset.done $0x0  }
0x60d: {  	[sflag:s31] =	ssyncadd.s32 $0xFFFFF800  }
0x60e: {  	_ =	swait.ge [sflag:s31], $0x800  }
0x60f: {  	[sflag:s31] =	ssyncset.done $0x0  }
0x610: {  	v4 =	vld [tilespmem:$0x1FF00];
	[sflag:s31] =	ssyncadd.s32 $0xFFFFF800  }
0x611: {  	v1 =	vld [tilespmem:s18+$0x0]  }
0x612: {  	v2 =	vld [tilespmem:s18+$0x200];
	_ =	sdelay $0x1  }
0x613: {  	v8 =	vld [tilespmem:$0x1FF10]  }
0x614: {  	v11 =	vld [tilespmem:$0x1FF20]  }
0x615: {  	v13 =	vld [tilespmem:$0x1FF30];
	v1 =	vand.u32 $0xF, v1  }
0x616: {  	v5 =	vld [tilespmem:s18+$0x8400];
	v2 =	vand.u32 $0xF, v2;
	v3 =	vor.u32 v4, v1  }
0x617: {  	v7 =	vld [tilespmem:s18+$0x8600];
	v4 =	vor.u32 v4, v2  }
0x618: {  	v15 =	vld [tilespmem:$0x1FF40];
	v6 =	vor.u32 v8, v1  }
0x619: {  	v9 =	vld [tilespmem:$0x8A00];
	v10 =	vor.u32 v11, v1  }
0x61a: {  	v16 =	vld [tilespmem:$0x1FF50]  }
0x61b: {  	v8 =	vor.u32 v8, v2;
	v3 =	vld.idx.msk [tilespmem:v3+s3+$0x0], $0xffff  }
0x61c: {  	v5 =	vadd.f32 v7, v5;
	v4 =	vld.idx.msk [tilespmem:v4+s5+$0x0], $0xffff  }
0x61d: {  	v11 =	vor.u32 v11, v2;
	v12 =	vor.u32 v13, v1;
	v6 =	vld.idx.msk [tilespmem:v6+s3+$0x0], $0xffff  }
0x61e: {  	v13 =	vor.u32 v13, v2;
	v14 =	vor.u32 v15, v1;
	v5 =	vadd.f32 v9, v5;
	v7 =	vld.idx.msk [tilespmem:v10+s3+$0x0], $0xffff  }
0x61f: {  	v9 =	vor.u32 v16, v2;
	v10 =	vor.u32 v15, v2;
	v15 =	vor.u32 v16, v1;
	v16 =	vld [tilespmem:$0x1FF60]  }
0x620: {  	v8 =	vld.idx.msk [tilespmem:v8+s5+$0x0], $0xffff;
	_ =	sdelay $0x1  }
0x621: {  	v11 =	vld.idx.msk [tilespmem:v11+s5+$0x0], $0xffff  }
0x622: {  	v3 =	vmul.f32 v4, v3;
	v4 =	vld.idx.msk [tilespmem:v12+s3+$0x0], $0xffff  }
0x623: {  	v12 =	vld.idx.msk [tilespmem:v13+s5+$0x0], $0xffff;
	v13 =	vor.u32 v16, v1  }
0x624: {  	v3 =	vadd.f32 v3, v5;
	v5 =	vmul.f32 v8, v6;
	v8 =	vor.u32 v16, v2;
	v16 =	vld [tilespmem:$0x1FF70];
	_ =	sdelay $0x3  }
0x625: {  	v6 =	vld.idx.msk [tilespmem:v14+s3+$0x0], $0xffff;
	v3 =	vadd.f32 v5, v3  }
0x626: {  	v5 =	vmul.f32 v11, v7;
	v14 =	vor.u32 v16, v1;
	v11 =	vor.u32 v16, v2;
	v16 =	vld [tilespmem:$0x1FF80];
	_ =	sdelay $0x2  }
0x627: {  	v10 =	vld.idx.msk [tilespmem:v10+s5+$0x0], $0xffff  }
0x628: {  	v7 =	vld.idx.msk [tilespmem:v15+s3+$0x0], $0xffff  }
0x629: {  	v4 =	vmul.f32 v12, v4;
	v15 =	vor.u32 v16, v1;
	v12 =	vor.u32 v16, v2;
	v16 =	vld [tilespmem:$0x1FF90];
	_ =	sdelay $0x1  }
0x62a: {  	v3 =	vadd.f32 v5, v3  }
0x62b: {  	v9 =	vld.idx.msk [tilespmem:v9+s5+$0x0], $0xffff  }
0x62c: {  	v5 =	vld.idx.msk [tilespmem:v13+s3+$0x0], $0xffff;
	v3 =	vadd.f32 v4, v3  }
0x62d: {  	v4 =	vmul.f32 v10, v6;
	v13 =	vor.u32 v16, v1;
	v10 =	vor.u32 v16, v2;
	v16 =	vld [tilespmem:$0x1FFA0];
	_ =	sdelay $0x2  }
0x62e: {  	v8 =	vld.idx.msk [tilespmem:v8+s5+$0x0], $0xffff  }
0x62f: {  	v3 =	vadd.f32 v4, v3;
	v6 =	vld.idx.msk [tilespmem:v14+s3+$0x0], $0xffff  }
0x630: {  	v4 =	vmul.f32 v9, v7;
	v14 =	vor.u32 v16, v1;
	v9 =	vor.u32 v16, v2;
	v16 =	vld [tilespmem:$0x1FFB0];
	_ =	sdelay $0x2  }
0x631: {  	v11 =	vld.idx.msk [tilespmem:v11+s5+$0x0], $0xffff  }
0x632: {  	v3 =	vadd.f32 v4, v3;
	v7 =	vld.idx.msk [tilespmem:v15+s3+$0x0], $0xffff  }
0x633: {  	v4 =	vmul.f32 v8, v5;
	v15 =	vor.u32 v16, v1;
	v8 =	vor.u32 v16, v2;
	v16 =	vld [tilespmem:$0x1FFC0];
	_ =	sdelay $0x2  }
0x634: {  	v12 =	vld.idx.msk [tilespmem:v12+s5+$0x0], $0xffff  }
0x635: {  	v3 =	vadd.f32 v4, v3;
	v5 =	vld.idx.msk [tilespmem:v13+s3+$0x0], $0xffff  }
0x636: {  	v4 =	vmul.f32 v11, v6;
	v13 =	vor.u32 v16, v1;
	v11 =	vor.u32 v16, v2;
	v16 =	vld [tilespmem:$0x1FFD0]  }
0x637: {  	v10 =	vld.idx.msk [tilespmem:v10+s5+$0x0], $0xffff;
	_ =	sdelay $0x2  }
0x638: {  	v3 =	vadd.f32 v4, v3;
	v4 =	vmul.f32 v12, v7;
	v6 =	vld.idx.msk [tilespmem:v14+s3+$0x0], $0xffff  }
0x639: {  	v14 =	vor.u32 v16, v1;
	v12 =	vor.u32 v16, v2;
	v16 =	vld [tilespmem:$0x1FFE0]  }
0x63a: {  	v3 =	vadd.f32 v4, v3;
	v4 =	vmul.f32 v10, v5;
	v5 =	vld.idx.msk [tilespmem:v13+s3+$0x0], $0xffff  }
0x63b: {  	v13 =	vld [tilespmem:$0x1FFF0]  }
0x63c: {  	v9 =	vld.idx.msk [tilespmem:v9+s5+$0x0], $0xffff  }
0x63d: {  	v7 =	vld.idx.msk [tilespmem:v15+s3+$0x0], $0xffff  }
0x63e: {  	v8 =	vld.idx.msk [tilespmem:v8+s5+$0x0], $0xffff;
	v15 =	vor.u32 v16, v1  }
0x63f: {  	v10 =	vor.u32 v16, v2  }
0x640: {  	v11 =	vld.idx.msk [tilespmem:v11+s5+$0x0], $0xffff;
	v1 =	vor.u32 v13, v1  }
0x641: {  	v3 =	vadd.f32 v4, v3;
	v4 =	vmul.f32 v9, v6;
	v6 =	vld.idx.msk [tilespmem:v14+s3+$0x0], $0xffff;
	v2 =	vor.u32 v13, v2  }
0x642: {  	v9 =	vld.idx.msk [tilespmem:v12+s5+$0x0], $0xffff  }
0x643: {  	v3 =	vadd.f32 v4, v3;
	v14 =	vmul.f32 v8, v7;
	v12 =	vld.idx.msk [tilespmem:v15+s3+$0x0], $0xffff  }
0x644: {  	v13 =	vld.idx.msk [tilespmem:v10+s5+$0x0], $0xffff  }
0x645: {  	v3 =	vadd.f32 v14, v3;
	v14 =	vmul.f32 v11, v5;
	v1 =	vld.idx.msk [tilespmem:v1+s3+$0x0], $0xffff  }
0x646: {  	v2 =	vld.idx.msk [tilespmem:v2+s5+$0x0], $0xffff  }
0x647: {  	v3 =	vadd.f32 v14, v3;
	v10 =	vmul.f32 v9, v6;
	_ =	sdelay $0x1  }
0x648: {  	v3 =	vadd.f32 v10, v3;
	v11 =	vmul.f32 v13, v12;
	_ =	sdelay $0x1  }
0x649: {  	v1 =	vmul.f32 v2, v1;
	v3 =	vadd.f32 v11, v3;
	_ =	sdelay $0x1  }
0x64a: {  	v1 =	vadd.f32 v1, v3  }
0x64b: {  	v2 =	vld [tilespmem:s18+$0x210]  }
0x64c: {  	s19 =	sor.u32 $0x10, s18;
	[tilespmem:s18+$0x8800] =	vst v1  }
0x64d: {  	v1 =	vld [tilespmem:s19+$0x0];
	_ =	sdelay $0x2  }
0x64e: {  	v2 =	vand.u32 $0xF, v2  }
0x64f: {  	v12 =	vor.u32 v17, v2  }
0x650: {  	v8 =	vor.u32 v18, v2;
	v1 =	vand.u32 $0xF, v1  }
0x651: {  	v7 =	vld [tilespmem:s18+$0x8610];
	v3 =	vor.u32 v17, v1  }
0x652: {  	v5 =	vld [tilespmem:s18+$0x8410];
	v6 =	vor.u32 v18, v1  }
0x653: {  	v9 =	vld [tilespmem:$0x8A00];
	v10 =	vor.u32 v19, v1  }
0x654: {  	v4 =	vld.idx.msk [tilespmem:v12+s5+$0x0], $0xffff  }
0x655: {  	v11 =	vor.u32 v19, v2;
	v8 =	vld.idx.msk [tilespmem:v8+s5+$0x0], $0xffff  }
0x656: {  	v12 =	vor.u32 v20, v1;
	v3 =	vld.idx.msk [tilespmem:v3+s3+$0x0], $0xffff  }
0x657: {  	v13 =	vor.u32 v20, v2;
	v6 =	vld.idx.msk [tilespmem:v6+s3+$0x0], $0xffff  }
0x658: {  	v5 =	vadd.f32 v7, v5;
	v7 =	vld.idx.msk [tilespmem:v10+s3+$0x0], $0xffff;
	v10 =	vor.u32 v21, v2  }
0x659: {  	v14 =	vor.u32 v21, v1  }
0x65a: {  	v11 =	vld.idx.msk [tilespmem:v11+s5+$0x0], $0xffff;
	v5 =	vadd.f32 v9, v5;
	v9 =	vor.u32 v22, v2  }
0x65b: {  	v15 =	vor.u32 v22, v1;
	v3 =	vmul.f32 v4, v3;
	v4 =	vld.idx.msk [tilespmem:v12+s3+$0x0], $0xffff  }
0x65c: {  	v12 =	vld.idx.msk [tilespmem:v13+s5+$0x0], $0xffff;
	v13 =	vor.u32 v23, v1  }
0x65d: {  	v10 =	vld.idx.msk [tilespmem:v10+s5+$0x0], $0xffff;
	v3 =	vadd.f32 v3, v5;
	v5 =	vmul.f32 v8, v6;
	v8 =	vor.u32 v23, v2  }
0x65e: {  	v6 =	vld.idx.msk [tilespmem:v14+s3+$0x0], $0xffff;
	v14 =	vor.u32 v24, v1  }
0x65f: {  	v9 =	vld.idx.msk [tilespmem:v9+s5+$0x0], $0xffff;
	v3 =	vadd.f32 v5, v3;
	v5 =	vmul.f32 v11, v7;
	v11 =	vor.u32 v24, v2  }
0x660: {  	v7 =	vld.idx.msk [tilespmem:v15+s3+$0x0], $0xffff;
	v15 =	vor.u32 v25, v1  }
0x661: {  	v4 =	vmul.f32 v12, v4;
	v12 =	vor.u32 v25, v2;
	v3 =	vadd.f32 v5, v3;
	v5 =	vld.idx.msk [tilespmem:v13+s3+$0x0], $0xffff  }
0x662: {  	v13 =	vor.u32 v26, v1;
	v8 =	vld.idx.msk [tilespmem:v8+s5+$0x0], $0xffff  }
0x663: {  	v3 =	vadd.f32 v4, v3;
	v4 =	vmul.f32 v10, v6;
	v6 =	vld.idx.msk [tilespmem:v14+s3+$0x0], $0xffff;
	v10 =	vor.u32 v26, v2  }
0x664: {  	v14 =	vor.u32 v27, v1;
	v11 =	vld.idx.msk [tilespmem:v11+s5+$0x0], $0xffff  }
0x665: {  	v3 =	vadd.f32 v4, v3;
	v4 =	vmul.f32 v9, v7;
	v7 =	vld.idx.msk [tilespmem:v15+s3+$0x0], $0xffff;
	v9 =	vor.u32 v27, v2  }
0x666: {  	v12 =	vld.idx.msk [tilespmem:v12+s5+$0x0], $0xffff;
	v15 =	vor.u32 v28, v1  }
0x667: {  	v3 =	vadd.f32 v4, v3;
	v4 =	vmul.f32 v8, v5;
	v5 =	vld.idx.msk [tilespmem:v13+s3+$0x0], $0xffff;
	v8 =	vor.u32 v28, v2  }
0x668: {  	v13 =	vor.u32 v29, v1;
	v10 =	vld.idx.msk [tilespmem:v10+s5+$0x0], $0xffff  }
0x669: {  	v3 =	vadd.f32 v4, v3;
	v4 =	vmul.f32 v11, v6;
	v6 =	vld.idx.msk [tilespmem:v14+s3+$0x0], $0xffff;
	v11 =	vor.u32 v29, v2  }
0x66a: {  	v14 =	vor.u32 v30, v1;
	v9 =	vld.idx.msk [tilespmem:v9+s5+$0x0], $0xffff  }
0x66b: {  	v3 =	vadd.f32 v4, v3;
	v4 =	vmul.f32 v12, v7;
	v7 =	vld.idx.msk [tilespmem:v15+s3+$0x0], $0xffff;
	v12 =	vor.u32 v30, v2  }
0x66c: {  	v15 =	vor.u32 v31, v1;
	v8 =	vld.idx.msk [tilespmem:v8+s5+$0x0], $0xffff  }
0x66d: {  	v3 =	vadd.f32 v4, v3;
	v4 =	vmul.f32 v10, v5;
	v5 =	vld.idx.msk [tilespmem:v13+s3+$0x0], $0xffff;
	v10 =	vor.u32 v31, v2  }
0x66e: {  	v1 =	vor.u32 v32, v1;
	v11 =	vld.idx.msk [tilespmem:v11+s5+$0x0], $0xffff  }
0x66f: {  	v2 =	vor.u32 v32, v2;
	v3 =	vadd.f32 v4, v3;
	v13 =	vmul.f32 v9, v6;
	v6 =	vld.idx.msk [tilespmem:v14+s3+$0x0], $0xffff  }
0x670: {  	v9 =	vld.idx.msk [tilespmem:v12+s5+$0x0], $0xffff  }
0x671: {  	v12 =	vld.idx.msk [tilespmem:v15+s3+$0x0], $0xffff;
	v3 =	vadd.f32 v13, v3;
	v14 =	vmul.f32 v8, v7  }
0x672: {  	v13 =	vld.idx.msk [tilespmem:v10+s5+$0x0], $0xffff  }
0x673: {  	v1 =	vld.idx.msk [tilespmem:v1+s3+$0x0], $0xffff;
	v3 =	vadd.f32 v14, v3;
	v14 =	vmul.f32 v11, v5  }
0x674: {  	v2 =	vld.idx.msk [tilespmem:v2+s5+$0x0], $0xffff  }
0x675: {  	v3 =	vadd.f32 v14, v3;
	v10 =	vmul.f32 v9, v6;
	_ =	sdelay $0x1  }
0x676: {  	v3 =	vadd.f32 v10, v3;
	v11 =	vmul.f32 v13, v12;
	_ =	sdelay $0x1  }
0x677: {  	v1 =	vmul.f32 v2, v1;
	v3 =	vadd.f32 v11, v3;
	_ =	sdelay $0x1  }
0x678: {  	v1 =	vadd.f32 v1, v3  }
0x679: {  	v2 =	vld [tilespmem:s18+$0x220]  }
0x67a: {  	s23 =	sor.u32 $0x20, s18;
	[tilespmem:s18+$0x8810] =	vst v1  }
0x67b: {  	v1 =	vld [tilespmem:s23+$0x0];
	_ =	sdelay $0x2  }
0x67c: {  	v2 =	vand.u32 $0xF, v2  }
0x67d: {  	v12 =	vor.u32 v33, v2  }
0x67e: {  	v8 =	vor.u32 v34, v2;
	v1 =	vand.u32 $0xF, v1  }
0x67f: {  	v7 =	vld [tilespmem:s18+$0x8620];
	v3 =	vor.u32 v33, v1  }
0x680: {  	v5 =	vld [tilespmem:s18+$0x8420];
	v6 =	vor.u32 v34, v1  }
0x681: {  	v9 =	vld [tilespmem:$0x8A00];
	v10 =	vor.u32 v35, v1  }
0x682: {  	v4 =	vld.idx.msk [tilespmem:v12+s5+$0x0], $0xffff  }
0x683: {  	v11 =	vor.u32 v35, v2;
	v8 =	vld.idx.msk [tilespmem:v8+s5+$0x0], $0xffff  }
0x684: {  	v12 =	vor.u32 v36, v1;
	v3 =	vld.idx.msk [tilespmem:v3+s3+$0x0], $0xffff  }
0x685: {  	v13 =	vor.u32 v36, v2;
	v6 =	vld.idx.msk [tilespmem:v6+s3+$0x0], $0xffff  }
0x686: {  	v5 =	vadd.f32 v7, v5;
	v7 =	vld.idx.msk [tilespmem:v10+s3+$0x0], $0xffff;
	v10 =	vor.u32 v37, v2  }
0x687: {  	v14 =	vor.u32 v37, v1  }
0x688: {  	v11 =	vld.idx.msk [tilespmem:v11+s5+$0x0], $0xffff;
	v5 =	vadd.f32 v9, v5;
	v9 =	vor.u32 v38, v2  }
0x689: {  	v15 =	vor.u32 v38, v1;
	v3 =	vmul.f32 v4, v3;
	v4 =	vld.idx.msk [tilespmem:v12+s3+$0x0], $0xffff  }
0x68a: {  	v12 =	vld.idx.msk [tilespmem:v13+s5+$0x0], $0xffff;
	v13 =	vor.u32 v39, v1  }
0x68b: {  	v10 =	vld.idx.msk [tilespmem:v10+s5+$0x0], $0xffff;
	v3 =	vadd.f32 v3, v5;
	v5 =	vmul.f32 v8, v6;
	v8 =	vor.u32 v39, v2  }
0x68c: {  	v6 =	vld.idx.msk [tilespmem:v14+s3+$0x0], $0xffff;
	v14 =	vor.u32 v40, v1  }
0x68d: {  	v9 =	vld.idx.msk [tilespmem:v9+s5+$0x0], $0xffff;
	v3 =	vadd.f32 v5, v3;
	v5 =	vmul.f32 v11, v7;
	v11 =	vor.u32 v40, v2  }
0x68e: {  	v7 =	vld.idx.msk [tilespmem:v15+s3+$0x0], $0xffff;
	v15 =	vor.u32 v41, v1  }
0x68f: {  	v4 =	vmul.f32 v12, v4;
	v12 =	vor.u32 v41, v2;
	v3 =	vadd.f32 v5, v3;
	v5 =	vld.idx.msk [tilespmem:v13+s3+$0x0], $0xffff  }
0x690: {  	v13 =	vor.u32 v42, v1;
	v8 =	vld.idx.msk [tilespmem:v8+s5+$0x0], $0xffff  }
0x691: {  	v3 =	vadd.f32 v4, v3;
	v4 =	vmul.f32 v10, v6;
	v6 =	vld.idx.msk [tilespmem:v14+s3+$0x0], $0xffff;
	v10 =	vor.u32 v42, v2  }
0x692: {  	v14 =	vor.u32 v43, v1;
	v11 =	vld.idx.msk [tilespmem:v11+s5+$0x0], $0xffff  }
0x693: {  	v3 =	vadd.f32 v4, v3;
	v4 =	vmul.f32 v9, v7;
	v7 =	vld.idx.msk [tilespmem:v15+s3+$0x0], $0xffff;
	v9 =	vor.u32 v43, v2  }
0x694: {  	v12 =	vld.idx.msk [tilespmem:v12+s5+$0x0], $0xffff;
	v15 =	vor.u32 v44, v1  }
0x695: {  	v3 =	vadd.f32 v4, v3;
	v4 =	vmul.f32 v8, v5;
	v5 =	vld.idx.msk [tilespmem:v13+s3+$0x0], $0xffff;
	v8 =	vor.u32 v44, v2  }
0x696: {  	v13 =	vor.u32 v45, v1;
	v10 =	vld.idx.msk [tilespmem:v10+s5+$0x0], $0xffff  }
0x697: {  	v3 =	vadd.f32 v4, v3;
	v4 =	vmul.f32 v11, v6;
	v6 =	vld.idx.msk [tilespmem:v14+s3+$0x0], $0xffff;
	v11 =	vor.u32 v45, v2  }
0x698: {  	v14 =	vor.u32 v46, v1;
	v9 =	vld.idx.msk [tilespmem:v9+s5+$0x0], $0xffff  }
0x699: {  	v3 =	vadd.f32 v4, v3;
	v4 =	vmul.f32 v12, v7;
	v7 =	vld.idx.msk [tilespmem:v15+s3+$0x0], $0xffff;
	v12 =	vor.u32 v46, v2  }
0x69a: {  	v15 =	vor.u32 v47, v1;
	v8 =	vld.idx.msk [tilespmem:v8+s5+$0x0], $0xffff  }
0x69b: {  	v3 =	vadd.f32 v4, v3;
	v4 =	vmul.f32 v10, v5;
	v5 =	vld.idx.msk [tilespmem:v13+s3+$0x0], $0xffff;
	v10 =	vor.u32 v47, v2  }
0x69c: {  	v1 =	vor.u32 v48, v1;
	v11 =	vld.idx.msk [tilespmem:v11+s5+$0x0], $0xffff  }
0x69d: {  	v2 =	vor.u32 v48, v2;
	v3 =	vadd.f32 v4, v3;
	v13 =	vmul.f32 v9, v6;
	v6 =	vld.idx.msk [tilespmem:v14+s3+$0x0], $0xffff  }
0x69e: {  	v9 =	vld.idx.msk [tilespmem:v12+s5+$0x0], $0xffff  }
0x69f: {  	v12 =	vld.idx.msk [tilespmem:v15+s3+$0x0], $0xffff;
	v3 =	vadd.f32 v13, v3;
	v14 =	vmul.f32 v8, v7  }
0x6a0: {  	v13 =	vld.idx.msk [tilespmem:v10+s5+$0x0], $0xffff  }
0x6a1: {  	v1 =	vld.idx.msk [tilespmem:v1+s3+$0x0], $0xffff;
	v3 =	vadd.f32 v14, v3;
	v14 =	vmul.f32 v11, v5  }
0x6a2: {  	v2 =	vld.idx.msk [tilespmem:v2+s5+$0x0], $0xffff  }
0x6a3: {  	v3 =	vadd.f32 v14, v3;
	v10 =	vmul.f32 v9, v6;
	_ =	sdelay $0x1  }
0x6a4: {  	v3 =	vadd.f32 v10, v3;
	v11 =	vmul.f32 v13, v12;
	_ =	sdelay $0x1  }
0x6a5: {  	v1 =	vmul.f32 v2, v1;
	v3 =	vadd.f32 v11, v3;
	_ =	sdelay $0x1  }
0x6a6: {  	v1 =	vadd.f32 v1, v3  }
0x6a7: {  	v2 =	vld [tilespmem:s18+$0x230]  }
0x6a8: {  	s24 =	sor.u32 $0x30, s18;
	[tilespmem:s18+$0x8820] =	vst v1  }
0x6a9: {  	v1 =	vld [tilespmem:s24+$0x0];
	_ =	sdelay $0x2  }
0x6aa: {  	v2 =	vand.u32 $0xF, v2  }
0x6ab: {  	v12 =	vor.u32 v49, v2  }
0x6ac: {  	v8 =	vor.u32 v50, v2;
	v1 =	vand.u32 $0xF, v1  }
0x6ad: {  	v7 =	vld [tilespmem:s18+$0x8630];
	v3 =	vor.u32 v49, v1  }
0x6ae: {  	v5 =	vld [tilespmem:s18+$0x8430];
	v6 =	vor.u32 v50, v1  }
0x6af: {  	v9 =	vld [tilespmem:$0x8A00];
	v10 =	vor.u32 v51, v1  }
0x6b0: {  	v4 =	vld.idx.msk [tilespmem:v12+s5+$0x0], $0xffff  }
0x6b1: {  	v11 =	vor.u32 v51, v2;
	v8 =	vld.idx.msk [tilespmem:v8+s5+$0x0], $0xffff  }
0x6b2: {  	v12 =	vor.u32 v52, v1;
	v3 =	vld.idx.msk [tilespmem:v3+s3+$0x0], $0xffff  }
0x6b3: {  	v13 =	vor.u32 v52, v2;
	v6 =	vld.idx.msk [tilespmem:v6+s3+$0x0], $0xffff  }
0x6b4: {  	v5 =	vadd.f32 v7, v5;
	v7 =	vld.idx.msk [tilespmem:v10+s3+$0x0], $0xffff;
	v10 =	vor.u32 v53, v2  }
0x6b5: {  	v14 =	vor.u32 v53, v1  }
0x6b6: {  	v11 =	vld.idx.msk [tilespmem:v11+s5+$0x0], $0xffff;
	v5 =	vadd.f32 v9, v5;
	v9 =	vor.u32 v54, v2  }
0x6b7: {  	v15 =	vor.u32 v54, v1;
	v3 =	vmul.f32 v4, v3;
	v4 =	vld.idx.msk [tilespmem:v12+s3+$0x0], $0xffff  }
0x6b8: {  	v12 =	vld.idx.msk [tilespmem:v13+s5+$0x0], $0xffff;
	v13 =	vor.u32 v55, v1  }
0x6b9: {  	v10 =	vld.idx.msk [tilespmem:v10+s5+$0x0], $0xffff;
	v3 =	vadd.f32 v3, v5;
	v5 =	vmul.f32 v8, v6;
	v8 =	vor.u32 v55, v2  }
0x6ba: {  	v6 =	vld.idx.msk [tilespmem:v14+s3+$0x0], $0xffff;
	v14 =	vor.u32 v56, v1  }
0x6bb: {  	v9 =	vld.idx.msk [tilespmem:v9+s5+$0x0], $0xffff;
	v3 =	vadd.f32 v5, v3;
	v5 =	vmul.f32 v11, v7;
	v11 =	vor.u32 v56, v2  }
0x6bc: {  	v7 =	vld.idx.msk [tilespmem:v15+s3+$0x0], $0xffff;
	v15 =	vor.u32 v57, v1  }
0x6bd: {  	v4 =	vmul.f32 v12, v4;
	v12 =	vor.u32 v57, v2;
	v3 =	vadd.f32 v5, v3;
	v5 =	vld.idx.msk [tilespmem:v13+s3+$0x0], $0xffff  }
0x6be: {  	v13 =	vor.u32 v58, v1;
	v8 =	vld.idx.msk [tilespmem:v8+s5+$0x0], $0xffff  }
0x6bf: {  	v3 =	vadd.f32 v4, v3;
	v4 =	vmul.f32 v10, v6;
	v6 =	vld.idx.msk [tilespmem:v14+s3+$0x0], $0xffff;
	v10 =	vor.u32 v58, v2  }
0x6c0: {  	v14 =	vor.u32 v59, v1;
	v11 =	vld.idx.msk [tilespmem:v11+s5+$0x0], $0xffff  }
0x6c1: {  	v3 =	vadd.f32 v4, v3;
	v4 =	vmul.f32 v9, v7;
	v7 =	vld.idx.msk [tilespmem:v15+s3+$0x0], $0xffff;
	v9 =	vor.u32 v59, v2  }
0x6c2: {  	v12 =	vld.idx.msk [tilespmem:v12+s5+$0x0], $0xffff;
	v15 =	vor.u32 v60, v1  }
0x6c3: {  	v3 =	vadd.f32 v4, v3;
	v4 =	vmul.f32 v8, v5;
	v5 =	vld.idx.msk [tilespmem:v13+s3+$0x0], $0xffff;
	v8 =	vor.u32 v60, v2  }
0x6c4: {  	v13 =	vor.u32 v61, v1;
	v10 =	vld.idx.msk [tilespmem:v10+s5+$0x0], $0xffff  }
0x6c5: {  	v3 =	vadd.f32 v4, v3;
	v4 =	vmul.f32 v11, v6;
	v6 =	vld.idx.msk [tilespmem:v14+s3+$0x0], $0xffff;
	v11 =	vor.u32 v61, v2  }
0x6c6: {  	v14 =	vor.u32 v62, v1;
	v9 =	vld.idx.msk [tilespmem:v9+s5+$0x0], $0xffff  }
0x6c7: {  	v3 =	vadd.f32 v4, v3;
	v4 =	vmul.f32 v12, v7;
	v7 =	vld.idx.msk [tilespmem:v15+s3+$0x0], $0xffff;
	v12 =	vor.u32 v62, v2  }
0x6c8: {  	v15 =	vor.u32 v63, v1;
	v8 =	vld.idx.msk [tilespmem:v8+s5+$0x0], $0xffff  }
0x6c9: {  	v3 =	vadd.f32 v4, v3;
	v4 =	vmul.f32 v10, v5;
	v5 =	vld.idx.msk [tilespmem:v13+s3+$0x0], $0xffff;
	v10 =	vor.u32 v63, v2  }
0x6ca: {  	v1 =	vor.u32 v0, v1;
	v11 =	vld.idx.msk [tilespmem:v11+s5+$0x0], $0xffff  }
0x6cb: {  	v2 =	vor.u32 v0, v2;
	v3 =	vadd.f32 v4, v3;
	v13 =	vmul.f32 v9, v6;
	v6 =	vld.idx.msk [tilespmem:v14+s3+$0x0], $0xffff  }
0x6cc: {  	v9 =	vld.idx.msk [tilespmem:v12+s5+$0x0], $0xffff  }
0x6cd: {  	v3 =	vadd.f32 v13, v3;
	v13 =	vmul.f32 v8, v7;
	v7 =	vld.idx.msk [tilespmem:v15+s3+$0x0], $0xffff  }
0x6ce: {  	v14 =	vld.idx.msk [tilespmem:v10+s5+$0x0], $0xffff  }
0x6cf: {  	v1 =	vld.idx.msk [tilespmem:v1+s3+$0x0], $0xffff;
	v3 =	vadd.f32 v13, v3;
	v12 =	vmul.f32 v11, v5  }
0x6d0: {  	v2 =	vld.idx.msk [tilespmem:v2+s5+$0x0], $0xffff  }
0x6d1: {  	v3 =	vadd.f32 v12, v3;
	v13 =	vmul.f32 v9, v6;
	_ =	sdelay $0x1  }
0x6d2: {  	s17 =	sadd.s32 $0x1, s17;
	v3 =	vadd.f32 v13, v3;
	v14 =	vmul.f32 v14, v7  }
0x6d3: {  	p0 =	sne.s32 s17, $0x8  }
.Ltmp1:
0x6d4: {  	v1 =	vmul.f32 v2, v1;
	v3 =	vadd.f32 v14, v3;
	(pc) =	sbr.rel @p0 .LBB2_2-.Ltmp1, $3  }
0x6d5: {  	_ = 	snop  }
0x6d6: {  	v1 =	vadd.f32 v1, v3;
	_ =	sdelay $0x1  }
0x6d7: {  	[tilespmem:s18+$0x8830] =	vst v1  }
0x6d8: {  	s16 =	sadd.s32 $0x1, s16  }
0x6d9: {  	p0 =	sne.s32 s16, s11  }
.Ltmp2:
0x6da: {  	_ = 	snop;
	(pc) =	sbr.rel @p0 .LBB2_1-.Ltmp2, $4  }
0x6db: {  	[hbm4b:s10+s4] =	stream.linear.scatter [tilespmem:s14], [sflag:$0x3], $0x200, $0x38;
	[tilespmem:$0x8B00] =	vst v63  }
0x6dc: {  	_ =	swait.ge [sflag:s12], $0x200  }
0x6dd: {  	[sflag:s12] =	ssyncset.done $0x0  }
0x6de: {  	[sflag:s12] =	ssyncadd.s32 $0xFFFFFE00  }
0x6df: {  	_ =	sfence.sel $0x180000  }
0x6e0: {  	[bflag:$0x0] =	sbarrier.arrive $0xFFFF  }
0x6e1: {  	_ =	strace $0x90000047  }
0x6e2: {  	s0 =	stileid.u32;
	[bflag:$0x2] =	sbarrier.arrive $0xFFFF  }
0x6e3: {  	p0 =	sne.s32 s0, $0x0;
	s0 =	rddreg [dreg:$0x6]  }
0x6e4: {  	s0 =	sadd.s32 @!p0 $0x100000, s0  }
0x6e5: {  	[sflag:s0] =	ssyncadd.tile.s32 @!p0 $0x1;
	_ =	shalt  }
.Lfunc_end2:
_tile_overlayer_lowered:
.L_overlay_start_2:
0x6e6: {  	(tag) =	ssettag $0x2  }
0x6e7: {  	s0 =	rddreg [dreg:$0x0];
	s2 =	stileid.u32  }
0x6e8: {  	s1 =	rddreg [dreg:$0x1];
	p0 =	sne.s32 s2, $0x0  }
0x6e9: {  	s3 =	rddreg [dreg:$0x2];
	[bflag:$0x3] =	sbarrier.arrive $0xFFFF;
	s2 =	simm.s32 @!p0 $0x1C03  }
0x6ea: {  	[timem:s3], [sflag:s2] =	dma.local @!p0 [hbm:s0], s1  }
0x6eb: {  	s0 =	simm.s32 @!p0 $0x3  }
0x6ec: {  	_ =	swait.ge @!p0 [sflag:s0], s1  }
0x6ed: {  	s1 =	ssub.s32 @!p0 $0x0, s1;
	[sflag:s0] =	ssyncset.done @!p0 $0x0  }
0x6ee: {  	[sflag:s0] =	ssyncadd.s32 @!p0 s1  }
0x6ef: {  	[bflag:$0x3] =	sbarrier.arrive $0xFFFF  }
0x6f0: {  	_ =	shalt  }

</sc_bundles>
